<compile_context>
chip_gen: v7x
topology: tpu7x:2x2x1
jax: 0.10.2.dev20260603
libtpu: 0.0.44.dev20260713+nightly
codegen_flags: <defaults>
</compile_context>

<pallas_src>
import functools

import jax
import jax.numpy as jnp
from jax import lax
from jax.experimental import pallas as pl
from jax.experimental.pallas import tpu as pltpu
from jax.experimental.pallas import tpu_sc as plsc

N_NODES = 100000
N_EDGES = 1600000

NP = 100096
ROWS = NP // 128
SL = NP // 16
NW = 32
GPW = 392
EGP = NW * GPW
EPAD = EGP * 128
CH = 56
NCH = GPW // CH
CHW = CH * 128
SUB = 8
NSUB = CH // SUB

_mesh = functools.partial(
    plsc.VectorSubcoreMesh, core_axis_name="c", subcore_axis_name="s")


def _fill(ref, n, value):
    v = jnp.full((16,), value, jnp.float32)

    def body(j, _):
        ref[pl.ds(j * 16, 16)] = v
        return 0

    lax.fori_loop(0, n // 16, body, 0)


def _zero_shared(stage_v, shared, s):
    _fill(stage_v, SL, 0.0)
    pltpu.sync_copy(stage_v.at[pl.ds(0, SL)], shared.at[pl.ds(s * SL, SL)])


def _write_partial(shared, stage_v, out_hbm, c, s):
    pltpu.sync_copy(shared.at[pl.ds(s * SL, SL)], stage_v.at[pl.ds(0, SL)])
    pltpu.sync_copy(stage_v.at[pl.ds(0, SL)],
                    out_hbm.at[pl.ds(c * NP + s * SL, SL)])


@functools.partial(
    pl.kernel,
    mesh=_mesh(),
    out_type=jax.ShapeDtypeStruct((2 * NP,), jnp.float32),
    scratch_types=[
        pltpu.VMEM((CH, 128), jnp.int32),
        pltpu.VMEM((128,), jnp.float32),
        pltpu.VMEM((CHW,), jnp.float32),
        pltpu.VMEM_SHARED((NP,), jnp.float32),
        pltpu.SemaphoreType.DMA,
    ],
)
def _sc_degree(ei2d_hbm, out_hbm, idx_v, ones_v, stage_v, acc_sh, sem):
    c = lax.axis_index("c")
    s = lax.axis_index("s")
    wid = s * 2 + c
    _fill(ones_v, 128, 1.0)
    _zero_shared(stage_v, acc_sh, s)
    plsc.subcore_barrier()
    base_g = wid * GPW

    def chunk(ci, _):
        pltpu.sync_copy(ei2d_hbm.at[pl.ds(EGP + base_g + ci * CH, CH), :],
                        idx_v)

        def fire(j, _):
            pltpu.async_copy(ones_v, acc_sh.at[idx_v.at[j]], sem, add=True)
            return 0

        lax.fori_loop(0, CH, fire, 0)
        pltpu.make_async_copy(
            out_hbm.at[pl.ds(0, CHW)], stage_v, sem).wait()
        return 0

    lax.fori_loop(0, NCH, chunk, 0)
    plsc.subcore_barrier()
    _write_partial(acc_sh, stage_v, out_hbm, c, s)


def _gather_sub(tbl_loc, src_f, vals_f, h):

    def body(k, _):
        base = h * (SUB * 128) + k * 64
        for u in range(4):
            idx = src_f[pl.ds(base + u * 16, 16)]
            vals_f[pl.ds(base + u * 16, 16)] = plsc.load_gather(
                tbl_loc, [idx])
        return 0

    lax.fori_loop(0, SUB * 2, body, 0)


@functools.partial(
    pl.kernel,
    mesh=_mesh(),
    out_type=jax.ShapeDtypeStruct((2 * NP,), jnp.float32),
    scratch_types=[
        pltpu.VMEM((CHW,), jnp.int32),
        pltpu.VMEM((CH, 128), jnp.int32),
        pltpu.VMEM((CHW,), jnp.float32),
        pltpu.VMEM((NP,), jnp.float32),
        pltpu.VMEM_SHARED((NP,), jnp.float32),
        pltpu.SemaphoreType.DMA,
    ],
    compiler_params=pltpu.CompilerParams(needs_layout_passes=False),
)
def _sc_segsum_local(ei2d_hbm, ei1d_hbm, tbl_hbm, out_hbm, src_f, dst_v,
                     vals_f, tbl_loc, acc_sh, sem_s):
    c = lax.axis_index("c")
    s = lax.axis_index("s")
    wid = s * 2 + c
    _zero_shared(vals_f, acc_sh, s)
    pltpu.sync_copy(tbl_hbm, tbl_loc)
    plsc.subcore_barrier()
    base_g = wid * GPW

    def chunk(ci, _):
        g0 = base_g + ci * CH
        pltpu.sync_copy(ei1d_hbm.at[pl.ds(g0 * 128, CHW)], src_f)
        pltpu.sync_copy(ei2d_hbm.at[pl.ds(EGP + g0, CH), :], dst_v)
        for h in range(NSUB):
            _gather_sub(tbl_loc, src_f, vals_f, h)
            for r in range(SUB):
                row = h * SUB + r
                pltpu.async_copy(vals_f.at[pl.ds(row * 128, 128)],
                                 acc_sh.at[dst_v.at[row]], sem_s, add=True)
        pltpu.make_async_copy(
            tbl_hbm.at[pl.ds(0, CHW)], vals_f, sem_s).wait()
        return 0

    lax.fori_loop(0, NCH, chunk, 0)
    plsc.subcore_barrier()
    _write_partial(acc_sh, vals_f, out_hbm, c, s)


def _unpack_sub(valsp_f, vals0_f, vals1_f, h):
    mask_hi = jnp.full((16,), -65536, jnp.int32)

    def body(k, _):
        base = h * (SUB * 128) + k * 64
        for u in range(4):
            w = valsp_f[pl.ds(base + u * 16, 16)]
            vals0_f[pl.ds(base + u * 16, 16)] = plsc.bitcast(
                lax.shift_left(w, 16), jnp.float32)
            vals1_f[pl.ds(base + u * 16, 16)] = plsc.bitcast(
                lax.bitwise_and(w, mask_hi), jnp.float32)
        return 0

    lax.fori_loop(0, SUB * 2, body, 0)


@functools.partial(
    pl.kernel,
    mesh=_mesh(),
    out_type=(jax.ShapeDtypeStruct((2 * NP,), jnp.float32),
              jax.ShapeDtypeStruct((2 * NP,), jnp.float32)),
    scratch_types=[
        pltpu.VMEM((CH, 128), jnp.int32),
        pltpu.VMEM((CH, 128), jnp.int32),
        pltpu.VMEM((CHW,), jnp.int32),
        pltpu.VMEM((CHW,), jnp.float32),
        pltpu.VMEM((CHW,), jnp.float32),
        pltpu.VMEM_SHARED((NP,), jnp.int32),
        pltpu.VMEM_SHARED((NP,), jnp.float32),
        pltpu.VMEM_SHARED((NP,), jnp.float32),
        pltpu.SemaphoreType.DMA,
        pltpu.SemaphoreType.DMA,
    ],
    compiler_params=pltpu.CompilerParams(needs_layout_passes=False),
)
def _sc_segsum_packed(ei2d_hbm, tbl_hbm, out0_hbm, out1_hbm,
                      src_v, dst_v, valsp_f, vals0_f, vals1_f,
                      tbl_sh, acc0_sh, acc1_sh, sem_g, sem_s):
    c = lax.axis_index("c")
    s = lax.axis_index("s")
    wid = s * 2 + c
    _zero_shared(vals0_f, acc0_sh, s)
    _zero_shared(vals0_f, acc1_sh, s)
    pltpu.sync_copy(tbl_hbm.at[pl.ds(s * SL, SL)],
                    valsp_f.at[pl.ds(0, SL)])
    pltpu.sync_copy(valsp_f.at[pl.ds(0, SL)], tbl_sh.at[pl.ds(s * SL, SL)])
    plsc.subcore_barrier()
    base_g = wid * GPW

    def chunk(ci, _):
        g0 = base_g + ci * CH
        pltpu.sync_copy(ei2d_hbm.at[pl.ds(g0, CH), :], src_v)
        pltpu.sync_copy(ei2d_hbm.at[pl.ds(EGP + g0, CH), :], dst_v)

        def fire_g(j, _):
            pltpu.async_copy(tbl_sh.at[src_v.at[j]],
                             valsp_f.at[pl.ds(j * 128, 128)], sem_g)
            return 0

        lax.fori_loop(0, CH, fire_g, 0)
        pltpu.make_async_copy(
            out0_hbm.at[pl.ds(0, CHW)], valsp_f, sem_g).wait()
        for h in range(NSUB):
            _unpack_sub(valsp_f, vals0_f, vals1_f, h)
            for r in range(SUB):
                row = h * SUB + r
                pltpu.async_copy(vals0_f.at[pl.ds(row * 128, 128)],
                                 acc0_sh.at[dst_v.at[row]], sem_s, add=True)
                pltpu.async_copy(vals1_f.at[pl.ds(row * 128, 128)],
                                 acc1_sh.at[dst_v.at[row]], sem_s, add=True)
        pltpu.make_async_copy(
            out0_hbm.at[pl.ds(0, CHW)], vals0_f, sem_s).wait()
        pltpu.make_async_copy(
            out0_hbm.at[pl.ds(0, CHW)], vals1_f, sem_s).wait()
        return 0

    lax.fori_loop(0, NCH, chunk, 0)
    plsc.subcore_barrier()
    _write_partial(acc0_sh, vals0_f, out0_hbm, c, s)
    _write_partial(acc1_sh, vals1_f, out1_hbm, c, s)


def _round_bf16_bits(z):
    i = lax.bitcast_convert_type(z, jnp.int32)
    odd = lax.bitwise_and(lax.shift_right_logical(i, 16), 1)
    r = lax.shift_right_logical(i + 0x7FFF + odd, 16)
    return lax.bitwise_and(r, 0xFFFF)


def _tc1_body(degp_ref, x_ref, dis_ref, y_ref):
    deg = degp_ref[0] + degp_ref[1] + 1.0
    dis = lax.rsqrt(deg)
    dis_ref[...] = dis
    y_ref[...] = x_ref[...] * dis


def _tc2_body(gp_ref, dis_ref, x_ref, w1_ref, b1_ref, w2_ref,
              h20_ref, h21_ref, zp_ref):
    dis = dis_ref[...]
    s1 = dis * (gp_ref[0] + gp_ref[1]) + dis * dis * x_ref[...]
    acc0 = jnp.zeros_like(s1)
    acc1 = jnp.zeros_like(s1)
    for j in range(16):
        t = jnp.maximum(s1 * w1_ref[0, j] + b1_ref[j], 0.0)
        acc0 += t * w2_ref[j, 0]
        acc1 += t * w2_ref[j, 1]
    h20_ref[...] = acc0
    h21_ref[...] = acc1
    b0 = _round_bf16_bits(acc0 * dis)
    b1b = _round_bf16_bits(acc1 * dis)
    zp_ref[...] = lax.bitwise_or(lax.shift_left(b1b, 16), b0)


def _tc3_body(g0p_ref, g1p_ref, dis_ref, h20_ref, h21_ref, b2_ref,
              o0_ref, o1_ref):
    dis = dis_ref[...]
    d2 = dis * dis
    t0 = dis * (g0p_ref[0] + g0p_ref[1]) + d2 * h20_ref[...] + b2_ref[0]
    t1 = dis * (g1p_ref[0] + g1p_ref[1]) + d2 * h21_ref[...] + b2_ref[1]
    m = jnp.maximum(t0, t1)
    lse = jnp.log(jnp.exp(t0 - m) + jnp.exp(t1 - m))
    o0_ref[...] = t0 - m - lse
    o1_ref[...] = t1 - m - lse


_NODE_F = jax.ShapeDtypeStruct((ROWS, 128), jnp.float32)
_NODE_I = jax.ShapeDtypeStruct((ROWS, 128), jnp.int32)
_SSPEC = pl.BlockSpec(memory_space=pltpu.SMEM)


def _tc_call(body, n_in_vec, n_in_smem, out_shapes):
    return pl.pallas_call(
        body,
        out_shape=out_shapes,
        in_specs=[pl.BlockSpec() for _ in range(n_in_vec)]
        + [_SSPEC for _ in range(n_in_smem)],
        out_specs=tuple(pl.BlockSpec() for _ in out_shapes),
    )


def kernel(x, edge_index, W1, b1, W2, b2):
    ei = edge_index.astype(jnp.int32)
    pad = jnp.full((2, EPAD - N_EDGES), N_NODES, jnp.int32)
    eic = jnp.concatenate([ei, pad], axis=1)
    ei2d = eic.reshape(2 * EGP, 128)
    ei1d = eic.reshape(2 * EPAD)
    xf = jnp.pad(x[:, 0], (0, NP - N_NODES))

    degp = _sc_degree(ei2d)

    dis, y = _tc_call(_tc1_body, 2, 0, (_NODE_F, _NODE_F))(
        degp.reshape(2, ROWS, 128), xf.reshape(ROWS, 128))

    gp = _sc_segsum_local(ei2d, ei1d, y.reshape(NP))

    h20, h21, zp = _tc_call(_tc2_body, 3, 3, (_NODE_F, _NODE_F, _NODE_I))(
        gp.reshape(2, ROWS, 128), dis, xf.reshape(ROWS, 128), W1, b1, W2)

    g0p, g1p = _sc_segsum_packed(ei2d, zp.reshape(NP))

    o0, o1 = _tc_call(_tc3_body, 5, 1, (_NODE_F, _NODE_F))(
        g0p.reshape(2, ROWS, 128), g1p.reshape(2, ROWS, 128),
        dis, h20, h21, b2)

    return jnp.stack([o0.reshape(NP)[:N_NODES],
                      o1.reshape(NP)[:N_NODES]], axis=1)

# --- scband reference (transcript-rebuilt; emitter-appended) ---
"""Pipeline reference for scband-gcn-46986942218822 (READ-ONLY COPY).

The authoritative reference and input builder live on the scoring server;
editing this copy changes nothing except your own understanding.
"""

import jax, jax.numpy as jnp
import numpy as np

N_NODES = 100000
N_EDGES = 1600000


def gcn_conv(x, edge_index, W, b):
    # Faithful PyG GCNConv: linear transform, add self-loops, symmetric norm, scatter-add aggregate, add bias.
    N = x.shape[0]
    h = x @ W
    src = edge_index[0]
    dst = edge_index[1]
    loop = jnp.arange(N, dtype=edge_index.dtype)
    src = jnp.concatenate([src, loop])
    dst = jnp.concatenate([dst, loop])
    deg = jnp.zeros((N,), dtype=h.dtype).at[dst].add(1.0)
    deg_inv_sqrt = jnp.where(deg > 0, jax.lax.rsqrt(deg), 0.0)
    norm = deg_inv_sqrt[src] * deg_inv_sqrt[dst]
    msg = h[src] * norm[:, None]
    out = jnp.zeros((N, h.shape[1]), dtype=h.dtype).at[dst].add(msg)
    return out + b


def setup_inputs(seed: int = 0) -> dict:
    key = jax.random.key(seed)
    k1, k2, k3, k4, k5, k6 = jax.random.split(key, 6)
    x = jax.random.normal(k1, (N_NODES, 1), dtype=jnp.float32)
    edge_index = jax.random.randint(k2, (2, N_EDGES), 0, N_NODES, dtype=jnp.int64)
    # Glorot-style init for GCNConv weights
    W1 = jax.random.normal(k3, (1, 16), dtype=jnp.float32) * (1.0 / np.sqrt(1 + 16))
    b1 = jnp.zeros((16,), dtype=jnp.float32)
    W2 = jax.random.normal(k4, (16, 2), dtype=jnp.float32) * (1.0 / np.sqrt(16 + 2))
    b2 = jnp.zeros((2,), dtype=jnp.float32)
    return {"x": x, "edge_index": edge_index, "W1": W1, "b1": b1, "W2": W2, "b2": b2}


def reference(x, edge_index, W1, b1, W2, b2):
    h = gcn_conv(x, edge_index, W1, b1)
    h = jax.nn.relu(h)
    # F.dropout(training=self.training): identity in eval mode
    out = gcn_conv(h, edge_index, W2, b2)
    return jax.nn.log_softmax(out, axis=1)

if __name__ == "__main__":
    import jax
    _d = setup_inputs()
    print(jax.jit(kernel)(*tuple(_d.values())))

</pallas_src>

<mosaic_0001>
#map = affine_map<(d0, d1) -> (0, 0)>
#map1 = affine_map<(d0, d1) -> (0)>
module attributes {stable_mosaic.version = 14 : i64} {
  func.func @_sc_segsum_local(%arg0: i32, %arg1: i32, %arg2: memref<25088x128xi32, #tpu.memory_space<hbm>>, %arg3: memref<3211264xi32, #tpu.memory_space<hbm>>, %arg4: memref<100096xf32, #tpu.memory_space<hbm>>, %arg5: memref<200192xf32, #tpu.memory_space<hbm>>, %arg6: memref<7168xi32, #tpu.memory_space<vmem>>, %arg7: memref<56x128xi32, #tpu.memory_space<vmem>>, %arg8: memref<7168xf32, #tpu.memory_space<vmem>>, %arg9: memref<100096xf32, #tpu.memory_space<vmem>>, %arg10: memref<100096xf32, #tpu.memory_space<vmem_shared>>, %arg11: memref<!tpu.dma_semaphore, #tpu.memory_space<semaphore_mem>>) attributes {dimension_semantics = [#tpu.dimension_semantics<core_parallel>, #tpu.dimension_semantics<subcore_parallel>], iteration_bounds = array<i64: 2, 16>, scalar_prefetch = 0 : i64, scratch_operands = 6 : i64, tpu.core_type = #tpu.core_type<sc_vector_subcore>, window_params = [{transform_indices = #map}, {transform_indices = #map1}, {transform_indices = #map1}, {transform_indices = #map1}]} {
    %mul3A = arith.constant 2 : i32
    %mul3A_0 = arith.muli %arg1, %mul3A : i32
    %add3A = arith.addi %mul3A_0, %arg0 : i32
    %broadcast_in_dim3A = arith.constant 0.000000e+00 : f32
    %broadcast_in_dim3A_1 = vector.broadcast %broadcast_in_dim3A : f32 to vector<16xf32>
    %scan3A = arith.constant 0 : i32
    %scan3A_2 = arith.constant 0 : i32
    %scan3A_3 = arith.constant 391 : i32
    %scan3A_4 = arith.addi %scan3A_2, %scan3A_3 : i32
    %scan3A_5 = arith.constant 1 : i32
    %scan3A_6 = scf.for %scan3A_27 = %scan3A_2 to %scan3A_4 step %scan3A_5 iter_args(%scan3A_28 = %scan3A) -> (i32)  : i32 {
      %mul3A_29 = arith.constant 16 : i32
      %mul3A_30 = arith.muli %scan3A_27, %mul3A_29 : i32
      %swap3A = arith.index_cast %mul3A_30 : i32 to index
      %swap3A_31 = tpu.vector_load %arg8[%swap3A] {strides = array<i32>} : memref<7168xf32, #tpu.memory_space<vmem>>, vector<16xf32>,
      %swap3A_32 = vector.shape_cast %swap3A_31 : vector<16xf32> to vector<16xf32>
      %swap3A_33 = vector.shape_cast %broadcast_in_dim3A_1 : vector<16xf32> to vector<16xf32>
      tpu.vector_store %arg8[%swap3A], %swap3A_33 {strides = array<i32>} : memref<7168xf32, #tpu.memory_space<vmem>>, vector<16xf32>,
      %scan3A_34 = arith.constant 0 : i32
      scf.yield %scan3A_34 : i32
    }
    %scan3A_7 = arith.constant 391 : i32
    %mul3A_8 = arith.constant 6256 : i32
    %mul3A_9 = arith.muli %arg1, %mul3A_8 : i32
    "tpu.region"() ({
      %run_scoped3A = tpu.sem_alloc : memref<!tpu.dma_semaphore, #tpu.memory_space<semaphore_mem>>
      %dma_start3A = arith.constant 0 : i32
      %dma_start3A_27 = tpu.memref_slice %arg8[%dma_start3A] : memref<7168xf32, #tpu.memory_space<vmem>> -> memref<6256xf32, #tpu.memory_space<vmem>>
      %dma_start3A_28 = tpu.memref_slice %arg10[%mul3A_9] : memref<100096xf32, #tpu.memory_space<vmem_shared>> -> memref<6256xf32, #tpu.memory_space<vmem_shared>>
      %dma_start3A_29 = tpu.memref_slice %arg10[%mul3A_9] : memref<100096xf32, #tpu.memory_space<vmem_shared>> -> memref<6256xf32, #tpu.memory_space<vmem_shared>>
      %dma_start3A_30 = arith.constant 0 : i32
      %dma_start3A_31 = tpu.memref_slice %arg8[%dma_start3A_30] : memref<7168xf32, #tpu.memory_space<vmem>> -> memref<6256xf32, #tpu.memory_space<vmem>>
      tpu.enqueue_dma source(%dma_start3A_31 : memref<6256xf32, #tpu.memory_space<vmem>>) target(%dma_start3A_29 : memref<6256xf32, #tpu.memory_space<vmem_shared>>) target_semaphore(%run_scoped3A : memref<!tpu.dma_semaphore, #tpu.memory_space<semaphore_mem>>)
      %dma_wait3A = arith.constant 0 : i32
      %dma_wait3A_32 = tpu.memref_slice %arg8[%dma_wait3A] : memref<7168xf32, #tpu.memory_space<vmem>> -> memref<6256xf32, #tpu.memory_space<vmem>>
      %dma_wait3A_33 = tpu.memref_slice %arg10[%mul3A_9] : memref<100096xf32, #tpu.memory_space<vmem_shared>> -> memref<6256xf32, #tpu.memory_space<vmem_shared>>
      %dma_wait3A_34 = tpu.memref_slice %arg10[%mul3A_9] : memref<100096xf32, #tpu.memory_space<vmem_shared>> -> memref<6256xf32, #tpu.memory_space<vmem_shared>>
      %dma_wait3A_35 = arith.constant 0 : i32
      %dma_wait3A_36 = tpu.memref_slice %arg8[%dma_wait3A_35] : memref<7168xf32, #tpu.memory_space<vmem>> -> memref<6256xf32, #tpu.memory_space<vmem>>
      tpu.wait_dma2 semaphore(%run_scoped3A : memref<!tpu.dma_semaphore, #tpu.memory_space<semaphore_mem>>) src(%dma_wait3A_36 : memref<6256xf32, #tpu.memory_space<vmem>>) dst(%dma_wait3A_34 : memref<6256xf32, #tpu.memory_space<vmem_shared>>)
      tpu.yield
    }) : () -> ()
    "tpu.region"() ({
      %run_scoped3A = tpu.sem_alloc : memref<!tpu.dma_semaphore, #tpu.memory_space<semaphore_mem>>
      tpu.enqueue_dma source(%arg4 : memref<100096xf32, #tpu.memory_space<hbm>>) target(%arg9 : memref<100096xf32, #tpu.memory_space<vmem>>) target_semaphore(%run_scoped3A : memref<!tpu.dma_semaphore, #tpu.memory_space<semaphore_mem>>)
      tpu.wait_dma2 semaphore(%run_scoped3A : memref<!tpu.dma_semaphore, #tpu.memory_space<semaphore_mem>>) src(%arg4 : memref<100096xf32, #tpu.memory_space<hbm>>) dst(%arg9 : memref<100096xf32, #tpu.memory_space<vmem>>)
      tpu.yield
    }) : () -> ()
    %barrier3A = arith.constant 0 : index
    tpu.barrier barrier_id(%barrier3A)
    %mul3A_10 = arith.constant 392 : i32
    %mul3A_11 = arith.muli %add3A, %mul3A_10 : i32
    %scan3A_12 = arith.constant 0 : i32
    %scan3A_13 = arith.constant 0 : i32
    %scan3A_14 = arith.constant 7 : i32
    %scan3A_15 = arith.addi %scan3A_13, %scan3A_14 : i32
    %scan3A_16 = arith.constant 1 : i32
    %scan3A_17 = scf.for %scan3A_27 = %scan3A_13 to %scan3A_15 step %scan3A_16 iter_args(%scan3A_28 = %scan3A_12) -> (i32)  : i32 {
      %mul3A_29 = arith.constant 56 : i32
      %mul3A_30 = arith.muli %scan3A_27, %mul3A_29 : i32
      %add3A_31 = arith.addi %mul3A_11, %mul3A_30 : i32
      %mul3A_32 = arith.constant 128 : i32
      %mul3A_33 = arith.muli %add3A_31, %mul3A_32 : i32
      "tpu.region"() ({
        %run_scoped3A = tpu.sem_alloc : memref<!tpu.dma_semaphore, #tpu.memory_space<semaphore_mem>>
        %dma_start3A_536 = tpu.memref_slice %arg3[%mul3A_33] : memref<3211264xi32, #tpu.memory_space<hbm>> -> memref<7168xi32, #tpu.memory_space<hbm>>
        %dma_start3A_537 = tpu.memref_slice %arg3[%mul3A_33] : memref<3211264xi32, #tpu.memory_space<hbm>> -> memref<7168xi32, #tpu.memory_space<hbm>>
        tpu.enqueue_dma source(%dma_start3A_537 : memref<7168xi32, #tpu.memory_space<hbm>>) target(%arg6 : memref<7168xi32, #tpu.memory_space<vmem>>) target_semaphore(%run_scoped3A : memref<!tpu.dma_semaphore, #tpu.memory_space<semaphore_mem>>)
        %dma_wait3A_538 = tpu.memref_slice %arg3[%mul3A_33] : memref<3211264xi32, #tpu.memory_space<hbm>> -> memref<7168xi32, #tpu.memory_space<hbm>>
        %dma_wait3A_539 = tpu.memref_slice %arg3[%mul3A_33] : memref<3211264xi32, #tpu.memory_space<hbm>> -> memref<7168xi32, #tpu.memory_space<hbm>>
        tpu.wait_dma2 semaphore(%run_scoped3A : memref<!tpu.dma_semaphore, #tpu.memory_space<semaphore_mem>>) src(%dma_wait3A_539 : memref<7168xi32, #tpu.memory_space<hbm>>) dst(%arg6 : memref<7168xi32, #tpu.memory_space<vmem>>)
        tpu.yield
      }) : () -> ()
      %add3A_34 = arith.constant 12544 : i32
      %add3A_35 = arith.addi %add3A_34, %add3A_31 : i32
      "tpu.region"() ({
        %run_scoped3A = tpu.sem_alloc : memref<!tpu.dma_semaphore, #tpu.memory_space<semaphore_mem>>
        %dma_start3A_536 = arith.constant 0 : i32
        %dma_start3A_537 = tpu.memref_slice %arg2[%add3A_35, %dma_start3A_536] : memref<25088x128xi32, #tpu.memory_space<hbm>> -> memref<56x128xi32, #tpu.memory_space<hbm>>
        %dma_start3A_538 = arith.constant 0 : i32
        %dma_start3A_539 = tpu.memref_slice %arg2[%add3A_35, %dma_start3A_538] : memref<25088x128xi32, #tpu.memory_space<hbm>> -> memref<56x128xi32, #tpu.memory_space<hbm>>
        tpu.enqueue_dma source(%dma_start3A_539 : memref<56x128xi32, #tpu.memory_space<hbm>>) target(%arg7 : memref<56x128xi32, #tpu.memory_space<vmem>>) target_semaphore(%run_scoped3A : memref<!tpu.dma_semaphore, #tpu.memory_space<semaphore_mem>>)
        %dma_wait3A_540 = arith.constant 0 : i32
        %dma_wait3A_541 = tpu.memref_slice %arg2[%add3A_35, %dma_wait3A_540] : memref<25088x128xi32, #tpu.memory_space<hbm>> -> memref<56x128xi32, #tpu.memory_space<hbm>>
        %dma_wait3A_542 = arith.constant 0 : i32
        %dma_wait3A_543 = tpu.memref_slice %arg2[%add3A_35, %dma_wait3A_542] : memref<25088x128xi32, #tpu.memory_space<hbm>> -> memref<56x128xi32, #tpu.memory_space<hbm>>
        tpu.wait_dma2 semaphore(%run_scoped3A : memref<!tpu.dma_semaphore, #tpu.memory_space<semaphore_mem>>) src(%dma_wait3A_543 : memref<56x128xi32, #tpu.memory_space<hbm>>) dst(%arg7 : memref<56x128xi32, #tpu.memory_space<vmem>>)
        tpu.yield
      }) : () -> ()
      %scan3A_36 = arith.constant 0 : i32
      %scan3A_37 = arith.constant 0 : i32
      %scan3A_38 = arith.constant 16 : i32
      %scan3A_39 = arith.addi %scan3A_37, %scan3A_38 : i32
      %scan3A_40 = arith.constant 1 : i32
      %scan3A_41 = scf.for %scan3A_536 = %scan3A_37 to %scan3A_39 step %scan3A_40 iter_args(%scan3A_537 = %scan3A_36) -> (i32)  : i32 {
        %mul3A_538 = arith.constant 64 : i32
        %mul3A_539 = arith.muli %scan3A_536, %mul3A_538 : i32
        %add3A_540 = arith.constant 0 : i32
        %add3A_541 = arith.addi %add3A_540, %mul3A_539 : i32
        %add3A_542 = arith.constant 0 : i32
        %add3A_543 = arith.addi %add3A_541, %add3A_542 : i32
        %get3A = arith.index_cast %add3A_543 : i32 to index
        %get3A_544 = tpu.vector_load %arg6[%get3A] {strides = array<i32>} : memref<7168xi32, #tpu.memory_space<vmem>>, vector<16xi32>,
        %gather3A = tpu.vector_load_idx %arg9[%get3A_544] : memref<100096xf32, #tpu.memory_space<vmem>>[vector<16xi32>], vector<16xf32>,
        %add3A_545 = arith.constant 0 : i32
        %add3A_546 = arith.addi %add3A_541, %add3A_545 : i32
        %swap3A = arith.index_cast %add3A_546 : i32 to index
        %swap3A_547 = tpu.vector_load %arg8[%swap3A] {strides = array<i32>} : memref<7168xf32, #tpu.memory_space<vmem>>, vector<16xf32>,
        %swap3A_548 = vector.shape_cast %swap3A_547 : vector<16xf32> to vector<16xf32>
        %swap3A_549 = vector.shape_cast %gather3A : vector<16xf32> to vector<16xf32>
        tpu.vector_store %arg8[%swap3A], %swap3A_549 {strides = array<i32>} : memref<7168xf32, #tpu.memory_space<vmem>>, vector<16xf32>,
        %add3A_550 = arith.constant 16 : i32
        %add3A_551 = arith.addi %add3A_541, %add3A_550 : i32
        %get3A_552 = arith.index_cast %add3A_551 : i32 to index
        %get3A_553 = tpu.vector_load %arg6[%get3A_552] {strides = array<i32>} : memref<7168xi32, #tpu.memory_space<vmem>>, vector<16xi32>,
        %gather3A_554 = tpu.vector_load_idx %arg9[%get3A_553] : memref<100096xf32, #tpu.memory_space<vmem>>[vector<16xi32>], vector<16xf32>,
        %add3A_555 = arith.constant 16 : i32
        %add3A_556 = arith.addi %add3A_541, %add3A_555 : i32
        %swap3A_557 = arith.index_cast %add3A_556 : i32 to index
        %swap3A_558 = tpu.vector_load %arg8[%swap3A_557] {strides = array<i32>} : memref<7168xf32, #tpu.memory_space<vmem>>, vector<16xf32>,
        %swap3A_559 = vector.shape_cast %swap3A_558 : vector<16xf32> to vector<16xf32>
        %swap3A_560 = vector.shape_cast %gather3A_554 : vector<16xf32> to vector<16xf32>
        tpu.vector_store %arg8[%swap3A_557], %swap3A_560 {strides = array<i32>} : memref<7168xf32, #tpu.memory_space<vmem>>, vector<16xf32>,
        %add3A_561 = arith.constant 32 : i32
        %add3A_562 = arith.addi %add3A_541, %add3A_561 : i32
        %get3A_563 = arith.index_cast %add3A_562 : i32 to index
        %get3A_564 = tpu.vector_load %arg6[%get3A_563] {strides = array<i32>} : memref<7168xi32, #tpu.memory_space<vmem>>, vector<16xi32>,
        %gather3A_565 = tpu.vector_load_idx %arg9[%get3A_564] : memref<100096xf32, #tpu.memory_space<vmem>>[vector<16xi32>], vector<16xf32>,
        %add3A_566 = arith.constant 32 : i32
        %add3A_567 = arith.addi %add3A_541, %add3A_566 : i32
        %swap3A_568 = arith.index_cast %add3A_567 : i32 to index
        %swap3A_569 = tpu.vector_load %arg8[%swap3A_568] {strides = array<i32>} : memref<7168xf32, #tpu.memory_space<vmem>>, vector<16xf32>,
        %swap3A_570 = vector.shape_cast %swap3A_569 : vector<16xf32> to vector<16xf32>
        %swap3A_571 = vector.shape_cast %gather3A_565 : vector<16xf32> to vector<16xf32>
        tpu.vector_store %arg8[%swap3A_568], %swap3A_571 {strides = array<i32>} : memref<7168xf32, #tpu.memory_space<vmem>>, vector<16xf32>,
        %add3A_572 = arith.constant 48 : i32
        %add3A_573 = arith.addi %add3A_541, %add3A_572 : i32
        %get3A_574 = arith.index_cast %add3A_573 : i32 to index
        %get3A_575 = tpu.vector_load %arg6[%get3A_574] {strides = array<i32>} : memref<7168xi32, #tpu.memory_space<vmem>>, vector<16xi32>,
        %gather3A_576 = tpu.vector_load_idx %arg9[%get3A_575] : memref<100096xf32, #tpu.memory_space<vmem>>[vector<16xi32>], vector<16xf32>,
        %add3A_577 = arith.constant 48 : i32
        %add3A_578 = arith.addi %add3A_541, %add3A_577 : i32
        %swap3A_579 = arith.index_cast %add3A_578 : i32 to index
        %swap3A_580 = tpu.vector_load %arg8[%swap3A_579] {strides = array<i32>} : memref<7168xf32, #tpu.memory_space<vmem>>, vector<16xf32>,
        %swap3A_581 = vector.shape_cast %swap3A_580 : vector<16xf32> to vector<16xf32>
        %swap3A_582 = vector.shape_cast %gather3A_576 : vector<16xf32> to vector<16xf32>
        tpu.vector_store %arg8[%swap3A_579], %swap3A_582 {strides = array<i32>} : memref<7168xf32, #tpu.memory_space<vmem>>, vector<16xf32>,
        %scan3A_583 = arith.constant 0 : i32
        scf.yield %scan3A_583 : i32
      }
      %scan3A_42 = arith.constant 16 : i32
      %dma_start3A = arith.constant 0 : i32
      %dma_start3A_43 = arith.constant 0 : i32
      %dma_start3A_44 = tpu.memref_slice %arg8[%dma_start3A_43] : memref<7168xf32, #tpu.memory_space<vmem>> -> memref<128xf32, #tpu.memory_space<vmem>>
      %dma_start3A_45 = arith.constant 0 : i32
      %dma_start3A_46 = tpu.memref_slice %arg7[%dma_start3A, %dma_start3A_45] : memref<56x128xi32, #tpu.memory_space<vmem>> -> memref<1x128xi32, #tpu.memory_space<vmem>>
      %dma_start3A_47 = tpu.memref_squeeze %dma_start3A_46 : memref<1x128xi32, #tpu.memory_space<vmem>> -> memref<128xi32, #tpu.memory_space<vmem>>
      %dma_start3A_48 = arith.constant 0 : i32
      %dma_start3A_49 = tpu.memref_slice %arg10[%dma_start3A_48] : memref<100096xf32, #tpu.memory_space<vmem_shared>> -> memref<100096xf32, #tpu.memory_space<vmem_shared>>
      tpu.enqueue_indirect_dma source(%dma_start3A_44 : memref<128xf32, #tpu.memory_space<vmem>>) target(%dma_start3A_49 : memref<100096xf32, #tpu.memory_space<vmem_shared>>) offsets(%dma_start3A_47 : memref<128xi32, #tpu.memory_space<vmem>>) semaphore(%arg11 : memref<!tpu.dma_semaphore, #tpu.memory_space<semaphore_mem>>) {add = true}
      %dma_start3A_50 = arith.constant 1 : i32
      %dma_start3A_51 = arith.constant 128 : i32
      %dma_start3A_52 = tpu.memref_slice %arg8[%dma_start3A_51] : memref<7168xf32, #tpu.memory_space<vmem>> -> memref<128xf32, #tpu.memory_space<vmem>>
      %dma_start3A_53 = arith.constant 0 : i32
      %dma_start3A_54 = tpu.memref_slice %arg7[%dma_start3A_50, %dma_start3A_53] : memref<56x128xi32, #tpu.memory_space<vmem>> -> memref<1x128xi32, #tpu.memory_space<vmem>>
      %dma_start3A_55 = tpu.memref_squeeze %dma_start3A_54 : memref<1x128xi32, #tpu.memory_space<vmem>> -> memref<128xi32, #tpu.memory_space<vmem>>
      %dma_start3A_56 = arith.constant 0 : i32
      %dma_start3A_57 = tpu.memref_slice %arg10[%dma_start3A_56] : memref<100096xf32, #tpu.memory_space<vmem_shared>> -> memref<100096xf32, #tpu.memory_space<vmem_shared>>
      tpu.enqueue_indirect_dma source(%dma_start3A_52 : memref<128xf32, #tpu.memory_space<vmem>>) target(%dma_start3A_57 : memref<100096xf32, #tpu.memory_space<vmem_shared>>) offsets(%dma_start3A_55 : memref<128xi32, #tpu.memory_space<vmem>>) semaphore(%arg11 : memref<!tpu.dma_semaphore, #tpu.memory_space<semaphore_mem>>) {add = true}
      %dma_start3A_58 = arith.constant 2 : i32
      %dma_start3A_59 = arith.constant 256 : i32
      %dma_start3A_60 = tpu.memref_slice %arg8[%dma_start3A_59] : memref<7168xf32, #tpu.memory_space<vmem>> -> memref<128xf32, #tpu.memory_space<vmem>>
      %dma_start3A_61 = arith.constant 0 : i32
      %dma_start3A_62 = tpu.memref_slice %arg7[%dma_start3A_58, %dma_start3A_61] : memref<56x128xi32, #tpu.memory_space<vmem>> -> memref<1x128xi32, #tpu.memory_space<vmem>>
      %dma_start3A_63 = tpu.memref_squeeze %dma_start3A_62 : memref<1x128xi32, #tpu.memory_space<vmem>> -> memref<128xi32, #tpu.memory_space<vmem>>
      %dma_start3A_64 = arith.constant 0 : i32
      %dma_start3A_65 = tpu.memref_slice %arg10[%dma_start3A_64] : memref<100096xf32, #tpu.memory_space<vmem_shared>> -> memref<100096xf32, #tpu.memory_space<vmem_shared>>
      tpu.enqueue_indirect_dma source(%dma_start3A_60 : memref<128xf32, #tpu.memory_space<vmem>>) target(%dma_start3A_65 : memref<100096xf32, #tpu.memory_space<vmem_shared>>) offsets(%dma_start3A_63 : memref<128xi32, #tpu.memory_space<vmem>>) semaphore(%arg11 : memref<!tpu.dma_semaphore, #tpu.memory_space<semaphore_mem>>) {add = true}
      %dma_start3A_66 = arith.constant 3 : i32
      %dma_start3A_67 = arith.constant 384 : i32
      %dma_start3A_68 = tpu.memref_slice %arg8[%dma_start3A_67] : memref<7168xf32, #tpu.memory_space<vmem>> -> memref<128xf32, #tpu.memory_space<vmem>>
      %dma_start3A_69 = arith.constant 0 : i32
      %dma_start3A_70 = tpu.memref_slice %arg7[%dma_start3A_66, %dma_start3A_69] : memref<56x128xi32, #tpu.memory_space<vmem>> -> memref<1x128xi32, #tpu.memory_space<vmem>>
      %dma_start3A_71 = tpu.memref_squeeze %dma_start3A_70 : memref<1x128xi32, #tpu.memory_space<vmem>> -> memref<128xi32, #tpu.memory_space<vmem>>
      %dma_start3A_72 = arith.constant 0 : i32
      %dma_start3A_73 = tpu.memref_slice %arg10[%dma_start3A_72] : memref<100096xf32, #tpu.memory_space<vmem_shared>> -> memref<100096xf32, #tpu.memory_space<vmem_shared>>
      tpu.enqueue_indirect_dma source(%dma_start3A_68 : memref<128xf32, #tpu.memory_space<vmem>>) target(%dma_start3A_73 : memref<100096xf32, #tpu.memory_space<vmem_shared>>) offsets(%dma_start3A_71 : memref<128xi32, #tpu.memory_space<vmem>>) semaphore(%arg11 : memref<!tpu.dma_semaphore, #tpu.memory_space<semaphore_mem>>) {add = true}
      %dma_start3A_74 = arith.constant 4 : i32
      %dma_start3A_75 = arith.constant 512 : i32
      %dma_start3A_76 = tpu.memref_slice %arg8[%dma_start3A_75] : memref<7168xf32, #tpu.memory_space<vmem>> -> memref<128xf32, #tpu.memory_space<vmem>>
      %dma_start3A_77 = arith.constant 0 : i32
      %dma_start3A_78 = tpu.memref_slice %arg7[%dma_start3A_74, %dma_start3A_77] : memref<56x128xi32, #tpu.memory_space<vmem>> -> memref<1x128xi32, #tpu.memory_space<vmem>>
      %dma_start3A_79 = tpu.memref_squeeze %dma_start3A_78 : memref<1x128xi32, #tpu.memory_space<vmem>> -> memref<128xi32, #tpu.memory_space<vmem>>
      %dma_start3A_80 = arith.constant 0 : i32
      %dma_start3A_81 = tpu.memref_slice %arg10[%dma_start3A_80] : memref<100096xf32, #tpu.memory_space<vmem_shared>> -> memref<100096xf32, #tpu.memory_space<vmem_shared>>
      tpu.enqueue_indirect_dma source(%dma_start3A_76 : memref<128xf32, #tpu.memory_space<vmem>>) target(%dma_start3A_81 : memref<100096xf32, #tpu.memory_space<vmem_shared>>) offsets(%dma_start3A_79 : memref<128xi32, #tpu.memory_space<vmem>>) semaphore(%arg11 : memref<!tpu.dma_semaphore, #tpu.memory_space<semaphore_mem>>) {add = true}
      %dma_start3A_82 = arith.constant 5 : i32
      %dma_start3A_83 = arith.constant 640 : i32
      %dma_start3A_84 = tpu.memref_slice %arg8[%dma_start3A_83] : memref<7168xf32, #tpu.memory_space<vmem>> -> memref<128xf32, #tpu.memory_space<vmem>>
      %dma_start3A_85 = arith.constant 0 : i32
      %dma_start3A_86 = tpu.memref_slice %arg7[%dma_start3A_82, %dma_start3A_85] : memref<56x128xi32, #tpu.memory_space<vmem>> -> memref<1x128xi32, #tpu.memory_space<vmem>>
      %dma_start3A_87 = tpu.memref_squeeze %dma_start3A_86 : memref<1x128xi32, #tpu.memory_space<vmem>> -> memref<128xi32, #tpu.memory_space<vmem>>
      %dma_start3A_88 = arith.constant 0 : i32
      %dma_start3A_89 = tpu.memref_slice %arg10[%dma_start3A_88] : memref<100096xf32, #tpu.memory_space<vmem_shared>> -> memref<100096xf32, #tpu.memory_space<vmem_shared>>
      tpu.enqueue_indirect_dma source(%dma_start3A_84 : memref<128xf32, #tpu.memory_space<vmem>>) target(%dma_start3A_89 : memref<100096xf32, #tpu.memory_space<vmem_shared>>) offsets(%dma_start3A_87 : memref<128xi32, #tpu.memory_space<vmem>>) semaphore(%arg11 : memref<!tpu.dma_semaphore, #tpu.memory_space<semaphore_mem>>) {add = true}
      %dma_start3A_90 = arith.constant 6 : i32
      %dma_start3A_91 = arith.constant 768 : i32
      %dma_start3A_92 = tpu.memref_slice %arg8[%dma_start3A_91] : memref<7168xf32, #tpu.memory_space<vmem>> -> memref<128xf32, #tpu.memory_space<vmem>>
      %dma_start3A_93 = arith.constant 0 : i32
      %dma_start3A_94 = tpu.memref_slice %arg7[%dma_start3A_90, %dma_start3A_93] : memref<56x128xi32, #tpu.memory_space<vmem>> -> memref<1x128xi32, #tpu.memory_space<vmem>>
      %dma_start3A_95 = tpu.memref_squeeze %dma_start3A_94 : memref<1x128xi32, #tpu.memory_space<vmem>> -> memref<128xi32, #tpu.memory_space<vmem>>
      %dma_start3A_96 = arith.constant 0 : i32
      %dma_start3A_97 = tpu.memref_slice %arg10[%dma_start3A_96] : memref<100096xf32, #tpu.memory_space<vmem_shared>> -> memref<100096xf32, #tpu.memory_space<vmem_shared>>
      tpu.enqueue_indirect_dma source(%dma_start3A_92 : memref<128xf32, #tpu.memory_space<vmem>>) target(%dma_start3A_97 : memref<100096xf32, #tpu.memory_space<vmem_shared>>) offsets(%dma_start3A_95 : memref<128xi32, #tpu.memory_space<vmem>>) semaphore(%arg11 : memref<!tpu.dma_semaphore, #tpu.memory_space<semaphore_mem>>) {add = true}
      %dma_start3A_98 = arith.constant 7 : i32
      %dma_start3A_99 = arith.constant 896 : i32
      %dma_start3A_100 = tpu.memref_slice %arg8[%dma_start3A_99] : memref<7168xf32, #tpu.memory_space<vmem>> -> memref<128xf32, #tpu.memory_space<vmem>>
      %dma_start3A_101 = arith.constant 0 : i32
      %dma_start3A_102 = tpu.memref_slice %arg7[%dma_start3A_98, %dma_start3A_101] : memref<56x128xi32, #tpu.memory_space<vmem>> -> memref<1x128xi32, #tpu.memory_space<vmem>>
      %dma_start3A_103 = tpu.memref_squeeze %dma_start3A_102 : memref<1x128xi32, #tpu.memory_space<vmem>> -> memref<128xi32, #tpu.memory_space<vmem>>
      %dma_start3A_104 = arith.constant 0 : i32
      %dma_start3A_105 = tpu.memref_slice %arg10[%dma_start3A_104] : memref<100096xf32, #tpu.memory_space<vmem_shared>> -> memref<100096xf32, #tpu.memory_space<vmem_shared>>
      tpu.enqueue_indirect_dma source(%dma_start3A_100 : memref<128xf32, #tpu.memory_space<vmem>>) target(%dma_start3A_105 : memref<100096xf32, #tpu.memory_space<vmem_shared>>) offsets(%dma_start3A_103 : memref<128xi32, #tpu.memory_space<vmem>>) semaphore(%arg11 : memref<!tpu.dma_semaphore, #tpu.memory_space<semaphore_mem>>) {add = true}
      %scan3A_106 = arith.constant 0 : i32
      %scan3A_107 = arith.constant 0 : i32
      %scan3A_108 = arith.constant 16 : i32
      %scan3A_109 = arith.addi %scan3A_107, %scan3A_108 : i32
      %scan3A_110 = arith.constant 1 : i32
      %scan3A_111 = scf.for %scan3A_536 = %scan3A_107 to %scan3A_109 step %scan3A_110 iter_args(%scan3A_537 = %scan3A_106) -> (i32)  : i32 {
        %mul3A_538 = arith.constant 64 : i32
        %mul3A_539 = arith.muli %scan3A_536, %mul3A_538 : i32
        %add3A_540 = arith.constant 1024 : i32
        %add3A_541 = arith.addi %add3A_540, %mul3A_539 : i32
        %add3A_542 = arith.constant 0 : i32
        %add3A_543 = arith.addi %add3A_541, %add3A_542 : i32
        %get3A = arith.index_cast %add3A_543 : i32 to index
        %get3A_544 = tpu.vector_load %arg6[%get3A] {strides = array<i32>} : memref<7168xi32, #tpu.memory_space<vmem>>, vector<16xi32>,
        %gather3A = tpu.vector_load_idx %arg9[%get3A_544] : memref<100096xf32, #tpu.memory_space<vmem>>[vector<16xi32>], vector<16xf32>,
        %add3A_545 = arith.constant 0 : i32
        %add3A_546 = arith.addi %add3A_541, %add3A_545 : i32
        %swap3A = arith.index_cast %add3A_546 : i32 to index
        %swap3A_547 = tpu.vector_load %arg8[%swap3A] {strides = array<i32>} : memref<7168xf32, #tpu.memory_space<vmem>>, vector<16xf32>,
        %swap3A_548 = vector.shape_cast %swap3A_547 : vector<16xf32> to vector<16xf32>
        %swap3A_549 = vector.shape_cast %gather3A : vector<16xf32> to vector<16xf32>
        tpu.vector_store %arg8[%swap3A], %swap3A_549 {strides = array<i32>} : memref<7168xf32, #tpu.memory_space<vmem>>, vector<16xf32>,
        %add3A_550 = arith.constant 16 : i32
        %add3A_551 = arith.addi %add3A_541, %add3A_550 : i32
        %get3A_552 = arith.index_cast %add3A_551 : i32 to index
        %get3A_553 = tpu.vector_load %arg6[%get3A_552] {strides = array<i32>} : memref<7168xi32, #tpu.memory_space<vmem>>, vector<16xi32>,
        %gather3A_554 = tpu.vector_load_idx %arg9[%get3A_553] : memref<100096xf32, #tpu.memory_space<vmem>>[vector<16xi32>], vector<16xf32>,
        %add3A_555 = arith.constant 16 : i32
        %add3A_556 = arith.addi %add3A_541, %add3A_555 : i32
        %swap3A_557 = arith.index_cast %add3A_556 : i32 to index
        %swap3A_558 = tpu.vector_load %arg8[%swap3A_557] {strides = array<i32>} : memref<7168xf32, #tpu.memory_space<vmem>>, vector<16xf32>,
        %swap3A_559 = vector.shape_cast %swap3A_558 : vector<16xf32> to vector<16xf32>
        %swap3A_560 = vector.shape_cast %gather3A_554 : vector<16xf32> to vector<16xf32>
        tpu.vector_store %arg8[%swap3A_557], %swap3A_560 {strides = array<i32>} : memref<7168xf32, #tpu.memory_space<vmem>>, vector<16xf32>,
        %add3A_561 = arith.constant 32 : i32
        %add3A_562 = arith.addi %add3A_541, %add3A_561 : i32
        %get3A_563 = arith.index_cast %add3A_562 : i32 to index
        %get3A_564 = tpu.vector_load %arg6[%get3A_563] {strides = array<i32>} : memref<7168xi32, #tpu.memory_space<vmem>>, vector<16xi32>,
        %gather3A_565 = tpu.vector_load_idx %arg9[%get3A_564] : memref<100096xf32, #tpu.memory_space<vmem>>[vector<16xi32>], vector<16xf32>,
        %add3A_566 = arith.constant 32 : i32
        %add3A_567 = arith.addi %add3A_541, %add3A_566 : i32
        %swap3A_568 = arith.index_cast %add3A_567 : i32 to index
        %swap3A_569 = tpu.vector_load %arg8[%swap3A_568] {strides = array<i32>} : memref<7168xf32, #tpu.memory_space<vmem>>, vector<16xf32>,
        %swap3A_570 = vector.shape_cast %swap3A_569 : vector<16xf32> to vector<16xf32>
        %swap3A_571 = vector.shape_cast %gather3A_565 : vector<16xf32> to vector<16xf32>
        tpu.vector_store %arg8[%swap3A_568], %swap3A_571 {strides = array<i32>} : memref<7168xf32, #tpu.memory_space<vmem>>, vector<16xf32>,
        %add3A_572 = arith.constant 48 : i32
        %add3A_573 = arith.addi %add3A_541, %add3A_572 : i32
        %get3A_574 = arith.index_cast %add3A_573 : i32 to index
        %get3A_575 = tpu.vector_load %arg6[%get3A_574] {strides = array<i32>} : memref<7168xi32, #tpu.memory_space<vmem>>, vector<16xi32>,
        %gather3A_576 = tpu.vector_load_idx %arg9[%get3A_575] : memref<100096xf32, #tpu.memory_space<vmem>>[vector<16xi32>], vector<16xf32>,
        %add3A_577 = arith.constant 48 : i32
        %add3A_578 = arith.addi %add3A_541, %add3A_577 : i32
        %swap3A_579 = arith.index_cast %add3A_578 : i32 to index
        %swap3A_580 = tpu.vector_load %arg8[%swap3A_579] {strides = array<i32>} : memref<7168xf32, #tpu.memory_space<vmem>>, vector<16xf32>,
        %swap3A_581 = vector.shape_cast %swap3A_580 : vector<16xf32> to vector<16xf32>
        %swap3A_582 = vector.shape_cast %gather3A_576 : vector<16xf32> to vector<16xf32>
        tpu.vector_store %arg8[%swap3A_579], %swap3A_582 {strides = array<i32>} : memref<7168xf32, #tpu.memory_space<vmem>>, vector<16xf32>,
        %scan3A_583 = arith.constant 0 : i32
        scf.yield %scan3A_583 : i32
      }
      %scan3A_112 = arith.constant 16 : i32
      %dma_start3A_113 = arith.constant 8 : i32
      %dma_start3A_114 = arith.constant 1024 : i32
      %dma_start3A_115 = tpu.memref_slice %arg8[%dma_start3A_114] : memref<7168xf32, #tpu.memory_space<vmem>> -> memref<128xf32, #tpu.memory_space<vmem>>
      %dma_start3A_116 = arith.constant 0 : i32
      %dma_start3A_117 = tpu.memref_slice %arg7[%dma_start3A_113, %dma_start3A_116] : memref<56x128xi32, #tpu.memory_space<vmem>> -> memref<1x128xi32, #tpu.memory_space<vmem>>
      %dma_start3A_118 = tpu.memref_squeeze %dma_start3A_117 : memref<1x128xi32, #tpu.memory_space<vmem>> -> memref<128xi32, #tpu.memory_space<vmem>>
      %dma_start3A_119 = arith.constant 0 : i32
      %dma_start3A_120 = tpu.memref_slice %arg10[%dma_start3A_119] : memref<100096xf32, #tpu.memory_space<vmem_shared>> -> memref<100096xf32, #tpu.memory_space<vmem_shared>>
      tpu.enqueue_indirect_dma source(%dma_start3A_115 : memref<128xf32, #tpu.memory_space<vmem>>) target(%dma_start3A_120 : memref<100096xf32, #tpu.memory_space<vmem_shared>>) offsets(%dma_start3A_118 : memref<128xi32, #tpu.memory_space<vmem>>) semaphore(%arg11 : memref<!tpu.dma_semaphore, #tpu.memory_space<semaphore_mem>>) {add = true}
      %dma_start3A_121 = arith.constant 9 : i32
      %dma_start3A_122 = arith.constant 1152 : i32
      %dma_start3A_123 = tpu.memref_slice %arg8[%dma_start3A_122] : memref<7168xf32, #tpu.memory_space<vmem>> -> memref<128xf32, #tpu.memory_space<vmem>>
      %dma_start3A_124 = arith.constant 0 : i32
      %dma_start3A_125 = tpu.memref_slice %arg7[%dma_start3A_121, %dma_start3A_124] : memref<56x128xi32, #tpu.memory_space<vmem>> -> memref<1x128xi32, #tpu.memory_space<vmem>>
      %dma_start3A_126 = tpu.memref_squeeze %dma_start3A_125 : memref<1x128xi32, #tpu.memory_space<vmem>> -> memref<128xi32, #tpu.memory_space<vmem>>
      %dma_start3A_127 = arith.constant 0 : i32
      %dma_start3A_128 = tpu.memref_slice %arg10[%dma_start3A_127] : memref<100096xf32, #tpu.memory_space<vmem_shared>> -> memref<100096xf32, #tpu.memory_space<vmem_shared>>
      tpu.enqueue_indirect_dma source(%dma_start3A_123 : memref<128xf32, #tpu.memory_space<vmem>>) target(%dma_start3A_128 : memref<100096xf32, #tpu.memory_space<vmem_shared>>) offsets(%dma_start3A_126 : memref<128xi32, #tpu.memory_space<vmem>>) semaphore(%arg11 : memref<!tpu.dma_semaphore, #tpu.memory_space<semaphore_mem>>) {add = true}
      %dma_start3A_129 = arith.constant 10 : i32
      %dma_start3A_130 = arith.constant 1280 : i32
      %dma_start3A_131 = tpu.memref_slice %arg8[%dma_start3A_130] : memref<7168xf32, #tpu.memory_space<vmem>> -> memref<128xf32, #tpu.memory_space<vmem>>
      %dma_start3A_132 = arith.constant 0 : i32
      %dma_start3A_133 = tpu.memref_slice %arg7[%dma_start3A_129, %dma_start3A_132] : memref<56x128xi32, #tpu.memory_space<vmem>> -> memref<1x128xi32, #tpu.memory_space<vmem>>
      %dma_start3A_134 = tpu.memref_squeeze %dma_start3A_133 : memref<1x128xi32, #tpu.memory_space<vmem>> -> memref<128xi32, #tpu.memory_space<vmem>>
      %dma_start3A_135 = arith.constant 0 : i32
      %dma_start3A_136 = tpu.memref_slice %arg10[%dma_start3A_135] : memref<100096xf32, #tpu.memory_space<vmem_shared>> -> memref<100096xf32, #tpu.memory_space<vmem_shared>>
      tpu.enqueue_indirect_dma source(%dma_start3A_131 : memref<128xf32, #tpu.memory_space<vmem>>) target(%dma_start3A_136 : memref<100096xf32, #tpu.memory_space<vmem_shared>>) offsets(%dma_start3A_134 : memref<128xi32, #tpu.memory_space<vmem>>) semaphore(%arg11 : memref<!tpu.dma_semaphore, #tpu.memory_space<semaphore_mem>>) {add = true}
      %dma_start3A_137 = arith.constant 11 : i32
      %dma_start3A_138 = arith.constant 1408 : i32
      %dma_start3A_139 = tpu.memref_slice %arg8[%dma_start3A_138] : memref<7168xf32, #tpu.memory_space<vmem>> -> memref<128xf32, #tpu.memory_space<vmem>>
      %dma_start3A_140 = arith.constant 0 : i32
      %dma_start3A_141 = tpu.memref_slice %arg7[%dma_start3A_137, %dma_start3A_140] : memref<56x128xi32, #tpu.memory_space<vmem>> -> memref<1x128xi32, #tpu.memory_space<vmem>>
      %dma_start3A_142 = tpu.memref_squeeze %dma_start3A_141 : memref<1x128xi32, #tpu.memory_space<vmem>> -> memref<128xi32, #tpu.memory_space<vmem>>
      %dma_start3A_143 = arith.constant 0 : i32
      %dma_start3A_144 = tpu.memref_slice %arg10[%dma_start3A_143] : memref<100096xf32, #tpu.memory_space<vmem_shared>> -> memref<100096xf32, #tpu.memory_space<vmem_shared>>
      tpu.enqueue_indirect_dma source(%dma_start3A_139 : memref<128xf32, #tpu.memory_space<vmem>>) target(%dma_start3A_144 : memref<100096xf32, #tpu.memory_space<vmem_shared>>) offsets(%dma_start3A_142 : memref<128xi32, #tpu.memory_space<vmem>>) semaphore(%arg11 : memref<!tpu.dma_semaphore, #tpu.memory_space<semaphore_mem>>) {add = true}
      %dma_start3A_145 = arith.constant 12 : i32
      %dma_start3A_146 = arith.constant 1536 : i32
      %dma_start3A_147 = tpu.memref_slice %arg8[%dma_start3A_146] : memref<7168xf32, #tpu.memory_space<vmem>> -> memref<128xf32, #tpu.memory_space<vmem>>
      %dma_start3A_148 = arith.constant 0 : i32
      %dma_start3A_149 = tpu.memref_slice %arg7[%dma_start3A_145, %dma_start3A_148] : memref<56x128xi32, #tpu.memory_space<vmem>> -> memref<1x128xi32, #tpu.memory_space<vmem>>
      %dma_start3A_150 = tpu.memref_squeeze %dma_start3A_149 : memref<1x128xi32, #tpu.memory_space<vmem>> -> memref<128xi32, #tpu.memory_space<vmem>>
      %dma_start3A_151 = arith.constant 0 : i32
      %dma_start3A_152 = tpu.memref_slice %arg10[%dma_start3A_151] : memref<100096xf32, #tpu.memory_space<vmem_shared>> -> memref<100096xf32, #tpu.memory_space<vmem_shared>>
      tpu.enqueue_indirect_dma source(%dma_start3A_147 : memref<128xf32, #tpu.memory_space<vmem>>) target(%dma_start3A_152 : memref<100096xf32, #tpu.memory_space<vmem_shared>>) offsets(%dma_start3A_150 : memref<128xi32, #tpu.memory_space<vmem>>) semaphore(%arg11 : memref<!tpu.dma_semaphore, #tpu.memory_space<semaphore_mem>>) {add = true}
      %dma_start3A_153 = arith.constant 13 : i32
      %dma_start3A_154 = arith.constant 1664 : i32
      %dma_start3A_155 = tpu.memref_slice %arg8[%dma_start3A_154] : memref<7168xf32, #tpu.memory_space<vmem>> -> memref<128xf32, #tpu.memory_space<vmem>>
      %dma_start3A_156 = arith.constant 0 : i32
      %dma_start3A_157 = tpu.memref_slice %arg7[%dma_start3A_153, %dma_start3A_156] : memref<56x128xi32, #tpu.memory_space<vmem>> -> memref<1x128xi32, #tpu.memory_space<vmem>>
      %dma_start3A_158 = tpu.memref_squeeze %dma_start3A_157 : memref<1x128xi32, #tpu.memory_space<vmem>> -> memref<128xi32, #tpu.memory_space<vmem>>
      %dma_start3A_159 = arith.constant 0 : i32
      %dma_start3A_160 = tpu.memref_slice %arg10[%dma_start3A_159] : memref<100096xf32, #tpu.memory_space<vmem_shared>> -> memref<100096xf32, #tpu.memory_space<vmem_shared>>
      tpu.enqueue_indirect_dma source(%dma_start3A_155 : memref<128xf32, #tpu.memory_space<vmem>>) target(%dma_start3A_160 : memref<100096xf32, #tpu.memory_space<vmem_shared>>) offsets(%dma_start3A_158 : memref<128xi32, #tpu.memory_space<vmem>>) semaphore(%arg11 : memref<!tpu.dma_semaphore, #tpu.memory_space<semaphore_mem>>) {add = true}
      %dma_start3A_161 = arith.constant 14 : i32
      %dma_start3A_162 = arith.constant 1792 : i32
      %dma_start3A_163 = tpu.memref_slice %arg8[%dma_start3A_162] : memref<7168xf32, #tpu.memory_space<vmem>> -> memref<128xf32, #tpu.memory_space<vmem>>
      %dma_start3A_164 = arith.constant 0 : i32
      %dma_start3A_165 = tpu.memref_slice %arg7[%dma_start3A_161, %dma_start3A_164] : memref<56x128xi32, #tpu.memory_space<vmem>> -> memref<1x128xi32, #tpu.memory_space<vmem>>
      %dma_start3A_166 = tpu.memref_squeeze %dma_start3A_165 : memref<1x128xi32, #tpu.memory_space<vmem>> -> memref<128xi32, #tpu.memory_space<vmem>>
      %dma_start3A_167 = arith.constant 0 : i32
      %dma_start3A_168 = tpu.memref_slice %arg10[%dma_start3A_167] : memref<100096xf32, #tpu.memory_space<vmem_shared>> -> memref<100096xf32, #tpu.memory_space<vmem_shared>>
      tpu.enqueue_indirect_dma source(%dma_start3A_163 : memref<128xf32, #tpu.memory_space<vmem>>) target(%dma_start3A_168 : memref<100096xf32, #tpu.memory_space<vmem_shared>>) offsets(%dma_start3A_166 : memref<128xi32, #tpu.memory_space<vmem>>) semaphore(%arg11 : memref<!tpu.dma_semaphore, #tpu.memory_space<semaphore_mem>>) {add = true}
      %dma_start3A_169 = arith.constant 15 : i32
      %dma_start3A_170 = arith.constant 1920 : i32
      %dma_start3A_171 = tpu.memref_slice %arg8[%dma_start3A_170] : memref<7168xf32, #tpu.memory_space<vmem>> -> memref<128xf32, #tpu.memory_space<vmem>>
      %dma_start3A_172 = arith.constant 0 : i32
      %dma_start3A_173 = tpu.memref_slice %arg7[%dma_start3A_169, %dma_start3A_172] : memref<56x128xi32, #tpu.memory_space<vmem>> -> memref<1x128xi32, #tpu.memory_space<vmem>>
      %dma_start3A_174 = tpu.memref_squeeze %dma_start3A_173 : memref<1x128xi32, #tpu.memory_space<vmem>> -> memref<128xi32, #tpu.memory_space<vmem>>
      %dma_start3A_175 = arith.constant 0 : i32
      %dma_start3A_176 = tpu.memref_slice %arg10[%dma_start3A_175] : memref<100096xf32, #tpu.memory_space<vmem_shared>> -> memref<100096xf32, #tpu.memory_space<vmem_shared>>
      tpu.enqueue_indirect_dma source(%dma_start3A_171 : memref<128xf32, #tpu.memory_space<vmem>>) target(%dma_start3A_176 : memref<100096xf32, #tpu.memory_space<vmem_shared>>) offsets(%dma_start3A_174 : memref<128xi32, #tpu.memory_space<vmem>>) semaphore(%arg11 : memref<!tpu.dma_semaphore, #tpu.memory_space<semaphore_mem>>) {add = true}
      %scan3A_177 = arith.constant 0 : i32
      %scan3A_178 = arith.constant 0 : i32
      %scan3A_179 = arith.constant 16 : i32
      %scan3A_180 = arith.addi %scan3A_178, %scan3A_179 : i32
      %scan3A_181 = arith.constant 1 : i32
      %scan3A_182 = scf.for %scan3A_536 = %scan3A_178 to %scan3A_180 step %scan3A_181 iter_args(%scan3A_537 = %scan3A_177) -> (i32)  : i32 {
        %mul3A_538 = arith.constant 64 : i32
        %mul3A_539 = arith.muli %scan3A_536, %mul3A_538 : i32
        %add3A_540 = arith.constant 2048 : i32
        %add3A_541 = arith.addi %add3A_540, %mul3A_539 : i32
        %add3A_542 = arith.constant 0 : i32
        %add3A_543 = arith.addi %add3A_541, %add3A_542 : i32
        %get3A = arith.index_cast %add3A_543 : i32 to index
        %get3A_544 = tpu.vector_load %arg6[%get3A] {strides = array<i32>} : memref<7168xi32, #tpu.memory_space<vmem>>, vector<16xi32>,
        %gather3A = tpu.vector_load_idx %arg9[%get3A_544] : memref<100096xf32, #tpu.memory_space<vmem>>[vector<16xi32>], vector<16xf32>,
        %add3A_545 = arith.constant 0 : i32
        %add3A_546 = arith.addi %add3A_541, %add3A_545 : i32
        %swap3A = arith.index_cast %add3A_546 : i32 to index
        %swap3A_547 = tpu.vector_load %arg8[%swap3A] {strides = array<i32>} : memref<7168xf32, #tpu.memory_space<vmem>>, vector<16xf32>,
        %swap3A_548 = vector.shape_cast %swap3A_547 : vector<16xf32> to vector<16xf32>
        %swap3A_549 = vector.shape_cast %gather3A : vector<16xf32> to vector<16xf32>
        tpu.vector_store %arg8[%swap3A], %swap3A_549 {strides = array<i32>} : memref<7168xf32, #tpu.memory_space<vmem>>, vector<16xf32>,
        %add3A_550 = arith.constant 16 : i32
        %add3A_551 = arith.addi %add3A_541, %add3A_550 : i32
        %get3A_552 = arith.index_cast %add3A_551 : i32 to index
        %get3A_553 = tpu.vector_load %arg6[%get3A_552] {strides = array<i32>} : memref<7168xi32, #tpu.memory_space<vmem>>, vector<16xi32>,
        %gather3A_554 = tpu.vector_load_idx %arg9[%get3A_553] : memref<100096xf32, #tpu.memory_space<vmem>>[vector<16xi32>], vector<16xf32>,
        %add3A_555 = arith.constant 16 : i32
        %add3A_556 = arith.addi %add3A_541, %add3A_555 : i32
        %swap3A_557 = arith.index_cast %add3A_556 : i32 to index
        %swap3A_558 = tpu.vector_load %arg8[%swap3A_557] {strides = array<i32>} : memref<7168xf32, #tpu.memory_space<vmem>>, vector<16xf32>,
        %swap3A_559 = vector.shape_cast %swap3A_558 : vector<16xf32> to vector<16xf32>
        %swap3A_560 = vector.shape_cast %gather3A_554 : vector<16xf32> to vector<16xf32>
        tpu.vector_store %arg8[%swap3A_557], %swap3A_560 {strides = array<i32>} : memref<7168xf32, #tpu.memory_space<vmem>>, vector<16xf32>,
        %add3A_561 = arith.constant 32 : i32
        %add3A_562 = arith.addi %add3A_541, %add3A_561 : i32
        %get3A_563 = arith.index_cast %add3A_562 : i32 to index
        %get3A_564 = tpu.vector_load %arg6[%get3A_563] {strides = array<i32>} : memref<7168xi32, #tpu.memory_space<vmem>>, vector<16xi32>,
        %gather3A_565 = tpu.vector_load_idx %arg9[%get3A_564] : memref<100096xf32, #tpu.memory_space<vmem>>[vector<16xi32>], vector<16xf32>,
        %add3A_566 = arith.constant 32 : i32
        %add3A_567 = arith.addi %add3A_541, %add3A_566 : i32
        %swap3A_568 = arith.index_cast %add3A_567 : i32 to index
        %swap3A_569 = tpu.vector_load %arg8[%swap3A_568] {strides = array<i32>} : memref<7168xf32, #tpu.memory_space<vmem>>, vector<16xf32>,
        %swap3A_570 = vector.shape_cast %swap3A_569 : vector<16xf32> to vector<16xf32>
        %swap3A_571 = vector.shape_cast %gather3A_565 : vector<16xf32> to vector<16xf32>
        tpu.vector_store %arg8[%swap3A_568], %swap3A_571 {strides = array<i32>} : memref<7168xf32, #tpu.memory_space<vmem>>, vector<16xf32>,
        %add3A_572 = arith.constant 48 : i32
        %add3A_573 = arith.addi %add3A_541, %add3A_572 : i32
        %get3A_574 = arith.index_cast %add3A_573 : i32 to index
        %get3A_575 = tpu.vector_load %arg6[%get3A_574] {strides = array<i32>} : memref<7168xi32, #tpu.memory_space<vmem>>, vector<16xi32>,
        %gather3A_576 = tpu.vector_load_idx %arg9[%get3A_575] : memref<100096xf32, #tpu.memory_space<vmem>>[vector<16xi32>], vector<16xf32>,
        %add3A_577 = arith.constant 48 : i32
        %add3A_578 = arith.addi %add3A_541, %add3A_577 : i32
        %swap3A_579 = arith.index_cast %add3A_578 : i32 to index
        %swap3A_580 = tpu.vector_load %arg8[%swap3A_579] {strides = array<i32>} : memref<7168xf32, #tpu.memory_space<vmem>>, vector<16xf32>,
        %swap3A_581 = vector.shape_cast %swap3A_580 : vector<16xf32> to vector<16xf32>
        %swap3A_582 = vector.shape_cast %gather3A_576 : vector<16xf32> to vector<16xf32>
        tpu.vector_store %arg8[%swap3A_579], %swap3A_582 {strides = array<i32>} : memref<7168xf32, #tpu.memory_space<vmem>>, vector<16xf32>,
        %scan3A_583 = arith.constant 0 : i32
        scf.yield %scan3A_583 : i32
      }
      %scan3A_183 = arith.constant 16 : i32
      %dma_start3A_184 = arith.constant 16 : i32
      %dma_start3A_185 = arith.constant 2048 : i32
      %dma_start3A_186 = tpu.memref_slice %arg8[%dma_start3A_185] : memref<7168xf32, #tpu.memory_space<vmem>> -> memref<128xf32, #tpu.memory_space<vmem>>
      %dma_start3A_187 = arith.constant 0 : i32
      %dma_start3A_188 = tpu.memref_slice %arg7[%dma_start3A_184, %dma_start3A_187] : memref<56x128xi32, #tpu.memory_space<vmem>> -> memref<1x128xi32, #tpu.memory_space<vmem>>
      %dma_start3A_189 = tpu.memref_squeeze %dma_start3A_188 : memref<1x128xi32, #tpu.memory_space<vmem>> -> memref<128xi32, #tpu.memory_space<vmem>>
      %dma_start3A_190 = arith.constant 0 : i32
      %dma_start3A_191 = tpu.memref_slice %arg10[%dma_start3A_190] : memref<100096xf32, #tpu.memory_space<vmem_shared>> -> memref<100096xf32, #tpu.memory_space<vmem_shared>>
      tpu.enqueue_indirect_dma source(%dma_start3A_186 : memref<128xf32, #tpu.memory_space<vmem>>) target(%dma_start3A_191 : memref<100096xf32, #tpu.memory_space<vmem_shared>>) offsets(%dma_start3A_189 : memref<128xi32, #tpu.memory_space<vmem>>) semaphore(%arg11 : memref<!tpu.dma_semaphore, #tpu.memory_space<semaphore_mem>>) {add = true}
      %dma_start3A_192 = arith.constant 17 : i32
      %dma_start3A_193 = arith.constant 2176 : i32
      %dma_start3A_194 = tpu.memref_slice %arg8[%dma_start3A_193] : memref<7168xf32, #tpu.memory_space<vmem>> -> memref<128xf32, #tpu.memory_space<vmem>>
      %dma_start3A_195 = arith.constant 0 : i32
      %dma_start3A_196 = tpu.memref_slice %arg7[%dma_start3A_192, %dma_start3A_195] : memref<56x128xi32, #tpu.memory_space<vmem>> -> memref<1x128xi32, #tpu.memory_space<vmem>>
      %dma_start3A_197 = tpu.memref_squeeze %dma_start3A_196 : memref<1x128xi32, #tpu.memory_space<vmem>> -> memref<128xi32, #tpu.memory_space<vmem>>
      %dma_start3A_198 = arith.constant 0 : i32
      %dma_start3A_199 = tpu.memref_slice %arg10[%dma_start3A_198] : memref<100096xf32, #tpu.memory_space<vmem_shared>> -> memref<100096xf32, #tpu.memory_space<vmem_shared>>
      tpu.enqueue_indirect_dma source(%dma_start3A_194 : memref<128xf32, #tpu.memory_space<vmem>>) target(%dma_start3A_199 : memref<100096xf32, #tpu.memory_space<vmem_shared>>) offsets(%dma_start3A_197 : memref<128xi32, #tpu.memory_space<vmem>>) semaphore(%arg11 : memref<!tpu.dma_semaphore, #tpu.memory_space<semaphore_mem>>) {add = true}
      %dma_start3A_200 = arith.constant 18 : i32
      %dma_start3A_201 = arith.constant 2304 : i32
      %dma_start3A_202 = tpu.memref_slice %arg8[%dma_start3A_201] : memref<7168xf32, #tpu.memory_space<vmem>> -> memref<128xf32, #tpu.memory_space<vmem>>
      %dma_start3A_203 = arith.constant 0 : i32
      %dma_start3A_204 = tpu.memref_slice %arg7[%dma_start3A_200, %dma_start3A_203] : memref<56x128xi32, #tpu.memory_space<vmem>> -> memref<1x128xi32, #tpu.memory_space<vmem>>
      %dma_start3A_205 = tpu.memref_squeeze %dma_start3A_204 : memref<1x128xi32, #tpu.memory_space<vmem>> -> memref<128xi32, #tpu.memory_space<vmem>>
      %dma_start3A_206 = arith.constant 0 : i32
      %dma_start3A_207 = tpu.memref_slice %arg10[%dma_start3A_206] : memref<100096xf32, #tpu.memory_space<vmem_shared>> -> memref<100096xf32, #tpu.memory_space<vmem_shared>>
      tpu.enqueue_indirect_dma source(%dma_start3A_202 : memref<128xf32, #tpu.memory_space<vmem>>) target(%dma_start3A_207 : memref<100096xf32, #tpu.memory_space<vmem_shared>>) offsets(%dma_start3A_205 : memref<128xi32, #tpu.memory_space<vmem>>) semaphore(%arg11 : memref<!tpu.dma_semaphore, #tpu.memory_space<semaphore_mem>>) {add = true}
      %dma_start3A_208 = arith.constant 19 : i32
      %dma_start3A_209 = arith.constant 2432 : i32
      %dma_start3A_210 = tpu.memref_slice %arg8[%dma_start3A_209] : memref<7168xf32, #tpu.memory_space<vmem>> -> memref<128xf32, #tpu.memory_space<vmem>>
      %dma_start3A_211 = arith.constant 0 : i32
      %dma_start3A_212 = tpu.memref_slice %arg7[%dma_start3A_208, %dma_start3A_211] : memref<56x128xi32, #tpu.memory_space<vmem>> -> memref<1x128xi32, #tpu.memory_space<vmem>>
      %dma_start3A_213 = tpu.memref_squeeze %dma_start3A_212 : memref<1x128xi32, #tpu.memory_space<vmem>> -> memref<128xi32, #tpu.memory_space<vmem>>
      %dma_start3A_214 = arith.constant 0 : i32
      %dma_start3A_215 = tpu.memref_slice %arg10[%dma_start3A_214] : memref<100096xf32, #tpu.memory_space<vmem_shared>> -> memref<100096xf32, #tpu.memory_space<vmem_shared>>
      tpu.enqueue_indirect_dma source(%dma_start3A_210 : memref<128xf32, #tpu.memory_space<vmem>>) target(%dma_start3A_215 : memref<100096xf32, #tpu.memory_space<vmem_shared>>) offsets(%dma_start3A_213 : memref<128xi32, #tpu.memory_space<vmem>>) semaphore(%arg11 : memref<!tpu.dma_semaphore, #tpu.memory_space<semaphore_mem>>) {add = true}
      %dma_start3A_216 = arith.constant 20 : i32
      %dma_start3A_217 = arith.constant 2560 : i32
      %dma_start3A_218 = tpu.memref_slice %arg8[%dma_start3A_217] : memref<7168xf32, #tpu.memory_space<vmem>> -> memref<128xf32, #tpu.memory_space<vmem>>
      %dma_start3A_219 = arith.constant 0 : i32
      %dma_start3A_220 = tpu.memref_slice %arg7[%dma_start3A_216, %dma_start3A_219] : memref<56x128xi32, #tpu.memory_space<vmem>> -> memref<1x128xi32, #tpu.memory_space<vmem>>
      %dma_start3A_221 = tpu.memref_squeeze %dma_start3A_220 : memref<1x128xi32, #tpu.memory_space<vmem>> -> memref<128xi32, #tpu.memory_space<vmem>>
      %dma_start3A_222 = arith.constant 0 : i32
      %dma_start3A_223 = tpu.memref_slice %arg10[%dma_start3A_222] : memref<100096xf32, #tpu.memory_space<vmem_shared>> -> memref<100096xf32, #tpu.memory_space<vmem_shared>>
      tpu.enqueue_indirect_dma source(%dma_start3A_218 : memref<128xf32, #tpu.memory_space<vmem>>) target(%dma_start3A_223 : memref<100096xf32, #tpu.memory_space<vmem_shared>>) offsets(%dma_start3A_221 : memref<128xi32, #tpu.memory_space<vmem>>) semaphore(%arg11 : memref<!tpu.dma_semaphore, #tpu.memory_space<semaphore_mem>>) {add = true}
      %dma_start3A_224 = arith.constant 21 : i32
      %dma_start3A_225 = arith.constant 2688 : i32
      %dma_start3A_226 = tpu.memref_slice %arg8[%dma_start3A_225] : memref<7168xf32, #tpu.memory_space<vmem>> -> memref<128xf32, #tpu.memory_space<vmem>>
      %dma_start3A_227 = arith.constant 0 : i32
      %dma_start3A_228 = tpu.memref_slice %arg7[%dma_start3A_224, %dma_start3A_227] : memref<56x128xi32, #tpu.memory_space<vmem>> -> memref<1x128xi32, #tpu.memory_space<vmem>>
      %dma_start3A_229 = tpu.memref_squeeze %dma_start3A_228 : memref<1x128xi32, #tpu.memory_space<vmem>> -> memref<128xi32, #tpu.memory_space<vmem>>
      %dma_start3A_230 = arith.constant 0 : i32
      %dma_start3A_231 = tpu.memref_slice %arg10[%dma_start3A_230] : memref<100096xf32, #tpu.memory_space<vmem_shared>> -> memref<100096xf32, #tpu.memory_space<vmem_shared>>
      tpu.enqueue_indirect_dma source(%dma_start3A_226 : memref<128xf32, #tpu.memory_space<vmem>>) target(%dma_start3A_231 : memref<100096xf32, #tpu.memory_space<vmem_shared>>) offsets(%dma_start3A_229 : memref<128xi32, #tpu.memory_space<vmem>>) semaphore(%arg11 : memref<!tpu.dma_semaphore, #tpu.memory_space<semaphore_mem>>) {add = true}
      %dma_start3A_232 = arith.constant 22 : i32
      %dma_start3A_233 = arith.constant 2816 : i32
      %dma_start3A_234 = tpu.memref_slice %arg8[%dma_start3A_233] : memref<7168xf32, #tpu.memory_space<vmem>> -> memref<128xf32, #tpu.memory_space<vmem>>
      %dma_start3A_235 = arith.constant 0 : i32
      %dma_start3A_236 = tpu.memref_slice %arg7[%dma_start3A_232, %dma_start3A_235] : memref<56x128xi32, #tpu.memory_space<vmem>> -> memref<1x128xi32, #tpu.memory_space<vmem>>
      %dma_start3A_237 = tpu.memref_squeeze %dma_start3A_236 : memref<1x128xi32, #tpu.memory_space<vmem>> -> memref<128xi32, #tpu.memory_space<vmem>>
      %dma_start3A_238 = arith.constant 0 : i32
      %dma_start3A_239 = tpu.memref_slice %arg10[%dma_start3A_238] : memref<100096xf32, #tpu.memory_space<vmem_shared>> -> memref<100096xf32, #tpu.memory_space<vmem_shared>>
      tpu.enqueue_indirect_dma source(%dma_start3A_234 : memref<128xf32, #tpu.memory_space<vmem>>) target(%dma_start3A_239 : memref<100096xf32, #tpu.memory_space<vmem_shared>>) offsets(%dma_start3A_237 : memref<128xi32, #tpu.memory_space<vmem>>) semaphore(%arg11 : memref<!tpu.dma_semaphore, #tpu.memory_space<semaphore_mem>>) {add = true}
      %dma_start3A_240 = arith.constant 23 : i32
      %dma_start3A_241 = arith.constant 2944 : i32
      %dma_start3A_242 = tpu.memref_slice %arg8[%dma_start3A_241] : memref<7168xf32, #tpu.memory_space<vmem>> -> memref<128xf32, #tpu.memory_space<vmem>>
      %dma_start3A_243 = arith.constant 0 : i32
      %dma_start3A_244 = tpu.memref_slice %arg7[%dma_start3A_240, %dma_start3A_243] : memref<56x128xi32, #tpu.memory_space<vmem>> -> memref<1x128xi32, #tpu.memory_space<vmem>>
      %dma_start3A_245 = tpu.memref_squeeze %dma_start3A_244 : memref<1x128xi32, #tpu.memory_space<vmem>> -> memref<128xi32, #tpu.memory_space<vmem>>
      %dma_start3A_246 = arith.constant 0 : i32
      %dma_start3A_247 = tpu.memref_slice %arg10[%dma_start3A_246] : memref<100096xf32, #tpu.memory_space<vmem_shared>> -> memref<100096xf32, #tpu.memory_space<vmem_shared>>
      tpu.enqueue_indirect_dma source(%dma_start3A_242 : memref<128xf32, #tpu.memory_space<vmem>>) target(%dma_start3A_247 : memref<100096xf32, #tpu.memory_space<vmem_shared>>) offsets(%dma_start3A_245 : memref<128xi32, #tpu.memory_space<vmem>>) semaphore(%arg11 : memref<!tpu.dma_semaphore, #tpu.memory_space<semaphore_mem>>) {add = true}
      %scan3A_248 = arith.constant 0 : i32
      %scan3A_249 = arith.constant 0 : i32
      %scan3A_250 = arith.constant 16 : i32
      %scan3A_251 = arith.addi %scan3A_249, %scan3A_250 : i32
      %scan3A_252 = arith.constant 1 : i32
      %scan3A_253 = scf.for %scan3A_536 = %scan3A_249 to %scan3A_251 step %scan3A_252 iter_args(%scan3A_537 = %scan3A_248) -> (i32)  : i32 {
        %mul3A_538 = arith.constant 64 : i32
        %mul3A_539 = arith.muli %scan3A_536, %mul3A_538 : i32
        %add3A_540 = arith.constant 3072 : i32
        %add3A_541 = arith.addi %add3A_540, %mul3A_539 : i32
        %add3A_542 = arith.constant 0 : i32
        %add3A_543 = arith.addi %add3A_541, %add3A_542 : i32
        %get3A = arith.index_cast %add3A_543 : i32 to index
        %get3A_544 = tpu.vector_load %arg6[%get3A] {strides = array<i32>} : memref<7168xi32, #tpu.memory_space<vmem>>, vector<16xi32>,
        %gather3A = tpu.vector_load_idx %arg9[%get3A_544] : memref<100096xf32, #tpu.memory_space<vmem>>[vector<16xi32>], vector<16xf32>,
        %add3A_545 = arith.constant 0 : i32
        %add3A_546 = arith.addi %add3A_541, %add3A_545 : i32
        %swap3A = arith.index_cast %add3A_546 : i32 to index
        %swap3A_547 = tpu.vector_load %arg8[%swap3A] {strides = array<i32>} : memref<7168xf32, #tpu.memory_space<vmem>>, vector<16xf32>,
        %swap3A_548 = vector.shape_cast %swap3A_547 : vector<16xf32> to vector<16xf32>
        %swap3A_549 = vector.shape_cast %gather3A : vector<16xf32> to vector<16xf32>
        tpu.vector_store %arg8[%swap3A], %swap3A_549 {strides = array<i32>} : memref<7168xf32, #tpu.memory_space<vmem>>, vector<16xf32>,
        %add3A_550 = arith.constant 16 : i32
        %add3A_551 = arith.addi %add3A_541, %add3A_550 : i32
        %get3A_552 = arith.index_cast %add3A_551 : i32 to index
        %get3A_553 = tpu.vector_load %arg6[%get3A_552] {strides = array<i32>} : memref<7168xi32, #tpu.memory_space<vmem>>, vector<16xi32>,
        %gather3A_554 = tpu.vector_load_idx %arg9[%get3A_553] : memref<100096xf32, #tpu.memory_space<vmem>>[vector<16xi32>], vector<16xf32>,
        %add3A_555 = arith.constant 16 : i32
        %add3A_556 = arith.addi %add3A_541, %add3A_555 : i32
        %swap3A_557 = arith.index_cast %add3A_556 : i32 to index
        %swap3A_558 = tpu.vector_load %arg8[%swap3A_557] {strides = array<i32>} : memref<7168xf32, #tpu.memory_space<vmem>>, vector<16xf32>,
        %swap3A_559 = vector.shape_cast %swap3A_558 : vector<16xf32> to vector<16xf32>
        %swap3A_560 = vector.shape_cast %gather3A_554 : vector<16xf32> to vector<16xf32>
        tpu.vector_store %arg8[%swap3A_557], %swap3A_560 {strides = array<i32>} : memref<7168xf32, #tpu.memory_space<vmem>>, vector<16xf32>,
        %add3A_561 = arith.constant 32 : i32
        %add3A_562 = arith.addi %add3A_541, %add3A_561 : i32
        %get3A_563 = arith.index_cast %add3A_562 : i32 to index
        %get3A_564 = tpu.vector_load %arg6[%get3A_563] {strides = array<i32>} : memref<7168xi32, #tpu.memory_space<vmem>>, vector<16xi32>,
        %gather3A_565 = tpu.vector_load_idx %arg9[%get3A_564] : memref<100096xf32, #tpu.memory_space<vmem>>[vector<16xi32>], vector<16xf32>,
        %add3A_566 = arith.constant 32 : i32
        %add3A_567 = arith.addi %add3A_541, %add3A_566 : i32
        %swap3A_568 = arith.index_cast %add3A_567 : i32 to index
        %swap3A_569 = tpu.vector_load %arg8[%swap3A_568] {strides = array<i32>} : memref<7168xf32, #tpu.memory_space<vmem>>, vector<16xf32>,
        %swap3A_570 = vector.shape_cast %swap3A_569 : vector<16xf32> to vector<16xf32>
        %swap3A_571 = vector.shape_cast %gather3A_565 : vector<16xf32> to vector<16xf32>
        tpu.vector_store %arg8[%swap3A_568], %swap3A_571 {strides = array<i32>} : memref<7168xf32, #tpu.memory_space<vmem>>, vector<16xf32>,
        %add3A_572 = arith.constant 48 : i32
        %add3A_573 = arith.addi %add3A_541, %add3A_572 : i32
        %get3A_574 = arith.index_cast %add3A_573 : i32 to index
        %get3A_575 = tpu.vector_load %arg6[%get3A_574] {strides = array<i32>} : memref<7168xi32, #tpu.memory_space<vmem>>, vector<16xi32>,
        %gather3A_576 = tpu.vector_load_idx %arg9[%get3A_575] : memref<100096xf32, #tpu.memory_space<vmem>>[vector<16xi32>], vector<16xf32>,
        %add3A_577 = arith.constant 48 : i32
        %add3A_578 = arith.addi %add3A_541, %add3A_577 : i32
        %swap3A_579 = arith.index_cast %add3A_578 : i32 to index
        %swap3A_580 = tpu.vector_load %arg8[%swap3A_579] {strides = array<i32>} : memref<7168xf32, #tpu.memory_space<vmem>>, vector<16xf32>,
        %swap3A_581 = vector.shape_cast %swap3A_580 : vector<16xf32> to vector<16xf32>
        %swap3A_582 = vector.shape_cast %gather3A_576 : vector<16xf32> to vector<16xf32>
        tpu.vector_store %arg8[%swap3A_579], %swap3A_582 {strides = array<i32>} : memref<7168xf32, #tpu.memory_space<vmem>>, vector<16xf32>,
        %scan3A_583 = arith.constant 0 : i32
        scf.yield %scan3A_583 : i32
      }
      %scan3A_254 = arith.constant 16 : i32
      %dma_start3A_255 = arith.constant 24 : i32
      %dma_start3A_256 = arith.constant 3072 : i32
      %dma_start3A_257 = tpu.memref_slice %arg8[%dma_start3A_256] : memref<7168xf32, #tpu.memory_space<vmem>> -> memref<128xf32, #tpu.memory_space<vmem>>
      %dma_start3A_258 = arith.constant 0 : i32
      %dma_start3A_259 = tpu.memref_slice %arg7[%dma_start3A_255, %dma_start3A_258] : memref<56x128xi32, #tpu.memory_space<vmem>> -> memref<1x128xi32, #tpu.memory_space<vmem>>
      %dma_start3A_260 = tpu.memref_squeeze %dma_start3A_259 : memref<1x128xi32, #tpu.memory_space<vmem>> -> memref<128xi32, #tpu.memory_space<vmem>>
      %dma_start3A_261 = arith.constant 0 : i32
      %dma_start3A_262 = tpu.memref_slice %arg10[%dma_start3A_261] : memref<100096xf32, #tpu.memory_space<vmem_shared>> -> memref<100096xf32, #tpu.memory_space<vmem_shared>>
      tpu.enqueue_indirect_dma source(%dma_start3A_257 : memref<128xf32, #tpu.memory_space<vmem>>) target(%dma_start3A_262 : memref<100096xf32, #tpu.memory_space<vmem_shared>>) offsets(%dma_start3A_260 : memref<128xi32, #tpu.memory_space<vmem>>) semaphore(%arg11 : memref<!tpu.dma_semaphore, #tpu.memory_space<semaphore_mem>>) {add = true}
      %dma_start3A_263 = arith.constant 25 : i32
      %dma_start3A_264 = arith.constant 3200 : i32
      %dma_start3A_265 = tpu.memref_slice %arg8[%dma_start3A_264] : memref<7168xf32, #tpu.memory_space<vmem>> -> memref<128xf32, #tpu.memory_space<vmem>>
      %dma_start3A_266 = arith.constant 0 : i32
      %dma_start3A_267 = tpu.memref_slice %arg7[%dma_start3A_263, %dma_start3A_266] : memref<56x128xi32, #tpu.memory_space<vmem>> -> memref<1x128xi32, #tpu.memory_space<vmem>>
      %dma_start3A_268 = tpu.memref_squeeze %dma_start3A_267 : memref<1x128xi32, #tpu.memory_space<vmem>> -> memref<128xi32, #tpu.memory_space<vmem>>
      %dma_start3A_269 = arith.constant 0 : i32
      %dma_start3A_270 = tpu.memref_slice %arg10[%dma_start3A_269] : memref<100096xf32, #tpu.memory_space<vmem_shared>> -> memref<100096xf32, #tpu.memory_space<vmem_shared>>
      tpu.enqueue_indirect_dma source(%dma_start3A_265 : memref<128xf32, #tpu.memory_space<vmem>>) target(%dma_start3A_270 : memref<100096xf32, #tpu.memory_space<vmem_shared>>) offsets(%dma_start3A_268 : memref<128xi32, #tpu.memory_space<vmem>>) semaphore(%arg11 : memref<!tpu.dma_semaphore, #tpu.memory_space<semaphore_mem>>) {add = true}
      %dma_start3A_271 = arith.constant 26 : i32
      %dma_start3A_272 = arith.constant 3328 : i32
      %dma_start3A_273 = tpu.memref_slice %arg8[%dma_start3A_272] : memref<7168xf32, #tpu.memory_space<vmem>> -> memref<128xf32, #tpu.memory_space<vmem>>
      %dma_start3A_274 = arith.constant 0 : i32
      %dma_start3A_275 = tpu.memref_slice %arg7[%dma_start3A_271, %dma_start3A_274] : memref<56x128xi32, #tpu.memory_space<vmem>> -> memref<1x128xi32, #tpu.memory_space<vmem>>
      %dma_start3A_276 = tpu.memref_squeeze %dma_start3A_275 : memref<1x128xi32, #tpu.memory_space<vmem>> -> memref<128xi32, #tpu.memory_space<vmem>>
      %dma_start3A_277 = arith.constant 0 : i32
      %dma_start3A_278 = tpu.memref_slice %arg10[%dma_start3A_277] : memref<100096xf32, #tpu.memory_space<vmem_shared>> -> memref<100096xf32, #tpu.memory_space<vmem_shared>>
      tpu.enqueue_indirect_dma source(%dma_start3A_273 : memref<128xf32, #tpu.memory_space<vmem>>) target(%dma_start3A_278 : memref<100096xf32, #tpu.memory_space<vmem_shared>>) offsets(%dma_start3A_276 : memref<128xi32, #tpu.memory_space<vmem>>) semaphore(%arg11 : memref<!tpu.dma_semaphore, #tpu.memory_space<semaphore_mem>>) {add = true}
      %dma_start3A_279 = arith.constant 27 : i32
      %dma_start3A_280 = arith.constant 3456 : i32
      %dma_start3A_281 = tpu.memref_slice %arg8[%dma_start3A_280] : memref<7168xf32, #tpu.memory_space<vmem>> -> memref<128xf32, #tpu.memory_space<vmem>>
      %dma_start3A_282 = arith.constant 0 : i32
      %dma_start3A_283 = tpu.memref_slice %arg7[%dma_start3A_279, %dma_start3A_282] : memref<56x128xi32, #tpu.memory_space<vmem>> -> memref<1x128xi32, #tpu.memory_space<vmem>>
      %dma_start3A_284 = tpu.memref_squeeze %dma_start3A_283 : memref<1x128xi32, #tpu.memory_space<vmem>> -> memref<128xi32, #tpu.memory_space<vmem>>
      %dma_start3A_285 = arith.constant 0 : i32
      %dma_start3A_286 = tpu.memref_slice %arg10[%dma_start3A_285] : memref<100096xf32, #tpu.memory_space<vmem_shared>> -> memref<100096xf32, #tpu.memory_space<vmem_shared>>
      tpu.enqueue_indirect_dma source(%dma_start3A_281 : memref<128xf32, #tpu.memory_space<vmem>>) target(%dma_start3A_286 : memref<100096xf32, #tpu.memory_space<vmem_shared>>) offsets(%dma_start3A_284 : memref<128xi32, #tpu.memory_space<vmem>>) semaphore(%arg11 : memref<!tpu.dma_semaphore, #tpu.memory_space<semaphore_mem>>) {add = true}
      %dma_start3A_287 = arith.constant 28 : i32
      %dma_start3A_288 = arith.constant 3584 : i32
      %dma_start3A_289 = tpu.memref_slice %arg8[%dma_start3A_288] : memref<7168xf32, #tpu.memory_space<vmem>> -> memref<128xf32, #tpu.memory_space<vmem>>
      %dma_start3A_290 = arith.constant 0 : i32
      %dma_start3A_291 = tpu.memref_slice %arg7[%dma_start3A_287, %dma_start3A_290] : memref<56x128xi32, #tpu.memory_space<vmem>> -> memref<1x128xi32, #tpu.memory_space<vmem>>
      %dma_start3A_292 = tpu.memref_squeeze %dma_start3A_291 : memref<1x128xi32, #tpu.memory_space<vmem>> -> memref<128xi32, #tpu.memory_space<vmem>>
      %dma_start3A_293 = arith.constant 0 : i32
      %dma_start3A_294 = tpu.memref_slice %arg10[%dma_start3A_293] : memref<100096xf32, #tpu.memory_space<vmem_shared>> -> memref<100096xf32, #tpu.memory_space<vmem_shared>>
      tpu.enqueue_indirect_dma source(%dma_start3A_289 : memref<128xf32, #tpu.memory_space<vmem>>) target(%dma_start3A_294 : memref<100096xf32, #tpu.memory_space<vmem_shared>>) offsets(%dma_start3A_292 : memref<128xi32, #tpu.memory_space<vmem>>) semaphore(%arg11 : memref<!tpu.dma_semaphore, #tpu.memory_space<semaphore_mem>>) {add = true}
      %dma_start3A_295 = arith.constant 29 : i32
      %dma_start3A_296 = arith.constant 3712 : i32
      %dma_start3A_297 = tpu.memref_slice %arg8[%dma_start3A_296] : memref<7168xf32, #tpu.memory_space<vmem>> -> memref<128xf32, #tpu.memory_space<vmem>>
      %dma_start3A_298 = arith.constant 0 : i32
      %dma_start3A_299 = tpu.memref_slice %arg7[%dma_start3A_295, %dma_start3A_298] : memref<56x128xi32, #tpu.memory_space<vmem>> -> memref<1x128xi32, #tpu.memory_space<vmem>>
      %dma_start3A_300 = tpu.memref_squeeze %dma_start3A_299 : memref<1x128xi32, #tpu.memory_space<vmem>> -> memref<128xi32, #tpu.memory_space<vmem>>
      %dma_start3A_301 = arith.constant 0 : i32
      %dma_start3A_302 = tpu.memref_slice %arg10[%dma_start3A_301] : memref<100096xf32, #tpu.memory_space<vmem_shared>> -> memref<100096xf32, #tpu.memory_space<vmem_shared>>
      tpu.enqueue_indirect_dma source(%dma_start3A_297 : memref<128xf32, #tpu.memory_space<vmem>>) target(%dma_start3A_302 : memref<100096xf32, #tpu.memory_space<vmem_shared>>) offsets(%dma_start3A_300 : memref<128xi32, #tpu.memory_space<vmem>>) semaphore(%arg11 : memref<!tpu.dma_semaphore, #tpu.memory_space<semaphore_mem>>) {add = true}
      %dma_start3A_303 = arith.constant 30 : i32
      %dma_start3A_304 = arith.constant 3840 : i32
      %dma_start3A_305 = tpu.memref_slice %arg8[%dma_start3A_304] : memref<7168xf32, #tpu.memory_space<vmem>> -> memref<128xf32, #tpu.memory_space<vmem>>
      %dma_start3A_306 = arith.constant 0 : i32
      %dma_start3A_307 = tpu.memref_slice %arg7[%dma_start3A_303, %dma_start3A_306] : memref<56x128xi32, #tpu.memory_space<vmem>> -> memref<1x128xi32, #tpu.memory_space<vmem>>
      %dma_start3A_308 = tpu.memref_squeeze %dma_start3A_307 : memref<1x128xi32, #tpu.memory_space<vmem>> -> memref<128xi32, #tpu.memory_space<vmem>>
      %dma_start3A_309 = arith.constant 0 : i32
      %dma_start3A_310 = tpu.memref_slice %arg10[%dma_start3A_309] : memref<100096xf32, #tpu.memory_space<vmem_shared>> -> memref<100096xf32, #tpu.memory_space<vmem_shared>>
      tpu.enqueue_indirect_dma source(%dma_start3A_305 : memref<128xf32, #tpu.memory_space<vmem>>) target(%dma_start3A_310 : memref<100096xf32, #tpu.memory_space<vmem_shared>>) offsets(%dma_start3A_308 : memref<128xi32, #tpu.memory_space<vmem>>) semaphore(%arg11 : memref<!tpu.dma_semaphore, #tpu.memory_space<semaphore_mem>>) {add = true}
      %dma_start3A_311 = arith.constant 31 : i32
      %dma_start3A_312 = arith.constant 3968 : i32
      %dma_start3A_313 = tpu.memref_slice %arg8[%dma_start3A_312] : memref<7168xf32, #tpu.memory_space<vmem>> -> memref<128xf32, #tpu.memory_space<vmem>>
      %dma_start3A_314 = arith.constant 0 : i32
      %dma_start3A_315 = tpu.memref_slice %arg7[%dma_start3A_311, %dma_start3A_314] : memref<56x128xi32, #tpu.memory_space<vmem>> -> memref<1x128xi32, #tpu.memory_space<vmem>>
      %dma_start3A_316 = tpu.memref_squeeze %dma_start3A_315 : memref<1x128xi32, #tpu.memory_space<vmem>> -> memref<128xi32, #tpu.memory_space<vmem>>
      %dma_start3A_317 = arith.constant 0 : i32
      %dma_start3A_318 = tpu.memref_slice %arg10[%dma_start3A_317] : memref<100096xf32, #tpu.memory_space<vmem_shared>> -> memref<100096xf32, #tpu.memory_space<vmem_shared>>
      tpu.enqueue_indirect_dma source(%dma_start3A_313 : memref<128xf32, #tpu.memory_space<vmem>>) target(%dma_start3A_318 : memref<100096xf32, #tpu.memory_space<vmem_shared>>) offsets(%dma_start3A_316 : memref<128xi32, #tpu.memory_space<vmem>>) semaphore(%arg11 : memref<!tpu.dma_semaphore, #tpu.memory_space<semaphore_mem>>) {add = true}
      %scan3A_319 = arith.constant 0 : i32
      %scan3A_320 = arith.constant 0 : i32
      %scan3A_321 = arith.constant 16 : i32
      %scan3A_322 = arith.addi %scan3A_320, %scan3A_321 : i32
      %scan3A_323 = arith.constant 1 : i32
      %scan3A_324 = scf.for %scan3A_536 = %scan3A_320 to %scan3A_322 step %scan3A_323 iter_args(%scan3A_537 = %scan3A_319) -> (i32)  : i32 {
        %mul3A_538 = arith.constant 64 : i32
        %mul3A_539 = arith.muli %scan3A_536, %mul3A_538 : i32
        %add3A_540 = arith.constant 4096 : i32
        %add3A_541 = arith.addi %add3A_540, %mul3A_539 : i32
        %add3A_542 = arith.constant 0 : i32
        %add3A_543 = arith.addi %add3A_541, %add3A_542 : i32
        %get3A = arith.index_cast %add3A_543 : i32 to index
        %get3A_544 = tpu.vector_load %arg6[%get3A] {strides = array<i32>} : memref<7168xi32, #tpu.memory_space<vmem>>, vector<16xi32>,
        %gather3A = tpu.vector_load_idx %arg9[%get3A_544] : memref<100096xf32, #tpu.memory_space<vmem>>[vector<16xi32>], vector<16xf32>,
        %add3A_545 = arith.constant 0 : i32
        %add3A_546 = arith.addi %add3A_541, %add3A_545 : i32
        %swap3A = arith.index_cast %add3A_546 : i32 to index
        %swap3A_547 = tpu.vector_load %arg8[%swap3A] {strides = array<i32>} : memref<7168xf32, #tpu.memory_space<vmem>>, vector<16xf32>,
        %swap3A_548 = vector.shape_cast %swap3A_547 : vector<16xf32> to vector<16xf32>
        %swap3A_549 = vector.shape_cast %gather3A : vector<16xf32> to vector<16xf32>
        tpu.vector_store %arg8[%swap3A], %swap3A_549 {strides = array<i32>} : memref<7168xf32, #tpu.memory_space<vmem>>, vector<16xf32>,
        %add3A_550 = arith.constant 16 : i32
        %add3A_551 = arith.addi %add3A_541, %add3A_550 : i32
        %get3A_552 = arith.index_cast %add3A_551 : i32 to index
        %get3A_553 = tpu.vector_load %arg6[%get3A_552] {strides = array<i32>} : memref<7168xi32, #tpu.memory_space<vmem>>, vector<16xi32>,
        %gather3A_554 = tpu.vector_load_idx %arg9[%get3A_553] : memref<100096xf32, #tpu.memory_space<vmem>>[vector<16xi32>], vector<16xf32>,
        %add3A_555 = arith.constant 16 : i32
        %add3A_556 = arith.addi %add3A_541, %add3A_555 : i32
        %swap3A_557 = arith.index_cast %add3A_556 : i32 to index
        %swap3A_558 = tpu.vector_load %arg8[%swap3A_557] {strides = array<i32>} : memref<7168xf32, #tpu.memory_space<vmem>>, vector<16xf32>,
        %swap3A_559 = vector.shape_cast %swap3A_558 : vector<16xf32> to vector<16xf32>
        %swap3A_560 = vector.shape_cast %gather3A_554 : vector<16xf32> to vector<16xf32>
        tpu.vector_store %arg8[%swap3A_557], %swap3A_560 {strides = array<i32>} : memref<7168xf32, #tpu.memory_space<vmem>>, vector<16xf32>,
        %add3A_561 = arith.constant 32 : i32
        %add3A_562 = arith.addi %add3A_541, %add3A_561 : i32
        %get3A_563 = arith.index_cast %add3A_562 : i32 to index
        %get3A_564 = tpu.vector_load %arg6[%get3A_563] {strides = array<i32>} : memref<7168xi32, #tpu.memory_space<vmem>>, vector<16xi32>,
        %gather3A_565 = tpu.vector_load_idx %arg9[%get3A_564] : memref<100096xf32, #tpu.memory_space<vmem>>[vector<16xi32>], vector<16xf32>,
        %add3A_566 = arith.constant 32 : i32
        %add3A_567 = arith.addi %add3A_541, %add3A_566 : i32
        %swap3A_568 = arith.index_cast %add3A_567 : i32 to index
        %swap3A_569 = tpu.vector_load %arg8[%swap3A_568] {strides = array<i32>} : memref<7168xf32, #tpu.memory_space<vmem>>, vector<16xf32>,
        %swap3A_570 = vector.shape_cast %swap3A_569 : vector<16xf32> to vector<16xf32>
        %swap3A_571 = vector.shape_cast %gather3A_565 : vector<16xf32> to vector<16xf32>
        tpu.vector_store %arg8[%swap3A_568], %swap3A_571 {strides = array<i32>} : memref<7168xf32, #tpu.memory_space<vmem>>, vector<16xf32>,
        %add3A_572 = arith.constant 48 : i32
        %add3A_573 = arith.addi %add3A_541, %add3A_572 : i32
        %get3A_574 = arith.index_cast %add3A_573 : i32 to index
        %get3A_575 = tpu.vector_load %arg6[%get3A_574] {strides = array<i32>} : memref<7168xi32, #tpu.memory_space<vmem>>, vector<16xi32>,
        %gather3A_576 = tpu.vector_load_idx %arg9[%get3A_575] : memref<100096xf32, #tpu.memory_space<vmem>>[vector<16xi32>], vector<16xf32>,
        %add3A_577 = arith.constant 48 : i32
        %add3A_578 = arith.addi %add3A_541, %add3A_577 : i32
        %swap3A_579 = arith.index_cast %add3A_578 : i32 to index
        %swap3A_580 = tpu.vector_load %arg8[%swap3A_579] {strides = array<i32>} : memref<7168xf32, #tpu.memory_space<vmem>>, vector<16xf32>,
        %swap3A_581 = vector.shape_cast %swap3A_580 : vector<16xf32> to vector<16xf32>
        %swap3A_582 = vector.shape_cast %gather3A_576 : vector<16xf32> to vector<16xf32>
        tpu.vector_store %arg8[%swap3A_579], %swap3A_582 {strides = array<i32>} : memref<7168xf32, #tpu.memory_space<vmem>>, vector<16xf32>,
        %scan3A_583 = arith.constant 0 : i32
        scf.yield %scan3A_583 : i32
      }
      %scan3A_325 = arith.constant 16 : i32
      %dma_start3A_326 = arith.constant 32 : i32
      %dma_start3A_327 = arith.constant 4096 : i32
      %dma_start3A_328 = tpu.memref_slice %arg8[%dma_start3A_327] : memref<7168xf32, #tpu.memory_space<vmem>> -> memref<128xf32, #tpu.memory_space<vmem>>
      %dma_start3A_329 = arith.constant 0 : i32
      %dma_start3A_330 = tpu.memref_slice %arg7[%dma_start3A_326, %dma_start3A_329] : memref<56x128xi32, #tpu.memory_space<vmem>> -> memref<1x128xi32, #tpu.memory_space<vmem>>
      %dma_start3A_331 = tpu.memref_squeeze %dma_start3A_330 : memref<1x128xi32, #tpu.memory_space<vmem>> -> memref<128xi32, #tpu.memory_space<vmem>>
      %dma_start3A_332 = arith.constant 0 : i32
      %dma_start3A_333 = tpu.memref_slice %arg10[%dma_start3A_332] : memref<100096xf32, #tpu.memory_space<vmem_shared>> -> memref<100096xf32, #tpu.memory_space<vmem_shared>>
      tpu.enqueue_indirect_dma source(%dma_start3A_328 : memref<128xf32, #tpu.memory_space<vmem>>) target(%dma_start3A_333 : memref<100096xf32, #tpu.memory_space<vmem_shared>>) offsets(%dma_start3A_331 : memref<128xi32, #tpu.memory_space<vmem>>) semaphore(%arg11 : memref<!tpu.dma_semaphore, #tpu.memory_space<semaphore_mem>>) {add = true}
      %dma_start3A_334 = arith.constant 33 : i32
      %dma_start3A_335 = arith.constant 4224 : i32
      %dma_start3A_336 = tpu.memref_slice %arg8[%dma_start3A_335] : memref<7168xf32, #tpu.memory_space<vmem>> -> memref<128xf32, #tpu.memory_space<vmem>>
      %dma_start3A_337 = arith.constant 0 : i32
      %dma_start3A_338 = tpu.memref_slice %arg7[%dma_start3A_334, %dma_start3A_337] : memref<56x128xi32, #tpu.memory_space<vmem>> -> memref<1x128xi32, #tpu.memory_space<vmem>>
      %dma_start3A_339 = tpu.memref_squeeze %dma_start3A_338 : memref<1x128xi32, #tpu.memory_space<vmem>> -> memref<128xi32, #tpu.memory_space<vmem>>
      %dma_start3A_340 = arith.constant 0 : i32
      %dma_start3A_341 = tpu.memref_slice %arg10[%dma_start3A_340] : memref<100096xf32, #tpu.memory_space<vmem_shared>> -> memref<100096xf32, #tpu.memory_space<vmem_shared>>
      tpu.enqueue_indirect_dma source(%dma_start3A_336 : memref<128xf32, #tpu.memory_space<vmem>>) target(%dma_start3A_341 : memref<100096xf32, #tpu.memory_space<vmem_shared>>) offsets(%dma_start3A_339 : memref<128xi32, #tpu.memory_space<vmem>>) semaphore(%arg11 : memref<!tpu.dma_semaphore, #tpu.memory_space<semaphore_mem>>) {add = true}
      %dma_start3A_342 = arith.constant 34 : i32
      %dma_start3A_343 = arith.constant 4352 : i32
      %dma_start3A_344 = tpu.memref_slice %arg8[%dma_start3A_343] : memref<7168xf32, #tpu.memory_space<vmem>> -> memref<128xf32, #tpu.memory_space<vmem>>
      %dma_start3A_345 = arith.constant 0 : i32
      %dma_start3A_346 = tpu.memref_slice %arg7[%dma_start3A_342, %dma_start3A_345] : memref<56x128xi32, #tpu.memory_space<vmem>> -> memref<1x128xi32, #tpu.memory_space<vmem>>
      %dma_start3A_347 = tpu.memref_squeeze %dma_start3A_346 : memref<1x128xi32, #tpu.memory_space<vmem>> -> memref<128xi32, #tpu.memory_space<vmem>>
      %dma_start3A_348 = arith.constant 0 : i32
      %dma_start3A_349 = tpu.memref_slice %arg10[%dma_start3A_348] : memref<100096xf32, #tpu.memory_space<vmem_shared>> -> memref<100096xf32, #tpu.memory_space<vmem_shared>>
      tpu.enqueue_indirect_dma source(%dma_start3A_344 : memref<128xf32, #tpu.memory_space<vmem>>) target(%dma_start3A_349 : memref<100096xf32, #tpu.memory_space<vmem_shared>>) offsets(%dma_start3A_347 : memref<128xi32, #tpu.memory_space<vmem>>) semaphore(%arg11 : memref<!tpu.dma_semaphore, #tpu.memory_space<semaphore_mem>>) {add = true}
      %dma_start3A_350 = arith.constant 35 : i32
      %dma_start3A_351 = arith.constant 4480 : i32
      %dma_start3A_352 = tpu.memref_slice %arg8[%dma_start3A_351] : memref<7168xf32, #tpu.memory_space<vmem>> -> memref<128xf32, #tpu.memory_space<vmem>>
      %dma_start3A_353 = arith.constant 0 : i32
      %dma_start3A_354 = tpu.memref_slice %arg7[%dma_start3A_350, %dma_start3A_353] : memref<56x128xi32, #tpu.memory_space<vmem>> -> memref<1x128xi32, #tpu.memory_space<vmem>>
      %dma_start3A_355 = tpu.memref_squeeze %dma_start3A_354 : memref<1x128xi32, #tpu.memory_space<vmem>> -> memref<128xi32, #tpu.memory_space<vmem>>
      %dma_start3A_356 = arith.constant 0 : i32
      %dma_start3A_357 = tpu.memref_slice %arg10[%dma_start3A_356] : memref<100096xf32, #tpu.memory_space<vmem_shared>> -> memref<100096xf32, #tpu.memory_space<vmem_shared>>
      tpu.enqueue_indirect_dma source(%dma_start3A_352 : memref<128xf32, #tpu.memory_space<vmem>>) target(%dma_start3A_357 : memref<100096xf32, #tpu.memory_space<vmem_shared>>) offsets(%dma_start3A_355 : memref<128xi32, #tpu.memory_space<vmem>>) semaphore(%arg11 : memref<!tpu.dma_semaphore, #tpu.memory_space<semaphore_mem>>) {add = true}
      %dma_start3A_358 = arith.constant 36 : i32
      %dma_start3A_359 = arith.constant 4608 : i32
      %dma_start3A_360 = tpu.memref_slice %arg8[%dma_start3A_359] : memref<7168xf32, #tpu.memory_space<vmem>> -> memref<128xf32, #tpu.memory_space<vmem>>
      %dma_start3A_361 = arith.constant 0 : i32
      %dma_start3A_362 = tpu.memref_slice %arg7[%dma_start3A_358, %dma_start3A_361] : memref<56x128xi32, #tpu.memory_space<vmem>> -> memref<1x128xi32, #tpu.memory_space<vmem>>
      %dma_start3A_363 = tpu.memref_squeeze %dma_start3A_362 : memref<1x128xi32, #tpu.memory_space<vmem>> -> memref<128xi32, #tpu.memory_space<vmem>>
      %dma_start3A_364 = arith.constant 0 : i32
      %dma_start3A_365 = tpu.memref_slice %arg10[%dma_start3A_364] : memref<100096xf32, #tpu.memory_space<vmem_shared>> -> memref<100096xf32, #tpu.memory_space<vmem_shared>>
      tpu.enqueue_indirect_dma source(%dma_start3A_360 : memref<128xf32, #tpu.memory_space<vmem>>) target(%dma_start3A_365 : memref<100096xf32, #tpu.memory_space<vmem_shared>>) offsets(%dma_start3A_363 : memref<128xi32, #tpu.memory_space<vmem>>) semaphore(%arg11 : memref<!tpu.dma_semaphore, #tpu.memory_space<semaphore_mem>>) {add = true}
      %dma_start3A_366 = arith.constant 37 : i32
      %dma_start3A_367 = arith.constant 4736 : i32
      %dma_start3A_368 = tpu.memref_slice %arg8[%dma_start3A_367] : memref<7168xf32, #tpu.memory_space<vmem>> -> memref<128xf32, #tpu.memory_space<vmem>>
      %dma_start3A_369 = arith.constant 0 : i32
      %dma_start3A_370 = tpu.memref_slice %arg7[%dma_start3A_366, %dma_start3A_369] : memref<56x128xi32, #tpu.memory_space<vmem>> -> memref<1x128xi32, #tpu.memory_space<vmem>>
      %dma_start3A_371 = tpu.memref_squeeze %dma_start3A_370 : memref<1x128xi32, #tpu.memory_space<vmem>> -> memref<128xi32, #tpu.memory_space<vmem>>
      %dma_start3A_372 = arith.constant 0 : i32
      %dma_start3A_373 = tpu.memref_slice %arg10[%dma_start3A_372] : memref<100096xf32, #tpu.memory_space<vmem_shared>> -> memref<100096xf32, #tpu.memory_space<vmem_shared>>
      tpu.enqueue_indirect_dma source(%dma_start3A_368 : memref<128xf32, #tpu.memory_space<vmem>>) target(%dma_start3A_373 : memref<100096xf32, #tpu.memory_space<vmem_shared>>) offsets(%dma_start3A_371 : memref<128xi32, #tpu.memory_space<vmem>>) semaphore(%arg11 : memref<!tpu.dma_semaphore, #tpu.memory_space<semaphore_mem>>) {add = true}
      %dma_start3A_374 = arith.constant 38 : i32
      %dma_start3A_375 = arith.constant 4864 : i32
      %dma_start3A_376 = tpu.memref_slice %arg8[%dma_start3A_375] : memref<7168xf32, #tpu.memory_space<vmem>> -> memref<128xf32, #tpu.memory_space<vmem>>
      %dma_start3A_377 = arith.constant 0 : i32
      %dma_start3A_378 = tpu.memref_slice %arg7[%dma_start3A_374, %dma_start3A_377] : memref<56x128xi32, #tpu.memory_space<vmem>> -> memref<1x128xi32, #tpu.memory_space<vmem>>
      %dma_start3A_379 = tpu.memref_squeeze %dma_start3A_378 : memref<1x128xi32, #tpu.memory_space<vmem>> -> memref<128xi32, #tpu.memory_space<vmem>>
      %dma_start3A_380 = arith.constant 0 : i32
      %dma_start3A_381 = tpu.memref_slice %arg10[%dma_start3A_380] : memref<100096xf32, #tpu.memory_space<vmem_shared>> -> memref<100096xf32, #tpu.memory_space<vmem_shared>>
      tpu.enqueue_indirect_dma source(%dma_start3A_376 : memref<128xf32, #tpu.memory_space<vmem>>) target(%dma_start3A_381 : memref<100096xf32, #tpu.memory_space<vmem_shared>>) offsets(%dma_start3A_379 : memref<128xi32, #tpu.memory_space<vmem>>) semaphore(%arg11 : memref<!tpu.dma_semaphore, #tpu.memory_space<semaphore_mem>>) {add = true}
      %dma_start3A_382 = arith.constant 39 : i32
      %dma_start3A_383 = arith.constant 4992 : i32
      %dma_start3A_384 = tpu.memref_slice %arg8[%dma_start3A_383] : memref<7168xf32, #tpu.memory_space<vmem>> -> memref<128xf32, #tpu.memory_space<vmem>>
      %dma_start3A_385 = arith.constant 0 : i32
      %dma_start3A_386 = tpu.memref_slice %arg7[%dma_start3A_382, %dma_start3A_385] : memref<56x128xi32, #tpu.memory_space<vmem>> -> memref<1x128xi32, #tpu.memory_space<vmem>>
      %dma_start3A_387 = tpu.memref_squeeze %dma_start3A_386 : memref<1x128xi32, #tpu.memory_space<vmem>> -> memref<128xi32, #tpu.memory_space<vmem>>
      %dma_start3A_388 = arith.constant 0 : i32
      %dma_start3A_389 = tpu.memref_slice %arg10[%dma_start3A_388] : memref<100096xf32, #tpu.memory_space<vmem_shared>> -> memref<100096xf32, #tpu.memory_space<vmem_shared>>
      tpu.enqueue_indirect_dma source(%dma_start3A_384 : memref<128xf32, #tpu.memory_space<vmem>>) target(%dma_start3A_389 : memref<100096xf32, #tpu.memory_space<vmem_shared>>) offsets(%dma_start3A_387 : memref<128xi32, #tpu.memory_space<vmem>>) semaphore(%arg11 : memref<!tpu.dma_semaphore, #tpu.memory_space<semaphore_mem>>) {add = true}
      %scan3A_390 = arith.constant 0 : i32
      %scan3A_391 = arith.constant 0 : i32
      %scan3A_392 = arith.constant 16 : i32
      %scan3A_393 = arith.addi %scan3A_391, %scan3A_392 : i32
      %scan3A_394 = arith.constant 1 : i32
      %scan3A_395 = scf.for %scan3A_536 = %scan3A_391 to %scan3A_393 step %scan3A_394 iter_args(%scan3A_537 = %scan3A_390) -> (i32)  : i32 {
        %mul3A_538 = arith.constant 64 : i32
        %mul3A_539 = arith.muli %scan3A_536, %mul3A_538 : i32
        %add3A_540 = arith.constant 5120 : i32
        %add3A_541 = arith.addi %add3A_540, %mul3A_539 : i32
        %add3A_542 = arith.constant 0 : i32
        %add3A_543 = arith.addi %add3A_541, %add3A_542 : i32
        %get3A = arith.index_cast %add3A_543 : i32 to index
        %get3A_544 = tpu.vector_load %arg6[%get3A] {strides = array<i32>} : memref<7168xi32, #tpu.memory_space<vmem>>, vector<16xi32>,
        %gather3A = tpu.vector_load_idx %arg9[%get3A_544] : memref<100096xf32, #tpu.memory_space<vmem>>[vector<16xi32>], vector<16xf32>,
        %add3A_545 = arith.constant 0 : i32
        %add3A_546 = arith.addi %add3A_541, %add3A_545 : i32
        %swap3A = arith.index_cast %add3A_546 : i32 to index
        %swap3A_547 = tpu.vector_load %arg8[%swap3A] {strides = array<i32>} : memref<7168xf32, #tpu.memory_space<vmem>>, vector<16xf32>,
        %swap3A_548 = vector.shape_cast %swap3A_547 : vector<16xf32> to vector<16xf32>
        %swap3A_549 = vector.shape_cast %gather3A : vector<16xf32> to vector<16xf32>
        tpu.vector_store %arg8[%swap3A], %swap3A_549 {strides = array<i32>} : memref<7168xf32, #tpu.memory_space<vmem>>, vector<16xf32>,
        %add3A_550 = arith.constant 16 : i32
        %add3A_551 = arith.addi %add3A_541, %add3A_550 : i32
        %get3A_552 = arith.index_cast %add3A_551 : i32 to index
        %get3A_553 = tpu.vector_load %arg6[%get3A_552] {strides = array<i32>} : memref<7168xi32, #tpu.memory_space<vmem>>, vector<16xi32>,
        %gather3A_554 = tpu.vector_load_idx %arg9[%get3A_553] : memref<100096xf32, #tpu.memory_space<vmem>>[vector<16xi32>], vector<16xf32>,
        %add3A_555 = arith.constant 16 : i32
        %add3A_556 = arith.addi %add3A_541, %add3A_555 : i32
        %swap3A_557 = arith.index_cast %add3A_556 : i32 to index
        %swap3A_558 = tpu.vector_load %arg8[%swap3A_557] {strides = array<i32>} : memref<7168xf32, #tpu.memory_space<vmem>>, vector<16xf32>,
        %swap3A_559 = vector.shape_cast %swap3A_558 : vector<16xf32> to vector<16xf32>
        %swap3A_560 = vector.shape_cast %gather3A_554 : vector<16xf32> to vector<16xf32>
        tpu.vector_store %arg8[%swap3A_557], %swap3A_560 {strides = array<i32>} : memref<7168xf32, #tpu.memory_space<vmem>>, vector<16xf32>,
        %add3A_561 = arith.constant 32 : i32
        %add3A_562 = arith.addi %add3A_541, %add3A_561 : i32
        %get3A_563 = arith.index_cast %add3A_562 : i32 to index
        %get3A_564 = tpu.vector_load %arg6[%get3A_563] {strides = array<i32>} : memref<7168xi32, #tpu.memory_space<vmem>>, vector<16xi32>,
        %gather3A_565 = tpu.vector_load_idx %arg9[%get3A_564] : memref<100096xf32, #tpu.memory_space<vmem>>[vector<16xi32>], vector<16xf32>,
        %add3A_566 = arith.constant 32 : i32
        %add3A_567 = arith.addi %add3A_541, %add3A_566 : i32
        %swap3A_568 = arith.index_cast %add3A_567 : i32 to index
        %swap3A_569 = tpu.vector_load %arg8[%swap3A_568] {strides = array<i32>} : memref<7168xf32, #tpu.memory_space<vmem>>, vector<16xf32>,
        %swap3A_570 = vector.shape_cast %swap3A_569 : vector<16xf32> to vector<16xf32>
        %swap3A_571 = vector.shape_cast %gather3A_565 : vector<16xf32> to vector<16xf32>
        tpu.vector_store %arg8[%swap3A_568], %swap3A_571 {strides = array<i32>} : memref<7168xf32, #tpu.memory_space<vmem>>, vector<16xf32>,
        %add3A_572 = arith.constant 48 : i32
        %add3A_573 = arith.addi %add3A_541, %add3A_572 : i32
        %get3A_574 = arith.index_cast %add3A_573 : i32 to index
        %get3A_575 = tpu.vector_load %arg6[%get3A_574] {strides = array<i32>} : memref<7168xi32, #tpu.memory_space<vmem>>, vector<16xi32>,
        %gather3A_576 = tpu.vector_load_idx %arg9[%get3A_575] : memref<100096xf32, #tpu.memory_space<vmem>>[vector<16xi32>], vector<16xf32>,
        %add3A_577 = arith.constant 48 : i32
        %add3A_578 = arith.addi %add3A_541, %add3A_577 : i32
        %swap3A_579 = arith.index_cast %add3A_578 : i32 to index
        %swap3A_580 = tpu.vector_load %arg8[%swap3A_579] {strides = array<i32>} : memref<7168xf32, #tpu.memory_space<vmem>>, vector<16xf32>,
        %swap3A_581 = vector.shape_cast %swap3A_580 : vector<16xf32> to vector<16xf32>
        %swap3A_582 = vector.shape_cast %gather3A_576 : vector<16xf32> to vector<16xf32>
        tpu.vector_store %arg8[%swap3A_579], %swap3A_582 {strides = array<i32>} : memref<7168xf32, #tpu.memory_space<vmem>>, vector<16xf32>,
        %scan3A_583 = arith.constant 0 : i32
        scf.yield %scan3A_583 : i32
      }
      %scan3A_396 = arith.constant 16 : i32
      %dma_start3A_397 = arith.constant 40 : i32
      %dma_start3A_398 = arith.constant 5120 : i32
      %dma_start3A_399 = tpu.memref_slice %arg8[%dma_start3A_398] : memref<7168xf32, #tpu.memory_space<vmem>> -> memref<128xf32, #tpu.memory_space<vmem>>
      %dma_start3A_400 = arith.constant 0 : i32
      %dma_start3A_401 = tpu.memref_slice %arg7[%dma_start3A_397, %dma_start3A_400] : memref<56x128xi32, #tpu.memory_space<vmem>> -> memref<1x128xi32, #tpu.memory_space<vmem>>
      %dma_start3A_402 = tpu.memref_squeeze %dma_start3A_401 : memref<1x128xi32, #tpu.memory_space<vmem>> -> memref<128xi32, #tpu.memory_space<vmem>>
      %dma_start3A_403 = arith.constant 0 : i32
      %dma_start3A_404 = tpu.memref_slice %arg10[%dma_start3A_403] : memref<100096xf32, #tpu.memory_space<vmem_shared>> -> memref<100096xf32, #tpu.memory_space<vmem_shared>>
      tpu.enqueue_indirect_dma source(%dma_start3A_399 : memref<128xf32, #tpu.memory_space<vmem>>) target(%dma_start3A_404 : memref<100096xf32, #tpu.memory_space<vmem_shared>>) offsets(%dma_start3A_402 : memref<128xi32, #tpu.memory_space<vmem>>) semaphore(%arg11 : memref<!tpu.dma_semaphore, #tpu.memory_space<semaphore_mem>>) {add = true}
      %dma_start3A_405 = arith.constant 41 : i32
      %dma_start3A_406 = arith.constant 5248 : i32
      %dma_start3A_407 = tpu.memref_slice %arg8[%dma_start3A_406] : memref<7168xf32, #tpu.memory_space<vmem>> -> memref<128xf32, #tpu.memory_space<vmem>>
      %dma_start3A_408 = arith.constant 0 : i32
      %dma_start3A_409 = tpu.memref_slice %arg7[%dma_start3A_405, %dma_start3A_408] : memref<56x128xi32, #tpu.memory_space<vmem>> -> memref<1x128xi32, #tpu.memory_space<vmem>>
      %dma_start3A_410 = tpu.memref_squeeze %dma_start3A_409 : memref<1x128xi32, #tpu.memory_space<vmem>> -> memref<128xi32, #tpu.memory_space<vmem>>
      %dma_start3A_411 = arith.constant 0 : i32
      %dma_start3A_412 = tpu.memref_slice %arg10[%dma_start3A_411] : memref<100096xf32, #tpu.memory_space<vmem_shared>> -> memref<100096xf32, #tpu.memory_space<vmem_shared>>
      tpu.enqueue_indirect_dma source(%dma_start3A_407 : memref<128xf32, #tpu.memory_space<vmem>>) target(%dma_start3A_412 : memref<100096xf32, #tpu.memory_space<vmem_shared>>) offsets(%dma_start3A_410 : memref<128xi32, #tpu.memory_space<vmem>>) semaphore(%arg11 : memref<!tpu.dma_semaphore, #tpu.memory_space<semaphore_mem>>) {add = true}
      %dma_start3A_413 = arith.constant 42 : i32
      %dma_start3A_414 = arith.constant 5376 : i32
      %dma_start3A_415 = tpu.memref_slice %arg8[%dma_start3A_414] : memref<7168xf32, #tpu.memory_space<vmem>> -> memref<128xf32, #tpu.memory_space<vmem>>
      %dma_start3A_416 = arith.constant 0 : i32
      %dma_start3A_417 = tpu.memref_slice %arg7[%dma_start3A_413, %dma_start3A_416] : memref<56x128xi32, #tpu.memory_space<vmem>> -> memref<1x128xi32, #tpu.memory_space<vmem>>
      %dma_start3A_418 = tpu.memref_squeeze %dma_start3A_417 : memref<1x128xi32, #tpu.memory_space<vmem>> -> memref<128xi32, #tpu.memory_space<vmem>>
      %dma_start3A_419 = arith.constant 0 : i32
      %dma_start3A_420 = tpu.memref_slice %arg10[%dma_start3A_419] : memref<100096xf32, #tpu.memory_space<vmem_shared>> -> memref<100096xf32, #tpu.memory_space<vmem_shared>>
      tpu.enqueue_indirect_dma source(%dma_start3A_415 : memref<128xf32, #tpu.memory_space<vmem>>) target(%dma_start3A_420 : memref<100096xf32, #tpu.memory_space<vmem_shared>>) offsets(%dma_start3A_418 : memref<128xi32, #tpu.memory_space<vmem>>) semaphore(%arg11 : memref<!tpu.dma_semaphore, #tpu.memory_space<semaphore_mem>>) {add = true}
      %dma_start3A_421 = arith.constant 43 : i32
      %dma_start3A_422 = arith.constant 5504 : i32
      %dma_start3A_423 = tpu.memref_slice %arg8[%dma_start3A_422] : memref<7168xf32, #tpu.memory_space<vmem>> -> memref<128xf32, #tpu.memory_space<vmem>>
      %dma_start3A_424 = arith.constant 0 : i32
      %dma_start3A_425 = tpu.memref_slice %arg7[%dma_start3A_421, %dma_start3A_424] : memref<56x128xi32, #tpu.memory_space<vmem>> -> memref<1x128xi32, #tpu.memory_space<vmem>>
      %dma_start3A_426 = tpu.memref_squeeze %dma_start3A_425 : memref<1x128xi32, #tpu.memory_space<vmem>> -> memref<128xi32, #tpu.memory_space<vmem>>
      %dma_start3A_427 = arith.constant 0 : i32
      %dma_start3A_428 = tpu.memref_slice %arg10[%dma_start3A_427] : memref<100096xf32, #tpu.memory_space<vmem_shared>> -> memref<100096xf32, #tpu.memory_space<vmem_shared>>
      tpu.enqueue_indirect_dma source(%dma_start3A_423 : memref<128xf32, #tpu.memory_space<vmem>>) target(%dma_start3A_428 : memref<100096xf32, #tpu.memory_space<vmem_shared>>) offsets(%dma_start3A_426 : memref<128xi32, #tpu.memory_space<vmem>>) semaphore(%arg11 : memref<!tpu.dma_semaphore, #tpu.memory_space<semaphore_mem>>) {add = true}
      %dma_start3A_429 = arith.constant 44 : i32
      %dma_start3A_430 = arith.constant 5632 : i32
      %dma_start3A_431 = tpu.memref_slice %arg8[%dma_start3A_430] : memref<7168xf32, #tpu.memory_space<vmem>> -> memref<128xf32, #tpu.memory_space<vmem>>
      %dma_start3A_432 = arith.constant 0 : i32
      %dma_start3A_433 = tpu.memref_slice %arg7[%dma_start3A_429, %dma_start3A_432] : memref<56x128xi32, #tpu.memory_space<vmem>> -> memref<1x128xi32, #tpu.memory_space<vmem>>
      %dma_start3A_434 = tpu.memref_squeeze %dma_start3A_433 : memref<1x128xi32, #tpu.memory_space<vmem>> -> memref<128xi32, #tpu.memory_space<vmem>>
      %dma_start3A_435 = arith.constant 0 : i32
      %dma_start3A_436 = tpu.memref_slice %arg10[%dma_start3A_435] : memref<100096xf32, #tpu.memory_space<vmem_shared>> -> memref<100096xf32, #tpu.memory_space<vmem_shared>>
      tpu.enqueue_indirect_dma source(%dma_start3A_431 : memref<128xf32, #tpu.memory_space<vmem>>) target(%dma_start3A_436 : memref<100096xf32, #tpu.memory_space<vmem_shared>>) offsets(%dma_start3A_434 : memref<128xi32, #tpu.memory_space<vmem>>) semaphore(%arg11 : memref<!tpu.dma_semaphore, #tpu.memory_space<semaphore_mem>>) {add = true}
      %dma_start3A_437 = arith.constant 45 : i32
      %dma_start3A_438 = arith.constant 5760 : i32
      %dma_start3A_439 = tpu.memref_slice %arg8[%dma_start3A_438] : memref<7168xf32, #tpu.memory_space<vmem>> -> memref<128xf32, #tpu.memory_space<vmem>>
      %dma_start3A_440 = arith.constant 0 : i32
      %dma_start3A_441 = tpu.memref_slice %arg7[%dma_start3A_437, %dma_start3A_440] : memref<56x128xi32, #tpu.memory_space<vmem>> -> memref<1x128xi32, #tpu.memory_space<vmem>>
      %dma_start3A_442 = tpu.memref_squeeze %dma_start3A_441 : memref<1x128xi32, #tpu.memory_space<vmem>> -> memref<128xi32, #tpu.memory_space<vmem>>
      %dma_start3A_443 = arith.constant 0 : i32
      %dma_start3A_444 = tpu.memref_slice %arg10[%dma_start3A_443] : memref<100096xf32, #tpu.memory_space<vmem_shared>> -> memref<100096xf32, #tpu.memory_space<vmem_shared>>
      tpu.enqueue_indirect_dma source(%dma_start3A_439 : memref<128xf32, #tpu.memory_space<vmem>>) target(%dma_start3A_444 : memref<100096xf32, #tpu.memory_space<vmem_shared>>) offsets(%dma_start3A_442 : memref<128xi32, #tpu.memory_space<vmem>>) semaphore(%arg11 : memref<!tpu.dma_semaphore, #tpu.memory_space<semaphore_mem>>) {add = true}
      %dma_start3A_445 = arith.constant 46 : i32
      %dma_start3A_446 = arith.constant 5888 : i32
      %dma_start3A_447 = tpu.memref_slice %arg8[%dma_start3A_446] : memref<7168xf32, #tpu.memory_space<vmem>> -> memref<128xf32, #tpu.memory_space<vmem>>
      %dma_start3A_448 = arith.constant 0 : i32
      %dma_start3A_449 = tpu.memref_slice %arg7[%dma_start3A_445, %dma_start3A_448] : memref<56x128xi32, #tpu.memory_space<vmem>> -> memref<1x128xi32, #tpu.memory_space<vmem>>
      %dma_start3A_450 = tpu.memref_squeeze %dma_start3A_449 : memref<1x128xi32, #tpu.memory_space<vmem>> -> memref<128xi32, #tpu.memory_space<vmem>>
      %dma_start3A_451 = arith.constant 0 : i32
      %dma_start3A_452 = tpu.memref_slice %arg10[%dma_start3A_451] : memref<100096xf32, #tpu.memory_space<vmem_shared>> -> memref<100096xf32, #tpu.memory_space<vmem_shared>>
      tpu.enqueue_indirect_dma source(%dma_start3A_447 : memref<128xf32, #tpu.memory_space<vmem>>) target(%dma_start3A_452 : memref<100096xf32, #tpu.memory_space<vmem_shared>>) offsets(%dma_start3A_450 : memref<128xi32, #tpu.memory_space<vmem>>) semaphore(%arg11 : memref<!tpu.dma_semaphore, #tpu.memory_space<semaphore_mem>>) {add = true}
      %dma_start3A_453 = arith.constant 47 : i32
      %dma_start3A_454 = arith.constant 6016 : i32
      %dma_start3A_455 = tpu.memref_slice %arg8[%dma_start3A_454] : memref<7168xf32, #tpu.memory_space<vmem>> -> memref<128xf32, #tpu.memory_space<vmem>>
      %dma_start3A_456 = arith.constant 0 : i32
      %dma_start3A_457 = tpu.memref_slice %arg7[%dma_start3A_453, %dma_start3A_456] : memref<56x128xi32, #tpu.memory_space<vmem>> -> memref<1x128xi32, #tpu.memory_space<vmem>>
      %dma_start3A_458 = tpu.memref_squeeze %dma_start3A_457 : memref<1x128xi32, #tpu.memory_space<vmem>> -> memref<128xi32, #tpu.memory_space<vmem>>
      %dma_start3A_459 = arith.constant 0 : i32
      %dma_start3A_460 = tpu.memref_slice %arg10[%dma_start3A_459] : memref<100096xf32, #tpu.memory_space<vmem_shared>> -> memref<100096xf32, #tpu.memory_space<vmem_shared>>
      tpu.enqueue_indirect_dma source(%dma_start3A_455 : memref<128xf32, #tpu.memory_space<vmem>>) target(%dma_start3A_460 : memref<100096xf32, #tpu.memory_space<vmem_shared>>) offsets(%dma_start3A_458 : memref<128xi32, #tpu.memory_space<vmem>>) semaphore(%arg11 : memref<!tpu.dma_semaphore, #tpu.memory_space<semaphore_mem>>) {add = true}
      %scan3A_461 = arith.constant 0 : i32
      %scan3A_462 = arith.constant 0 : i32
      %scan3A_463 = arith.constant 16 : i32
      %scan3A_464 = arith.addi %scan3A_462, %scan3A_463 : i32
      %scan3A_465 = arith.constant 1 : i32
      %scan3A_466 = scf.for %scan3A_536 = %scan3A_462 to %scan3A_464 step %scan3A_465 iter_args(%scan3A_537 = %scan3A_461) -> (i32)  : i32 {
        %mul3A_538 = arith.constant 64 : i32
        %mul3A_539 = arith.muli %scan3A_536, %mul3A_538 : i32
        %add3A_540 = arith.constant 6144 : i32
        %add3A_541 = arith.addi %add3A_540, %mul3A_539 : i32
        %add3A_542 = arith.constant 0 : i32
        %add3A_543 = arith.addi %add3A_541, %add3A_542 : i32
        %get3A = arith.index_cast %add3A_543 : i32 to index
        %get3A_544 = tpu.vector_load %arg6[%get3A] {strides = array<i32>} : memref<7168xi32, #tpu.memory_space<vmem>>, vector<16xi32>,
        %gather3A = tpu.vector_load_idx %arg9[%get3A_544] : memref<100096xf32, #tpu.memory_space<vmem>>[vector<16xi32>], vector<16xf32>,
        %add3A_545 = arith.constant 0 : i32
        %add3A_546 = arith.addi %add3A_541, %add3A_545 : i32
        %swap3A = arith.index_cast %add3A_546 : i32 to index
        %swap3A_547 = tpu.vector_load %arg8[%swap3A] {strides = array<i32>} : memref<7168xf32, #tpu.memory_space<vmem>>, vector<16xf32>,
        %swap3A_548 = vector.shape_cast %swap3A_547 : vector<16xf32> to vector<16xf32>
        %swap3A_549 = vector.shape_cast %gather3A : vector<16xf32> to vector<16xf32>
        tpu.vector_store %arg8[%swap3A], %swap3A_549 {strides = array<i32>} : memref<7168xf32, #tpu.memory_space<vmem>>, vector<16xf32>,
        %add3A_550 = arith.constant 16 : i32
        %add3A_551 = arith.addi %add3A_541, %add3A_550 : i32
        %get3A_552 = arith.index_cast %add3A_551 : i32 to index
        %get3A_553 = tpu.vector_load %arg6[%get3A_552] {strides = array<i32>} : memref<7168xi32, #tpu.memory_space<vmem>>, vector<16xi32>,
        %gather3A_554 = tpu.vector_load_idx %arg9[%get3A_553] : memref<100096xf32, #tpu.memory_space<vmem>>[vector<16xi32>], vector<16xf32>,
        %add3A_555 = arith.constant 16 : i32
        %add3A_556 = arith.addi %add3A_541, %add3A_555 : i32
        %swap3A_557 = arith.index_cast %add3A_556 : i32 to index
        %swap3A_558 = tpu.vector_load %arg8[%swap3A_557] {strides = array<i32>} : memref<7168xf32, #tpu.memory_space<vmem>>, vector<16xf32>,
        %swap3A_559 = vector.shape_cast %swap3A_558 : vector<16xf32> to vector<16xf32>
        %swap3A_560 = vector.shape_cast %gather3A_554 : vector<16xf32> to vector<16xf32>
        tpu.vector_store %arg8[%swap3A_557], %swap3A_560 {strides = array<i32>} : memref<7168xf32, #tpu.memory_space<vmem>>, vector<16xf32>,
        %add3A_561 = arith.constant 32 : i32
        %add3A_562 = arith.addi %add3A_541, %add3A_561 : i32
        %get3A_563 = arith.index_cast %add3A_562 : i32 to index
        %get3A_564 = tpu.vector_load %arg6[%get3A_563] {strides = array<i32>} : memref<7168xi32, #tpu.memory_space<vmem>>, vector<16xi32>,
        %gather3A_565 = tpu.vector_load_idx %arg9[%get3A_564] : memref<100096xf32, #tpu.memory_space<vmem>>[vector<16xi32>], vector<16xf32>,
        %add3A_566 = arith.constant 32 : i32
        %add3A_567 = arith.addi %add3A_541, %add3A_566 : i32
        %swap3A_568 = arith.index_cast %add3A_567 : i32 to index
        %swap3A_569 = tpu.vector_load %arg8[%swap3A_568] {strides = array<i32>} : memref<7168xf32, #tpu.memory_space<vmem>>, vector<16xf32>,
        %swap3A_570 = vector.shape_cast %swap3A_569 : vector<16xf32> to vector<16xf32>
        %swap3A_571 = vector.shape_cast %gather3A_565 : vector<16xf32> to vector<16xf32>
        tpu.vector_store %arg8[%swap3A_568], %swap3A_571 {strides = array<i32>} : memref<7168xf32, #tpu.memory_space<vmem>>, vector<16xf32>,
        %add3A_572 = arith.constant 48 : i32
        %add3A_573 = arith.addi %add3A_541, %add3A_572 : i32
        %get3A_574 = arith.index_cast %add3A_573 : i32 to index
        %get3A_575 = tpu.vector_load %arg6[%get3A_574] {strides = array<i32>} : memref<7168xi32, #tpu.memory_space<vmem>>, vector<16xi32>,
        %gather3A_576 = tpu.vector_load_idx %arg9[%get3A_575] : memref<100096xf32, #tpu.memory_space<vmem>>[vector<16xi32>], vector<16xf32>,
        %add3A_577 = arith.constant 48 : i32
        %add3A_578 = arith.addi %add3A_541, %add3A_577 : i32
        %swap3A_579 = arith.index_cast %add3A_578 : i32 to index
        %swap3A_580 = tpu.vector_load %arg8[%swap3A_579] {strides = array<i32>} : memref<7168xf32, #tpu.memory_space<vmem>>, vector<16xf32>,
        %swap3A_581 = vector.shape_cast %swap3A_580 : vector<16xf32> to vector<16xf32>
        %swap3A_582 = vector.shape_cast %gather3A_576 : vector<16xf32> to vector<16xf32>
        tpu.vector_store %arg8[%swap3A_579], %swap3A_582 {strides = array<i32>} : memref<7168xf32, #tpu.memory_space<vmem>>, vector<16xf32>,
        %scan3A_583 = arith.constant 0 : i32
        scf.yield %scan3A_583 : i32
      }
      %scan3A_467 = arith.constant 16 : i32
      %dma_start3A_468 = arith.constant 48 : i32
      %dma_start3A_469 = arith.constant 6144 : i32
      %dma_start3A_470 = tpu.memref_slice %arg8[%dma_start3A_469] : memref<7168xf32, #tpu.memory_space<vmem>> -> memref<128xf32, #tpu.memory_space<vmem>>
      %dma_start3A_471 = arith.constant 0 : i32
      %dma_start3A_472 = tpu.memref_slice %arg7[%dma_start3A_468, %dma_start3A_471] : memref<56x128xi32, #tpu.memory_space<vmem>> -> memref<1x128xi32, #tpu.memory_space<vmem>>
      %dma_start3A_473 = tpu.memref_squeeze %dma_start3A_472 : memref<1x128xi32, #tpu.memory_space<vmem>> -> memref<128xi32, #tpu.memory_space<vmem>>
      %dma_start3A_474 = arith.constant 0 : i32
      %dma_start3A_475 = tpu.memref_slice %arg10[%dma_start3A_474] : memref<100096xf32, #tpu.memory_space<vmem_shared>> -> memref<100096xf32, #tpu.memory_space<vmem_shared>>
      tpu.enqueue_indirect_dma source(%dma_start3A_470 : memref<128xf32, #tpu.memory_space<vmem>>) target(%dma_start3A_475 : memref<100096xf32, #tpu.memory_space<vmem_shared>>) offsets(%dma_start3A_473 : memref<128xi32, #tpu.memory_space<vmem>>) semaphore(%arg11 : memref<!tpu.dma_semaphore, #tpu.memory_space<semaphore_mem>>) {add = true}
      %dma_start3A_476 = arith.constant 49 : i32
      %dma_start3A_477 = arith.constant 6272 : i32
      %dma_start3A_478 = tpu.memref_slice %arg8[%dma_start3A_477] : memref<7168xf32, #tpu.memory_space<vmem>> -> memref<128xf32, #tpu.memory_space<vmem>>
      %dma_start3A_479 = arith.constant 0 : i32
      %dma_start3A_480 = tpu.memref_slice %arg7[%dma_start3A_476, %dma_start3A_479] : memref<56x128xi32, #tpu.memory_space<vmem>> -> memref<1x128xi32, #tpu.memory_space<vmem>>
      %dma_start3A_481 = tpu.memref_squeeze %dma_start3A_480 : memref<1x128xi32, #tpu.memory_space<vmem>> -> memref<128xi32, #tpu.memory_space<vmem>>
      %dma_start3A_482 = arith.constant 0 : i32
      %dma_start3A_483 = tpu.memref_slice %arg10[%dma_start3A_482] : memref<100096xf32, #tpu.memory_space<vmem_shared>> -> memref<100096xf32, #tpu.memory_space<vmem_shared>>
      tpu.enqueue_indirect_dma source(%dma_start3A_478 : memref<128xf32, #tpu.memory_space<vmem>>) target(%dma_start3A_483 : memref<100096xf32, #tpu.memory_space<vmem_shared>>) offsets(%dma_start3A_481 : memref<128xi32, #tpu.memory_space<vmem>>) semaphore(%arg11 : memref<!tpu.dma_semaphore, #tpu.memory_space<semaphore_mem>>) {add = true}
      %dma_start3A_484 = arith.constant 50 : i32
      %dma_start3A_485 = arith.constant 6400 : i32
      %dma_start3A_486 = tpu.memref_slice %arg8[%dma_start3A_485] : memref<7168xf32, #tpu.memory_space<vmem>> -> memref<128xf32, #tpu.memory_space<vmem>>
      %dma_start3A_487 = arith.constant 0 : i32
      %dma_start3A_488 = tpu.memref_slice %arg7[%dma_start3A_484, %dma_start3A_487] : memref<56x128xi32, #tpu.memory_space<vmem>> -> memref<1x128xi32, #tpu.memory_space<vmem>>
      %dma_start3A_489 = tpu.memref_squeeze %dma_start3A_488 : memref<1x128xi32, #tpu.memory_space<vmem>> -> memref<128xi32, #tpu.memory_space<vmem>>
      %dma_start3A_490 = arith.constant 0 : i32
      %dma_start3A_491 = tpu.memref_slice %arg10[%dma_start3A_490] : memref<100096xf32, #tpu.memory_space<vmem_shared>> -> memref<100096xf32, #tpu.memory_space<vmem_shared>>
      tpu.enqueue_indirect_dma source(%dma_start3A_486 : memref<128xf32, #tpu.memory_space<vmem>>) target(%dma_start3A_491 : memref<100096xf32, #tpu.memory_space<vmem_shared>>) offsets(%dma_start3A_489 : memref<128xi32, #tpu.memory_space<vmem>>) semaphore(%arg11 : memref<!tpu.dma_semaphore, #tpu.memory_space<semaphore_mem>>) {add = true}
      %dma_start3A_492 = arith.constant 51 : i32
      %dma_start3A_493 = arith.constant 6528 : i32
      %dma_start3A_494 = tpu.memref_slice %arg8[%dma_start3A_493] : memref<7168xf32, #tpu.memory_space<vmem>> -> memref<128xf32, #tpu.memory_space<vmem>>
      %dma_start3A_495 = arith.constant 0 : i32
      %dma_start3A_496 = tpu.memref_slice %arg7[%dma_start3A_492, %dma_start3A_495] : memref<56x128xi32, #tpu.memory_space<vmem>> -> memref<1x128xi32, #tpu.memory_space<vmem>>
      %dma_start3A_497 = tpu.memref_squeeze %dma_start3A_496 : memref<1x128xi32, #tpu.memory_space<vmem>> -> memref<128xi32, #tpu.memory_space<vmem>>
      %dma_start3A_498 = arith.constant 0 : i32
      %dma_start3A_499 = tpu.memref_slice %arg10[%dma_start3A_498] : memref<100096xf32, #tpu.memory_space<vmem_shared>> -> memref<100096xf32, #tpu.memory_space<vmem_shared>>
      tpu.enqueue_indirect_dma source(%dma_start3A_494 : memref<128xf32, #tpu.memory_space<vmem>>) target(%dma_start3A_499 : memref<100096xf32, #tpu.memory_space<vmem_shared>>) offsets(%dma_start3A_497 : memref<128xi32, #tpu.memory_space<vmem>>) semaphore(%arg11 : memref<!tpu.dma_semaphore, #tpu.memory_space<semaphore_mem>>) {add = true}
      %dma_start3A_500 = arith.constant 52 : i32
      %dma_start3A_501 = arith.constant 6656 : i32
      %dma_start3A_502 = tpu.memref_slice %arg8[%dma_start3A_501] : memref<7168xf32, #tpu.memory_space<vmem>> -> memref<128xf32, #tpu.memory_space<vmem>>
      %dma_start3A_503 = arith.constant 0 : i32
      %dma_start3A_504 = tpu.memref_slice %arg7[%dma_start3A_500, %dma_start3A_503] : memref<56x128xi32, #tpu.memory_space<vmem>> -> memref<1x128xi32, #tpu.memory_space<vmem>>
      %dma_start3A_505 = tpu.memref_squeeze %dma_start3A_504 : memref<1x128xi32, #tpu.memory_space<vmem>> -> memref<128xi32, #tpu.memory_space<vmem>>
      %dma_start3A_506 = arith.constant 0 : i32
      %dma_start3A_507 = tpu.memref_slice %arg10[%dma_start3A_506] : memref<100096xf32, #tpu.memory_space<vmem_shared>> -> memref<100096xf32, #tpu.memory_space<vmem_shared>>
      tpu.enqueue_indirect_dma source(%dma_start3A_502 : memref<128xf32, #tpu.memory_space<vmem>>) target(%dma_start3A_507 : memref<100096xf32, #tpu.memory_space<vmem_shared>>) offsets(%dma_start3A_505 : memref<128xi32, #tpu.memory_space<vmem>>) semaphore(%arg11 : memref<!tpu.dma_semaphore, #tpu.memory_space<semaphore_mem>>) {add = true}
      %dma_start3A_508 = arith.constant 53 : i32
      %dma_start3A_509 = arith.constant 6784 : i32
      %dma_start3A_510 = tpu.memref_slice %arg8[%dma_start3A_509] : memref<7168xf32, #tpu.memory_space<vmem>> -> memref<128xf32, #tpu.memory_space<vmem>>
      %dma_start3A_511 = arith.constant 0 : i32
      %dma_start3A_512 = tpu.memref_slice %arg7[%dma_start3A_508, %dma_start3A_511] : memref<56x128xi32, #tpu.memory_space<vmem>> -> memref<1x128xi32, #tpu.memory_space<vmem>>
      %dma_start3A_513 = tpu.memref_squeeze %dma_start3A_512 : memref<1x128xi32, #tpu.memory_space<vmem>> -> memref<128xi32, #tpu.memory_space<vmem>>
      %dma_start3A_514 = arith.constant 0 : i32
      %dma_start3A_515 = tpu.memref_slice %arg10[%dma_start3A_514] : memref<100096xf32, #tpu.memory_space<vmem_shared>> -> memref<100096xf32, #tpu.memory_space<vmem_shared>>
      tpu.enqueue_indirect_dma source(%dma_start3A_510 : memref<128xf32, #tpu.memory_space<vmem>>) target(%dma_start3A_515 : memref<100096xf32, #tpu.memory_space<vmem_shared>>) offsets(%dma_start3A_513 : memref<128xi32, #tpu.memory_space<vmem>>) semaphore(%arg11 : memref<!tpu.dma_semaphore, #tpu.memory_space<semaphore_mem>>) {add = true}
      %dma_start3A_516 = arith.constant 54 : i32
      %dma_start3A_517 = arith.constant 6912 : i32
      %dma_start3A_518 = tpu.memref_slice %arg8[%dma_start3A_517] : memref<7168xf32, #tpu.memory_space<vmem>> -> memref<128xf32, #tpu.memory_space<vmem>>
      %dma_start3A_519 = arith.constant 0 : i32
      %dma_start3A_520 = tpu.memref_slice %arg7[%dma_start3A_516, %dma_start3A_519] : memref<56x128xi32, #tpu.memory_space<vmem>> -> memref<1x128xi32, #tpu.memory_space<vmem>>
      %dma_start3A_521 = tpu.memref_squeeze %dma_start3A_520 : memref<1x128xi32, #tpu.memory_space<vmem>> -> memref<128xi32, #tpu.memory_space<vmem>>
      %dma_start3A_522 = arith.constant 0 : i32
      %dma_start3A_523 = tpu.memref_slice %arg10[%dma_start3A_522] : memref<100096xf32, #tpu.memory_space<vmem_shared>> -> memref<100096xf32, #tpu.memory_space<vmem_shared>>
      tpu.enqueue_indirect_dma source(%dma_start3A_518 : memref<128xf32, #tpu.memory_space<vmem>>) target(%dma_start3A_523 : memref<100096xf32, #tpu.memory_space<vmem_shared>>) offsets(%dma_start3A_521 : memref<128xi32, #tpu.memory_space<vmem>>) semaphore(%arg11 : memref<!tpu.dma_semaphore, #tpu.memory_space<semaphore_mem>>) {add = true}
      %dma_start3A_524 = arith.constant 55 : i32
      %dma_start3A_525 = arith.constant 7040 : i32
      %dma_start3A_526 = tpu.memref_slice %arg8[%dma_start3A_525] : memref<7168xf32, #tpu.memory_space<vmem>> -> memref<128xf32, #tpu.memory_space<vmem>>
      %dma_start3A_527 = arith.constant 0 : i32
      %dma_start3A_528 = tpu.memref_slice %arg7[%dma_start3A_524, %dma_start3A_527] : memref<56x128xi32, #tpu.memory_space<vmem>> -> memref<1x128xi32, #tpu.memory_space<vmem>>
      %dma_start3A_529 = tpu.memref_squeeze %dma_start3A_528 : memref<1x128xi32, #tpu.memory_space<vmem>> -> memref<128xi32, #tpu.memory_space<vmem>>
      %dma_start3A_530 = arith.constant 0 : i32
      %dma_start3A_531 = tpu.memref_slice %arg10[%dma_start3A_530] : memref<100096xf32, #tpu.memory_space<vmem_shared>> -> memref<100096xf32, #tpu.memory_space<vmem_shared>>
      tpu.enqueue_indirect_dma source(%dma_start3A_526 : memref<128xf32, #tpu.memory_space<vmem>>) target(%dma_start3A_531 : memref<100096xf32, #tpu.memory_space<vmem_shared>>) offsets(%dma_start3A_529 : memref<128xi32, #tpu.memory_space<vmem>>) semaphore(%arg11 : memref<!tpu.dma_semaphore, #tpu.memory_space<semaphore_mem>>) {add = true}
      %dma_wait3A = arith.constant 0 : i32
      %dma_wait3A_532 = tpu.memref_slice %arg4[%dma_wait3A] : memref<100096xf32, #tpu.memory_space<hbm>> -> memref<7168xf32, #tpu.memory_space<hbm>>
      %dma_wait3A_533 = arith.constant 0 : i32
      %dma_wait3A_534 = tpu.memref_slice %arg4[%dma_wait3A_533] : memref<100096xf32, #tpu.memory_space<hbm>> -> memref<7168xf32, #tpu.memory_space<hbm>>
      tpu.wait_dma2 semaphore(%arg11 : memref<!tpu.dma_semaphore, #tpu.memory_space<semaphore_mem>>) src(%dma_wait3A_534 : memref<7168xf32, #tpu.memory_space<hbm>>) dst(%arg8 : memref<7168xf32, #tpu.memory_space<vmem>>)
      %scan3A_535 = arith.constant 0 : i32
      scf.yield %scan3A_535 : i32
    }
    %scan3A_18 = arith.constant 7 : i32
    %barrier3A_19 = arith.constant 0 : index
    tpu.barrier barrier_id(%barrier3A_19)
    %mul3A_20 = arith.constant 6256 : i32
    %mul3A_21 = arith.muli %arg1, %mul3A_20 : i32
    "tpu.region"() ({
      %run_scoped3A = tpu.sem_alloc : memref<!tpu.dma_semaphore, #tpu.memory_space<semaphore_mem>>
      %dma_start3A = arith.constant 0 : i32
      %dma_start3A_27 = tpu.memref_slice %arg8[%dma_start3A] : memref<7168xf32, #tpu.memory_space<vmem>> -> memref<6256xf32, #tpu.memory_space<vmem>>
      %dma_start3A_28 = tpu.memref_slice %arg10[%mul3A_21] : memref<100096xf32, #tpu.memory_space<vmem_shared>> -> memref<6256xf32, #tpu.memory_space<vmem_shared>>
      %dma_start3A_29 = arith.constant 0 : i32
      %dma_start3A_30 = tpu.memref_slice %arg8[%dma_start3A_29] : memref<7168xf32, #tpu.memory_space<vmem>> -> memref<6256xf32, #tpu.memory_space<vmem>>
      %dma_start3A_31 = tpu.memref_slice %arg10[%mul3A_21] : memref<100096xf32, #tpu.memory_space<vmem_shared>> -> memref<6256xf32, #tpu.memory_space<vmem_shared>>
      tpu.enqueue_dma source(%dma_start3A_31 : memref<6256xf32, #tpu.memory_space<vmem_shared>>) target(%dma_start3A_30 : memref<6256xf32, #tpu.memory_space<vmem>>) target_semaphore(%run_scoped3A : memref<!tpu.dma_semaphore, #tpu.memory_space<semaphore_mem>>)
      %dma_wait3A = arith.constant 0 : i32
      %dma_wait3A_32 = tpu.memref_slice %arg8[%dma_wait3A] : memref<7168xf32, #tpu.memory_space<vmem>> -> memref<6256xf32, #tpu.memory_space<vmem>>
      %dma_wait3A_33 = tpu.memref_slice %arg10[%mul3A_21] : memref<100096xf32, #tpu.memory_space<vmem_shared>> -> memref<6256xf32, #tpu.memory_space<vmem_shared>>
      %dma_wait3A_34 = arith.constant 0 : i32
      %dma_wait3A_35 = tpu.memref_slice %arg8[%dma_wait3A_34] : memref<7168xf32, #tpu.memory_space<vmem>> -> memref<6256xf32, #tpu.memory_space<vmem>>
      %dma_wait3A_36 = tpu.memref_slice %arg10[%mul3A_21] : memref<100096xf32, #tpu.memory_space<vmem_shared>> -> memref<6256xf32, #tpu.memory_space<vmem_shared>>
      tpu.wait_dma2 semaphore(%run_scoped3A : memref<!tpu.dma_semaphore, #tpu.memory_space<semaphore_mem>>) src(%dma_wait3A_36 : memref<6256xf32, #tpu.memory_space<vmem_shared>>) dst(%dma_wait3A_35 : memref<6256xf32, #tpu.memory_space<vmem>>)
      tpu.yield
    }) : () -> ()
    %mul3A_22 = arith.constant 100096 : i32
    %mul3A_23 = arith.muli %arg0, %mul3A_22 : i32
    %mul3A_24 = arith.constant 6256 : i32
    %mul3A_25 = arith.muli %arg1, %mul3A_24 : i32
    %add3A_26 = arith.addi %mul3A_23, %mul3A_25 : i32
    "tpu.region"() ({
      %run_scoped3A = tpu.sem_alloc : memref<!tpu.dma_semaphore, #tpu.memory_space<semaphore_mem>>
      %dma_start3A = arith.constant 0 : i32
      %dma_start3A_27 = tpu.memref_slice %arg8[%dma_start3A] : memref<7168xf32, #tpu.memory_space<vmem>> -> memref<6256xf32, #tpu.memory_space<vmem>>
      %dma_start3A_28 = tpu.memref_slice %arg5[%add3A_26] : memref<200192xf32, #tpu.memory_space<hbm>> -> memref<6256xf32, #tpu.memory_space<hbm>>
      %dma_start3A_29 = tpu.memref_slice %arg5[%add3A_26] : memref<200192xf32, #tpu.memory_space<hbm>> -> memref<6256xf32, #tpu.memory_space<hbm>>
      %dma_start3A_30 = arith.constant 0 : i32
      %dma_start3A_31 = tpu.memref_slice %arg8[%dma_start3A_30] : memref<7168xf32, #tpu.memory_space<vmem>> -> memref<6256xf32, #tpu.memory_space<vmem>>
      tpu.enqueue_dma source(%dma_start3A_31 : memref<6256xf32, #tpu.memory_space<vmem>>) target(%dma_start3A_29 : memref<6256xf32, #tpu.memory_space<hbm>>) target_semaphore(%run_scoped3A : memref<!tpu.dma_semaphore, #tpu.memory_space<semaphore_mem>>)
      %dma_wait3A = arith.constant 0 : i32
      %dma_wait3A_32 = tpu.memref_slice %arg8[%dma_wait3A] : memref<7168xf32, #tpu.memory_space<vmem>> -> memref<6256xf32, #tpu.memory_space<vmem>>
      %dma_wait3A_33 = tpu.memref_slice %arg5[%add3A_26] : memref<200192xf32, #tpu.memory_space<hbm>> -> memref<6256xf32, #tpu.memory_space<hbm>>
      %dma_wait3A_34 = tpu.memref_slice %arg5[%add3A_26] : memref<200192xf32, #tpu.memory_space<hbm>> -> memref<6256xf32, #tpu.memory_space<hbm>>
      %dma_wait3A_35 = arith.constant 0 : i32
      %dma_wait3A_36 = tpu.memref_slice %arg8[%dma_wait3A_35] : memref<7168xf32, #tpu.memory_space<vmem>> -> memref<6256xf32, #tpu.memory_space<vmem>>
      tpu.wait_dma2 semaphore(%run_scoped3A : memref<!tpu.dma_semaphore, #tpu.memory_space<semaphore_mem>>) src(%dma_wait3A_36 : memref<6256xf32, #tpu.memory_space<vmem>>) dst(%dma_wait3A_34 : memref<6256xf32, #tpu.memory_space<hbm>>)
      tpu.yield
    }) : () -> ()
    return
  }
}

#map = affine_map<(d0, d1) -> (0, 0)>
#map1 = affine_map<(d0, d1) -> (0)>
module attributes {stable_mosaic.version = 14 : i64} {
  func.func @_sc_degree(%arg0: i32, %arg1: i32, %arg2: memref<25088x128xi32, #tpu.memory_space<hbm>>, %arg3: memref<200192xf32, #tpu.memory_space<hbm>>, %arg4: memref<56x128xi32, #tpu.memory_space<vmem>>, %arg5: memref<128xf32, #tpu.memory_space<vmem>>, %arg6: memref<7168xf32, #tpu.memory_space<vmem>>, %arg7: memref<100096xf32, #tpu.memory_space<vmem_shared>>, %arg8: memref<!tpu.dma_semaphore, #tpu.memory_space<semaphore_mem>>) attributes {dimension_semantics = [#tpu.dimension_semantics<core_parallel>, #tpu.dimension_semantics<subcore_parallel>], iteration_bounds = array<i64: 2, 16>, scalar_prefetch = 0 : i64, scratch_operands = 5 : i64, tpu.core_type = #tpu.core_type<sc_vector_subcore>, window_params = [{transform_indices = #map}, {transform_indices = #map1}]} {
    %mul3A = arith.constant 2 : i32
    %mul3A_0 = arith.muli %arg1, %mul3A : i32
    %add3A = arith.addi %mul3A_0, %arg0 : i32
    %broadcast_in_dim3A = arith.constant 1.000000e+00 : f32
    %broadcast_in_dim3A_1 = vector.broadcast %broadcast_in_dim3A : f32 to vector<16xf32>
    %scan3A = arith.constant 0 : i32
    %scan3A_2 = arith.constant 0 : i32
    %scan3A_3 = arith.constant 8 : i32
    %scan3A_4 = arith.addi %scan3A_2, %scan3A_3 : i32
    %scan3A_5 = arith.constant 1 : i32
    %scan3A_6 = scf.for %scan3A_36 = %scan3A_2 to %scan3A_4 step %scan3A_5 iter_args(%scan3A_37 = %scan3A) -> (i32)  : i32 {
      %mul3A_38 = arith.constant 16 : i32
      %mul3A_39 = arith.muli %scan3A_36, %mul3A_38 : i32
      %swap3A = arith.index_cast %mul3A_39 : i32 to index
      %swap3A_40 = tpu.vector_load %arg5[%swap3A] {strides = array<i32>} : memref<128xf32, #tpu.memory_space<vmem>>, vector<16xf32>,
      %swap3A_41 = vector.shape_cast %swap3A_40 : vector<16xf32> to vector<16xf32>
      %swap3A_42 = vector.shape_cast %broadcast_in_dim3A_1 : vector<16xf32> to vector<16xf32>
      tpu.vector_store %arg5[%swap3A], %swap3A_42 {strides = array<i32>} : memref<128xf32, #tpu.memory_space<vmem>>, vector<16xf32>,
      %scan3A_43 = arith.constant 0 : i32
      scf.yield %scan3A_43 : i32
    }
    %scan3A_7 = arith.constant 8 : i32
    %broadcast_in_dim3A_8 = arith.constant 0.000000e+00 : f32
    %broadcast_in_dim3A_9 = vector.broadcast %broadcast_in_dim3A_8 : f32 to vector<16xf32>
    %scan3A_10 = arith.constant 0 : i32
    %scan3A_11 = arith.constant 0 : i32
    %scan3A_12 = arith.constant 391 : i32
    %scan3A_13 = arith.addi %scan3A_11, %scan3A_12 : i32
    %scan3A_14 = arith.constant 1 : i32
    %scan3A_15 = scf.for %scan3A_36 = %scan3A_11 to %scan3A_13 step %scan3A_14 iter_args(%scan3A_37 = %scan3A_10) -> (i32)  : i32 {
      %mul3A_38 = arith.constant 16 : i32
      %mul3A_39 = arith.muli %scan3A_36, %mul3A_38 : i32
      %swap3A = arith.index_cast %mul3A_39 : i32 to index
      %swap3A_40 = tpu.vector_load %arg6[%swap3A] {strides = array<i32>} : memref<7168xf32, #tpu.memory_space<vmem>>, vector<16xf32>,
      %swap3A_41 = vector.shape_cast %swap3A_40 : vector<16xf32> to vector<16xf32>
      %swap3A_42 = vector.shape_cast %broadcast_in_dim3A_9 : vector<16xf32> to vector<16xf32>
      tpu.vector_store %arg6[%swap3A], %swap3A_42 {strides = array<i32>} : memref<7168xf32, #tpu.memory_space<vmem>>, vector<16xf32>,
      %scan3A_43 = arith.constant 0 : i32
      scf.yield %scan3A_43 : i32
    }
    %scan3A_16 = arith.constant 391 : i32
    %mul3A_17 = arith.constant 6256 : i32
    %mul3A_18 = arith.muli %arg1, %mul3A_17 : i32
    "tpu.region"() ({
      %run_scoped3A = tpu.sem_alloc : memref<!tpu.dma_semaphore, #tpu.memory_space<semaphore_mem>>
      %dma_start3A = arith.constant 0 : i32
      %dma_start3A_36 = tpu.memref_slice %arg6[%dma_start3A] : memref<7168xf32, #tpu.memory_space<vmem>> -> memref<6256xf32, #tpu.memory_space<vmem>>
      %dma_start3A_37 = tpu.memref_slice %arg7[%mul3A_18] : memref<100096xf32, #tpu.memory_space<vmem_shared>> -> memref<6256xf32, #tpu.memory_space<vmem_shared>>
      %dma_start3A_38 = tpu.memref_slice %arg7[%mul3A_18] : memref<100096xf32, #tpu.memory_space<vmem_shared>> -> memref<6256xf32, #tpu.memory_space<vmem_shared>>
      %dma_start3A_39 = arith.constant 0 : i32
      %dma_start3A_40 = tpu.memref_slice %arg6[%dma_start3A_39] : memref<7168xf32, #tpu.memory_space<vmem>> -> memref<6256xf32, #tpu.memory_space<vmem>>
      tpu.enqueue_dma source(%dma_start3A_40 : memref<6256xf32, #tpu.memory_space<vmem>>) target(%dma_start3A_38 : memref<6256xf32, #tpu.memory_space<vmem_shared>>) target_semaphore(%run_scoped3A : memref<!tpu.dma_semaphore, #tpu.memory_space<semaphore_mem>>)
      %dma_wait3A = arith.constant 0 : i32
      %dma_wait3A_41 = tpu.memref_slice %arg6[%dma_wait3A] : memref<7168xf32, #tpu.memory_space<vmem>> -> memref<6256xf32, #tpu.memory_space<vmem>>
      %dma_wait3A_42 = tpu.memref_slice %arg7[%mul3A_18] : memref<100096xf32, #tpu.memory_space<vmem_shared>> -> memref<6256xf32, #tpu.memory_space<vmem_shared>>
      %dma_wait3A_43 = tpu.memref_slice %arg7[%mul3A_18] : memref<100096xf32, #tpu.memory_space<vmem_shared>> -> memref<6256xf32, #tpu.memory_space<vmem_shared>>
      %dma_wait3A_44 = arith.constant 0 : i32
      %dma_wait3A_45 = tpu.memref_slice %arg6[%dma_wait3A_44] : memref<7168xf32, #tpu.memory_space<vmem>> -> memref<6256xf32, #tpu.memory_space<vmem>>
      tpu.wait_dma2 semaphore(%run_scoped3A : memref<!tpu.dma_semaphore, #tpu.memory_space<semaphore_mem>>) src(%dma_wait3A_45 : memref<6256xf32, #tpu.memory_space<vmem>>) dst(%dma_wait3A_43 : memref<6256xf32, #tpu.memory_space<vmem_shared>>)
      tpu.yield
    }) : () -> ()
    %barrier3A = arith.constant 0 : index
    tpu.barrier barrier_id(%barrier3A)
    %mul3A_19 = arith.constant 392 : i32
    %mul3A_20 = arith.muli %add3A, %mul3A_19 : i32
    %scan3A_21 = arith.constant 0 : i32
    %scan3A_22 = arith.constant 0 : i32
    %scan3A_23 = arith.constant 7 : i32
    %scan3A_24 = arith.addi %scan3A_22, %scan3A_23 : i32
    %scan3A_25 = arith.constant 1 : i32
    %scan3A_26 = scf.for %scan3A_36 = %scan3A_22 to %scan3A_24 step %scan3A_25 iter_args(%scan3A_37 = %scan3A_21) -> (i32)  : i32 {
      %add3A_38 = arith.constant 12544 : i32
      %add3A_39 = arith.addi %add3A_38, %mul3A_20 : i32
      %mul3A_40 = arith.constant 56 : i32
      %mul3A_41 = arith.muli %scan3A_36, %mul3A_40 : i32
      %add3A_42 = arith.addi %add3A_39, %mul3A_41 : i32
      "tpu.region"() ({
        %run_scoped3A = tpu.sem_alloc : memref<!tpu.dma_semaphore, #tpu.memory_space<semaphore_mem>>
        %dma_start3A = arith.constant 0 : i32
        %dma_start3A_54 = tpu.memref_slice %arg2[%add3A_42, %dma_start3A] : memref<25088x128xi32, #tpu.memory_space<hbm>> -> memref<56x128xi32, #tpu.memory_space<hbm>>
        %dma_start3A_55 = arith.constant 0 : i32
        %dma_start3A_56 = tpu.memref_slice %arg2[%add3A_42, %dma_start3A_55] : memref<25088x128xi32, #tpu.memory_space<hbm>> -> memref<56x128xi32, #tpu.memory_space<hbm>>
        tpu.enqueue_dma source(%dma_start3A_56 : memref<56x128xi32, #tpu.memory_space<hbm>>) target(%arg4 : memref<56x128xi32, #tpu.memory_space<vmem>>) target_semaphore(%run_scoped3A : memref<!tpu.dma_semaphore, #tpu.memory_space<semaphore_mem>>)
        %dma_wait3A_57 = arith.constant 0 : i32
        %dma_wait3A_58 = tpu.memref_slice %arg2[%add3A_42, %dma_wait3A_57] : memref<25088x128xi32, #tpu.memory_space<hbm>> -> memref<56x128xi32, #tpu.memory_space<hbm>>
        %dma_wait3A_59 = arith.constant 0 : i32
        %dma_wait3A_60 = tpu.memref_slice %arg2[%add3A_42, %dma_wait3A_59] : memref<25088x128xi32, #tpu.memory_space<hbm>> -> memref<56x128xi32, #tpu.memory_space<hbm>>
        tpu.wait_dma2 semaphore(%run_scoped3A : memref<!tpu.dma_semaphore, #tpu.memory_space<semaphore_mem>>) src(%dma_wait3A_60 : memref<56x128xi32, #tpu.memory_space<hbm>>) dst(%arg4 : memref<56x128xi32, #tpu.memory_space<vmem>>)
        tpu.yield
      }) : () -> ()
      %scan3A_43 = arith.constant 0 : i32
      %scan3A_44 = arith.constant 0 : i32
      %scan3A_45 = arith.constant 56 : i32
      %scan3A_46 = arith.addi %scan3A_44, %scan3A_45 : i32
      %scan3A_47 = arith.constant 1 : i32
      %scan3A_48 = scf.for %scan3A_54 = %scan3A_44 to %scan3A_46 step %scan3A_47 iter_args(%scan3A_55 = %scan3A_43) -> (i32)  : i32 {
        %dma_start3A = arith.constant 0 : i32
        %dma_start3A_56 = tpu.memref_slice %arg4[%scan3A_54, %dma_start3A] : memref<56x128xi32, #tpu.memory_space<vmem>> -> memref<1x128xi32, #tpu.memory_space<vmem>>
        %dma_start3A_57 = tpu.memref_squeeze %dma_start3A_56 : memref<1x128xi32, #tpu.memory_space<vmem>> -> memref<128xi32, #tpu.memory_space<vmem>>
        %dma_start3A_58 = arith.constant 0 : i32
        %dma_start3A_59 = tpu.memref_slice %arg7[%dma_start3A_58] : memref<100096xf32, #tpu.memory_space<vmem_shared>> -> memref<100096xf32, #tpu.memory_space<vmem_shared>>
        tpu.enqueue_indirect_dma source(%arg5 : memref<128xf32, #tpu.memory_space<vmem>>) target(%dma_start3A_59 : memref<100096xf32, #tpu.memory_space<vmem_shared>>) offsets(%dma_start3A_57 : memref<128xi32, #tpu.memory_space<vmem>>) semaphore(%arg8 : memref<!tpu.dma_semaphore, #tpu.memory_space<semaphore_mem>>) {add = true}
        %scan3A_60 = arith.constant 0 : i32
        scf.yield %scan3A_60 : i32
      }
      %scan3A_49 = arith.constant 56 : i32
      %dma_wait3A = arith.constant 0 : i32
      %dma_wait3A_50 = tpu.memref_slice %arg3[%dma_wait3A] : memref<200192xf32, #tpu.memory_space<hbm>> -> memref<7168xf32, #tpu.memory_space<hbm>>
      %dma_wait3A_51 = arith.constant 0 : i32
      %dma_wait3A_52 = tpu.memref_slice %arg3[%dma_wait3A_51] : memref<200192xf32, #tpu.memory_space<hbm>> -> memref<7168xf32, #tpu.memory_space<hbm>>
      tpu.wait_dma2 semaphore(%arg8 : memref<!tpu.dma_semaphore, #tpu.memory_space<semaphore_mem>>) src(%dma_wait3A_52 : memref<7168xf32, #tpu.memory_space<hbm>>) dst(%arg6 : memref<7168xf32, #tpu.memory_space<vmem>>)
      %scan3A_53 = arith.constant 0 : i32
      scf.yield %scan3A_53 : i32
    }
    %scan3A_27 = arith.constant 7 : i32
    %barrier3A_28 = arith.constant 0 : index
    tpu.barrier barrier_id(%barrier3A_28)
    %mul3A_29 = arith.constant 6256 : i32
    %mul3A_30 = arith.muli %arg1, %mul3A_29 : i32
    "tpu.region"() ({
      %run_scoped3A = tpu.sem_alloc : memref<!tpu.dma_semaphore, #tpu.memory_space<semaphore_mem>>
      %dma_start3A = arith.constant 0 : i32
      %dma_start3A_36 = tpu.memref_slice %arg6[%dma_start3A] : memref<7168xf32, #tpu.memory_space<vmem>> -> memref<6256xf32, #tpu.memory_space<vmem>>
      %dma_start3A_37 = tpu.memref_slice %arg7[%mul3A_30] : memref<100096xf32, #tpu.memory_space<vmem_shared>> -> memref<6256xf32, #tpu.memory_space<vmem_shared>>
      %dma_start3A_38 = arith.constant 0 : i32
      %dma_start3A_39 = tpu.memref_slice %arg6[%dma_start3A_38] : memref<7168xf32, #tpu.memory_space<vmem>> -> memref<6256xf32, #tpu.memory_space<vmem>>
      %dma_start3A_40 = tpu.memref_slice %arg7[%mul3A_30] : memref<100096xf32, #tpu.memory_space<vmem_shared>> -> memref<6256xf32, #tpu.memory_space<vmem_shared>>
      tpu.enqueue_dma source(%dma_start3A_40 : memref<6256xf32, #tpu.memory_space<vmem_shared>>) target(%dma_start3A_39 : memref<6256xf32, #tpu.memory_space<vmem>>) target_semaphore(%run_scoped3A : memref<!tpu.dma_semaphore, #tpu.memory_space<semaphore_mem>>)
      %dma_wait3A = arith.constant 0 : i32
      %dma_wait3A_41 = tpu.memref_slice %arg6[%dma_wait3A] : memref<7168xf32, #tpu.memory_space<vmem>> -> memref<6256xf32, #tpu.memory_space<vmem>>
      %dma_wait3A_42 = tpu.memref_slice %arg7[%mul3A_30] : memref<100096xf32, #tpu.memory_space<vmem_shared>> -> memref<6256xf32, #tpu.memory_space<vmem_shared>>
      %dma_wait3A_43 = arith.constant 0 : i32
      %dma_wait3A_44 = tpu.memref_slice %arg6[%dma_wait3A_43] : memref<7168xf32, #tpu.memory_space<vmem>> -> memref<6256xf32, #tpu.memory_space<vmem>>
      %dma_wait3A_45 = tpu.memref_slice %arg7[%mul3A_30] : memref<100096xf32, #tpu.memory_space<vmem_shared>> -> memref<6256xf32, #tpu.memory_space<vmem_shared>>
      tpu.wait_dma2 semaphore(%run_scoped3A : memref<!tpu.dma_semaphore, #tpu.memory_space<semaphore_mem>>) src(%dma_wait3A_45 : memref<6256xf32, #tpu.memory_space<vmem_shared>>) dst(%dma_wait3A_44 : memref<6256xf32, #tpu.memory_space<vmem>>)
      tpu.yield
    }) : () -> ()
    %mul3A_31 = arith.constant 100096 : i32
    %mul3A_32 = arith.muli %arg0, %mul3A_31 : i32
    %mul3A_33 = arith.constant 6256 : i32
    %mul3A_34 = arith.muli %arg1, %mul3A_33 : i32
    %add3A_35 = arith.addi %mul3A_32, %mul3A_34 : i32
    "tpu.region"() ({
      %run_scoped3A = tpu.sem_alloc : memref<!tpu.dma_semaphore, #tpu.memory_space<semaphore_mem>>
      %dma_start3A = arith.constant 0 : i32
      %dma_start3A_36 = tpu.memref_slice %arg6[%dma_start3A] : memref<7168xf32, #tpu.memory_space<vmem>> -> memref<6256xf32, #tpu.memory_space<vmem>>
      %dma_start3A_37 = tpu.memref_slice %arg3[%add3A_35] : memref<200192xf32, #tpu.memory_space<hbm>> -> memref<6256xf32, #tpu.memory_space<hbm>>
      %dma_start3A_38 = tpu.memref_slice %arg3[%add3A_35] : memref<200192xf32, #tpu.memory_space<hbm>> -> memref<6256xf32, #tpu.memory_space<hbm>>
      %dma_start3A_39 = arith.constant 0 : i32
      %dma_start3A_40 = tpu.memref_slice %arg6[%dma_start3A_39] : memref<7168xf32, #tpu.memory_space<vmem>> -> memref<6256xf32, #tpu.memory_space<vmem>>
      tpu.enqueue_dma source(%dma_start3A_40 : memref<6256xf32, #tpu.memory_space<vmem>>) target(%dma_start3A_38 : memref<6256xf32, #tpu.memory_space<hbm>>) target_semaphore(%run_scoped3A : memref<!tpu.dma_semaphore, #tpu.memory_space<semaphore_mem>>)
      %dma_wait3A = arith.constant 0 : i32
      %dma_wait3A_41 = tpu.memref_slice %arg6[%dma_wait3A] : memref<7168xf32, #tpu.memory_space<vmem>> -> memref<6256xf32, #tpu.memory_space<vmem>>
      %dma_wait3A_42 = tpu.memref_slice %arg3[%add3A_35] : memref<200192xf32, #tpu.memory_space<hbm>> -> memref<6256xf32, #tpu.memory_space<hbm>>
      %dma_wait3A_43 = tpu.memref_slice %arg3[%add3A_35] : memref<200192xf32, #tpu.memory_space<hbm>> -> memref<6256xf32, #tpu.memory_space<hbm>>
      %dma_wait3A_44 = arith.constant 0 : i32
      %dma_wait3A_45 = tpu.memref_slice %arg6[%dma_wait3A_44] : memref<7168xf32, #tpu.memory_space<vmem>> -> memref<6256xf32, #tpu.memory_space<vmem>>
      tpu.wait_dma2 semaphore(%run_scoped3A : memref<!tpu.dma_semaphore, #tpu.memory_space<semaphore_mem>>) src(%dma_wait3A_45 : memref<6256xf32, #tpu.memory_space<vmem>>) dst(%dma_wait3A_43 : memref<6256xf32, #tpu.memory_space<hbm>>)
      tpu.yield
    }) : () -> ()
    return
  }
}

#map = affine_map<(d0, d1) -> (0, 0)>
#map1 = affine_map<(d0, d1) -> (0)>
module attributes {stable_mosaic.version = 14 : i64} {
  func.func @_sc_segsum_packed(%arg0: i32, %arg1: i32, %arg2: memref<25088x128xi32, #tpu.memory_space<hbm>>, %arg3: memref<100096xi32, #tpu.memory_space<hbm>>, %arg4: memref<200192xf32, #tpu.memory_space<hbm>>, %arg5: memref<200192xf32, #tpu.memory_space<hbm>>, %arg6: memref<56x128xi32, #tpu.memory_space<vmem>>, %arg7: memref<56x128xi32, #tpu.memory_space<vmem>>, %arg8: memref<7168xi32, #tpu.memory_space<vmem>>, %arg9: memref<7168xf32, #tpu.memory_space<vmem>>, %arg10: memref<7168xf32, #tpu.memory_space<vmem>>, %arg11: memref<100096xi32, #tpu.memory_space<vmem_shared>>, %arg12: memref<100096xf32, #tpu.memory_space<vmem_shared>>, %arg13: memref<100096xf32, #tpu.memory_space<vmem_shared>>, %arg14: memref<!tpu.dma_semaphore, #tpu.memory_space<semaphore_mem>>, %arg15: memref<!tpu.dma_semaphore, #tpu.memory_space<semaphore_mem>>) attributes {dimension_semantics = [#tpu.dimension_semantics<core_parallel>, #tpu.dimension_semantics<subcore_parallel>], iteration_bounds = array<i64: 2, 16>, scalar_prefetch = 0 : i64, scratch_operands = 10 : i64, tpu.core_type = #tpu.core_type<sc_vector_subcore>, window_params = [{transform_indices = #map}, {transform_indices = #map1}, {transform_indices = #map1}, {transform_indices = #map1}]} {
    %mul3A = arith.constant 2 : i32
    %mul3A_0 = arith.muli %arg1, %mul3A : i32
    %add3A = arith.addi %mul3A_0, %arg0 : i32
    %broadcast_in_dim3A = arith.constant 0.000000e+00 : f32
    %broadcast_in_dim3A_1 = vector.broadcast %broadcast_in_dim3A : f32 to vector<16xf32>
    %scan3A = arith.constant 0 : i32
    %scan3A_2 = arith.constant 0 : i32
    %scan3A_3 = arith.constant 391 : i32
    %scan3A_4 = arith.addi %scan3A_2, %scan3A_3 : i32
    %scan3A_5 = arith.constant 1 : i32
    %scan3A_6 = scf.for %scan3A_49 = %scan3A_2 to %scan3A_4 step %scan3A_5 iter_args(%scan3A_50 = %scan3A) -> (i32)  : i32 {
      %mul3A_51 = arith.constant 16 : i32
      %mul3A_52 = arith.muli %scan3A_49, %mul3A_51 : i32
      %swap3A = arith.index_cast %mul3A_52 : i32 to index
      %swap3A_53 = tpu.vector_load %arg9[%swap3A] {strides = array<i32>} : memref<7168xf32, #tpu.memory_space<vmem>>, vector<16xf32>,
      %swap3A_54 = vector.shape_cast %swap3A_53 : vector<16xf32> to vector<16xf32>
      %swap3A_55 = vector.shape_cast %broadcast_in_dim3A_1 : vector<16xf32> to vector<16xf32>
      tpu.vector_store %arg9[%swap3A], %swap3A_55 {strides = array<i32>} : memref<7168xf32, #tpu.memory_space<vmem>>, vector<16xf32>,
      %scan3A_56 = arith.constant 0 : i32
      scf.yield %scan3A_56 : i32
    }
    %scan3A_7 = arith.constant 391 : i32
    %mul3A_8 = arith.constant 6256 : i32
    %mul3A_9 = arith.muli %arg1, %mul3A_8 : i32
    "tpu.region"() ({
      %run_scoped3A = tpu.sem_alloc : memref<!tpu.dma_semaphore, #tpu.memory_space<semaphore_mem>>
      %dma_start3A = arith.constant 0 : i32
      %dma_start3A_49 = tpu.memref_slice %arg9[%dma_start3A] : memref<7168xf32, #tpu.memory_space<vmem>> -> memref<6256xf32, #tpu.memory_space<vmem>>
      %dma_start3A_50 = tpu.memref_slice %arg12[%mul3A_9] : memref<100096xf32, #tpu.memory_space<vmem_shared>> -> memref<6256xf32, #tpu.memory_space<vmem_shared>>
      %dma_start3A_51 = tpu.memref_slice %arg12[%mul3A_9] : memref<100096xf32, #tpu.memory_space<vmem_shared>> -> memref<6256xf32, #tpu.memory_space<vmem_shared>>
      %dma_start3A_52 = arith.constant 0 : i32
      %dma_start3A_53 = tpu.memref_slice %arg9[%dma_start3A_52] : memref<7168xf32, #tpu.memory_space<vmem>> -> memref<6256xf32, #tpu.memory_space<vmem>>
      tpu.enqueue_dma source(%dma_start3A_53 : memref<6256xf32, #tpu.memory_space<vmem>>) target(%dma_start3A_51 : memref<6256xf32, #tpu.memory_space<vmem_shared>>) target_semaphore(%run_scoped3A : memref<!tpu.dma_semaphore, #tpu.memory_space<semaphore_mem>>)
      %dma_wait3A = arith.constant 0 : i32
      %dma_wait3A_54 = tpu.memref_slice %arg9[%dma_wait3A] : memref<7168xf32, #tpu.memory_space<vmem>> -> memref<6256xf32, #tpu.memory_space<vmem>>
      %dma_wait3A_55 = tpu.memref_slice %arg12[%mul3A_9] : memref<100096xf32, #tpu.memory_space<vmem_shared>> -> memref<6256xf32, #tpu.memory_space<vmem_shared>>
      %dma_wait3A_56 = tpu.memref_slice %arg12[%mul3A_9] : memref<100096xf32, #tpu.memory_space<vmem_shared>> -> memref<6256xf32, #tpu.memory_space<vmem_shared>>
      %dma_wait3A_57 = arith.constant 0 : i32
      %dma_wait3A_58 = tpu.memref_slice %arg9[%dma_wait3A_57] : memref<7168xf32, #tpu.memory_space<vmem>> -> memref<6256xf32, #tpu.memory_space<vmem>>
      tpu.wait_dma2 semaphore(%run_scoped3A : memref<!tpu.dma_semaphore, #tpu.memory_space<semaphore_mem>>) src(%dma_wait3A_58 : memref<6256xf32, #tpu.memory_space<vmem>>) dst(%dma_wait3A_56 : memref<6256xf32, #tpu.memory_space<vmem_shared>>)
      tpu.yield
    }) : () -> ()
    %broadcast_in_dim3A_10 = arith.constant 0.000000e+00 : f32
    %broadcast_in_dim3A_11 = vector.broadcast %broadcast_in_dim3A_10 : f32 to vector<16xf32>
    %scan3A_12 = arith.constant 0 : i32
    %scan3A_13 = arith.constant 0 : i32
    %scan3A_14 = arith.constant 391 : i32
    %scan3A_15 = arith.addi %scan3A_13, %scan3A_14 : i32
    %scan3A_16 = arith.constant 1 : i32
    %scan3A_17 = scf.for %scan3A_49 = %scan3A_13 to %scan3A_15 step %scan3A_16 iter_args(%scan3A_50 = %scan3A_12) -> (i32)  : i32 {
      %mul3A_51 = arith.constant 16 : i32
      %mul3A_52 = arith.muli %scan3A_49, %mul3A_51 : i32
      %swap3A = arith.index_cast %mul3A_52 : i32 to index
      %swap3A_53 = tpu.vector_load %arg9[%swap3A] {strides = array<i32>} : memref<7168xf32, #tpu.memory_space<vmem>>, vector<16xf32>,
      %swap3A_54 = vector.shape_cast %swap3A_53 : vector<16xf32> to vector<16xf32>
      %swap3A_55 = vector.shape_cast %broadcast_in_dim3A_11 : vector<16xf32> to vector<16xf32>
      tpu.vector_store %arg9[%swap3A], %swap3A_55 {strides = array<i32>} : memref<7168xf32, #tpu.memory_space<vmem>>, vector<16xf32>,
      %scan3A_56 = arith.constant 0 : i32
      scf.yield %scan3A_56 : i32
    }
    %scan3A_18 = arith.constant 391 : i32
    %mul3A_19 = arith.constant 6256 : i32
    %mul3A_20 = arith.muli %arg1, %mul3A_19 : i32
    "tpu.region"() ({
      %run_scoped3A = tpu.sem_alloc : memref<!tpu.dma_semaphore, #tpu.memory_space<semaphore_mem>>
      %dma_start3A = arith.constant 0 : i32
      %dma_start3A_49 = tpu.memref_slice %arg9[%dma_start3A] : memref<7168xf32, #tpu.memory_space<vmem>> -> memref<6256xf32, #tpu.memory_space<vmem>>
      %dma_start3A_50 = tpu.memref_slice %arg13[%mul3A_20] : memref<100096xf32, #tpu.memory_space<vmem_shared>> -> memref<6256xf32, #tpu.memory_space<vmem_shared>>
      %dma_start3A_51 = tpu.memref_slice %arg13[%mul3A_20] : memref<100096xf32, #tpu.memory_space<vmem_shared>> -> memref<6256xf32, #tpu.memory_space<vmem_shared>>
      %dma_start3A_52 = arith.constant 0 : i32
      %dma_start3A_53 = tpu.memref_slice %arg9[%dma_start3A_52] : memref<7168xf32, #tpu.memory_space<vmem>> -> memref<6256xf32, #tpu.memory_space<vmem>>
      tpu.enqueue_dma source(%dma_start3A_53 : memref<6256xf32, #tpu.memory_space<vmem>>) target(%dma_start3A_51 : memref<6256xf32, #tpu.memory_space<vmem_shared>>) target_semaphore(%run_scoped3A : memref<!tpu.dma_semaphore, #tpu.memory_space<semaphore_mem>>)
      %dma_wait3A = arith.constant 0 : i32
      %dma_wait3A_54 = tpu.memref_slice %arg9[%dma_wait3A] : memref<7168xf32, #tpu.memory_space<vmem>> -> memref<6256xf32, #tpu.memory_space<vmem>>
      %dma_wait3A_55 = tpu.memref_slice %arg13[%mul3A_20] : memref<100096xf32, #tpu.memory_space<vmem_shared>> -> memref<6256xf32, #tpu.memory_space<vmem_shared>>
      %dma_wait3A_56 = tpu.memref_slice %arg13[%mul3A_20] : memref<100096xf32, #tpu.memory_space<vmem_shared>> -> memref<6256xf32, #tpu.memory_space<vmem_shared>>
      %dma_wait3A_57 = arith.constant 0 : i32
      %dma_wait3A_58 = tpu.memref_slice %arg9[%dma_wait3A_57] : memref<7168xf32, #tpu.memory_space<vmem>> -> memref<6256xf32, #tpu.memory_space<vmem>>
      tpu.wait_dma2 semaphore(%run_scoped3A : memref<!tpu.dma_semaphore, #tpu.memory_space<semaphore_mem>>) src(%dma_wait3A_58 : memref<6256xf32, #tpu.memory_space<vmem>>) dst(%dma_wait3A_56 : memref<6256xf32, #tpu.memory_space<vmem_shared>>)
      tpu.yield
    }) : () -> ()
    %mul3A_21 = arith.constant 6256 : i32
    %mul3A_22 = arith.muli %arg1, %mul3A_21 : i32
    "tpu.region"() ({
      %run_scoped3A = tpu.sem_alloc : memref<!tpu.dma_semaphore, #tpu.memory_space<semaphore_mem>>
      %dma_start3A = arith.constant 0 : i32
      %dma_start3A_49 = tpu.memref_slice %arg8[%dma_start3A] : memref<7168xi32, #tpu.memory_space<vmem>> -> memref<6256xi32, #tpu.memory_space<vmem>>
      %dma_start3A_50 = tpu.memref_slice %arg3[%mul3A_22] : memref<100096xi32, #tpu.memory_space<hbm>> -> memref<6256xi32, #tpu.memory_space<hbm>>
      %dma_start3A_51 = arith.constant 0 : i32
      %dma_start3A_52 = tpu.memref_slice %arg8[%dma_start3A_51] : memref<7168xi32, #tpu.memory_space<vmem>> -> memref<6256xi32, #tpu.memory_space<vmem>>
      %dma_start3A_53 = tpu.memref_slice %arg3[%mul3A_22] : memref<100096xi32, #tpu.memory_space<hbm>> -> memref<6256xi32, #tpu.memory_space<hbm>>
      tpu.enqueue_dma source(%dma_start3A_53 : memref<6256xi32, #tpu.memory_space<hbm>>) target(%dma_start3A_52 : memref<6256xi32, #tpu.memory_space<vmem>>) target_semaphore(%run_scoped3A : memref<!tpu.dma_semaphore, #tpu.memory_space<semaphore_mem>>)
      %dma_wait3A = arith.constant 0 : i32
      %dma_wait3A_54 = tpu.memref_slice %arg8[%dma_wait3A] : memref<7168xi32, #tpu.memory_space<vmem>> -> memref<6256xi32, #tpu.memory_space<vmem>>
      %dma_wait3A_55 = tpu.memref_slice %arg3[%mul3A_22] : memref<100096xi32, #tpu.memory_space<hbm>> -> memref<6256xi32, #tpu.memory_space<hbm>>
      %dma_wait3A_56 = arith.constant 0 : i32
      %dma_wait3A_57 = tpu.memref_slice %arg8[%dma_wait3A_56] : memref<7168xi32, #tpu.memory_space<vmem>> -> memref<6256xi32, #tpu.memory_space<vmem>>
      %dma_wait3A_58 = tpu.memref_slice %arg3[%mul3A_22] : memref<100096xi32, #tpu.memory_space<hbm>> -> memref<6256xi32, #tpu.memory_space<hbm>>
      tpu.wait_dma2 semaphore(%run_scoped3A : memref<!tpu.dma_semaphore, #tpu.memory_space<semaphore_mem>>) src(%dma_wait3A_58 : memref<6256xi32, #tpu.memory_space<hbm>>) dst(%dma_wait3A_57 : memref<6256xi32, #tpu.memory_space<vmem>>)
      tpu.yield
    }) : () -> ()
    %mul3A_23 = arith.constant 6256 : i32
    %mul3A_24 = arith.muli %arg1, %mul3A_23 : i32
    "tpu.region"() ({
      %run_scoped3A = tpu.sem_alloc : memref<!tpu.dma_semaphore, #tpu.memory_space<semaphore_mem>>
      %dma_start3A = arith.constant 0 : i32
      %dma_start3A_49 = tpu.memref_slice %arg8[%dma_start3A] : memref<7168xi32, #tpu.memory_space<vmem>> -> memref<6256xi32, #tpu.memory_space<vmem>>
      %dma_start3A_50 = tpu.memref_slice %arg11[%mul3A_24] : memref<100096xi32, #tpu.memory_space<vmem_shared>> -> memref<6256xi32, #tpu.memory_space<vmem_shared>>
      %dma_start3A_51 = tpu.memref_slice %arg11[%mul3A_24] : memref<100096xi32, #tpu.memory_space<vmem_shared>> -> memref<6256xi32, #tpu.memory_space<vmem_shared>>
      %dma_start3A_52 = arith.constant 0 : i32
      %dma_start3A_53 = tpu.memref_slice %arg8[%dma_start3A_52] : memref<7168xi32, #tpu.memory_space<vmem>> -> memref<6256xi32, #tpu.memory_space<vmem>>
      tpu.enqueue_dma source(%dma_start3A_53 : memref<6256xi32, #tpu.memory_space<vmem>>) target(%dma_start3A_51 : memref<6256xi32, #tpu.memory_space<vmem_shared>>) target_semaphore(%run_scoped3A : memref<!tpu.dma_semaphore, #tpu.memory_space<semaphore_mem>>)
      %dma_wait3A = arith.constant 0 : i32
      %dma_wait3A_54 = tpu.memref_slice %arg8[%dma_wait3A] : memref<7168xi32, #tpu.memory_space<vmem>> -> memref<6256xi32, #tpu.memory_space<vmem>>
      %dma_wait3A_55 = tpu.memref_slice %arg11[%mul3A_24] : memref<100096xi32, #tpu.memory_space<vmem_shared>> -> memref<6256xi32, #tpu.memory_space<vmem_shared>>
      %dma_wait3A_56 = tpu.memref_slice %arg11[%mul3A_24] : memref<100096xi32, #tpu.memory_space<vmem_shared>> -> memref<6256xi32, #tpu.memory_space<vmem_shared>>
      %dma_wait3A_57 = arith.constant 0 : i32
      %dma_wait3A_58 = tpu.memref_slice %arg8[%dma_wait3A_57] : memref<7168xi32, #tpu.memory_space<vmem>> -> memref<6256xi32, #tpu.memory_space<vmem>>
      tpu.wait_dma2 semaphore(%run_scoped3A : memref<!tpu.dma_semaphore, #tpu.memory_space<semaphore_mem>>) src(%dma_wait3A_58 : memref<6256xi32, #tpu.memory_space<vmem>>) dst(%dma_wait3A_56 : memref<6256xi32, #tpu.memory_space<vmem_shared>>)
      tpu.yield
    }) : () -> ()
    %barrier3A = arith.constant 0 : index
    tpu.barrier barrier_id(%barrier3A)
    %mul3A_25 = arith.constant 392 : i32
    %mul3A_26 = arith.muli %add3A, %mul3A_25 : i32
    %scan3A_27 = arith.constant 0 : i32
    %scan3A_28 = arith.constant 0 : i32
    %scan3A_29 = arith.constant 7 : i32
    %scan3A_30 = arith.addi %scan3A_28, %scan3A_29 : i32
    %scan3A_31 = arith.constant 1 : i32
    %scan3A_32 = scf.for %scan3A_49 = %scan3A_28 to %scan3A_30 step %scan3A_31 iter_args(%scan3A_50 = %scan3A_27) -> (i32)  : i32 {
      %mul3A_51 = arith.constant 56 : i32
      %mul3A_52 = arith.muli %scan3A_49, %mul3A_51 : i32
      %add3A_53 = arith.addi %mul3A_26, %mul3A_52 : i32
      "tpu.region"() ({
        %run_scoped3A = tpu.sem_alloc : memref<!tpu.dma_semaphore, #tpu.memory_space<semaphore_mem>>
        %dma_start3A_1033 = arith.constant 0 : i32
        %dma_start3A_1034 = tpu.memref_slice %arg2[%add3A_53, %dma_start3A_1033] : memref<25088x128xi32, #tpu.memory_space<hbm>> -> memref<56x128xi32, #tpu.memory_space<hbm>>
        %dma_start3A_1035 = arith.constant 0 : i32
        %dma_start3A_1036 = tpu.memref_slice %arg2[%add3A_53, %dma_start3A_1035] : memref<25088x128xi32, #tpu.memory_space<hbm>> -> memref<56x128xi32, #tpu.memory_space<hbm>>
        tpu.enqueue_dma source(%dma_start3A_1036 : memref<56x128xi32, #tpu.memory_space<hbm>>) target(%arg6 : memref<56x128xi32, #tpu.memory_space<vmem>>) target_semaphore(%run_scoped3A : memref<!tpu.dma_semaphore, #tpu.memory_space<semaphore_mem>>)
        %dma_wait3A_1037 = arith.constant 0 : i32
        %dma_wait3A_1038 = tpu.memref_slice %arg2[%add3A_53, %dma_wait3A_1037] : memref<25088x128xi32, #tpu.memory_space<hbm>> -> memref<56x128xi32, #tpu.memory_space<hbm>>
        %dma_wait3A_1039 = arith.constant 0 : i32
        %dma_wait3A_1040 = tpu.memref_slice %arg2[%add3A_53, %dma_wait3A_1039] : memref<25088x128xi32, #tpu.memory_space<hbm>> -> memref<56x128xi32, #tpu.memory_space<hbm>>
        tpu.wait_dma2 semaphore(%run_scoped3A : memref<!tpu.dma_semaphore, #tpu.memory_space<semaphore_mem>>) src(%dma_wait3A_1040 : memref<56x128xi32, #tpu.memory_space<hbm>>) dst(%arg6 : memref<56x128xi32, #tpu.memory_space<vmem>>)
        tpu.yield
      }) : () -> ()
      %add3A_54 = arith.constant 12544 : i32
      %add3A_55 = arith.addi %add3A_54, %add3A_53 : i32
      "tpu.region"() ({
        %run_scoped3A = tpu.sem_alloc : memref<!tpu.dma_semaphore, #tpu.memory_space<semaphore_mem>>
        %dma_start3A_1033 = arith.constant 0 : i32
        %dma_start3A_1034 = tpu.memref_slice %arg2[%add3A_55, %dma_start3A_1033] : memref<25088x128xi32, #tpu.memory_space<hbm>> -> memref<56x128xi32, #tpu.memory_space<hbm>>
        %dma_start3A_1035 = arith.constant 0 : i32
        %dma_start3A_1036 = tpu.memref_slice %arg2[%add3A_55, %dma_start3A_1035] : memref<25088x128xi32, #tpu.memory_space<hbm>> -> memref<56x128xi32, #tpu.memory_space<hbm>>
        tpu.enqueue_dma source(%dma_start3A_1036 : memref<56x128xi32, #tpu.memory_space<hbm>>) target(%arg7 : memref<56x128xi32, #tpu.memory_space<vmem>>) target_semaphore(%run_scoped3A : memref<!tpu.dma_semaphore, #tpu.memory_space<semaphore_mem>>)
        %dma_wait3A_1037 = arith.constant 0 : i32
        %dma_wait3A_1038 = tpu.memref_slice %arg2[%add3A_55, %dma_wait3A_1037] : memref<25088x128xi32, #tpu.memory_space<hbm>> -> memref<56x128xi32, #tpu.memory_space<hbm>>
        %dma_wait3A_1039 = arith.constant 0 : i32
        %dma_wait3A_1040 = tpu.memref_slice %arg2[%add3A_55, %dma_wait3A_1039] : memref<25088x128xi32, #tpu.memory_space<hbm>> -> memref<56x128xi32, #tpu.memory_space<hbm>>
        tpu.wait_dma2 semaphore(%run_scoped3A : memref<!tpu.dma_semaphore, #tpu.memory_space<semaphore_mem>>) src(%dma_wait3A_1040 : memref<56x128xi32, #tpu.memory_space<hbm>>) dst(%arg7 : memref<56x128xi32, #tpu.memory_space<vmem>>)
        tpu.yield
      }) : () -> ()
      %scan3A_56 = arith.constant 0 : i32
      %scan3A_57 = arith.constant 0 : i32
      %scan3A_58 = arith.constant 56 : i32
      %scan3A_59 = arith.addi %scan3A_57, %scan3A_58 : i32
      %scan3A_60 = arith.constant 1 : i32
      %scan3A_61 = scf.for %scan3A_1033 = %scan3A_57 to %scan3A_59 step %scan3A_60 iter_args(%scan3A_1034 = %scan3A_56) -> (i32)  : i32 {
        %mul3A_1035 = arith.constant 128 : i32
        %mul3A_1036 = arith.muli %scan3A_1033, %mul3A_1035 : i32
        %dma_start3A_1037 = tpu.memref_slice %arg8[%mul3A_1036] : memref<7168xi32, #tpu.memory_space<vmem>> -> memref<128xi32, #tpu.memory_space<vmem>>
        %dma_start3A_1038 = arith.constant 0 : i32
        %dma_start3A_1039 = tpu.memref_slice %arg6[%scan3A_1033, %dma_start3A_1038] : memref<56x128xi32, #tpu.memory_space<vmem>> -> memref<1x128xi32, #tpu.memory_space<vmem>>
        %dma_start3A_1040 = tpu.memref_squeeze %dma_start3A_1039 : memref<1x128xi32, #tpu.memory_space<vmem>> -> memref<128xi32, #tpu.memory_space<vmem>>
        %dma_start3A_1041 = arith.constant 0 : i32
        %dma_start3A_1042 = tpu.memref_slice %arg11[%dma_start3A_1041] : memref<100096xi32, #tpu.memory_space<vmem_shared>> -> memref<100096xi32, #tpu.memory_space<vmem_shared>>
        tpu.enqueue_indirect_dma source(%dma_start3A_1042 : memref<100096xi32, #tpu.memory_space<vmem_shared>>) target(%dma_start3A_1037 : memref<128xi32, #tpu.memory_space<vmem>>) offsets(%dma_start3A_1040 : memref<128xi32, #tpu.memory_space<vmem>>) semaphore(%arg14 : memref<!tpu.dma_semaphore, #tpu.memory_space<semaphore_mem>>)
        %scan3A_1043 = arith.constant 0 : i32
        scf.yield %scan3A_1043 : i32
      }
      %scan3A_62 = arith.constant 56 : i32
      %dma_wait3A = arith.constant 0 : i32
      %dma_wait3A_63 = tpu.memref_slice %arg4[%dma_wait3A] : memref<200192xf32, #tpu.memory_space<hbm>> -> memref<7168xf32, #tpu.memory_space<hbm>>
      %dma_wait3A_64 = arith.constant 0 : i32
      %dma_wait3A_65 = tpu.memref_slice %arg4[%dma_wait3A_64] : memref<200192xf32, #tpu.memory_space<hbm>> -> memref<7168xf32, #tpu.memory_space<hbm>>
      tpu.wait_dma2 semaphore(%arg14 : memref<!tpu.dma_semaphore, #tpu.memory_space<semaphore_mem>>) src(%dma_wait3A_65 : memref<7168xf32, #tpu.memory_space<hbm>>) dst(%arg8 : memref<7168xi32, #tpu.memory_space<vmem>>)
      %broadcast_in_dim3A_66 = arith.constant -65536 : i32
      %broadcast_in_dim3A_67 = vector.broadcast %broadcast_in_dim3A_66 : i32 to vector<16xi32>
      %scan3A_68 = arith.constant 0 : i32
      %scan3A_69 = arith.constant 0 : i32
      %scan3A_70 = arith.constant 16 : i32
      %scan3A_71 = arith.addi %scan3A_69, %scan3A_70 : i32
      %scan3A_72 = arith.constant 1 : i32
      %scan3A_73 = scf.for %scan3A_1033 = %scan3A_69 to %scan3A_71 step %scan3A_72 iter_args(%scan3A_1034 = %scan3A_68) -> (i32)  : i32 {
        %mul3A_1035 = arith.constant 64 : i32
        %mul3A_1036 = arith.muli %scan3A_1033, %mul3A_1035 : i32
        %add3A_1037 = arith.constant 0 : i32
        %add3A_1038 = arith.addi %add3A_1037, %mul3A_1036 : i32
        %add3A_1039 = arith.constant 0 : i32
        %add3A_1040 = arith.addi %add3A_1038, %add3A_1039 : i32
        %get3A = arith.index_cast %add3A_1040 : i32 to index
        %get3A_1041 = tpu.vector_load %arg8[%get3A] {strides = array<i32>} : memref<7168xi32, #tpu.memory_space<vmem>>, vector<16xi32>,
        %shift_left3A = arith.constant 16 : i32
        %shift_left3A_1042 = vector.broadcast %shift_left3A : i32 to vector<16xi32>
        %shift_left3A_1043 = arith.shli %get3A_1041, %shift_left3A_1042 : vector<16xi32>
        %bitcast3A = vector.bitcast %shift_left3A_1043 : vector<16xi32> to vector<16xf32>
        %add3A_1044 = arith.constant 0 : i32
        %add3A_1045 = arith.addi %add3A_1038, %add3A_1044 : i32
        %swap3A = arith.index_cast %add3A_1045 : i32 to index
        %swap3A_1046 = tpu.vector_load %arg9[%swap3A] {strides = array<i32>} : memref<7168xf32, #tpu.memory_space<vmem>>, vector<16xf32>,
        %swap3A_1047 = vector.shape_cast %swap3A_1046 : vector<16xf32> to vector<16xf32>
        %swap3A_1048 = vector.shape_cast %bitcast3A : vector<16xf32> to vector<16xf32>
        tpu.vector_store %arg9[%swap3A], %swap3A_1048 {strides = array<i32>} : memref<7168xf32, #tpu.memory_space<vmem>>, vector<16xf32>,
        %and3A = arith.andi %get3A_1041, %broadcast_in_dim3A_67 : vector<16xi32>
        %bitcast3A_1049 = vector.bitcast %and3A : vector<16xi32> to vector<16xf32>
        %add3A_1050 = arith.constant 0 : i32
        %add3A_1051 = arith.addi %add3A_1038, %add3A_1050 : i32
        %swap3A_1052 = arith.index_cast %add3A_1051 : i32 to index
        %swap3A_1053 = tpu.vector_load %arg10[%swap3A_1052] {strides = array<i32>} : memref<7168xf32, #tpu.memory_space<vmem>>, vector<16xf32>,
        %swap3A_1054 = vector.shape_cast %swap3A_1053 : vector<16xf32> to vector<16xf32>
        %swap3A_1055 = vector.shape_cast %bitcast3A_1049 : vector<16xf32> to vector<16xf32>
        tpu.vector_store %arg10[%swap3A_1052], %swap3A_1055 {strides = array<i32>} : memref<7168xf32, #tpu.memory_space<vmem>>, vector<16xf32>,
        %add3A_1056 = arith.constant 16 : i32
        %add3A_1057 = arith.addi %add3A_1038, %add3A_1056 : i32
        %get3A_1058 = arith.index_cast %add3A_1057 : i32 to index
        %get3A_1059 = tpu.vector_load %arg8[%get3A_1058] {strides = array<i32>} : memref<7168xi32, #tpu.memory_space<vmem>>, vector<16xi32>,
        %shift_left3A_1060 = arith.constant 16 : i32
        %shift_left3A_1061 = vector.broadcast %shift_left3A_1060 : i32 to vector<16xi32>
        %shift_left3A_1062 = arith.shli %get3A_1059, %shift_left3A_1061 : vector<16xi32>
        %bitcast3A_1063 = vector.bitcast %shift_left3A_1062 : vector<16xi32> to vector<16xf32>
        %add3A_1064 = arith.constant 16 : i32
        %add3A_1065 = arith.addi %add3A_1038, %add3A_1064 : i32
        %swap3A_1066 = arith.index_cast %add3A_1065 : i32 to index
        %swap3A_1067 = tpu.vector_load %arg9[%swap3A_1066] {strides = array<i32>} : memref<7168xf32, #tpu.memory_space<vmem>>, vector<16xf32>,
        %swap3A_1068 = vector.shape_cast %swap3A_1067 : vector<16xf32> to vector<16xf32>
        %swap3A_1069 = vector.shape_cast %bitcast3A_1063 : vector<16xf32> to vector<16xf32>
        tpu.vector_store %arg9[%swap3A_1066], %swap3A_1069 {strides = array<i32>} : memref<7168xf32, #tpu.memory_space<vmem>>, vector<16xf32>,
        %and3A_1070 = arith.andi %get3A_1059, %broadcast_in_dim3A_67 : vector<16xi32>
        %bitcast3A_1071 = vector.bitcast %and3A_1070 : vector<16xi32> to vector<16xf32>
        %add3A_1072 = arith.constant 16 : i32
        %add3A_1073 = arith.addi %add3A_1038, %add3A_1072 : i32
        %swap3A_1074 = arith.index_cast %add3A_1073 : i32 to index
        %swap3A_1075 = tpu.vector_load %arg10[%swap3A_1074] {strides = array<i32>} : memref<7168xf32, #tpu.memory_space<vmem>>, vector<16xf32>,
        %swap3A_1076 = vector.shape_cast %swap3A_1075 : vector<16xf32> to vector<16xf32>
        %swap3A_1077 = vector.shape_cast %bitcast3A_1071 : vector<16xf32> to vector<16xf32>
        tpu.vector_store %arg10[%swap3A_1074], %swap3A_1077 {strides = array<i32>} : memref<7168xf32, #tpu.memory_space<vmem>>, vector<16xf32>,
        %add3A_1078 = arith.constant 32 : i32
        %add3A_1079 = arith.addi %add3A_1038, %add3A_1078 : i32
        %get3A_1080 = arith.index_cast %add3A_1079 : i32 to index
        %get3A_1081 = tpu.vector_load %arg8[%get3A_1080] {strides = array<i32>} : memref<7168xi32, #tpu.memory_space<vmem>>, vector<16xi32>,
        %shift_left3A_1082 = arith.constant 16 : i32
        %shift_left3A_1083 = vector.broadcast %shift_left3A_1082 : i32 to vector<16xi32>
        %shift_left3A_1084 = arith.shli %get3A_1081, %shift_left3A_1083 : vector<16xi32>
        %bitcast3A_1085 = vector.bitcast %shift_left3A_1084 : vector<16xi32> to vector<16xf32>
        %add3A_1086 = arith.constant 32 : i32
        %add3A_1087 = arith.addi %add3A_1038, %add3A_1086 : i32
        %swap3A_1088 = arith.index_cast %add3A_1087 : i32 to index
        %swap3A_1089 = tpu.vector_load %arg9[%swap3A_1088] {strides = array<i32>} : memref<7168xf32, #tpu.memory_space<vmem>>, vector<16xf32>,
        %swap3A_1090 = vector.shape_cast %swap3A_1089 : vector<16xf32> to vector<16xf32>
        %swap3A_1091 = vector.shape_cast %bitcast3A_1085 : vector<16xf32> to vector<16xf32>
        tpu.vector_store %arg9[%swap3A_1088], %swap3A_1091 {strides = array<i32>} : memref<7168xf32, #tpu.memory_space<vmem>>, vector<16xf32>,
        %and3A_1092 = arith.andi %get3A_1081, %broadcast_in_dim3A_67 : vector<16xi32>
        %bitcast3A_1093 = vector.bitcast %and3A_1092 : vector<16xi32> to vector<16xf32>
        %add3A_1094 = arith.constant 32 : i32
        %add3A_1095 = arith.addi %add3A_1038, %add3A_1094 : i32
        %swap3A_1096 = arith.index_cast %add3A_1095 : i32 to index
        %swap3A_1097 = tpu.vector_load %arg10[%swap3A_1096] {strides = array<i32>} : memref<7168xf32, #tpu.memory_space<vmem>>, vector<16xf32>,
        %swap3A_1098 = vector.shape_cast %swap3A_1097 : vector<16xf32> to vector<16xf32>
        %swap3A_1099 = vector.shape_cast %bitcast3A_1093 : vector<16xf32> to vector<16xf32>
        tpu.vector_store %arg10[%swap3A_1096], %swap3A_1099 {strides = array<i32>} : memref<7168xf32, #tpu.memory_space<vmem>>, vector<16xf32>,
        %add3A_1100 = arith.constant 48 : i32
        %add3A_1101 = arith.addi %add3A_1038, %add3A_1100 : i32
        %get3A_1102 = arith.index_cast %add3A_1101 : i32 to index
        %get3A_1103 = tpu.vector_load %arg8[%get3A_1102] {strides = array<i32>} : memref<7168xi32, #tpu.memory_space<vmem>>, vector<16xi32>,
        %shift_left3A_1104 = arith.constant 16 : i32
        %shift_left3A_1105 = vector.broadcast %shift_left3A_1104 : i32 to vector<16xi32>
        %shift_left3A_1106 = arith.shli %get3A_1103, %shift_left3A_1105 : vector<16xi32>
        %bitcast3A_1107 = vector.bitcast %shift_left3A_1106 : vector<16xi32> to vector<16xf32>
        %add3A_1108 = arith.constant 48 : i32
        %add3A_1109 = arith.addi %add3A_1038, %add3A_1108 : i32
        %swap3A_1110 = arith.index_cast %add3A_1109 : i32 to index
        %swap3A_1111 = tpu.vector_load %arg9[%swap3A_1110] {strides = array<i32>} : memref<7168xf32, #tpu.memory_space<vmem>>, vector<16xf32>,
        %swap3A_1112 = vector.shape_cast %swap3A_1111 : vector<16xf32> to vector<16xf32>
        %swap3A_1113 = vector.shape_cast %bitcast3A_1107 : vector<16xf32> to vector<16xf32>
        tpu.vector_store %arg9[%swap3A_1110], %swap3A_1113 {strides = array<i32>} : memref<7168xf32, #tpu.memory_space<vmem>>, vector<16xf32>,
        %and3A_1114 = arith.andi %get3A_1103, %broadcast_in_dim3A_67 : vector<16xi32>
        %bitcast3A_1115 = vector.bitcast %and3A_1114 : vector<16xi32> to vector<16xf32>
        %add3A_1116 = arith.constant 48 : i32
        %add3A_1117 = arith.addi %add3A_1038, %add3A_1116 : i32
        %swap3A_1118 = arith.index_cast %add3A_1117 : i32 to index
        %swap3A_1119 = tpu.vector_load %arg10[%swap3A_1118] {strides = array<i32>} : memref<7168xf32, #tpu.memory_space<vmem>>, vector<16xf32>,
        %swap3A_1120 = vector.shape_cast %swap3A_1119 : vector<16xf32> to vector<16xf32>
        %swap3A_1121 = vector.shape_cast %bitcast3A_1115 : vector<16xf32> to vector<16xf32>
        tpu.vector_store %arg10[%swap3A_1118], %swap3A_1121 {strides = array<i32>} : memref<7168xf32, #tpu.memory_space<vmem>>, vector<16xf32>,
        %scan3A_1122 = arith.constant 0 : i32
        scf.yield %scan3A_1122 : i32
      }
      %scan3A_74 = arith.constant 16 : i32
      %dma_start3A = arith.constant 0 : i32
      %dma_start3A_75 = arith.constant 0 : i32
      %dma_start3A_76 = tpu.memref_slice %arg9[%dma_start3A_75] : memref<7168xf32, #tpu.memory_space<vmem>> -> memref<128xf32, #tpu.memory_space<vmem>>
      %dma_start3A_77 = arith.constant 0 : i32
      %dma_start3A_78 = tpu.memref_slice %arg7[%dma_start3A, %dma_start3A_77] : memref<56x128xi32, #tpu.memory_space<vmem>> -> memref<1x128xi32, #tpu.memory_space<vmem>>
      %dma_start3A_79 = tpu.memref_squeeze %dma_start3A_78 : memref<1x128xi32, #tpu.memory_space<vmem>> -> memref<128xi32, #tpu.memory_space<vmem>>
      %dma_start3A_80 = arith.constant 0 : i32
      %dma_start3A_81 = tpu.memref_slice %arg12[%dma_start3A_80] : memref<100096xf32, #tpu.memory_space<vmem_shared>> -> memref<100096xf32, #tpu.memory_space<vmem_shared>>
      tpu.enqueue_indirect_dma source(%dma_start3A_76 : memref<128xf32, #tpu.memory_space<vmem>>) target(%dma_start3A_81 : memref<100096xf32, #tpu.memory_space<vmem_shared>>) offsets(%dma_start3A_79 : memref<128xi32, #tpu.memory_space<vmem>>) semaphore(%arg15 : memref<!tpu.dma_semaphore, #tpu.memory_space<semaphore_mem>>) {add = true}
      %dma_start3A_82 = arith.constant 0 : i32
      %dma_start3A_83 = arith.constant 0 : i32
      %dma_start3A_84 = tpu.memref_slice %arg10[%dma_start3A_83] : memref<7168xf32, #tpu.memory_space<vmem>> -> memref<128xf32, #tpu.memory_space<vmem>>
      %dma_start3A_85 = arith.constant 0 : i32
      %dma_start3A_86 = tpu.memref_slice %arg7[%dma_start3A_82, %dma_start3A_85] : memref<56x128xi32, #tpu.memory_space<vmem>> -> memref<1x128xi32, #tpu.memory_space<vmem>>
      %dma_start3A_87 = tpu.memref_squeeze %dma_start3A_86 : memref<1x128xi32, #tpu.memory_space<vmem>> -> memref<128xi32, #tpu.memory_space<vmem>>
      %dma_start3A_88 = arith.constant 0 : i32
      %dma_start3A_89 = tpu.memref_slice %arg13[%dma_start3A_88] : memref<100096xf32, #tpu.memory_space<vmem_shared>> -> memref<100096xf32, #tpu.memory_space<vmem_shared>>
      tpu.enqueue_indirect_dma source(%dma_start3A_84 : memref<128xf32, #tpu.memory_space<vmem>>) target(%dma_start3A_89 : memref<100096xf32, #tpu.memory_space<vmem_shared>>) offsets(%dma_start3A_87 : memref<128xi32, #tpu.memory_space<vmem>>) semaphore(%arg15 : memref<!tpu.dma_semaphore, #tpu.memory_space<semaphore_mem>>) {add = true}
      %dma_start3A_90 = arith.constant 1 : i32
      %dma_start3A_91 = arith.constant 128 : i32
      %dma_start3A_92 = tpu.memref_slice %arg9[%dma_start3A_91] : memref<7168xf32, #tpu.memory_space<vmem>> -> memref<128xf32, #tpu.memory_space<vmem>>
      %dma_start3A_93 = arith.constant 0 : i32
      %dma_start3A_94 = tpu.memref_slice %arg7[%dma_start3A_90, %dma_start3A_93] : memref<56x128xi32, #tpu.memory_space<vmem>> -> memref<1x128xi32, #tpu.memory_space<vmem>>
      %dma_start3A_95 = tpu.memref_squeeze %dma_start3A_94 : memref<1x128xi32, #tpu.memory_space<vmem>> -> memref<128xi32, #tpu.memory_space<vmem>>
      %dma_start3A_96 = arith.constant 0 : i32
      %dma_start3A_97 = tpu.memref_slice %arg12[%dma_start3A_96] : memref<100096xf32, #tpu.memory_space<vmem_shared>> -> memref<100096xf32, #tpu.memory_space<vmem_shared>>
      tpu.enqueue_indirect_dma source(%dma_start3A_92 : memref<128xf32, #tpu.memory_space<vmem>>) target(%dma_start3A_97 : memref<100096xf32, #tpu.memory_space<vmem_shared>>) offsets(%dma_start3A_95 : memref<128xi32, #tpu.memory_space<vmem>>) semaphore(%arg15 : memref<!tpu.dma_semaphore, #tpu.memory_space<semaphore_mem>>) {add = true}
      %dma_start3A_98 = arith.constant 1 : i32
      %dma_start3A_99 = arith.constant 128 : i32
      %dma_start3A_100 = tpu.memref_slice %arg10[%dma_start3A_99] : memref<7168xf32, #tpu.memory_space<vmem>> -> memref<128xf32, #tpu.memory_space<vmem>>
      %dma_start3A_101 = arith.constant 0 : i32
      %dma_start3A_102 = tpu.memref_slice %arg7[%dma_start3A_98, %dma_start3A_101] : memref<56x128xi32, #tpu.memory_space<vmem>> -> memref<1x128xi32, #tpu.memory_space<vmem>>
      %dma_start3A_103 = tpu.memref_squeeze %dma_start3A_102 : memref<1x128xi32, #tpu.memory_space<vmem>> -> memref<128xi32, #tpu.memory_space<vmem>>
      %dma_start3A_104 = arith.constant 0 : i32
      %dma_start3A_105 = tpu.memref_slice %arg13[%dma_start3A_104] : memref<100096xf32, #tpu.memory_space<vmem_shared>> -> memref<100096xf32, #tpu.memory_space<vmem_shared>>
      tpu.enqueue_indirect_dma source(%dma_start3A_100 : memref<128xf32, #tpu.memory_space<vmem>>) target(%dma_start3A_105 : memref<100096xf32, #tpu.memory_space<vmem_shared>>) offsets(%dma_start3A_103 : memref<128xi32, #tpu.memory_space<vmem>>) semaphore(%arg15 : memref<!tpu.dma_semaphore, #tpu.memory_space<semaphore_mem>>) {add = true}
      %dma_start3A_106 = arith.constant 2 : i32
      %dma_start3A_107 = arith.constant 256 : i32
      %dma_start3A_108 = tpu.memref_slice %arg9[%dma_start3A_107] : memref<7168xf32, #tpu.memory_space<vmem>> -> memref<128xf32, #tpu.memory_space<vmem>>
      %dma_start3A_109 = arith.constant 0 : i32
      %dma_start3A_110 = tpu.memref_slice %arg7[%dma_start3A_106, %dma_start3A_109] : memref<56x128xi32, #tpu.memory_space<vmem>> -> memref<1x128xi32, #tpu.memory_space<vmem>>
      %dma_start3A_111 = tpu.memref_squeeze %dma_start3A_110 : memref<1x128xi32, #tpu.memory_space<vmem>> -> memref<128xi32, #tpu.memory_space<vmem>>
      %dma_start3A_112 = arith.constant 0 : i32
      %dma_start3A_113 = tpu.memref_slice %arg12[%dma_start3A_112] : memref<100096xf32, #tpu.memory_space<vmem_shared>> -> memref<100096xf32, #tpu.memory_space<vmem_shared>>
      tpu.enqueue_indirect_dma source(%dma_start3A_108 : memref<128xf32, #tpu.memory_space<vmem>>) target(%dma_start3A_113 : memref<100096xf32, #tpu.memory_space<vmem_shared>>) offsets(%dma_start3A_111 : memref<128xi32, #tpu.memory_space<vmem>>) semaphore(%arg15 : memref<!tpu.dma_semaphore, #tpu.memory_space<semaphore_mem>>) {add = true}
      %dma_start3A_114 = arith.constant 2 : i32
      %dma_start3A_115 = arith.constant 256 : i32
      %dma_start3A_116 = tpu.memref_slice %arg10[%dma_start3A_115] : memref<7168xf32, #tpu.memory_space<vmem>> -> memref<128xf32, #tpu.memory_space<vmem>>
      %dma_start3A_117 = arith.constant 0 : i32
      %dma_start3A_118 = tpu.memref_slice %arg7[%dma_start3A_114, %dma_start3A_117] : memref<56x128xi32, #tpu.memory_space<vmem>> -> memref<1x128xi32, #tpu.memory_space<vmem>>
      %dma_start3A_119 = tpu.memref_squeeze %dma_start3A_118 : memref<1x128xi32, #tpu.memory_space<vmem>> -> memref<128xi32, #tpu.memory_space<vmem>>
      %dma_start3A_120 = arith.constant 0 : i32
      %dma_start3A_121 = tpu.memref_slice %arg13[%dma_start3A_120] : memref<100096xf32, #tpu.memory_space<vmem_shared>> -> memref<100096xf32, #tpu.memory_space<vmem_shared>>
      tpu.enqueue_indirect_dma source(%dma_start3A_116 : memref<128xf32, #tpu.memory_space<vmem>>) target(%dma_start3A_121 : memref<100096xf32, #tpu.memory_space<vmem_shared>>) offsets(%dma_start3A_119 : memref<128xi32, #tpu.memory_space<vmem>>) semaphore(%arg15 : memref<!tpu.dma_semaphore, #tpu.memory_space<semaphore_mem>>) {add = true}
      %dma_start3A_122 = arith.constant 3 : i32
      %dma_start3A_123 = arith.constant 384 : i32
      %dma_start3A_124 = tpu.memref_slice %arg9[%dma_start3A_123] : memref<7168xf32, #tpu.memory_space<vmem>> -> memref<128xf32, #tpu.memory_space<vmem>>
      %dma_start3A_125 = arith.constant 0 : i32
      %dma_start3A_126 = tpu.memref_slice %arg7[%dma_start3A_122, %dma_start3A_125] : memref<56x128xi32, #tpu.memory_space<vmem>> -> memref<1x128xi32, #tpu.memory_space<vmem>>
      %dma_start3A_127 = tpu.memref_squeeze %dma_start3A_126 : memref<1x128xi32, #tpu.memory_space<vmem>> -> memref<128xi32, #tpu.memory_space<vmem>>
      %dma_start3A_128 = arith.constant 0 : i32
      %dma_start3A_129 = tpu.memref_slice %arg12[%dma_start3A_128] : memref<100096xf32, #tpu.memory_space<vmem_shared>> -> memref<100096xf32, #tpu.memory_space<vmem_shared>>
      tpu.enqueue_indirect_dma source(%dma_start3A_124 : memref<128xf32, #tpu.memory_space<vmem>>) target(%dma_start3A_129 : memref<100096xf32, #tpu.memory_space<vmem_shared>>) offsets(%dma_start3A_127 : memref<128xi32, #tpu.memory_space<vmem>>) semaphore(%arg15 : memref<!tpu.dma_semaphore, #tpu.memory_space<semaphore_mem>>) {add = true}
      %dma_start3A_130 = arith.constant 3 : i32
      %dma_start3A_131 = arith.constant 384 : i32
      %dma_start3A_132 = tpu.memref_slice %arg10[%dma_start3A_131] : memref<7168xf32, #tpu.memory_space<vmem>> -> memref<128xf32, #tpu.memory_space<vmem>>
      %dma_start3A_133 = arith.constant 0 : i32
      %dma_start3A_134 = tpu.memref_slice %arg7[%dma_start3A_130, %dma_start3A_133] : memref<56x128xi32, #tpu.memory_space<vmem>> -> memref<1x128xi32, #tpu.memory_space<vmem>>
      %dma_start3A_135 = tpu.memref_squeeze %dma_start3A_134 : memref<1x128xi32, #tpu.memory_space<vmem>> -> memref<128xi32, #tpu.memory_space<vmem>>
      %dma_start3A_136 = arith.constant 0 : i32
      %dma_start3A_137 = tpu.memref_slice %arg13[%dma_start3A_136] : memref<100096xf32, #tpu.memory_space<vmem_shared>> -> memref<100096xf32, #tpu.memory_space<vmem_shared>>
      tpu.enqueue_indirect_dma source(%dma_start3A_132 : memref<128xf32, #tpu.memory_space<vmem>>) target(%dma_start3A_137 : memref<100096xf32, #tpu.memory_space<vmem_shared>>) offsets(%dma_start3A_135 : memref<128xi32, #tpu.memory_space<vmem>>) semaphore(%arg15 : memref<!tpu.dma_semaphore, #tpu.memory_space<semaphore_mem>>) {add = true}
      %dma_start3A_138 = arith.constant 4 : i32
      %dma_start3A_139 = arith.constant 512 : i32
      %dma_start3A_140 = tpu.memref_slice %arg9[%dma_start3A_139] : memref<7168xf32, #tpu.memory_space<vmem>> -> memref<128xf32, #tpu.memory_space<vmem>>
      %dma_start3A_141 = arith.constant 0 : i32
      %dma_start3A_142 = tpu.memref_slice %arg7[%dma_start3A_138, %dma_start3A_141] : memref<56x128xi32, #tpu.memory_space<vmem>> -> memref<1x128xi32, #tpu.memory_space<vmem>>
      %dma_start3A_143 = tpu.memref_squeeze %dma_start3A_142 : memref<1x128xi32, #tpu.memory_space<vmem>> -> memref<128xi32, #tpu.memory_space<vmem>>
      %dma_start3A_144 = arith.constant 0 : i32
      %dma_start3A_145 = tpu.memref_slice %arg12[%dma_start3A_144] : memref<100096xf32, #tpu.memory_space<vmem_shared>> -> memref<100096xf32, #tpu.memory_space<vmem_shared>>
      tpu.enqueue_indirect_dma source(%dma_start3A_140 : memref<128xf32, #tpu.memory_space<vmem>>) target(%dma_start3A_145 : memref<100096xf32, #tpu.memory_space<vmem_shared>>) offsets(%dma_start3A_143 : memref<128xi32, #tpu.memory_space<vmem>>) semaphore(%arg15 : memref<!tpu.dma_semaphore, #tpu.memory_space<semaphore_mem>>) {add = true}
      %dma_start3A_146 = arith.constant 4 : i32
      %dma_start3A_147 = arith.constant 512 : i32
      %dma_start3A_148 = tpu.memref_slice %arg10[%dma_start3A_147] : memref<7168xf32, #tpu.memory_space<vmem>> -> memref<128xf32, #tpu.memory_space<vmem>>
      %dma_start3A_149 = arith.constant 0 : i32
      %dma_start3A_150 = tpu.memref_slice %arg7[%dma_start3A_146, %dma_start3A_149] : memref<56x128xi32, #tpu.memory_space<vmem>> -> memref<1x128xi32, #tpu.memory_space<vmem>>
      %dma_start3A_151 = tpu.memref_squeeze %dma_start3A_150 : memref<1x128xi32, #tpu.memory_space<vmem>> -> memref<128xi32, #tpu.memory_space<vmem>>
      %dma_start3A_152 = arith.constant 0 : i32
      %dma_start3A_153 = tpu.memref_slice %arg13[%dma_start3A_152] : memref<100096xf32, #tpu.memory_space<vmem_shared>> -> memref<100096xf32, #tpu.memory_space<vmem_shared>>
      tpu.enqueue_indirect_dma source(%dma_start3A_148 : memref<128xf32, #tpu.memory_space<vmem>>) target(%dma_start3A_153 : memref<100096xf32, #tpu.memory_space<vmem_shared>>) offsets(%dma_start3A_151 : memref<128xi32, #tpu.memory_space<vmem>>) semaphore(%arg15 : memref<!tpu.dma_semaphore, #tpu.memory_space<semaphore_mem>>) {add = true}
      %dma_start3A_154 = arith.constant 5 : i32
      %dma_start3A_155 = arith.constant 640 : i32
      %dma_start3A_156 = tpu.memref_slice %arg9[%dma_start3A_155] : memref<7168xf32, #tpu.memory_space<vmem>> -> memref<128xf32, #tpu.memory_space<vmem>>
      %dma_start3A_157 = arith.constant 0 : i32
      %dma_start3A_158 = tpu.memref_slice %arg7[%dma_start3A_154, %dma_start3A_157] : memref<56x128xi32, #tpu.memory_space<vmem>> -> memref<1x128xi32, #tpu.memory_space<vmem>>
      %dma_start3A_159 = tpu.memref_squeeze %dma_start3A_158 : memref<1x128xi32, #tpu.memory_space<vmem>> -> memref<128xi32, #tpu.memory_space<vmem>>
      %dma_start3A_160 = arith.constant 0 : i32
      %dma_start3A_161 = tpu.memref_slice %arg12[%dma_start3A_160] : memref<100096xf32, #tpu.memory_space<vmem_shared>> -> memref<100096xf32, #tpu.memory_space<vmem_shared>>
      tpu.enqueue_indirect_dma source(%dma_start3A_156 : memref<128xf32, #tpu.memory_space<vmem>>) target(%dma_start3A_161 : memref<100096xf32, #tpu.memory_space<vmem_shared>>) offsets(%dma_start3A_159 : memref<128xi32, #tpu.memory_space<vmem>>) semaphore(%arg15 : memref<!tpu.dma_semaphore, #tpu.memory_space<semaphore_mem>>) {add = true}
      %dma_start3A_162 = arith.constant 5 : i32
      %dma_start3A_163 = arith.constant 640 : i32
      %dma_start3A_164 = tpu.memref_slice %arg10[%dma_start3A_163] : memref<7168xf32, #tpu.memory_space<vmem>> -> memref<128xf32, #tpu.memory_space<vmem>>
      %dma_start3A_165 = arith.constant 0 : i32
      %dma_start3A_166 = tpu.memref_slice %arg7[%dma_start3A_162, %dma_start3A_165] : memref<56x128xi32, #tpu.memory_space<vmem>> -> memref<1x128xi32, #tpu.memory_space<vmem>>
      %dma_start3A_167 = tpu.memref_squeeze %dma_start3A_166 : memref<1x128xi32, #tpu.memory_space<vmem>> -> memref<128xi32, #tpu.memory_space<vmem>>
      %dma_start3A_168 = arith.constant 0 : i32
      %dma_start3A_169 = tpu.memref_slice %arg13[%dma_start3A_168] : memref<100096xf32, #tpu.memory_space<vmem_shared>> -> memref<100096xf32, #tpu.memory_space<vmem_shared>>
      tpu.enqueue_indirect_dma source(%dma_start3A_164 : memref<128xf32, #tpu.memory_space<vmem>>) target(%dma_start3A_169 : memref<100096xf32, #tpu.memory_space<vmem_shared>>) offsets(%dma_start3A_167 : memref<128xi32, #tpu.memory_space<vmem>>) semaphore(%arg15 : memref<!tpu.dma_semaphore, #tpu.memory_space<semaphore_mem>>) {add = true}
      %dma_start3A_170 = arith.constant 6 : i32
      %dma_start3A_171 = arith.constant 768 : i32
      %dma_start3A_172 = tpu.memref_slice %arg9[%dma_start3A_171] : memref<7168xf32, #tpu.memory_space<vmem>> -> memref<128xf32, #tpu.memory_space<vmem>>
      %dma_start3A_173 = arith.constant 0 : i32
      %dma_start3A_174 = tpu.memref_slice %arg7[%dma_start3A_170, %dma_start3A_173] : memref<56x128xi32, #tpu.memory_space<vmem>> -> memref<1x128xi32, #tpu.memory_space<vmem>>
      %dma_start3A_175 = tpu.memref_squeeze %dma_start3A_174 : memref<1x128xi32, #tpu.memory_space<vmem>> -> memref<128xi32, #tpu.memory_space<vmem>>
      %dma_start3A_176 = arith.constant 0 : i32
      %dma_start3A_177 = tpu.memref_slice %arg12[%dma_start3A_176] : memref<100096xf32, #tpu.memory_space<vmem_shared>> -> memref<100096xf32, #tpu.memory_space<vmem_shared>>
      tpu.enqueue_indirect_dma source(%dma_start3A_172 : memref<128xf32, #tpu.memory_space<vmem>>) target(%dma_start3A_177 : memref<100096xf32, #tpu.memory_space<vmem_shared>>) offsets(%dma_start3A_175 : memref<128xi32, #tpu.memory_space<vmem>>) semaphore(%arg15 : memref<!tpu.dma_semaphore, #tpu.memory_space<semaphore_mem>>) {add = true}
      %dma_start3A_178 = arith.constant 6 : i32
      %dma_start3A_179 = arith.constant 768 : i32
      %dma_start3A_180 = tpu.memref_slice %arg10[%dma_start3A_179] : memref<7168xf32, #tpu.memory_space<vmem>> -> memref<128xf32, #tpu.memory_space<vmem>>
      %dma_start3A_181 = arith.constant 0 : i32
      %dma_start3A_182 = tpu.memref_slice %arg7[%dma_start3A_178, %dma_start3A_181] : memref<56x128xi32, #tpu.memory_space<vmem>> -> memref<1x128xi32, #tpu.memory_space<vmem>>
      %dma_start3A_183 = tpu.memref_squeeze %dma_start3A_182 : memref<1x128xi32, #tpu.memory_space<vmem>> -> memref<128xi32, #tpu.memory_space<vmem>>
      %dma_start3A_184 = arith.constant 0 : i32
      %dma_start3A_185 = tpu.memref_slice %arg13[%dma_start3A_184] : memref<100096xf32, #tpu.memory_space<vmem_shared>> -> memref<100096xf32, #tpu.memory_space<vmem_shared>>
      tpu.enqueue_indirect_dma source(%dma_start3A_180 : memref<128xf32, #tpu.memory_space<vmem>>) target(%dma_start3A_185 : memref<100096xf32, #tpu.memory_space<vmem_shared>>) offsets(%dma_start3A_183 : memref<128xi32, #tpu.memory_space<vmem>>) semaphore(%arg15 : memref<!tpu.dma_semaphore, #tpu.memory_space<semaphore_mem>>) {add = true}
      %dma_start3A_186 = arith.constant 7 : i32
      %dma_start3A_187 = arith.constant 896 : i32
      %dma_start3A_188 = tpu.memref_slice %arg9[%dma_start3A_187] : memref<7168xf32, #tpu.memory_space<vmem>> -> memref<128xf32, #tpu.memory_space<vmem>>
      %dma_start3A_189 = arith.constant 0 : i32
      %dma_start3A_190 = tpu.memref_slice %arg7[%dma_start3A_186, %dma_start3A_189] : memref<56x128xi32, #tpu.memory_space<vmem>> -> memref<1x128xi32, #tpu.memory_space<vmem>>
      %dma_start3A_191 = tpu.memref_squeeze %dma_start3A_190 : memref<1x128xi32, #tpu.memory_space<vmem>> -> memref<128xi32, #tpu.memory_space<vmem>>
      %dma_start3A_192 = arith.constant 0 : i32
      %dma_start3A_193 = tpu.memref_slice %arg12[%dma_start3A_192] : memref<100096xf32, #tpu.memory_space<vmem_shared>> -> memref<100096xf32, #tpu.memory_space<vmem_shared>>
      tpu.enqueue_indirect_dma source(%dma_start3A_188 : memref<128xf32, #tpu.memory_space<vmem>>) target(%dma_start3A_193 : memref<100096xf32, #tpu.memory_space<vmem_shared>>) offsets(%dma_start3A_191 : memref<128xi32, #tpu.memory_space<vmem>>) semaphore(%arg15 : memref<!tpu.dma_semaphore, #tpu.memory_space<semaphore_mem>>) {add = true}
      %dma_start3A_194 = arith.constant 7 : i32
      %dma_start3A_195 = arith.constant 896 : i32
      %dma_start3A_196 = tpu.memref_slice %arg10[%dma_start3A_195] : memref<7168xf32, #tpu.memory_space<vmem>> -> memref<128xf32, #tpu.memory_space<vmem>>
      %dma_start3A_197 = arith.constant 0 : i32
      %dma_start3A_198 = tpu.memref_slice %arg7[%dma_start3A_194, %dma_start3A_197] : memref<56x128xi32, #tpu.memory_space<vmem>> -> memref<1x128xi32, #tpu.memory_space<vmem>>
      %dma_start3A_199 = tpu.memref_squeeze %dma_start3A_198 : memref<1x128xi32, #tpu.memory_space<vmem>> -> memref<128xi32, #tpu.memory_space<vmem>>
      %dma_start3A_200 = arith.constant 0 : i32
      %dma_start3A_201 = tpu.memref_slice %arg13[%dma_start3A_200] : memref<100096xf32, #tpu.memory_space<vmem_shared>> -> memref<100096xf32, #tpu.memory_space<vmem_shared>>
      tpu.enqueue_indirect_dma source(%dma_start3A_196 : memref<128xf32, #tpu.memory_space<vmem>>) target(%dma_start3A_201 : memref<100096xf32, #tpu.memory_space<vmem_shared>>) offsets(%dma_start3A_199 : memref<128xi32, #tpu.memory_space<vmem>>) semaphore(%arg15 : memref<!tpu.dma_semaphore, #tpu.memory_space<semaphore_mem>>) {add = true}
      %broadcast_in_dim3A_202 = arith.constant -65536 : i32
      %broadcast_in_dim3A_203 = vector.broadcast %broadcast_in_dim3A_202 : i32 to vector<16xi32>
      %scan3A_204 = arith.constant 0 : i32
      %scan3A_205 = arith.constant 0 : i32
      %scan3A_206 = arith.constant 16 : i32
      %scan3A_207 = arith.addi %scan3A_205, %scan3A_206 : i32
      %scan3A_208 = arith.constant 1 : i32
      %scan3A_209 = scf.for %scan3A_1033 = %scan3A_205 to %scan3A_207 step %scan3A_208 iter_args(%scan3A_1034 = %scan3A_204) -> (i32)  : i32 {
        %mul3A_1035 = arith.constant 64 : i32
        %mul3A_1036 = arith.muli %scan3A_1033, %mul3A_1035 : i32
        %add3A_1037 = arith.constant 1024 : i32
        %add3A_1038 = arith.addi %add3A_1037, %mul3A_1036 : i32
        %add3A_1039 = arith.constant 0 : i32
        %add3A_1040 = arith.addi %add3A_1038, %add3A_1039 : i32
        %get3A = arith.index_cast %add3A_1040 : i32 to index
        %get3A_1041 = tpu.vector_load %arg8[%get3A] {strides = array<i32>} : memref<7168xi32, #tpu.memory_space<vmem>>, vector<16xi32>,
        %shift_left3A = arith.constant 16 : i32
        %shift_left3A_1042 = vector.broadcast %shift_left3A : i32 to vector<16xi32>
        %shift_left3A_1043 = arith.shli %get3A_1041, %shift_left3A_1042 : vector<16xi32>
        %bitcast3A = vector.bitcast %shift_left3A_1043 : vector<16xi32> to vector<16xf32>
        %add3A_1044 = arith.constant 0 : i32
        %add3A_1045 = arith.addi %add3A_1038, %add3A_1044 : i32
        %swap3A = arith.index_cast %add3A_1045 : i32 to index
        %swap3A_1046 = tpu.vector_load %arg9[%swap3A] {strides = array<i32>} : memref<7168xf32, #tpu.memory_space<vmem>>, vector<16xf32>,
        %swap3A_1047 = vector.shape_cast %swap3A_1046 : vector<16xf32> to vector<16xf32>
        %swap3A_1048 = vector.shape_cast %bitcast3A : vector<16xf32> to vector<16xf32>
        tpu.vector_store %arg9[%swap3A], %swap3A_1048 {strides = array<i32>} : memref<7168xf32, #tpu.memory_space<vmem>>, vector<16xf32>,
        %and3A = arith.andi %get3A_1041, %broadcast_in_dim3A_203 : vector<16xi32>
        %bitcast3A_1049 = vector.bitcast %and3A : vector<16xi32> to vector<16xf32>
        %add3A_1050 = arith.constant 0 : i32
        %add3A_1051 = arith.addi %add3A_1038, %add3A_1050 : i32
        %swap3A_1052 = arith.index_cast %add3A_1051 : i32 to index
        %swap3A_1053 = tpu.vector_load %arg10[%swap3A_1052] {strides = array<i32>} : memref<7168xf32, #tpu.memory_space<vmem>>, vector<16xf32>,
        %swap3A_1054 = vector.shape_cast %swap3A_1053 : vector<16xf32> to vector<16xf32>
        %swap3A_1055 = vector.shape_cast %bitcast3A_1049 : vector<16xf32> to vector<16xf32>
        tpu.vector_store %arg10[%swap3A_1052], %swap3A_1055 {strides = array<i32>} : memref<7168xf32, #tpu.memory_space<vmem>>, vector<16xf32>,
        %add3A_1056 = arith.constant 16 : i32
        %add3A_1057 = arith.addi %add3A_1038, %add3A_1056 : i32
        %get3A_1058 = arith.index_cast %add3A_1057 : i32 to index
        %get3A_1059 = tpu.vector_load %arg8[%get3A_1058] {strides = array<i32>} : memref<7168xi32, #tpu.memory_space<vmem>>, vector<16xi32>,
        %shift_left3A_1060 = arith.constant 16 : i32
        %shift_left3A_1061 = vector.broadcast %shift_left3A_1060 : i32 to vector<16xi32>
        %shift_left3A_1062 = arith.shli %get3A_1059, %shift_left3A_1061 : vector<16xi32>
        %bitcast3A_1063 = vector.bitcast %shift_left3A_1062 : vector<16xi32> to vector<16xf32>
        %add3A_1064 = arith.constant 16 : i32
        %add3A_1065 = arith.addi %add3A_1038, %add3A_1064 : i32
        %swap3A_1066 = arith.index_cast %add3A_1065 : i32 to index
        %swap3A_1067 = tpu.vector_load %arg9[%swap3A_1066] {strides = array<i32>} : memref<7168xf32, #tpu.memory_space<vmem>>, vector<16xf32>,
        %swap3A_1068 = vector.shape_cast %swap3A_1067 : vector<16xf32> to vector<16xf32>
        %swap3A_1069 = vector.shape_cast %bitcast3A_1063 : vector<16xf32> to vector<16xf32>
        tpu.vector_store %arg9[%swap3A_1066], %swap3A_1069 {strides = array<i32>} : memref<7168xf32, #tpu.memory_space<vmem>>, vector<16xf32>,
        %and3A_1070 = arith.andi %get3A_1059, %broadcast_in_dim3A_203 : vector<16xi32>
        %bitcast3A_1071 = vector.bitcast %and3A_1070 : vector<16xi32> to vector<16xf32>
        %add3A_1072 = arith.constant 16 : i32
        %add3A_1073 = arith.addi %add3A_1038, %add3A_1072 : i32
        %swap3A_1074 = arith.index_cast %add3A_1073 : i32 to index
        %swap3A_1075 = tpu.vector_load %arg10[%swap3A_1074] {strides = array<i32>} : memref<7168xf32, #tpu.memory_space<vmem>>, vector<16xf32>,
        %swap3A_1076 = vector.shape_cast %swap3A_1075 : vector<16xf32> to vector<16xf32>
        %swap3A_1077 = vector.shape_cast %bitcast3A_1071 : vector<16xf32> to vector<16xf32>
        tpu.vector_store %arg10[%swap3A_1074], %swap3A_1077 {strides = array<i32>} : memref<7168xf32, #tpu.memory_space<vmem>>, vector<16xf32>,
        %add3A_1078 = arith.constant 32 : i32
        %add3A_1079 = arith.addi %add3A_1038, %add3A_1078 : i32
        %get3A_1080 = arith.index_cast %add3A_1079 : i32 to index
        %get3A_1081 = tpu.vector_load %arg8[%get3A_1080] {strides = array<i32>} : memref<7168xi32, #tpu.memory_space<vmem>>, vector<16xi32>,
        %shift_left3A_1082 = arith.constant 16 : i32
        %shift_left3A_1083 = vector.broadcast %shift_left3A_1082 : i32 to vector<16xi32>
        %shift_left3A_1084 = arith.shli %get3A_1081, %shift_left3A_1083 : vector<16xi32>
        %bitcast3A_1085 = vector.bitcast %shift_left3A_1084 : vector<16xi32> to vector<16xf32>
        %add3A_1086 = arith.constant 32 : i32
        %add3A_1087 = arith.addi %add3A_1038, %add3A_1086 : i32
        %swap3A_1088 = arith.index_cast %add3A_1087 : i32 to index
        %swap3A_1089 = tpu.vector_load %arg9[%swap3A_1088] {strides = array<i32>} : memref<7168xf32, #tpu.memory_space<vmem>>, vector<16xf32>,
        %swap3A_1090 = vector.shape_cast %swap3A_1089 : vector<16xf32> to vector<16xf32>
        %swap3A_1091 = vector.shape_cast %bitcast3A_1085 : vector<16xf32> to vector<16xf32>
        tpu.vector_store %arg9[%swap3A_1088], %swap3A_1091 {strides = array<i32>} : memref<7168xf32, #tpu.memory_space<vmem>>, vector<16xf32>,
        %and3A_1092 = arith.andi %get3A_1081, %broadcast_in_dim3A_203 : vector<16xi32>
        %bitcast3A_1093 = vector.bitcast %and3A_1092 : vector<16xi32> to vector<16xf32>
        %add3A_1094 = arith.constant 32 : i32
        %add3A_1095 = arith.addi %add3A_1038, %add3A_1094 : i32
        %swap3A_1096 = arith.index_cast %add3A_1095 : i32 to index
        %swap3A_1097 = tpu.vector_load %arg10[%swap3A_1096] {strides = array<i32>} : memref<7168xf32, #tpu.memory_space<vmem>>, vector<16xf32>,
        %swap3A_1098 = vector.shape_cast %swap3A_1097 : vector<16xf32> to vector<16xf32>
        %swap3A_1099 = vector.shape_cast %bitcast3A_1093 : vector<16xf32> to vector<16xf32>
        tpu.vector_store %arg10[%swap3A_1096], %swap3A_1099 {strides = array<i32>} : memref<7168xf32, #tpu.memory_space<vmem>>, vector<16xf32>,
        %add3A_1100 = arith.constant 48 : i32
        %add3A_1101 = arith.addi %add3A_1038, %add3A_1100 : i32
        %get3A_1102 = arith.index_cast %add3A_1101 : i32 to index
        %get3A_1103 = tpu.vector_load %arg8[%get3A_1102] {strides = array<i32>} : memref<7168xi32, #tpu.memory_space<vmem>>, vector<16xi32>,
        %shift_left3A_1104 = arith.constant 16 : i32
        %shift_left3A_1105 = vector.broadcast %shift_left3A_1104 : i32 to vector<16xi32>
        %shift_left3A_1106 = arith.shli %get3A_1103, %shift_left3A_1105 : vector<16xi32>
        %bitcast3A_1107 = vector.bitcast %shift_left3A_1106 : vector<16xi32> to vector<16xf32>
        %add3A_1108 = arith.constant 48 : i32
        %add3A_1109 = arith.addi %add3A_1038, %add3A_1108 : i32
        %swap3A_1110 = arith.index_cast %add3A_1109 : i32 to index
        %swap3A_1111 = tpu.vector_load %arg9[%swap3A_1110] {strides = array<i32>} : memref<7168xf32, #tpu.memory_space<vmem>>, vector<16xf32>,
        %swap3A_1112 = vector.shape_cast %swap3A_1111 : vector<16xf32> to vector<16xf32>
        %swap3A_1113 = vector.shape_cast %bitcast3A_1107 : vector<16xf32> to vector<16xf32>
        tpu.vector_store %arg9[%swap3A_1110], %swap3A_1113 {strides = array<i32>} : memref<7168xf32, #tpu.memory_space<vmem>>, vector<16xf32>,
        %and3A_1114 = arith.andi %get3A_1103, %broadcast_in_dim3A_203 : vector<16xi32>
        %bitcast3A_1115 = vector.bitcast %and3A_1114 : vector<16xi32> to vector<16xf32>
        %add3A_1116 = arith.constant 48 : i32
        %add3A_1117 = arith.addi %add3A_1038, %add3A_1116 : i32
        %swap3A_1118 = arith.index_cast %add3A_1117 : i32 to index
        %swap3A_1119 = tpu.vector_load %arg10[%swap3A_1118] {strides = array<i32>} : memref<7168xf32, #tpu.memory_space<vmem>>, vector<16xf32>,
        %swap3A_1120 = vector.shape_cast %swap3A_1119 : vector<16xf32> to vector<16xf32>
        %swap3A_1121 = vector.shape_cast %bitcast3A_1115 : vector<16xf32> to vector<16xf32>
        tpu.vector_store %arg10[%swap3A_1118], %swap3A_1121 {strides = array<i32>} : memref<7168xf32, #tpu.memory_space<vmem>>, vector<16xf32>,
        %scan3A_1122 = arith.constant 0 : i32
        scf.yield %scan3A_1122 : i32
      }
      %scan3A_210 = arith.constant 16 : i32
      %dma_start3A_211 = arith.constant 8 : i32
      %dma_start3A_212 = arith.constant 1024 : i32
      %dma_start3A_213 = tpu.memref_slice %arg9[%dma_start3A_212] : memref<7168xf32, #tpu.memory_space<vmem>> -> memref<128xf32, #tpu.memory_space<vmem>>
      %dma_start3A_214 = arith.constant 0 : i32
      %dma_start3A_215 = tpu.memref_slice %arg7[%dma_start3A_211, %dma_start3A_214] : memref<56x128xi32, #tpu.memory_space<vmem>> -> memref<1x128xi32, #tpu.memory_space<vmem>>
      %dma_start3A_216 = tpu.memref_squeeze %dma_start3A_215 : memref<1x128xi32, #tpu.memory_space<vmem>> -> memref<128xi32, #tpu.memory_space<vmem>>
      %dma_start3A_217 = arith.constant 0 : i32
      %dma_start3A_218 = tpu.memref_slice %arg12[%dma_start3A_217] : memref<100096xf32, #tpu.memory_space<vmem_shared>> -> memref<100096xf32, #tpu.memory_space<vmem_shared>>
      tpu.enqueue_indirect_dma source(%dma_start3A_213 : memref<128xf32, #tpu.memory_space<vmem>>) target(%dma_start3A_218 : memref<100096xf32, #tpu.memory_space<vmem_shared>>) offsets(%dma_start3A_216 : memref<128xi32, #tpu.memory_space<vmem>>) semaphore(%arg15 : memref<!tpu.dma_semaphore, #tpu.memory_space<semaphore_mem>>) {add = true}
      %dma_start3A_219 = arith.constant 8 : i32
      %dma_start3A_220 = arith.constant 1024 : i32
      %dma_start3A_221 = tpu.memref_slice %arg10[%dma_start3A_220] : memref<7168xf32, #tpu.memory_space<vmem>> -> memref<128xf32, #tpu.memory_space<vmem>>
      %dma_start3A_222 = arith.constant 0 : i32
      %dma_start3A_223 = tpu.memref_slice %arg7[%dma_start3A_219, %dma_start3A_222] : memref<56x128xi32, #tpu.memory_space<vmem>> -> memref<1x128xi32, #tpu.memory_space<vmem>>
      %dma_start3A_224 = tpu.memref_squeeze %dma_start3A_223 : memref<1x128xi32, #tpu.memory_space<vmem>> -> memref<128xi32, #tpu.memory_space<vmem>>
      %dma_start3A_225 = arith.constant 0 : i32
      %dma_start3A_226 = tpu.memref_slice %arg13[%dma_start3A_225] : memref<100096xf32, #tpu.memory_space<vmem_shared>> -> memref<100096xf32, #tpu.memory_space<vmem_shared>>
      tpu.enqueue_indirect_dma source(%dma_start3A_221 : memref<128xf32, #tpu.memory_space<vmem>>) target(%dma_start3A_226 : memref<100096xf32, #tpu.memory_space<vmem_shared>>) offsets(%dma_start3A_224 : memref<128xi32, #tpu.memory_space<vmem>>) semaphore(%arg15 : memref<!tpu.dma_semaphore, #tpu.memory_space<semaphore_mem>>) {add = true}
      %dma_start3A_227 = arith.constant 9 : i32
      %dma_start3A_228 = arith.constant 1152 : i32
      %dma_start3A_229 = tpu.memref_slice %arg9[%dma_start3A_228] : memref<7168xf32, #tpu.memory_space<vmem>> -> memref<128xf32, #tpu.memory_space<vmem>>
      %dma_start3A_230 = arith.constant 0 : i32
      %dma_start3A_231 = tpu.memref_slice %arg7[%dma_start3A_227, %dma_start3A_230] : memref<56x128xi32, #tpu.memory_space<vmem>> -> memref<1x128xi32, #tpu.memory_space<vmem>>
      %dma_start3A_232 = tpu.memref_squeeze %dma_start3A_231 : memref<1x128xi32, #tpu.memory_space<vmem>> -> memref<128xi32, #tpu.memory_space<vmem>>
      %dma_start3A_233 = arith.constant 0 : i32
      %dma_start3A_234 = tpu.memref_slice %arg12[%dma_start3A_233] : memref<100096xf32, #tpu.memory_space<vmem_shared>> -> memref<100096xf32, #tpu.memory_space<vmem_shared>>
      tpu.enqueue_indirect_dma source(%dma_start3A_229 : memref<128xf32, #tpu.memory_space<vmem>>) target(%dma_start3A_234 : memref<100096xf32, #tpu.memory_space<vmem_shared>>) offsets(%dma_start3A_232 : memref<128xi32, #tpu.memory_space<vmem>>) semaphore(%arg15 : memref<!tpu.dma_semaphore, #tpu.memory_space<semaphore_mem>>) {add = true}
      %dma_start3A_235 = arith.constant 9 : i32
      %dma_start3A_236 = arith.constant 1152 : i32
      %dma_start3A_237 = tpu.memref_slice %arg10[%dma_start3A_236] : memref<7168xf32, #tpu.memory_space<vmem>> -> memref<128xf32, #tpu.memory_space<vmem>>
      %dma_start3A_238 = arith.constant 0 : i32
      %dma_start3A_239 = tpu.memref_slice %arg7[%dma_start3A_235, %dma_start3A_238] : memref<56x128xi32, #tpu.memory_space<vmem>> -> memref<1x128xi32, #tpu.memory_space<vmem>>
      %dma_start3A_240 = tpu.memref_squeeze %dma_start3A_239 : memref<1x128xi32, #tpu.memory_space<vmem>> -> memref<128xi32, #tpu.memory_space<vmem>>
      %dma_start3A_241 = arith.constant 0 : i32
      %dma_start3A_242 = tpu.memref_slice %arg13[%dma_start3A_241] : memref<100096xf32, #tpu.memory_space<vmem_shared>> -> memref<100096xf32, #tpu.memory_space<vmem_shared>>
      tpu.enqueue_indirect_dma source(%dma_start3A_237 : memref<128xf32, #tpu.memory_space<vmem>>) target(%dma_start3A_242 : memref<100096xf32, #tpu.memory_space<vmem_shared>>) offsets(%dma_start3A_240 : memref<128xi32, #tpu.memory_space<vmem>>) semaphore(%arg15 : memref<!tpu.dma_semaphore, #tpu.memory_space<semaphore_mem>>) {add = true}
      %dma_start3A_243 = arith.constant 10 : i32
      %dma_start3A_244 = arith.constant 1280 : i32
      %dma_start3A_245 = tpu.memref_slice %arg9[%dma_start3A_244] : memref<7168xf32, #tpu.memory_space<vmem>> -> memref<128xf32, #tpu.memory_space<vmem>>
      %dma_start3A_246 = arith.constant 0 : i32
      %dma_start3A_247 = tpu.memref_slice %arg7[%dma_start3A_243, %dma_start3A_246] : memref<56x128xi32, #tpu.memory_space<vmem>> -> memref<1x128xi32, #tpu.memory_space<vmem>>
      %dma_start3A_248 = tpu.memref_squeeze %dma_start3A_247 : memref<1x128xi32, #tpu.memory_space<vmem>> -> memref<128xi32, #tpu.memory_space<vmem>>
      %dma_start3A_249 = arith.constant 0 : i32
      %dma_start3A_250 = tpu.memref_slice %arg12[%dma_start3A_249] : memref<100096xf32, #tpu.memory_space<vmem_shared>> -> memref<100096xf32, #tpu.memory_space<vmem_shared>>
      tpu.enqueue_indirect_dma source(%dma_start3A_245 : memref<128xf32, #tpu.memory_space<vmem>>) target(%dma_start3A_250 : memref<100096xf32, #tpu.memory_space<vmem_shared>>) offsets(%dma_start3A_248 : memref<128xi32, #tpu.memory_space<vmem>>) semaphore(%arg15 : memref<!tpu.dma_semaphore, #tpu.memory_space<semaphore_mem>>) {add = true}
      %dma_start3A_251 = arith.constant 10 : i32
      %dma_start3A_252 = arith.constant 1280 : i32
      %dma_start3A_253 = tpu.memref_slice %arg10[%dma_start3A_252] : memref<7168xf32, #tpu.memory_space<vmem>> -> memref<128xf32, #tpu.memory_space<vmem>>
      %dma_start3A_254 = arith.constant 0 : i32
      %dma_start3A_255 = tpu.memref_slice %arg7[%dma_start3A_251, %dma_start3A_254] : memref<56x128xi32, #tpu.memory_space<vmem>> -> memref<1x128xi32, #tpu.memory_space<vmem>>
      %dma_start3A_256 = tpu.memref_squeeze %dma_start3A_255 : memref<1x128xi32, #tpu.memory_space<vmem>> -> memref<128xi32, #tpu.memory_space<vmem>>
      %dma_start3A_257 = arith.constant 0 : i32
      %dma_start3A_258 = tpu.memref_slice %arg13[%dma_start3A_257] : memref<100096xf32, #tpu.memory_space<vmem_shared>> -> memref<100096xf32, #tpu.memory_space<vmem_shared>>
      tpu.enqueue_indirect_dma source(%dma_start3A_253 : memref<128xf32, #tpu.memory_space<vmem>>) target(%dma_start3A_258 : memref<100096xf32, #tpu.memory_space<vmem_shared>>) offsets(%dma_start3A_256 : memref<128xi32, #tpu.memory_space<vmem>>) semaphore(%arg15 : memref<!tpu.dma_semaphore, #tpu.memory_space<semaphore_mem>>) {add = true}
      %dma_start3A_259 = arith.constant 11 : i32
      %dma_start3A_260 = arith.constant 1408 : i32
      %dma_start3A_261 = tpu.memref_slice %arg9[%dma_start3A_260] : memref<7168xf32, #tpu.memory_space<vmem>> -> memref<128xf32, #tpu.memory_space<vmem>>
      %dma_start3A_262 = arith.constant 0 : i32
      %dma_start3A_263 = tpu.memref_slice %arg7[%dma_start3A_259, %dma_start3A_262] : memref<56x128xi32, #tpu.memory_space<vmem>> -> memref<1x128xi32, #tpu.memory_space<vmem>>
      %dma_start3A_264 = tpu.memref_squeeze %dma_start3A_263 : memref<1x128xi32, #tpu.memory_space<vmem>> -> memref<128xi32, #tpu.memory_space<vmem>>
      %dma_start3A_265 = arith.constant 0 : i32
      %dma_start3A_266 = tpu.memref_slice %arg12[%dma_start3A_265] : memref<100096xf32, #tpu.memory_space<vmem_shared>> -> memref<100096xf32, #tpu.memory_space<vmem_shared>>
      tpu.enqueue_indirect_dma source(%dma_start3A_261 : memref<128xf32, #tpu.memory_space<vmem>>) target(%dma_start3A_266 : memref<100096xf32, #tpu.memory_space<vmem_shared>>) offsets(%dma_start3A_264 : memref<128xi32, #tpu.memory_space<vmem>>) semaphore(%arg15 : memref<!tpu.dma_semaphore, #tpu.memory_space<semaphore_mem>>) {add = true}
      %dma_start3A_267 = arith.constant 11 : i32
      %dma_start3A_268 = arith.constant 1408 : i32
      %dma_start3A_269 = tpu.memref_slice %arg10[%dma_start3A_268] : memref<7168xf32, #tpu.memory_space<vmem>> -> memref<128xf32, #tpu.memory_space<vmem>>
      %dma_start3A_270 = arith.constant 0 : i32
      %dma_start3A_271 = tpu.memref_slice %arg7[%dma_start3A_267, %dma_start3A_270] : memref<56x128xi32, #tpu.memory_space<vmem>> -> memref<1x128xi32, #tpu.memory_space<vmem>>
      %dma_start3A_272 = tpu.memref_squeeze %dma_start3A_271 : memref<1x128xi32, #tpu.memory_space<vmem>> -> memref<128xi32, #tpu.memory_space<vmem>>
      %dma_start3A_273 = arith.constant 0 : i32
      %dma_start3A_274 = tpu.memref_slice %arg13[%dma_start3A_273] : memref<100096xf32, #tpu.memory_space<vmem_shared>> -> memref<100096xf32, #tpu.memory_space<vmem_shared>>
      tpu.enqueue_indirect_dma source(%dma_start3A_269 : memref<128xf32, #tpu.memory_space<vmem>>) target(%dma_start3A_274 : memref<100096xf32, #tpu.memory_space<vmem_shared>>) offsets(%dma_start3A_272 : memref<128xi32, #tpu.memory_space<vmem>>) semaphore(%arg15 : memref<!tpu.dma_semaphore, #tpu.memory_space<semaphore_mem>>) {add = true}
      %dma_start3A_275 = arith.constant 12 : i32
      %dma_start3A_276 = arith.constant 1536 : i32
      %dma_start3A_277 = tpu.memref_slice %arg9[%dma_start3A_276] : memref<7168xf32, #tpu.memory_space<vmem>> -> memref<128xf32, #tpu.memory_space<vmem>>
      %dma_start3A_278 = arith.constant 0 : i32
      %dma_start3A_279 = tpu.memref_slice %arg7[%dma_start3A_275, %dma_start3A_278] : memref<56x128xi32, #tpu.memory_space<vmem>> -> memref<1x128xi32, #tpu.memory_space<vmem>>
      %dma_start3A_280 = tpu.memref_squeeze %dma_start3A_279 : memref<1x128xi32, #tpu.memory_space<vmem>> -> memref<128xi32, #tpu.memory_space<vmem>>
      %dma_start3A_281 = arith.constant 0 : i32
      %dma_start3A_282 = tpu.memref_slice %arg12[%dma_start3A_281] : memref<100096xf32, #tpu.memory_space<vmem_shared>> -> memref<100096xf32, #tpu.memory_space<vmem_shared>>
      tpu.enqueue_indirect_dma source(%dma_start3A_277 : memref<128xf32, #tpu.memory_space<vmem>>) target(%dma_start3A_282 : memref<100096xf32, #tpu.memory_space<vmem_shared>>) offsets(%dma_start3A_280 : memref<128xi32, #tpu.memory_space<vmem>>) semaphore(%arg15 : memref<!tpu.dma_semaphore, #tpu.memory_space<semaphore_mem>>) {add = true}
      %dma_start3A_283 = arith.constant 12 : i32
      %dma_start3A_284 = arith.constant 1536 : i32
      %dma_start3A_285 = tpu.memref_slice %arg10[%dma_start3A_284] : memref<7168xf32, #tpu.memory_space<vmem>> -> memref<128xf32, #tpu.memory_space<vmem>>
      %dma_start3A_286 = arith.constant 0 : i32
      %dma_start3A_287 = tpu.memref_slice %arg7[%dma_start3A_283, %dma_start3A_286] : memref<56x128xi32, #tpu.memory_space<vmem>> -> memref<1x128xi32, #tpu.memory_space<vmem>>
      %dma_start3A_288 = tpu.memref_squeeze %dma_start3A_287 : memref<1x128xi32, #tpu.memory_space<vmem>> -> memref<128xi32, #tpu.memory_space<vmem>>
      %dma_start3A_289 = arith.constant 0 : i32
      %dma_start3A_290 = tpu.memref_slice %arg13[%dma_start3A_289] : memref<100096xf32, #tpu.memory_space<vmem_shared>> -> memref<100096xf32, #tpu.memory_space<vmem_shared>>
      tpu.enqueue_indirect_dma source(%dma_start3A_285 : memref<128xf32, #tpu.memory_space<vmem>>) target(%dma_start3A_290 : memref<100096xf32, #tpu.memory_space<vmem_shared>>) offsets(%dma_start3A_288 : memref<128xi32, #tpu.memory_space<vmem>>) semaphore(%arg15 : memref<!tpu.dma_semaphore, #tpu.memory_space<semaphore_mem>>) {add = true}
      %dma_start3A_291 = arith.constant 13 : i32
      %dma_start3A_292 = arith.constant 1664 : i32
      %dma_start3A_293 = tpu.memref_slice %arg9[%dma_start3A_292] : memref<7168xf32, #tpu.memory_space<vmem>> -> memref<128xf32, #tpu.memory_space<vmem>>
      %dma_start3A_294 = arith.constant 0 : i32
      %dma_start3A_295 = tpu.memref_slice %arg7[%dma_start3A_291, %dma_start3A_294] : memref<56x128xi32, #tpu.memory_space<vmem>> -> memref<1x128xi32, #tpu.memory_space<vmem>>
      %dma_start3A_296 = tpu.memref_squeeze %dma_start3A_295 : memref<1x128xi32, #tpu.memory_space<vmem>> -> memref<128xi32, #tpu.memory_space<vmem>>
      %dma_start3A_297 = arith.constant 0 : i32
      %dma_start3A_298 = tpu.memref_slice %arg12[%dma_start3A_297] : memref<100096xf32, #tpu.memory_space<vmem_shared>> -> memref<100096xf32, #tpu.memory_space<vmem_shared>>
      tpu.enqueue_indirect_dma source(%dma_start3A_293 : memref<128xf32, #tpu.memory_space<vmem>>) target(%dma_start3A_298 : memref<100096xf32, #tpu.memory_space<vmem_shared>>) offsets(%dma_start3A_296 : memref<128xi32, #tpu.memory_space<vmem>>) semaphore(%arg15 : memref<!tpu.dma_semaphore, #tpu.memory_space<semaphore_mem>>) {add = true}
      %dma_start3A_299 = arith.constant 13 : i32
      %dma_start3A_300 = arith.constant 1664 : i32
      %dma_start3A_301 = tpu.memref_slice %arg10[%dma_start3A_300] : memref<7168xf32, #tpu.memory_space<vmem>> -> memref<128xf32, #tpu.memory_space<vmem>>
      %dma_start3A_302 = arith.constant 0 : i32
      %dma_start3A_303 = tpu.memref_slice %arg7[%dma_start3A_299, %dma_start3A_302] : memref<56x128xi32, #tpu.memory_space<vmem>> -> memref<1x128xi32, #tpu.memory_space<vmem>>
      %dma_start3A_304 = tpu.memref_squeeze %dma_start3A_303 : memref<1x128xi32, #tpu.memory_space<vmem>> -> memref<128xi32, #tpu.memory_space<vmem>>
      %dma_start3A_305 = arith.constant 0 : i32
      %dma_start3A_306 = tpu.memref_slice %arg13[%dma_start3A_305] : memref<100096xf32, #tpu.memory_space<vmem_shared>> -> memref<100096xf32, #tpu.memory_space<vmem_shared>>
      tpu.enqueue_indirect_dma source(%dma_start3A_301 : memref<128xf32, #tpu.memory_space<vmem>>) target(%dma_start3A_306 : memref<100096xf32, #tpu.memory_space<vmem_shared>>) offsets(%dma_start3A_304 : memref<128xi32, #tpu.memory_space<vmem>>) semaphore(%arg15 : memref<!tpu.dma_semaphore, #tpu.memory_space<semaphore_mem>>) {add = true}
      %dma_start3A_307 = arith.constant 14 : i32
      %dma_start3A_308 = arith.constant 1792 : i32
      %dma_start3A_309 = tpu.memref_slice %arg9[%dma_start3A_308] : memref<7168xf32, #tpu.memory_space<vmem>> -> memref<128xf32, #tpu.memory_space<vmem>>
      %dma_start3A_310 = arith.constant 0 : i32
      %dma_start3A_311 = tpu.memref_slice %arg7[%dma_start3A_307, %dma_start3A_310] : memref<56x128xi32, #tpu.memory_space<vmem>> -> memref<1x128xi32, #tpu.memory_space<vmem>>
      %dma_start3A_312 = tpu.memref_squeeze %dma_start3A_311 : memref<1x128xi32, #tpu.memory_space<vmem>> -> memref<128xi32, #tpu.memory_space<vmem>>
      %dma_start3A_313 = arith.constant 0 : i32
      %dma_start3A_314 = tpu.memref_slice %arg12[%dma_start3A_313] : memref<100096xf32, #tpu.memory_space<vmem_shared>> -> memref<100096xf32, #tpu.memory_space<vmem_shared>>
      tpu.enqueue_indirect_dma source(%dma_start3A_309 : memref<128xf32, #tpu.memory_space<vmem>>) target(%dma_start3A_314 : memref<100096xf32, #tpu.memory_space<vmem_shared>>) offsets(%dma_start3A_312 : memref<128xi32, #tpu.memory_space<vmem>>) semaphore(%arg15 : memref<!tpu.dma_semaphore, #tpu.memory_space<semaphore_mem>>) {add = true}
      %dma_start3A_315 = arith.constant 14 : i32
      %dma_start3A_316 = arith.constant 1792 : i32
      %dma_start3A_317 = tpu.memref_slice %arg10[%dma_start3A_316] : memref<7168xf32, #tpu.memory_space<vmem>> -> memref<128xf32, #tpu.memory_space<vmem>>
      %dma_start3A_318 = arith.constant 0 : i32
      %dma_start3A_319 = tpu.memref_slice %arg7[%dma_start3A_315, %dma_start3A_318] : memref<56x128xi32, #tpu.memory_space<vmem>> -> memref<1x128xi32, #tpu.memory_space<vmem>>
      %dma_start3A_320 = tpu.memref_squeeze %dma_start3A_319 : memref<1x128xi32, #tpu.memory_space<vmem>> -> memref<128xi32, #tpu.memory_space<vmem>>
      %dma_start3A_321 = arith.constant 0 : i32
      %dma_start3A_322 = tpu.memref_slice %arg13[%dma_start3A_321] : memref<100096xf32, #tpu.memory_space<vmem_shared>> -> memref<100096xf32, #tpu.memory_space<vmem_shared>>
      tpu.enqueue_indirect_dma source(%dma_start3A_317 : memref<128xf32, #tpu.memory_space<vmem>>) target(%dma_start3A_322 : memref<100096xf32, #tpu.memory_space<vmem_shared>>) offsets(%dma_start3A_320 : memref<128xi32, #tpu.memory_space<vmem>>) semaphore(%arg15 : memref<!tpu.dma_semaphore, #tpu.memory_space<semaphore_mem>>) {add = true}
      %dma_start3A_323 = arith.constant 15 : i32
      %dma_start3A_324 = arith.constant 1920 : i32
      %dma_start3A_325 = tpu.memref_slice %arg9[%dma_start3A_324] : memref<7168xf32, #tpu.memory_space<vmem>> -> memref<128xf32, #tpu.memory_space<vmem>>
      %dma_start3A_326 = arith.constant 0 : i32
      %dma_start3A_327 = tpu.memref_slice %arg7[%dma_start3A_323, %dma_start3A_326] : memref<56x128xi32, #tpu.memory_space<vmem>> -> memref<1x128xi32, #tpu.memory_space<vmem>>
      %dma_start3A_328 = tpu.memref_squeeze %dma_start3A_327 : memref<1x128xi32, #tpu.memory_space<vmem>> -> memref<128xi32, #tpu.memory_space<vmem>>
      %dma_start3A_329 = arith.constant 0 : i32
      %dma_start3A_330 = tpu.memref_slice %arg12[%dma_start3A_329] : memref<100096xf32, #tpu.memory_space<vmem_shared>> -> memref<100096xf32, #tpu.memory_space<vmem_shared>>
      tpu.enqueue_indirect_dma source(%dma_start3A_325 : memref<128xf32, #tpu.memory_space<vmem>>) target(%dma_start3A_330 : memref<100096xf32, #tpu.memory_space<vmem_shared>>) offsets(%dma_start3A_328 : memref<128xi32, #tpu.memory_space<vmem>>) semaphore(%arg15 : memref<!tpu.dma_semaphore, #tpu.memory_space<semaphore_mem>>) {add = true}
      %dma_start3A_331 = arith.constant 15 : i32
      %dma_start3A_332 = arith.constant 1920 : i32
      %dma_start3A_333 = tpu.memref_slice %arg10[%dma_start3A_332] : memref<7168xf32, #tpu.memory_space<vmem>> -> memref<128xf32, #tpu.memory_space<vmem>>
      %dma_start3A_334 = arith.constant 0 : i32
      %dma_start3A_335 = tpu.memref_slice %arg7[%dma_start3A_331, %dma_start3A_334] : memref<56x128xi32, #tpu.memory_space<vmem>> -> memref<1x128xi32, #tpu.memory_space<vmem>>
      %dma_start3A_336 = tpu.memref_squeeze %dma_start3A_335 : memref<1x128xi32, #tpu.memory_space<vmem>> -> memref<128xi32, #tpu.memory_space<vmem>>
      %dma_start3A_337 = arith.constant 0 : i32
      %dma_start3A_338 = tpu.memref_slice %arg13[%dma_start3A_337] : memref<100096xf32, #tpu.memory_space<vmem_shared>> -> memref<100096xf32, #tpu.memory_space<vmem_shared>>
      tpu.enqueue_indirect_dma source(%dma_start3A_333 : memref<128xf32, #tpu.memory_space<vmem>>) target(%dma_start3A_338 : memref<100096xf32, #tpu.memory_space<vmem_shared>>) offsets(%dma_start3A_336 : memref<128xi32, #tpu.memory_space<vmem>>) semaphore(%arg15 : memref<!tpu.dma_semaphore, #tpu.memory_space<semaphore_mem>>) {add = true}
      %broadcast_in_dim3A_339 = arith.constant -65536 : i32
      %broadcast_in_dim3A_340 = vector.broadcast %broadcast_in_dim3A_339 : i32 to vector<16xi32>
      %scan3A_341 = arith.constant 0 : i32
      %scan3A_342 = arith.constant 0 : i32
      %scan3A_343 = arith.constant 16 : i32
      %scan3A_344 = arith.addi %scan3A_342, %scan3A_343 : i32
      %scan3A_345 = arith.constant 1 : i32
      %scan3A_346 = scf.for %scan3A_1033 = %scan3A_342 to %scan3A_344 step %scan3A_345 iter_args(%scan3A_1034 = %scan3A_341) -> (i32)  : i32 {
        %mul3A_1035 = arith.constant 64 : i32
        %mul3A_1036 = arith.muli %scan3A_1033, %mul3A_1035 : i32
        %add3A_1037 = arith.constant 2048 : i32
        %add3A_1038 = arith.addi %add3A_1037, %mul3A_1036 : i32
        %add3A_1039 = arith.constant 0 : i32
        %add3A_1040 = arith.addi %add3A_1038, %add3A_1039 : i32
        %get3A = arith.index_cast %add3A_1040 : i32 to index
        %get3A_1041 = tpu.vector_load %arg8[%get3A] {strides = array<i32>} : memref<7168xi32, #tpu.memory_space<vmem>>, vector<16xi32>,
        %shift_left3A = arith.constant 16 : i32
        %shift_left3A_1042 = vector.broadcast %shift_left3A : i32 to vector<16xi32>
        %shift_left3A_1043 = arith.shli %get3A_1041, %shift_left3A_1042 : vector<16xi32>
        %bitcast3A = vector.bitcast %shift_left3A_1043 : vector<16xi32> to vector<16xf32>
        %add3A_1044 = arith.constant 0 : i32
        %add3A_1045 = arith.addi %add3A_1038, %add3A_1044 : i32
        %swap3A = arith.index_cast %add3A_1045 : i32 to index
        %swap3A_1046 = tpu.vector_load %arg9[%swap3A] {strides = array<i32>} : memref<7168xf32, #tpu.memory_space<vmem>>, vector<16xf32>,
        %swap3A_1047 = vector.shape_cast %swap3A_1046 : vector<16xf32> to vector<16xf32>
        %swap3A_1048 = vector.shape_cast %bitcast3A : vector<16xf32> to vector<16xf32>
        tpu.vector_store %arg9[%swap3A], %swap3A_1048 {strides = array<i32>} : memref<7168xf32, #tpu.memory_space<vmem>>, vector<16xf32>,
        %and3A = arith.andi %get3A_1041, %broadcast_in_dim3A_340 : vector<16xi32>
        %bitcast3A_1049 = vector.bitcast %and3A : vector<16xi32> to vector<16xf32>
        %add3A_1050 = arith.constant 0 : i32
        %add3A_1051 = arith.addi %add3A_1038, %add3A_1050 : i32
        %swap3A_1052 = arith.index_cast %add3A_1051 : i32 to index
        %swap3A_1053 = tpu.vector_load %arg10[%swap3A_1052] {strides = array<i32>} : memref<7168xf32, #tpu.memory_space<vmem>>, vector<16xf32>,
        %swap3A_1054 = vector.shape_cast %swap3A_1053 : vector<16xf32> to vector<16xf32>
        %swap3A_1055 = vector.shape_cast %bitcast3A_1049 : vector<16xf32> to vector<16xf32>
        tpu.vector_store %arg10[%swap3A_1052], %swap3A_1055 {strides = array<i32>} : memref<7168xf32, #tpu.memory_space<vmem>>, vector<16xf32>,
        %add3A_1056 = arith.constant 16 : i32
        %add3A_1057 = arith.addi %add3A_1038, %add3A_1056 : i32
        %get3A_1058 = arith.index_cast %add3A_1057 : i32 to index
        %get3A_1059 = tpu.vector_load %arg8[%get3A_1058] {strides = array<i32>} : memref<7168xi32, #tpu.memory_space<vmem>>, vector<16xi32>,
        %shift_left3A_1060 = arith.constant 16 : i32
        %shift_left3A_1061 = vector.broadcast %shift_left3A_1060 : i32 to vector<16xi32>
        %shift_left3A_1062 = arith.shli %get3A_1059, %shift_left3A_1061 : vector<16xi32>
        %bitcast3A_1063 = vector.bitcast %shift_left3A_1062 : vector<16xi32> to vector<16xf32>
        %add3A_1064 = arith.constant 16 : i32
        %add3A_1065 = arith.addi %add3A_1038, %add3A_1064 : i32
        %swap3A_1066 = arith.index_cast %add3A_1065 : i32 to index
        %swap3A_1067 = tpu.vector_load %arg9[%swap3A_1066] {strides = array<i32>} : memref<7168xf32, #tpu.memory_space<vmem>>, vector<16xf32>,
        %swap3A_1068 = vector.shape_cast %swap3A_1067 : vector<16xf32> to vector<16xf32>
        %swap3A_1069 = vector.shape_cast %bitcast3A_1063 : vector<16xf32> to vector<16xf32>
        tpu.vector_store %arg9[%swap3A_1066], %swap3A_1069 {strides = array<i32>} : memref<7168xf32, #tpu.memory_space<vmem>>, vector<16xf32>,
        %and3A_1070 = arith.andi %get3A_1059, %broadcast_in_dim3A_340 : vector<16xi32>
        %bitcast3A_1071 = vector.bitcast %and3A_1070 : vector<16xi32> to vector<16xf32>
        %add3A_1072 = arith.constant 16 : i32
        %add3A_1073 = arith.addi %add3A_1038, %add3A_1072 : i32
        %swap3A_1074 = arith.index_cast %add3A_1073 : i32 to index
        %swap3A_1075 = tpu.vector_load %arg10[%swap3A_1074] {strides = array<i32>} : memref<7168xf32, #tpu.memory_space<vmem>>, vector<16xf32>,
        %swap3A_1076 = vector.shape_cast %swap3A_1075 : vector<16xf32> to vector<16xf32>
        %swap3A_1077 = vector.shape_cast %bitcast3A_1071 : vector<16xf32> to vector<16xf32>
        tpu.vector_store %arg10[%swap3A_1074], %swap3A_1077 {strides = array<i32>} : memref<7168xf32, #tpu.memory_space<vmem>>, vector<16xf32>,
        %add3A_1078 = arith.constant 32 : i32
        %add3A_1079 = arith.addi %add3A_1038, %add3A_1078 : i32
        %get3A_1080 = arith.index_cast %add3A_1079 : i32 to index
        %get3A_1081 = tpu.vector_load %arg8[%get3A_1080] {strides = array<i32>} : memref<7168xi32, #tpu.memory_space<vmem>>, vector<16xi32>,
        %shift_left3A_1082 = arith.constant 16 : i32
        %shift_left3A_1083 = vector.broadcast %shift_left3A_1082 : i32 to vector<16xi32>
        %shift_left3A_1084 = arith.shli %get3A_1081, %shift_left3A_1083 : vector<16xi32>
        %bitcast3A_1085 = vector.bitcast %shift_left3A_1084 : vector<16xi32> to vector<16xf32>
        %add3A_1086 = arith.constant 32 : i32
        %add3A_1087 = arith.addi %add3A_1038, %add3A_1086 : i32
        %swap3A_1088 = arith.index_cast %add3A_1087 : i32 to index
        %swap3A_1089 = tpu.vector_load %arg9[%swap3A_1088] {strides = array<i32>} : memref<7168xf32, #tpu.memory_space<vmem>>, vector<16xf32>,
        %swap3A_1090 = vector.shape_cast %swap3A_1089 : vector<16xf32> to vector<16xf32>
        %swap3A_1091 = vector.shape_cast %bitcast3A_1085 : vector<16xf32> to vector<16xf32>
        tpu.vector_store %arg9[%swap3A_1088], %swap3A_1091 {strides = array<i32>} : memref<7168xf32, #tpu.memory_space<vmem>>, vector<16xf32>,
        %and3A_1092 = arith.andi %get3A_1081, %broadcast_in_dim3A_340 : vector<16xi32>
        %bitcast3A_1093 = vector.bitcast %and3A_1092 : vector<16xi32> to vector<16xf32>
        %add3A_1094 = arith.constant 32 : i32
        %add3A_1095 = arith.addi %add3A_1038, %add3A_1094 : i32
        %swap3A_1096 = arith.index_cast %add3A_1095 : i32 to index
        %swap3A_1097 = tpu.vector_load %arg10[%swap3A_1096] {strides = array<i32>} : memref<7168xf32, #tpu.memory_space<vmem>>, vector<16xf32>,
        %swap3A_1098 = vector.shape_cast %swap3A_1097 : vector<16xf32> to vector<16xf32>
        %swap3A_1099 = vector.shape_cast %bitcast3A_1093 : vector<16xf32> to vector<16xf32>
        tpu.vector_store %arg10[%swap3A_1096], %swap3A_1099 {strides = array<i32>} : memref<7168xf32, #tpu.memory_space<vmem>>, vector<16xf32>,
        %add3A_1100 = arith.constant 48 : i32
        %add3A_1101 = arith.addi %add3A_1038, %add3A_1100 : i32
        %get3A_1102 = arith.index_cast %add3A_1101 : i32 to index
        %get3A_1103 = tpu.vector_load %arg8[%get3A_1102] {strides = array<i32>} : memref<7168xi32, #tpu.memory_space<vmem>>, vector<16xi32>,
        %shift_left3A_1104 = arith.constant 16 : i32
        %shift_left3A_1105 = vector.broadcast %shift_left3A_1104 : i32 to vector<16xi32>
        %shift_left3A_1106 = arith.shli %get3A_1103, %shift_left3A_1105 : vector<16xi32>
        %bitcast3A_1107 = vector.bitcast %shift_left3A_1106 : vector<16xi32> to vector<16xf32>
        %add3A_1108 = arith.constant 48 : i32
        %add3A_1109 = arith.addi %add3A_1038, %add3A_1108 : i32
        %swap3A_1110 = arith.index_cast %add3A_1109 : i32 to index
        %swap3A_1111 = tpu.vector_load %arg9[%swap3A_1110] {strides = array<i32>} : memref<7168xf32, #tpu.memory_space<vmem>>, vector<16xf32>,
        %swap3A_1112 = vector.shape_cast %swap3A_1111 : vector<16xf32> to vector<16xf32>
        %swap3A_1113 = vector.shape_cast %bitcast3A_1107 : vector<16xf32> to vector<16xf32>
        tpu.vector_store %arg9[%swap3A_1110], %swap3A_1113 {strides = array<i32>} : memref<7168xf32, #tpu.memory_space<vmem>>, vector<16xf32>,
        %and3A_1114 = arith.andi %get3A_1103, %broadcast_in_dim3A_340 : vector<16xi32>
        %bitcast3A_1115 = vector.bitcast %and3A_1114 : vector<16xi32> to vector<16xf32>
        %add3A_1116 = arith.constant 48 : i32
        %add3A_1117 = arith.addi %add3A_1038, %add3A_1116 : i32
        %swap3A_1118 = arith.index_cast %add3A_1117 : i32 to index
        %swap3A_1119 = tpu.vector_load %arg10[%swap3A_1118] {strides = array<i32>} : memref<7168xf32, #tpu.memory_space<vmem>>, vector<16xf32>,
        %swap3A_1120 = vector.shape_cast %swap3A_1119 : vector<16xf32> to vector<16xf32>
        %swap3A_1121 = vector.shape_cast %bitcast3A_1115 : vector<16xf32> to vector<16xf32>
        tpu.vector_store %arg10[%swap3A_1118], %swap3A_1121 {strides = array<i32>} : memref<7168xf32, #tpu.memory_space<vmem>>, vector<16xf32>,
        %scan3A_1122 = arith.constant 0 : i32
        scf.yield %scan3A_1122 : i32
      }
      %scan3A_347 = arith.constant 16 : i32
      %dma_start3A_348 = arith.constant 16 : i32
      %dma_start3A_349 = arith.constant 2048 : i32
      %dma_start3A_350 = tpu.memref_slice %arg9[%dma_start3A_349] : memref<7168xf32, #tpu.memory_space<vmem>> -> memref<128xf32, #tpu.memory_space<vmem>>
      %dma_start3A_351 = arith.constant 0 : i32
      %dma_start3A_352 = tpu.memref_slice %arg7[%dma_start3A_348, %dma_start3A_351] : memref<56x128xi32, #tpu.memory_space<vmem>> -> memref<1x128xi32, #tpu.memory_space<vmem>>
      %dma_start3A_353 = tpu.memref_squeeze %dma_start3A_352 : memref<1x128xi32, #tpu.memory_space<vmem>> -> memref<128xi32, #tpu.memory_space<vmem>>
      %dma_start3A_354 = arith.constant 0 : i32
      %dma_start3A_355 = tpu.memref_slice %arg12[%dma_start3A_354] : memref<100096xf32, #tpu.memory_space<vmem_shared>> -> memref<100096xf32, #tpu.memory_space<vmem_shared>>
      tpu.enqueue_indirect_dma source(%dma_start3A_350 : memref<128xf32, #tpu.memory_space<vmem>>) target(%dma_start3A_355 : memref<100096xf32, #tpu.memory_space<vmem_shared>>) offsets(%dma_start3A_353 : memref<128xi32, #tpu.memory_space<vmem>>) semaphore(%arg15 : memref<!tpu.dma_semaphore, #tpu.memory_space<semaphore_mem>>) {add = true}
      %dma_start3A_356 = arith.constant 16 : i32
      %dma_start3A_357 = arith.constant 2048 : i32
      %dma_start3A_358 = tpu.memref_slice %arg10[%dma_start3A_357] : memref<7168xf32, #tpu.memory_space<vmem>> -> memref<128xf32, #tpu.memory_space<vmem>>
      %dma_start3A_359 = arith.constant 0 : i32
      %dma_start3A_360 = tpu.memref_slice %arg7[%dma_start3A_356, %dma_start3A_359] : memref<56x128xi32, #tpu.memory_space<vmem>> -> memref<1x128xi32, #tpu.memory_space<vmem>>
      %dma_start3A_361 = tpu.memref_squeeze %dma_start3A_360 : memref<1x128xi32, #tpu.memory_space<vmem>> -> memref<128xi32, #tpu.memory_space<vmem>>
      %dma_start3A_362 = arith.constant 0 : i32
      %dma_start3A_363 = tpu.memref_slice %arg13[%dma_start3A_362] : memref<100096xf32, #tpu.memory_space<vmem_shared>> -> memref<100096xf32, #tpu.memory_space<vmem_shared>>
      tpu.enqueue_indirect_dma source(%dma_start3A_358 : memref<128xf32, #tpu.memory_space<vmem>>) target(%dma_start3A_363 : memref<100096xf32, #tpu.memory_space<vmem_shared>>) offsets(%dma_start3A_361 : memref<128xi32, #tpu.memory_space<vmem>>) semaphore(%arg15 : memref<!tpu.dma_semaphore, #tpu.memory_space<semaphore_mem>>) {add = true}
      %dma_start3A_364 = arith.constant 17 : i32
      %dma_start3A_365 = arith.constant 2176 : i32
      %dma_start3A_366 = tpu.memref_slice %arg9[%dma_start3A_365] : memref<7168xf32, #tpu.memory_space<vmem>> -> memref<128xf32, #tpu.memory_space<vmem>>
      %dma_start3A_367 = arith.constant 0 : i32
      %dma_start3A_368 = tpu.memref_slice %arg7[%dma_start3A_364, %dma_start3A_367] : memref<56x128xi32, #tpu.memory_space<vmem>> -> memref<1x128xi32, #tpu.memory_space<vmem>>
      %dma_start3A_369 = tpu.memref_squeeze %dma_start3A_368 : memref<1x128xi32, #tpu.memory_space<vmem>> -> memref<128xi32, #tpu.memory_space<vmem>>
      %dma_start3A_370 = arith.constant 0 : i32
      %dma_start3A_371 = tpu.memref_slice %arg12[%dma_start3A_370] : memref<100096xf32, #tpu.memory_space<vmem_shared>> -> memref<100096xf32, #tpu.memory_space<vmem_shared>>
      tpu.enqueue_indirect_dma source(%dma_start3A_366 : memref<128xf32, #tpu.memory_space<vmem>>) target(%dma_start3A_371 : memref<100096xf32, #tpu.memory_space<vmem_shared>>) offsets(%dma_start3A_369 : memref<128xi32, #tpu.memory_space<vmem>>) semaphore(%arg15 : memref<!tpu.dma_semaphore, #tpu.memory_space<semaphore_mem>>) {add = true}
      %dma_start3A_372 = arith.constant 17 : i32
      %dma_start3A_373 = arith.constant 2176 : i32
      %dma_start3A_374 = tpu.memref_slice %arg10[%dma_start3A_373] : memref<7168xf32, #tpu.memory_space<vmem>> -> memref<128xf32, #tpu.memory_space<vmem>>
      %dma_start3A_375 = arith.constant 0 : i32
      %dma_start3A_376 = tpu.memref_slice %arg7[%dma_start3A_372, %dma_start3A_375] : memref<56x128xi32, #tpu.memory_space<vmem>> -> memref<1x128xi32, #tpu.memory_space<vmem>>
      %dma_start3A_377 = tpu.memref_squeeze %dma_start3A_376 : memref<1x128xi32, #tpu.memory_space<vmem>> -> memref<128xi32, #tpu.memory_space<vmem>>
      %dma_start3A_378 = arith.constant 0 : i32
      %dma_start3A_379 = tpu.memref_slice %arg13[%dma_start3A_378] : memref<100096xf32, #tpu.memory_space<vmem_shared>> -> memref<100096xf32, #tpu.memory_space<vmem_shared>>
      tpu.enqueue_indirect_dma source(%dma_start3A_374 : memref<128xf32, #tpu.memory_space<vmem>>) target(%dma_start3A_379 : memref<100096xf32, #tpu.memory_space<vmem_shared>>) offsets(%dma_start3A_377 : memref<128xi32, #tpu.memory_space<vmem>>) semaphore(%arg15 : memref<!tpu.dma_semaphore, #tpu.memory_space<semaphore_mem>>) {add = true}
      %dma_start3A_380 = arith.constant 18 : i32
      %dma_start3A_381 = arith.constant 2304 : i32
      %dma_start3A_382 = tpu.memref_slice %arg9[%dma_start3A_381] : memref<7168xf32, #tpu.memory_space<vmem>> -> memref<128xf32, #tpu.memory_space<vmem>>
      %dma_start3A_383 = arith.constant 0 : i32
      %dma_start3A_384 = tpu.memref_slice %arg7[%dma_start3A_380, %dma_start3A_383] : memref<56x128xi32, #tpu.memory_space<vmem>> -> memref<1x128xi32, #tpu.memory_space<vmem>>
      %dma_start3A_385 = tpu.memref_squeeze %dma_start3A_384 : memref<1x128xi32, #tpu.memory_space<vmem>> -> memref<128xi32, #tpu.memory_space<vmem>>
      %dma_start3A_386 = arith.constant 0 : i32
      %dma_start3A_387 = tpu.memref_slice %arg12[%dma_start3A_386] : memref<100096xf32, #tpu.memory_space<vmem_shared>> -> memref<100096xf32, #tpu.memory_space<vmem_shared>>
      tpu.enqueue_indirect_dma source(%dma_start3A_382 : memref<128xf32, #tpu.memory_space<vmem>>) target(%dma_start3A_387 : memref<100096xf32, #tpu.memory_space<vmem_shared>>) offsets(%dma_start3A_385 : memref<128xi32, #tpu.memory_space<vmem>>) semaphore(%arg15 : memref<!tpu.dma_semaphore, #tpu.memory_space<semaphore_mem>>) {add = true}
      %dma_start3A_388 = arith.constant 18 : i32
      %dma_start3A_389 = arith.constant 2304 : i32
      %dma_start3A_390 = tpu.memref_slice %arg10[%dma_start3A_389] : memref<7168xf32, #tpu.memory_space<vmem>> -> memref<128xf32, #tpu.memory_space<vmem>>
      %dma_start3A_391 = arith.constant 0 : i32
      %dma_start3A_392 = tpu.memref_slice %arg7[%dma_start3A_388, %dma_start3A_391] : memref<56x128xi32, #tpu.memory_space<vmem>> -> memref<1x128xi32, #tpu.memory_space<vmem>>
      %dma_start3A_393 = tpu.memref_squeeze %dma_start3A_392 : memref<1x128xi32, #tpu.memory_space<vmem>> -> memref<128xi32, #tpu.memory_space<vmem>>
      %dma_start3A_394 = arith.constant 0 : i32
      %dma_start3A_395 = tpu.memref_slice %arg13[%dma_start3A_394] : memref<100096xf32, #tpu.memory_space<vmem_shared>> -> memref<100096xf32, #tpu.memory_space<vmem_shared>>
      tpu.enqueue_indirect_dma source(%dma_start3A_390 : memref<128xf32, #tpu.memory_space<vmem>>) target(%dma_start3A_395 : memref<100096xf32, #tpu.memory_space<vmem_shared>>) offsets(%dma_start3A_393 : memref<128xi32, #tpu.memory_space<vmem>>) semaphore(%arg15 : memref<!tpu.dma_semaphore, #tpu.memory_space<semaphore_mem>>) {add = true}
      %dma_start3A_396 = arith.constant 19 : i32
      %dma_start3A_397 = arith.constant 2432 : i32
      %dma_start3A_398 = tpu.memref_slice %arg9[%dma_start3A_397] : memref<7168xf32, #tpu.memory_space<vmem>> -> memref<128xf32, #tpu.memory_space<vmem>>
      %dma_start3A_399 = arith.constant 0 : i32
      %dma_start3A_400 = tpu.memref_slice %arg7[%dma_start3A_396, %dma_start3A_399] : memref<56x128xi32, #tpu.memory_space<vmem>> -> memref<1x128xi32, #tpu.memory_space<vmem>>
      %dma_start3A_401 = tpu.memref_squeeze %dma_start3A_400 : memref<1x128xi32, #tpu.memory_space<vmem>> -> memref<128xi32, #tpu.memory_space<vmem>>
      %dma_start3A_402 = arith.constant 0 : i32
      %dma_start3A_403 = tpu.memref_slice %arg12[%dma_start3A_402] : memref<100096xf32, #tpu.memory_space<vmem_shared>> -> memref<100096xf32, #tpu.memory_space<vmem_shared>>
      tpu.enqueue_indirect_dma source(%dma_start3A_398 : memref<128xf32, #tpu.memory_space<vmem>>) target(%dma_start3A_403 : memref<100096xf32, #tpu.memory_space<vmem_shared>>) offsets(%dma_start3A_401 : memref<128xi32, #tpu.memory_space<vmem>>) semaphore(%arg15 : memref<!tpu.dma_semaphore, #tpu.memory_space<semaphore_mem>>) {add = true}
      %dma_start3A_404 = arith.constant 19 : i32
      %dma_start3A_405 = arith.constant 2432 : i32
      %dma_start3A_406 = tpu.memref_slice %arg10[%dma_start3A_405] : memref<7168xf32, #tpu.memory_space<vmem>> -> memref<128xf32, #tpu.memory_space<vmem>>
      %dma_start3A_407 = arith.constant 0 : i32
      %dma_start3A_408 = tpu.memref_slice %arg7[%dma_start3A_404, %dma_start3A_407] : memref<56x128xi32, #tpu.memory_space<vmem>> -> memref<1x128xi32, #tpu.memory_space<vmem>>
      %dma_start3A_409 = tpu.memref_squeeze %dma_start3A_408 : memref<1x128xi32, #tpu.memory_space<vmem>> -> memref<128xi32, #tpu.memory_space<vmem>>
      %dma_start3A_410 = arith.constant 0 : i32
      %dma_start3A_411 = tpu.memref_slice %arg13[%dma_start3A_410] : memref<100096xf32, #tpu.memory_space<vmem_shared>> -> memref<100096xf32, #tpu.memory_space<vmem_shared>>
      tpu.enqueue_indirect_dma source(%dma_start3A_406 : memref<128xf32, #tpu.memory_space<vmem>>) target(%dma_start3A_411 : memref<100096xf32, #tpu.memory_space<vmem_shared>>) offsets(%dma_start3A_409 : memref<128xi32, #tpu.memory_space<vmem>>) semaphore(%arg15 : memref<!tpu.dma_semaphore, #tpu.memory_space<semaphore_mem>>) {add = true}
      %dma_start3A_412 = arith.constant 20 : i32
      %dma_start3A_413 = arith.constant 2560 : i32
      %dma_start3A_414 = tpu.memref_slice %arg9[%dma_start3A_413] : memref<7168xf32, #tpu.memory_space<vmem>> -> memref<128xf32, #tpu.memory_space<vmem>>
      %dma_start3A_415 = arith.constant 0 : i32
      %dma_start3A_416 = tpu.memref_slice %arg7[%dma_start3A_412, %dma_start3A_415] : memref<56x128xi32, #tpu.memory_space<vmem>> -> memref<1x128xi32, #tpu.memory_space<vmem>>
      %dma_start3A_417 = tpu.memref_squeeze %dma_start3A_416 : memref<1x128xi32, #tpu.memory_space<vmem>> -> memref<128xi32, #tpu.memory_space<vmem>>
      %dma_start3A_418 = arith.constant 0 : i32
      %dma_start3A_419 = tpu.memref_slice %arg12[%dma_start3A_418] : memref<100096xf32, #tpu.memory_space<vmem_shared>> -> memref<100096xf32, #tpu.memory_space<vmem_shared>>
      tpu.enqueue_indirect_dma source(%dma_start3A_414 : memref<128xf32, #tpu.memory_space<vmem>>) target(%dma_start3A_419 : memref<100096xf32, #tpu.memory_space<vmem_shared>>) offsets(%dma_start3A_417 : memref<128xi32, #tpu.memory_space<vmem>>) semaphore(%arg15 : memref<!tpu.dma_semaphore, #tpu.memory_space<semaphore_mem>>) {add = true}
      %dma_start3A_420 = arith.constant 20 : i32
      %dma_start3A_421 = arith.constant 2560 : i32
      %dma_start3A_422 = tpu.memref_slice %arg10[%dma_start3A_421] : memref<7168xf32, #tpu.memory_space<vmem>> -> memref<128xf32, #tpu.memory_space<vmem>>
      %dma_start3A_423 = arith.constant 0 : i32
      %dma_start3A_424 = tpu.memref_slice %arg7[%dma_start3A_420, %dma_start3A_423] : memref<56x128xi32, #tpu.memory_space<vmem>> -> memref<1x128xi32, #tpu.memory_space<vmem>>
      %dma_start3A_425 = tpu.memref_squeeze %dma_start3A_424 : memref<1x128xi32, #tpu.memory_space<vmem>> -> memref<128xi32, #tpu.memory_space<vmem>>
      %dma_start3A_426 = arith.constant 0 : i32
      %dma_start3A_427 = tpu.memref_slice %arg13[%dma_start3A_426] : memref<100096xf32, #tpu.memory_space<vmem_shared>> -> memref<100096xf32, #tpu.memory_space<vmem_shared>>
      tpu.enqueue_indirect_dma source(%dma_start3A_422 : memref<128xf32, #tpu.memory_space<vmem>>) target(%dma_start3A_427 : memref<100096xf32, #tpu.memory_space<vmem_shared>>) offsets(%dma_start3A_425 : memref<128xi32, #tpu.memory_space<vmem>>) semaphore(%arg15 : memref<!tpu.dma_semaphore, #tpu.memory_space<semaphore_mem>>) {add = true}
      %dma_start3A_428 = arith.constant 21 : i32
      %dma_start3A_429 = arith.constant 2688 : i32
      %dma_start3A_430 = tpu.memref_slice %arg9[%dma_start3A_429] : memref<7168xf32, #tpu.memory_space<vmem>> -> memref<128xf32, #tpu.memory_space<vmem>>
      %dma_start3A_431 = arith.constant 0 : i32
      %dma_start3A_432 = tpu.memref_slice %arg7[%dma_start3A_428, %dma_start3A_431] : memref<56x128xi32, #tpu.memory_space<vmem>> -> memref<1x128xi32, #tpu.memory_space<vmem>>
      %dma_start3A_433 = tpu.memref_squeeze %dma_start3A_432 : memref<1x128xi32, #tpu.memory_space<vmem>> -> memref<128xi32, #tpu.memory_space<vmem>>
      %dma_start3A_434 = arith.constant 0 : i32
      %dma_start3A_435 = tpu.memref_slice %arg12[%dma_start3A_434] : memref<100096xf32, #tpu.memory_space<vmem_shared>> -> memref<100096xf32, #tpu.memory_space<vmem_shared>>
      tpu.enqueue_indirect_dma source(%dma_start3A_430 : memref<128xf32, #tpu.memory_space<vmem>>) target(%dma_start3A_435 : memref<100096xf32, #tpu.memory_space<vmem_shared>>) offsets(%dma_start3A_433 : memref<128xi32, #tpu.memory_space<vmem>>) semaphore(%arg15 : memref<!tpu.dma_semaphore, #tpu.memory_space<semaphore_mem>>) {add = true}
      %dma_start3A_436 = arith.constant 21 : i32
      %dma_start3A_437 = arith.constant 2688 : i32
      %dma_start3A_438 = tpu.memref_slice %arg10[%dma_start3A_437] : memref<7168xf32, #tpu.memory_space<vmem>> -> memref<128xf32, #tpu.memory_space<vmem>>
      %dma_start3A_439 = arith.constant 0 : i32
      %dma_start3A_440 = tpu.memref_slice %arg7[%dma_start3A_436, %dma_start3A_439] : memref<56x128xi32, #tpu.memory_space<vmem>> -> memref<1x128xi32, #tpu.memory_space<vmem>>
      %dma_start3A_441 = tpu.memref_squeeze %dma_start3A_440 : memref<1x128xi32, #tpu.memory_space<vmem>> -> memref<128xi32, #tpu.memory_space<vmem>>
      %dma_start3A_442 = arith.constant 0 : i32
      %dma_start3A_443 = tpu.memref_slice %arg13[%dma_start3A_442] : memref<100096xf32, #tpu.memory_space<vmem_shared>> -> memref<100096xf32, #tpu.memory_space<vmem_shared>>
      tpu.enqueue_indirect_dma source(%dma_start3A_438 : memref<128xf32, #tpu.memory_space<vmem>>) target(%dma_start3A_443 : memref<100096xf32, #tpu.memory_space<vmem_shared>>) offsets(%dma_start3A_441 : memref<128xi32, #tpu.memory_space<vmem>>) semaphore(%arg15 : memref<!tpu.dma_semaphore, #tpu.memory_space<semaphore_mem>>) {add = true}
      %dma_start3A_444 = arith.constant 22 : i32
      %dma_start3A_445 = arith.constant 2816 : i32
      %dma_start3A_446 = tpu.memref_slice %arg9[%dma_start3A_445] : memref<7168xf32, #tpu.memory_space<vmem>> -> memref<128xf32, #tpu.memory_space<vmem>>
      %dma_start3A_447 = arith.constant 0 : i32
      %dma_start3A_448 = tpu.memref_slice %arg7[%dma_start3A_444, %dma_start3A_447] : memref<56x128xi32, #tpu.memory_space<vmem>> -> memref<1x128xi32, #tpu.memory_space<vmem>>
      %dma_start3A_449 = tpu.memref_squeeze %dma_start3A_448 : memref<1x128xi32, #tpu.memory_space<vmem>> -> memref<128xi32, #tpu.memory_space<vmem>>
      %dma_start3A_450 = arith.constant 0 : i32
      %dma_start3A_451 = tpu.memref_slice %arg12[%dma_start3A_450] : memref<100096xf32, #tpu.memory_space<vmem_shared>> -> memref<100096xf32, #tpu.memory_space<vmem_shared>>
      tpu.enqueue_indirect_dma source(%dma_start3A_446 : memref<128xf32, #tpu.memory_space<vmem>>) target(%dma_start3A_451 : memref<100096xf32, #tpu.memory_space<vmem_shared>>) offsets(%dma_start3A_449 : memref<128xi32, #tpu.memory_space<vmem>>) semaphore(%arg15 : memref<!tpu.dma_semaphore, #tpu.memory_space<semaphore_mem>>) {add = true}
      %dma_start3A_452 = arith.constant 22 : i32
      %dma_start3A_453 = arith.constant 2816 : i32
      %dma_start3A_454 = tpu.memref_slice %arg10[%dma_start3A_453] : memref<7168xf32, #tpu.memory_space<vmem>> -> memref<128xf32, #tpu.memory_space<vmem>>
      %dma_start3A_455 = arith.constant 0 : i32
      %dma_start3A_456 = tpu.memref_slice %arg7[%dma_start3A_452, %dma_start3A_455] : memref<56x128xi32, #tpu.memory_space<vmem>> -> memref<1x128xi32, #tpu.memory_space<vmem>>
      %dma_start3A_457 = tpu.memref_squeeze %dma_start3A_456 : memref<1x128xi32, #tpu.memory_space<vmem>> -> memref<128xi32, #tpu.memory_space<vmem>>
      %dma_start3A_458 = arith.constant 0 : i32
      %dma_start3A_459 = tpu.memref_slice %arg13[%dma_start3A_458] : memref<100096xf32, #tpu.memory_space<vmem_shared>> -> memref<100096xf32, #tpu.memory_space<vmem_shared>>
      tpu.enqueue_indirect_dma source(%dma_start3A_454 : memref<128xf32, #tpu.memory_space<vmem>>) target(%dma_start3A_459 : memref<100096xf32, #tpu.memory_space<vmem_shared>>) offsets(%dma_start3A_457 : memref<128xi32, #tpu.memory_space<vmem>>) semaphore(%arg15 : memref<!tpu.dma_semaphore, #tpu.memory_space<semaphore_mem>>) {add = true}
      %dma_start3A_460 = arith.constant 23 : i32
      %dma_start3A_461 = arith.constant 2944 : i32
      %dma_start3A_462 = tpu.memref_slice %arg9[%dma_start3A_461] : memref<7168xf32, #tpu.memory_space<vmem>> -> memref<128xf32, #tpu.memory_space<vmem>>
      %dma_start3A_463 = arith.constant 0 : i32
      %dma_start3A_464 = tpu.memref_slice %arg7[%dma_start3A_460, %dma_start3A_463] : memref<56x128xi32, #tpu.memory_space<vmem>> -> memref<1x128xi32, #tpu.memory_space<vmem>>
      %dma_start3A_465 = tpu.memref_squeeze %dma_start3A_464 : memref<1x128xi32, #tpu.memory_space<vmem>> -> memref<128xi32, #tpu.memory_space<vmem>>
      %dma_start3A_466 = arith.constant 0 : i32
      %dma_start3A_467 = tpu.memref_slice %arg12[%dma_start3A_466] : memref<100096xf32, #tpu.memory_space<vmem_shared>> -> memref<100096xf32, #tpu.memory_space<vmem_shared>>
      tpu.enqueue_indirect_dma source(%dma_start3A_462 : memref<128xf32, #tpu.memory_space<vmem>>) target(%dma_start3A_467 : memref<100096xf32, #tpu.memory_space<vmem_shared>>) offsets(%dma_start3A_465 : memref<128xi32, #tpu.memory_space<vmem>>) semaphore(%arg15 : memref<!tpu.dma_semaphore, #tpu.memory_space<semaphore_mem>>) {add = true}
      %dma_start3A_468 = arith.constant 23 : i32
      %dma_start3A_469 = arith.constant 2944 : i32
      %dma_start3A_470 = tpu.memref_slice %arg10[%dma_start3A_469] : memref<7168xf32, #tpu.memory_space<vmem>> -> memref<128xf32, #tpu.memory_space<vmem>>
      %dma_start3A_471 = arith.constant 0 : i32
      %dma_start3A_472 = tpu.memref_slice %arg7[%dma_start3A_468, %dma_start3A_471] : memref<56x128xi32, #tpu.memory_space<vmem>> -> memref<1x128xi32, #tpu.memory_space<vmem>>
      %dma_start3A_473 = tpu.memref_squeeze %dma_start3A_472 : memref<1x128xi32, #tpu.memory_space<vmem>> -> memref<128xi32, #tpu.memory_space<vmem>>
      %dma_start3A_474 = arith.constant 0 : i32
      %dma_start3A_475 = tpu.memref_slice %arg13[%dma_start3A_474] : memref<100096xf32, #tpu.memory_space<vmem_shared>> -> memref<100096xf32, #tpu.memory_space<vmem_shared>>
      tpu.enqueue_indirect_dma source(%dma_start3A_470 : memref<128xf32, #tpu.memory_space<vmem>>) target(%dma_start3A_475 : memref<100096xf32, #tpu.memory_space<vmem_shared>>) offsets(%dma_start3A_473 : memref<128xi32, #tpu.memory_space<vmem>>) semaphore(%arg15 : memref<!tpu.dma_semaphore, #tpu.memory_space<semaphore_mem>>) {add = true}
      %broadcast_in_dim3A_476 = arith.constant -65536 : i32
      %broadcast_in_dim3A_477 = vector.broadcast %broadcast_in_dim3A_476 : i32 to vector<16xi32>
      %scan3A_478 = arith.constant 0 : i32
      %scan3A_479 = arith.constant 0 : i32
      %scan3A_480 = arith.constant 16 : i32
      %scan3A_481 = arith.addi %scan3A_479, %scan3A_480 : i32
      %scan3A_482 = arith.constant 1 : i32
      %scan3A_483 = scf.for %scan3A_1033 = %scan3A_479 to %scan3A_481 step %scan3A_482 iter_args(%scan3A_1034 = %scan3A_478) -> (i32)  : i32 {
        %mul3A_1035 = arith.constant 64 : i32
        %mul3A_1036 = arith.muli %scan3A_1033, %mul3A_1035 : i32
        %add3A_1037 = arith.constant 3072 : i32
        %add3A_1038 = arith.addi %add3A_1037, %mul3A_1036 : i32
        %add3A_1039 = arith.constant 0 : i32
        %add3A_1040 = arith.addi %add3A_1038, %add3A_1039 : i32
        %get3A = arith.index_cast %add3A_1040 : i32 to index
        %get3A_1041 = tpu.vector_load %arg8[%get3A] {strides = array<i32>} : memref<7168xi32, #tpu.memory_space<vmem>>, vector<16xi32>,
        %shift_left3A = arith.constant 16 : i32
        %shift_left3A_1042 = vector.broadcast %shift_left3A : i32 to vector<16xi32>
        %shift_left3A_1043 = arith.shli %get3A_1041, %shift_left3A_1042 : vector<16xi32>
        %bitcast3A = vector.bitcast %shift_left3A_1043 : vector<16xi32> to vector<16xf32>
        %add3A_1044 = arith.constant 0 : i32
        %add3A_1045 = arith.addi %add3A_1038, %add3A_1044 : i32
        %swap3A = arith.index_cast %add3A_1045 : i32 to index
        %swap3A_1046 = tpu.vector_load %arg9[%swap3A] {strides = array<i32>} : memref<7168xf32, #tpu.memory_space<vmem>>, vector<16xf32>,
        %swap3A_1047 = vector.shape_cast %swap3A_1046 : vector<16xf32> to vector<16xf32>
        %swap3A_1048 = vector.shape_cast %bitcast3A : vector<16xf32> to vector<16xf32>
        tpu.vector_store %arg9[%swap3A], %swap3A_1048 {strides = array<i32>} : memref<7168xf32, #tpu.memory_space<vmem>>, vector<16xf32>,
        %and3A = arith.andi %get3A_1041, %broadcast_in_dim3A_477 : vector<16xi32>
        %bitcast3A_1049 = vector.bitcast %and3A : vector<16xi32> to vector<16xf32>
        %add3A_1050 = arith.constant 0 : i32
        %add3A_1051 = arith.addi %add3A_1038, %add3A_1050 : i32
        %swap3A_1052 = arith.index_cast %add3A_1051 : i32 to index
        %swap3A_1053 = tpu.vector_load %arg10[%swap3A_1052] {strides = array<i32>} : memref<7168xf32, #tpu.memory_space<vmem>>, vector<16xf32>,
        %swap3A_1054 = vector.shape_cast %swap3A_1053 : vector<16xf32> to vector<16xf32>
        %swap3A_1055 = vector.shape_cast %bitcast3A_1049 : vector<16xf32> to vector<16xf32>
        tpu.vector_store %arg10[%swap3A_1052], %swap3A_1055 {strides = array<i32>} : memref<7168xf32, #tpu.memory_space<vmem>>, vector<16xf32>,
        %add3A_1056 = arith.constant 16 : i32
        %add3A_1057 = arith.addi %add3A_1038, %add3A_1056 : i32
        %get3A_1058 = arith.index_cast %add3A_1057 : i32 to index
        %get3A_1059 = tpu.vector_load %arg8[%get3A_1058] {strides = array<i32>} : memref<7168xi32, #tpu.memory_space<vmem>>, vector<16xi32>,
        %shift_left3A_1060 = arith.constant 16 : i32
        %shift_left3A_1061 = vector.broadcast %shift_left3A_1060 : i32 to vector<16xi32>
        %shift_left3A_1062 = arith.shli %get3A_1059, %shift_left3A_1061 : vector<16xi32>
        %bitcast3A_1063 = vector.bitcast %shift_left3A_1062 : vector<16xi32> to vector<16xf32>
        %add3A_1064 = arith.constant 16 : i32
        %add3A_1065 = arith.addi %add3A_1038, %add3A_1064 : i32
        %swap3A_1066 = arith.index_cast %add3A_1065 : i32 to index
        %swap3A_1067 = tpu.vector_load %arg9[%swap3A_1066] {strides = array<i32>} : memref<7168xf32, #tpu.memory_space<vmem>>, vector<16xf32>,
        %swap3A_1068 = vector.shape_cast %swap3A_1067 : vector<16xf32> to vector<16xf32>
        %swap3A_1069 = vector.shape_cast %bitcast3A_1063 : vector<16xf32> to vector<16xf32>
        tpu.vector_store %arg9[%swap3A_1066], %swap3A_1069 {strides = array<i32>} : memref<7168xf32, #tpu.memory_space<vmem>>, vector<16xf32>,
        %and3A_1070 = arith.andi %get3A_1059, %broadcast_in_dim3A_477 : vector<16xi32>
        %bitcast3A_1071 = vector.bitcast %and3A_1070 : vector<16xi32> to vector<16xf32>
        %add3A_1072 = arith.constant 16 : i32
        %add3A_1073 = arith.addi %add3A_1038, %add3A_1072 : i32
        %swap3A_1074 = arith.index_cast %add3A_1073 : i32 to index
        %swap3A_1075 = tpu.vector_load %arg10[%swap3A_1074] {strides = array<i32>} : memref<7168xf32, #tpu.memory_space<vmem>>, vector<16xf32>,
        %swap3A_1076 = vector.shape_cast %swap3A_1075 : vector<16xf32> to vector<16xf32>
        %swap3A_1077 = vector.shape_cast %bitcast3A_1071 : vector<16xf32> to vector<16xf32>
        tpu.vector_store %arg10[%swap3A_1074], %swap3A_1077 {strides = array<i32>} : memref<7168xf32, #tpu.memory_space<vmem>>, vector<16xf32>,
        %add3A_1078 = arith.constant 32 : i32
        %add3A_1079 = arith.addi %add3A_1038, %add3A_1078 : i32
        %get3A_1080 = arith.index_cast %add3A_1079 : i32 to index
        %get3A_1081 = tpu.vector_load %arg8[%get3A_1080] {strides = array<i32>} : memref<7168xi32, #tpu.memory_space<vmem>>, vector<16xi32>,
        %shift_left3A_1082 = arith.constant 16 : i32
        %shift_left3A_1083 = vector.broadcast %shift_left3A_1082 : i32 to vector<16xi32>
        %shift_left3A_1084 = arith.shli %get3A_1081, %shift_left3A_1083 : vector<16xi32>
        %bitcast3A_1085 = vector.bitcast %shift_left3A_1084 : vector<16xi32> to vector<16xf32>
        %add3A_1086 = arith.constant 32 : i32
        %add3A_1087 = arith.addi %add3A_1038, %add3A_1086 : i32
        %swap3A_1088 = arith.index_cast %add3A_1087 : i32 to index
        %swap3A_1089 = tpu.vector_load %arg9[%swap3A_1088] {strides = array<i32>} : memref<7168xf32, #tpu.memory_space<vmem>>, vector<16xf32>,
        %swap3A_1090 = vector.shape_cast %swap3A_1089 : vector<16xf32> to vector<16xf32>
        %swap3A_1091 = vector.shape_cast %bitcast3A_1085 : vector<16xf32> to vector<16xf32>
        tpu.vector_store %arg9[%swap3A_1088], %swap3A_1091 {strides = array<i32>} : memref<7168xf32, #tpu.memory_space<vmem>>, vector<16xf32>,
        %and3A_1092 = arith.andi %get3A_1081, %broadcast_in_dim3A_477 : vector<16xi32>
        %bitcast3A_1093 = vector.bitcast %and3A_1092 : vector<16xi32> to vector<16xf32>
        %add3A_1094 = arith.constant 32 : i32
        %add3A_1095 = arith.addi %add3A_1038, %add3A_1094 : i32
        %swap3A_1096 = arith.index_cast %add3A_1095 : i32 to index
        %swap3A_1097 = tpu.vector_load %arg10[%swap3A_1096] {strides = array<i32>} : memref<7168xf32, #tpu.memory_space<vmem>>, vector<16xf32>,
        %swap3A_1098 = vector.shape_cast %swap3A_1097 : vector<16xf32> to vector<16xf32>
        %swap3A_1099 = vector.shape_cast %bitcast3A_1093 : vector<16xf32> to vector<16xf32>
        tpu.vector_store %arg10[%swap3A_1096], %swap3A_1099 {strides = array<i32>} : memref<7168xf32, #tpu.memory_space<vmem>>, vector<16xf32>,
        %add3A_1100 = arith.constant 48 : i32
        %add3A_1101 = arith.addi %add3A_1038, %add3A_1100 : i32
        %get3A_1102 = arith.index_cast %add3A_1101 : i32 to index
        %get3A_1103 = tpu.vector_load %arg8[%get3A_1102] {strides = array<i32>} : memref<7168xi32, #tpu.memory_space<vmem>>, vector<16xi32>,
        %shift_left3A_1104 = arith.constant 16 : i32
        %shift_left3A_1105 = vector.broadcast %shift_left3A_1104 : i32 to vector<16xi32>
        %shift_left3A_1106 = arith.shli %get3A_1103, %shift_left3A_1105 : vector<16xi32>
        %bitcast3A_1107 = vector.bitcast %shift_left3A_1106 : vector<16xi32> to vector<16xf32>
        %add3A_1108 = arith.constant 48 : i32
        %add3A_1109 = arith.addi %add3A_1038, %add3A_1108 : i32
        %swap3A_1110 = arith.index_cast %add3A_1109 : i32 to index
        %swap3A_1111 = tpu.vector_load %arg9[%swap3A_1110] {strides = array<i32>} : memref<7168xf32, #tpu.memory_space<vmem>>, vector<16xf32>,
        %swap3A_1112 = vector.shape_cast %swap3A_1111 : vector<16xf32> to vector<16xf32>
        %swap3A_1113 = vector.shape_cast %bitcast3A_1107 : vector<16xf32> to vector<16xf32>
        tpu.vector_store %arg9[%swap3A_1110], %swap3A_1113 {strides = array<i32>} : memref<7168xf32, #tpu.memory_space<vmem>>, vector<16xf32>,
        %and3A_1114 = arith.andi %get3A_1103, %broadcast_in_dim3A_477 : vector<16xi32>
        %bitcast3A_1115 = vector.bitcast %and3A_1114 : vector<16xi32> to vector<16xf32>
        %add3A_1116 = arith.constant 48 : i32
        %add3A_1117 = arith.addi %add3A_1038, %add3A_1116 : i32
        %swap3A_1118 = arith.index_cast %add3A_1117 : i32 to index
        %swap3A_1119 = tpu.vector_load %arg10[%swap3A_1118] {strides = array<i32>} : memref<7168xf32, #tpu.memory_space<vmem>>, vector<16xf32>,
        %swap3A_1120 = vector.shape_cast %swap3A_1119 : vector<16xf32> to vector<16xf32>
        %swap3A_1121 = vector.shape_cast %bitcast3A_1115 : vector<16xf32> to vector<16xf32>
        tpu.vector_store %arg10[%swap3A_1118], %swap3A_1121 {strides = array<i32>} : memref<7168xf32, #tpu.memory_space<vmem>>, vector<16xf32>,
        %scan3A_1122 = arith.constant 0 : i32
        scf.yield %scan3A_1122 : i32
      }
      %scan3A_484 = arith.constant 16 : i32
      %dma_start3A_485 = arith.constant 24 : i32
      %dma_start3A_486 = arith.constant 3072 : i32
      %dma_start3A_487 = tpu.memref_slice %arg9[%dma_start3A_486] : memref<7168xf32, #tpu.memory_space<vmem>> -> memref<128xf32, #tpu.memory_space<vmem>>
      %dma_start3A_488 = arith.constant 0 : i32
      %dma_start3A_489 = tpu.memref_slice %arg7[%dma_start3A_485, %dma_start3A_488] : memref<56x128xi32, #tpu.memory_space<vmem>> -> memref<1x128xi32, #tpu.memory_space<vmem>>
      %dma_start3A_490 = tpu.memref_squeeze %dma_start3A_489 : memref<1x128xi32, #tpu.memory_space<vmem>> -> memref<128xi32, #tpu.memory_space<vmem>>
      %dma_start3A_491 = arith.constant 0 : i32
      %dma_start3A_492 = tpu.memref_slice %arg12[%dma_start3A_491] : memref<100096xf32, #tpu.memory_space<vmem_shared>> -> memref<100096xf32, #tpu.memory_space<vmem_shared>>
      tpu.enqueue_indirect_dma source(%dma_start3A_487 : memref<128xf32, #tpu.memory_space<vmem>>) target(%dma_start3A_492 : memref<100096xf32, #tpu.memory_space<vmem_shared>>) offsets(%dma_start3A_490 : memref<128xi32, #tpu.memory_space<vmem>>) semaphore(%arg15 : memref<!tpu.dma_semaphore, #tpu.memory_space<semaphore_mem>>) {add = true}
      %dma_start3A_493 = arith.constant 24 : i32
      %dma_start3A_494 = arith.constant 3072 : i32
      %dma_start3A_495 = tpu.memref_slice %arg10[%dma_start3A_494] : memref<7168xf32, #tpu.memory_space<vmem>> -> memref<128xf32, #tpu.memory_space<vmem>>
      %dma_start3A_496 = arith.constant 0 : i32
      %dma_start3A_497 = tpu.memref_slice %arg7[%dma_start3A_493, %dma_start3A_496] : memref<56x128xi32, #tpu.memory_space<vmem>> -> memref<1x128xi32, #tpu.memory_space<vmem>>
      %dma_start3A_498 = tpu.memref_squeeze %dma_start3A_497 : memref<1x128xi32, #tpu.memory_space<vmem>> -> memref<128xi32, #tpu.memory_space<vmem>>
      %dma_start3A_499 = arith.constant 0 : i32
      %dma_start3A_500 = tpu.memref_slice %arg13[%dma_start3A_499] : memref<100096xf32, #tpu.memory_space<vmem_shared>> -> memref<100096xf32, #tpu.memory_space<vmem_shared>>
      tpu.enqueue_indirect_dma source(%dma_start3A_495 : memref<128xf32, #tpu.memory_space<vmem>>) target(%dma_start3A_500 : memref<100096xf32, #tpu.memory_space<vmem_shared>>) offsets(%dma_start3A_498 : memref<128xi32, #tpu.memory_space<vmem>>) semaphore(%arg15 : memref<!tpu.dma_semaphore, #tpu.memory_space<semaphore_mem>>) {add = true}
      %dma_start3A_501 = arith.constant 25 : i32
      %dma_start3A_502 = arith.constant 3200 : i32
      %dma_start3A_503 = tpu.memref_slice %arg9[%dma_start3A_502] : memref<7168xf32, #tpu.memory_space<vmem>> -> memref<128xf32, #tpu.memory_space<vmem>>
      %dma_start3A_504 = arith.constant 0 : i32
      %dma_start3A_505 = tpu.memref_slice %arg7[%dma_start3A_501, %dma_start3A_504] : memref<56x128xi32, #tpu.memory_space<vmem>> -> memref<1x128xi32, #tpu.memory_space<vmem>>
      %dma_start3A_506 = tpu.memref_squeeze %dma_start3A_505 : memref<1x128xi32, #tpu.memory_space<vmem>> -> memref<128xi32, #tpu.memory_space<vmem>>
      %dma_start3A_507 = arith.constant 0 : i32
      %dma_start3A_508 = tpu.memref_slice %arg12[%dma_start3A_507] : memref<100096xf32, #tpu.memory_space<vmem_shared>> -> memref<100096xf32, #tpu.memory_space<vmem_shared>>
      tpu.enqueue_indirect_dma source(%dma_start3A_503 : memref<128xf32, #tpu.memory_space<vmem>>) target(%dma_start3A_508 : memref<100096xf32, #tpu.memory_space<vmem_shared>>) offsets(%dma_start3A_506 : memref<128xi32, #tpu.memory_space<vmem>>) semaphore(%arg15 : memref<!tpu.dma_semaphore, #tpu.memory_space<semaphore_mem>>) {add = true}
      %dma_start3A_509 = arith.constant 25 : i32
      %dma_start3A_510 = arith.constant 3200 : i32
      %dma_start3A_511 = tpu.memref_slice %arg10[%dma_start3A_510] : memref<7168xf32, #tpu.memory_space<vmem>> -> memref<128xf32, #tpu.memory_space<vmem>>
      %dma_start3A_512 = arith.constant 0 : i32
      %dma_start3A_513 = tpu.memref_slice %arg7[%dma_start3A_509, %dma_start3A_512] : memref<56x128xi32, #tpu.memory_space<vmem>> -> memref<1x128xi32, #tpu.memory_space<vmem>>
      %dma_start3A_514 = tpu.memref_squeeze %dma_start3A_513 : memref<1x128xi32, #tpu.memory_space<vmem>> -> memref<128xi32, #tpu.memory_space<vmem>>
      %dma_start3A_515 = arith.constant 0 : i32
      %dma_start3A_516 = tpu.memref_slice %arg13[%dma_start3A_515] : memref<100096xf32, #tpu.memory_space<vmem_shared>> -> memref<100096xf32, #tpu.memory_space<vmem_shared>>
      tpu.enqueue_indirect_dma source(%dma_start3A_511 : memref<128xf32, #tpu.memory_space<vmem>>) target(%dma_start3A_516 : memref<100096xf32, #tpu.memory_space<vmem_shared>>) offsets(%dma_start3A_514 : memref<128xi32, #tpu.memory_space<vmem>>) semaphore(%arg15 : memref<!tpu.dma_semaphore, #tpu.memory_space<semaphore_mem>>) {add = true}
      %dma_start3A_517 = arith.constant 26 : i32
      %dma_start3A_518 = arith.constant 3328 : i32
      %dma_start3A_519 = tpu.memref_slice %arg9[%dma_start3A_518] : memref<7168xf32, #tpu.memory_space<vmem>> -> memref<128xf32, #tpu.memory_space<vmem>>
      %dma_start3A_520 = arith.constant 0 : i32
      %dma_start3A_521 = tpu.memref_slice %arg7[%dma_start3A_517, %dma_start3A_520] : memref<56x128xi32, #tpu.memory_space<vmem>> -> memref<1x128xi32, #tpu.memory_space<vmem>>
      %dma_start3A_522 = tpu.memref_squeeze %dma_start3A_521 : memref<1x128xi32, #tpu.memory_space<vmem>> -> memref<128xi32, #tpu.memory_space<vmem>>
      %dma_start3A_523 = arith.constant 0 : i32
      %dma_start3A_524 = tpu.memref_slice %arg12[%dma_start3A_523] : memref<100096xf32, #tpu.memory_space<vmem_shared>> -> memref<100096xf32, #tpu.memory_space<vmem_shared>>
      tpu.enqueue_indirect_dma source(%dma_start3A_519 : memref<128xf32, #tpu.memory_space<vmem>>) target(%dma_start3A_524 : memref<100096xf32, #tpu.memory_space<vmem_shared>>) offsets(%dma_start3A_522 : memref<128xi32, #tpu.memory_space<vmem>>) semaphore(%arg15 : memref<!tpu.dma_semaphore, #tpu.memory_space<semaphore_mem>>) {add = true}
      %dma_start3A_525 = arith.constant 26 : i32
      %dma_start3A_526 = arith.constant 3328 : i32
      %dma_start3A_527 = tpu.memref_slice %arg10[%dma_start3A_526] : memref<7168xf32, #tpu.memory_space<vmem>> -> memref<128xf32, #tpu.memory_space<vmem>>
      %dma_start3A_528 = arith.constant 0 : i32
      %dma_start3A_529 = tpu.memref_slice %arg7[%dma_start3A_525, %dma_start3A_528] : memref<56x128xi32, #tpu.memory_space<vmem>> -> memref<1x128xi32, #tpu.memory_space<vmem>>
      %dma_start3A_530 = tpu.memref_squeeze %dma_start3A_529 : memref<1x128xi32, #tpu.memory_space<vmem>> -> memref<128xi32, #tpu.memory_space<vmem>>
      %dma_start3A_531 = arith.constant 0 : i32
      %dma_start3A_532 = tpu.memref_slice %arg13[%dma_start3A_531] : memref<100096xf32, #tpu.memory_space<vmem_shared>> -> memref<100096xf32, #tpu.memory_space<vmem_shared>>
      tpu.enqueue_indirect_dma source(%dma_start3A_527 : memref<128xf32, #tpu.memory_space<vmem>>) target(%dma_start3A_532 : memref<100096xf32, #tpu.memory_space<vmem_shared>>) offsets(%dma_start3A_530 : memref<128xi32, #tpu.memory_space<vmem>>) semaphore(%arg15 : memref<!tpu.dma_semaphore, #tpu.memory_space<semaphore_mem>>) {add = true}
      %dma_start3A_533 = arith.constant 27 : i32
      %dma_start3A_534 = arith.constant 3456 : i32
      %dma_start3A_535 = tpu.memref_slice %arg9[%dma_start3A_534] : memref<7168xf32, #tpu.memory_space<vmem>> -> memref<128xf32, #tpu.memory_space<vmem>>
      %dma_start3A_536 = arith.constant 0 : i32
      %dma_start3A_537 = tpu.memref_slice %arg7[%dma_start3A_533, %dma_start3A_536] : memref<56x128xi32, #tpu.memory_space<vmem>> -> memref<1x128xi32, #tpu.memory_space<vmem>>
      %dma_start3A_538 = tpu.memref_squeeze %dma_start3A_537 : memref<1x128xi32, #tpu.memory_space<vmem>> -> memref<128xi32, #tpu.memory_space<vmem>>
      %dma_start3A_539 = arith.constant 0 : i32
      %dma_start3A_540 = tpu.memref_slice %arg12[%dma_start3A_539] : memref<100096xf32, #tpu.memory_space<vmem_shared>> -> memref<100096xf32, #tpu.memory_space<vmem_shared>>
      tpu.enqueue_indirect_dma source(%dma_start3A_535 : memref<128xf32, #tpu.memory_space<vmem>>) target(%dma_start3A_540 : memref<100096xf32, #tpu.memory_space<vmem_shared>>) offsets(%dma_start3A_538 : memref<128xi32, #tpu.memory_space<vmem>>) semaphore(%arg15 : memref<!tpu.dma_semaphore, #tpu.memory_space<semaphore_mem>>) {add = true}
      %dma_start3A_541 = arith.constant 27 : i32
      %dma_start3A_542 = arith.constant 3456 : i32
      %dma_start3A_543 = tpu.memref_slice %arg10[%dma_start3A_542] : memref<7168xf32, #tpu.memory_space<vmem>> -> memref<128xf32, #tpu.memory_space<vmem>>
      %dma_start3A_544 = arith.constant 0 : i32
      %dma_start3A_545 = tpu.memref_slice %arg7[%dma_start3A_541, %dma_start3A_544] : memref<56x128xi32, #tpu.memory_space<vmem>> -> memref<1x128xi32, #tpu.memory_space<vmem>>
      %dma_start3A_546 = tpu.memref_squeeze %dma_start3A_545 : memref<1x128xi32, #tpu.memory_space<vmem>> -> memref<128xi32, #tpu.memory_space<vmem>>
      %dma_start3A_547 = arith.constant 0 : i32
      %dma_start3A_548 = tpu.memref_slice %arg13[%dma_start3A_547] : memref<100096xf32, #tpu.memory_space<vmem_shared>> -> memref<100096xf32, #tpu.memory_space<vmem_shared>>
      tpu.enqueue_indirect_dma source(%dma_start3A_543 : memref<128xf32, #tpu.memory_space<vmem>>) target(%dma_start3A_548 : memref<100096xf32, #tpu.memory_space<vmem_shared>>) offsets(%dma_start3A_546 : memref<128xi32, #tpu.memory_space<vmem>>) semaphore(%arg15 : memref<!tpu.dma_semaphore, #tpu.memory_space<semaphore_mem>>) {add = true}
      %dma_start3A_549 = arith.constant 28 : i32
      %dma_start3A_550 = arith.constant 3584 : i32
      %dma_start3A_551 = tpu.memref_slice %arg9[%dma_start3A_550] : memref<7168xf32, #tpu.memory_space<vmem>> -> memref<128xf32, #tpu.memory_space<vmem>>
      %dma_start3A_552 = arith.constant 0 : i32
      %dma_start3A_553 = tpu.memref_slice %arg7[%dma_start3A_549, %dma_start3A_552] : memref<56x128xi32, #tpu.memory_space<vmem>> -> memref<1x128xi32, #tpu.memory_space<vmem>>
      %dma_start3A_554 = tpu.memref_squeeze %dma_start3A_553 : memref<1x128xi32, #tpu.memory_space<vmem>> -> memref<128xi32, #tpu.memory_space<vmem>>
      %dma_start3A_555 = arith.constant 0 : i32
      %dma_start3A_556 = tpu.memref_slice %arg12[%dma_start3A_555] : memref<100096xf32, #tpu.memory_space<vmem_shared>> -> memref<100096xf32, #tpu.memory_space<vmem_shared>>
      tpu.enqueue_indirect_dma source(%dma_start3A_551 : memref<128xf32, #tpu.memory_space<vmem>>) target(%dma_start3A_556 : memref<100096xf32, #tpu.memory_space<vmem_shared>>) offsets(%dma_start3A_554 : memref<128xi32, #tpu.memory_space<vmem>>) semaphore(%arg15 : memref<!tpu.dma_semaphore, #tpu.memory_space<semaphore_mem>>) {add = true}
      %dma_start3A_557 = arith.constant 28 : i32
      %dma_start3A_558 = arith.constant 3584 : i32
      %dma_start3A_559 = tpu.memref_slice %arg10[%dma_start3A_558] : memref<7168xf32, #tpu.memory_space<vmem>> -> memref<128xf32, #tpu.memory_space<vmem>>
      %dma_start3A_560 = arith.constant 0 : i32
      %dma_start3A_561 = tpu.memref_slice %arg7[%dma_start3A_557, %dma_start3A_560] : memref<56x128xi32, #tpu.memory_space<vmem>> -> memref<1x128xi32, #tpu.memory_space<vmem>>
      %dma_start3A_562 = tpu.memref_squeeze %dma_start3A_561 : memref<1x128xi32, #tpu.memory_space<vmem>> -> memref<128xi32, #tpu.memory_space<vmem>>
      %dma_start3A_563 = arith.constant 0 : i32
      %dma_start3A_564 = tpu.memref_slice %arg13[%dma_start3A_563] : memref<100096xf32, #tpu.memory_space<vmem_shared>> -> memref<100096xf32, #tpu.memory_space<vmem_shared>>
      tpu.enqueue_indirect_dma source(%dma_start3A_559 : memref<128xf32, #tpu.memory_space<vmem>>) target(%dma_start3A_564 : memref<100096xf32, #tpu.memory_space<vmem_shared>>) offsets(%dma_start3A_562 : memref<128xi32, #tpu.memory_space<vmem>>) semaphore(%arg15 : memref<!tpu.dma_semaphore, #tpu.memory_space<semaphore_mem>>) {add = true}
      %dma_start3A_565 = arith.constant 29 : i32
      %dma_start3A_566 = arith.constant 3712 : i32
      %dma_start3A_567 = tpu.memref_slice %arg9[%dma_start3A_566] : memref<7168xf32, #tpu.memory_space<vmem>> -> memref<128xf32, #tpu.memory_space<vmem>>
      %dma_start3A_568 = arith.constant 0 : i32
      %dma_start3A_569 = tpu.memref_slice %arg7[%dma_start3A_565, %dma_start3A_568] : memref<56x128xi32, #tpu.memory_space<vmem>> -> memref<1x128xi32, #tpu.memory_space<vmem>>
      %dma_start3A_570 = tpu.memref_squeeze %dma_start3A_569 : memref<1x128xi32, #tpu.memory_space<vmem>> -> memref<128xi32, #tpu.memory_space<vmem>>
      %dma_start3A_571 = arith.constant 0 : i32
      %dma_start3A_572 = tpu.memref_slice %arg12[%dma_start3A_571] : memref<100096xf32, #tpu.memory_space<vmem_shared>> -> memref<100096xf32, #tpu.memory_space<vmem_shared>>
      tpu.enqueue_indirect_dma source(%dma_start3A_567 : memref<128xf32, #tpu.memory_space<vmem>>) target(%dma_start3A_572 : memref<100096xf32, #tpu.memory_space<vmem_shared>>) offsets(%dma_start3A_570 : memref<128xi32, #tpu.memory_space<vmem>>) semaphore(%arg15 : memref<!tpu.dma_semaphore, #tpu.memory_space<semaphore_mem>>) {add = true}
      %dma_start3A_573 = arith.constant 29 : i32
      %dma_start3A_574 = arith.constant 3712 : i32
      %dma_start3A_575 = tpu.memref_slice %arg10[%dma_start3A_574] : memref<7168xf32, #tpu.memory_space<vmem>> -> memref<128xf32, #tpu.memory_space<vmem>>
      %dma_start3A_576 = arith.constant 0 : i32
      %dma_start3A_577 = tpu.memref_slice %arg7[%dma_start3A_573, %dma_start3A_576] : memref<56x128xi32, #tpu.memory_space<vmem>> -> memref<1x128xi32, #tpu.memory_space<vmem>>
      %dma_start3A_578 = tpu.memref_squeeze %dma_start3A_577 : memref<1x128xi32, #tpu.memory_space<vmem>> -> memref<128xi32, #tpu.memory_space<vmem>>
      %dma_start3A_579 = arith.constant 0 : i32
      %dma_start3A_580 = tpu.memref_slice %arg13[%dma_start3A_579] : memref<100096xf32, #tpu.memory_space<vmem_shared>> -> memref<100096xf32, #tpu.memory_space<vmem_shared>>
      tpu.enqueue_indirect_dma source(%dma_start3A_575 : memref<128xf32, #tpu.memory_space<vmem>>) target(%dma_start3A_580 : memref<100096xf32, #tpu.memory_space<vmem_shared>>) offsets(%dma_start3A_578 : memref<128xi32, #tpu.memory_space<vmem>>) semaphore(%arg15 : memref<!tpu.dma_semaphore, #tpu.memory_space<semaphore_mem>>) {add = true}
      %dma_start3A_581 = arith.constant 30 : i32
      %dma_start3A_582 = arith.constant 3840 : i32
      %dma_start3A_583 = tpu.memref_slice %arg9[%dma_start3A_582] : memref<7168xf32, #tpu.memory_space<vmem>> -> memref<128xf32, #tpu.memory_space<vmem>>
      %dma_start3A_584 = arith.constant 0 : i32
      %dma_start3A_585 = tpu.memref_slice %arg7[%dma_start3A_581, %dma_start3A_584] : memref<56x128xi32, #tpu.memory_space<vmem>> -> memref<1x128xi32, #tpu.memory_space<vmem>>
      %dma_start3A_586 = tpu.memref_squeeze %dma_start3A_585 : memref<1x128xi32, #tpu.memory_space<vmem>> -> memref<128xi32, #tpu.memory_space<vmem>>
      %dma_start3A_587 = arith.constant 0 : i32
      %dma_start3A_588 = tpu.memref_slice %arg12[%dma_start3A_587] : memref<100096xf32, #tpu.memory_space<vmem_shared>> -> memref<100096xf32, #tpu.memory_space<vmem_shared>>
      tpu.enqueue_indirect_dma source(%dma_start3A_583 : memref<128xf32, #tpu.memory_space<vmem>>) target(%dma_start3A_588 : memref<100096xf32, #tpu.memory_space<vmem_shared>>) offsets(%dma_start3A_586 : memref<128xi32, #tpu.memory_space<vmem>>) semaphore(%arg15 : memref<!tpu.dma_semaphore, #tpu.memory_space<semaphore_mem>>) {add = true}
      %dma_start3A_589 = arith.constant 30 : i32
      %dma_start3A_590 = arith.constant 3840 : i32
      %dma_start3A_591 = tpu.memref_slice %arg10[%dma_start3A_590] : memref<7168xf32, #tpu.memory_space<vmem>> -> memref<128xf32, #tpu.memory_space<vmem>>
      %dma_start3A_592 = arith.constant 0 : i32
      %dma_start3A_593 = tpu.memref_slice %arg7[%dma_start3A_589, %dma_start3A_592] : memref<56x128xi32, #tpu.memory_space<vmem>> -> memref<1x128xi32, #tpu.memory_space<vmem>>
      %dma_start3A_594 = tpu.memref_squeeze %dma_start3A_593 : memref<1x128xi32, #tpu.memory_space<vmem>> -> memref<128xi32, #tpu.memory_space<vmem>>
      %dma_start3A_595 = arith.constant 0 : i32
      %dma_start3A_596 = tpu.memref_slice %arg13[%dma_start3A_595] : memref<100096xf32, #tpu.memory_space<vmem_shared>> -> memref<100096xf32, #tpu.memory_space<vmem_shared>>
      tpu.enqueue_indirect_dma source(%dma_start3A_591 : memref<128xf32, #tpu.memory_space<vmem>>) target(%dma_start3A_596 : memref<100096xf32, #tpu.memory_space<vmem_shared>>) offsets(%dma_start3A_594 : memref<128xi32, #tpu.memory_space<vmem>>) semaphore(%arg15 : memref<!tpu.dma_semaphore, #tpu.memory_space<semaphore_mem>>) {add = true}
      %dma_start3A_597 = arith.constant 31 : i32
      %dma_start3A_598 = arith.constant 3968 : i32
      %dma_start3A_599 = tpu.memref_slice %arg9[%dma_start3A_598] : memref<7168xf32, #tpu.memory_space<vmem>> -> memref<128xf32, #tpu.memory_space<vmem>>
      %dma_start3A_600 = arith.constant 0 : i32
      %dma_start3A_601 = tpu.memref_slice %arg7[%dma_start3A_597, %dma_start3A_600] : memref<56x128xi32, #tpu.memory_space<vmem>> -> memref<1x128xi32, #tpu.memory_space<vmem>>
      %dma_start3A_602 = tpu.memref_squeeze %dma_start3A_601 : memref<1x128xi32, #tpu.memory_space<vmem>> -> memref<128xi32, #tpu.memory_space<vmem>>
      %dma_start3A_603 = arith.constant 0 : i32
      %dma_start3A_604 = tpu.memref_slice %arg12[%dma_start3A_603] : memref<100096xf32, #tpu.memory_space<vmem_shared>> -> memref<100096xf32, #tpu.memory_space<vmem_shared>>
      tpu.enqueue_indirect_dma source(%dma_start3A_599 : memref<128xf32, #tpu.memory_space<vmem>>) target(%dma_start3A_604 : memref<100096xf32, #tpu.memory_space<vmem_shared>>) offsets(%dma_start3A_602 : memref<128xi32, #tpu.memory_space<vmem>>) semaphore(%arg15 : memref<!tpu.dma_semaphore, #tpu.memory_space<semaphore_mem>>) {add = true}
      %dma_start3A_605 = arith.constant 31 : i32
      %dma_start3A_606 = arith.constant 3968 : i32
      %dma_start3A_607 = tpu.memref_slice %arg10[%dma_start3A_606] : memref<7168xf32, #tpu.memory_space<vmem>> -> memref<128xf32, #tpu.memory_space<vmem>>
      %dma_start3A_608 = arith.constant 0 : i32
      %dma_start3A_609 = tpu.memref_slice %arg7[%dma_start3A_605, %dma_start3A_608] : memref<56x128xi32, #tpu.memory_space<vmem>> -> memref<1x128xi32, #tpu.memory_space<vmem>>
      %dma_start3A_610 = tpu.memref_squeeze %dma_start3A_609 : memref<1x128xi32, #tpu.memory_space<vmem>> -> memref<128xi32, #tpu.memory_space<vmem>>
      %dma_start3A_611 = arith.constant 0 : i32
      %dma_start3A_612 = tpu.memref_slice %arg13[%dma_start3A_611] : memref<100096xf32, #tpu.memory_space<vmem_shared>> -> memref<100096xf32, #tpu.memory_space<vmem_shared>>
      tpu.enqueue_indirect_dma source(%dma_start3A_607 : memref<128xf32, #tpu.memory_space<vmem>>) target(%dma_start3A_612 : memref<100096xf32, #tpu.memory_space<vmem_shared>>) offsets(%dma_start3A_610 : memref<128xi32, #tpu.memory_space<vmem>>) semaphore(%arg15 : memref<!tpu.dma_semaphore, #tpu.memory_space<semaphore_mem>>) {add = true}
      %broadcast_in_dim3A_613 = arith.constant -65536 : i32
      %broadcast_in_dim3A_614 = vector.broadcast %broadcast_in_dim3A_613 : i32 to vector<16xi32>
      %scan3A_615 = arith.constant 0 : i32
      %scan3A_616 = arith.constant 0 : i32
      %scan3A_617 = arith.constant 16 : i32
      %scan3A_618 = arith.addi %scan3A_616, %scan3A_617 : i32
      %scan3A_619 = arith.constant 1 : i32
      %scan3A_620 = scf.for %scan3A_1033 = %scan3A_616 to %scan3A_618 step %scan3A_619 iter_args(%scan3A_1034 = %scan3A_615) -> (i32)  : i32 {
        %mul3A_1035 = arith.constant 64 : i32
        %mul3A_1036 = arith.muli %scan3A_1033, %mul3A_1035 : i32
        %add3A_1037 = arith.constant 4096 : i32
        %add3A_1038 = arith.addi %add3A_1037, %mul3A_1036 : i32
        %add3A_1039 = arith.constant 0 : i32
        %add3A_1040 = arith.addi %add3A_1038, %add3A_1039 : i32
        %get3A = arith.index_cast %add3A_1040 : i32 to index
        %get3A_1041 = tpu.vector_load %arg8[%get3A] {strides = array<i32>} : memref<7168xi32, #tpu.memory_space<vmem>>, vector<16xi32>,
        %shift_left3A = arith.constant 16 : i32
        %shift_left3A_1042 = vector.broadcast %shift_left3A : i32 to vector<16xi32>
        %shift_left3A_1043 = arith.shli %get3A_1041, %shift_left3A_1042 : vector<16xi32>
        %bitcast3A = vector.bitcast %shift_left3A_1043 : vector<16xi32> to vector<16xf32>
        %add3A_1044 = arith.constant 0 : i32
        %add3A_1045 = arith.addi %add3A_1038, %add3A_1044 : i32
        %swap3A = arith.index_cast %add3A_1045 : i32 to index
        %swap3A_1046 = tpu.vector_load %arg9[%swap3A] {strides = array<i32>} : memref<7168xf32, #tpu.memory_space<vmem>>, vector<16xf32>,
        %swap3A_1047 = vector.shape_cast %swap3A_1046 : vector<16xf32> to vector<16xf32>
        %swap3A_1048 = vector.shape_cast %bitcast3A : vector<16xf32> to vector<16xf32>
        tpu.vector_store %arg9[%swap3A], %swap3A_1048 {strides = array<i32>} : memref<7168xf32, #tpu.memory_space<vmem>>, vector<16xf32>,
        %and3A = arith.andi %get3A_1041, %broadcast_in_dim3A_614 : vector<16xi32>
        %bitcast3A_1049 = vector.bitcast %and3A : vector<16xi32> to vector<16xf32>
        %add3A_1050 = arith.constant 0 : i32
        %add3A_1051 = arith.addi %add3A_1038, %add3A_1050 : i32
        %swap3A_1052 = arith.index_cast %add3A_1051 : i32 to index
        %swap3A_1053 = tpu.vector_load %arg10[%swap3A_1052] {strides = array<i32>} : memref<7168xf32, #tpu.memory_space<vmem>>, vector<16xf32>,
        %swap3A_1054 = vector.shape_cast %swap3A_1053 : vector<16xf32> to vector<16xf32>
        %swap3A_1055 = vector.shape_cast %bitcast3A_1049 : vector<16xf32> to vector<16xf32>
        tpu.vector_store %arg10[%swap3A_1052], %swap3A_1055 {strides = array<i32>} : memref<7168xf32, #tpu.memory_space<vmem>>, vector<16xf32>,
        %add3A_1056 = arith.constant 16 : i32
        %add3A_1057 = arith.addi %add3A_1038, %add3A_1056 : i32
        %get3A_1058 = arith.index_cast %add3A_1057 : i32 to index
        %get3A_1059 = tpu.vector_load %arg8[%get3A_1058] {strides = array<i32>} : memref<7168xi32, #tpu.memory_space<vmem>>, vector<16xi32>,
        %shift_left3A_1060 = arith.constant 16 : i32
        %shift_left3A_1061 = vector.broadcast %shift_left3A_1060 : i32 to vector<16xi32>
        %shift_left3A_1062 = arith.shli %get3A_1059, %shift_left3A_1061 : vector<16xi32>
        %bitcast3A_1063 = vector.bitcast %shift_left3A_1062 : vector<16xi32> to vector<16xf32>
        %add3A_1064 = arith.constant 16 : i32
        %add3A_1065 = arith.addi %add3A_1038, %add3A_1064 : i32
        %swap3A_1066 = arith.index_cast %add3A_1065 : i32 to index
        %swap3A_1067 = tpu.vector_load %arg9[%swap3A_1066] {strides = array<i32>} : memref<7168xf32, #tpu.memory_space<vmem>>, vector<16xf32>,
        %swap3A_1068 = vector.shape_cast %swap3A_1067 : vector<16xf32> to vector<16xf32>
        %swap3A_1069 = vector.shape_cast %bitcast3A_1063 : vector<16xf32> to vector<16xf32>
        tpu.vector_store %arg9[%swap3A_1066], %swap3A_1069 {strides = array<i32>} : memref<7168xf32, #tpu.memory_space<vmem>>, vector<16xf32>,
        %and3A_1070 = arith.andi %get3A_1059, %broadcast_in_dim3A_614 : vector<16xi32>
        %bitcast3A_1071 = vector.bitcast %and3A_1070 : vector<16xi32> to vector<16xf32>
        %add3A_1072 = arith.constant 16 : i32
        %add3A_1073 = arith.addi %add3A_1038, %add3A_1072 : i32
        %swap3A_1074 = arith.index_cast %add3A_1073 : i32 to index
        %swap3A_1075 = tpu.vector_load %arg10[%swap3A_1074] {strides = array<i32>} : memref<7168xf32, #tpu.memory_space<vmem>>, vector<16xf32>,
        %swap3A_1076 = vector.shape_cast %swap3A_1075 : vector<16xf32> to vector<16xf32>
        %swap3A_1077 = vector.shape_cast %bitcast3A_1071 : vector<16xf32> to vector<16xf32>
        tpu.vector_store %arg10[%swap3A_1074], %swap3A_1077 {strides = array<i32>} : memref<7168xf32, #tpu.memory_space<vmem>>, vector<16xf32>,
        %add3A_1078 = arith.constant 32 : i32
        %add3A_1079 = arith.addi %add3A_1038, %add3A_1078 : i32
        %get3A_1080 = arith.index_cast %add3A_1079 : i32 to index
        %get3A_1081 = tpu.vector_load %arg8[%get3A_1080] {strides = array<i32>} : memref<7168xi32, #tpu.memory_space<vmem>>, vector<16xi32>,
        %shift_left3A_1082 = arith.constant 16 : i32
        %shift_left3A_1083 = vector.broadcast %shift_left3A_1082 : i32 to vector<16xi32>
        %shift_left3A_1084 = arith.shli %get3A_1081, %shift_left3A_1083 : vector<16xi32>
        %bitcast3A_1085 = vector.bitcast %shift_left3A_1084 : vector<16xi32> to vector<16xf32>
        %add3A_1086 = arith.constant 32 : i32
        %add3A_1087 = arith.addi %add3A_1038, %add3A_1086 : i32
        %swap3A_1088 = arith.index_cast %add3A_1087 : i32 to index
        %swap3A_1089 = tpu.vector_load %arg9[%swap3A_1088] {strides = array<i32>} : memref<7168xf32, #tpu.memory_space<vmem>>, vector<16xf32>,
        %swap3A_1090 = vector.shape_cast %swap3A_1089 : vector<16xf32> to vector<16xf32>
        %swap3A_1091 = vector.shape_cast %bitcast3A_1085 : vector<16xf32> to vector<16xf32>
        tpu.vector_store %arg9[%swap3A_1088], %swap3A_1091 {strides = array<i32>} : memref<7168xf32, #tpu.memory_space<vmem>>, vector<16xf32>,
        %and3A_1092 = arith.andi %get3A_1081, %broadcast_in_dim3A_614 : vector<16xi32>
        %bitcast3A_1093 = vector.bitcast %and3A_1092 : vector<16xi32> to vector<16xf32>
        %add3A_1094 = arith.constant 32 : i32
        %add3A_1095 = arith.addi %add3A_1038, %add3A_1094 : i32
        %swap3A_1096 = arith.index_cast %add3A_1095 : i32 to index
        %swap3A_1097 = tpu.vector_load %arg10[%swap3A_1096] {strides = array<i32>} : memref<7168xf32, #tpu.memory_space<vmem>>, vector<16xf32>,
        %swap3A_1098 = vector.shape_cast %swap3A_1097 : vector<16xf32> to vector<16xf32>
        %swap3A_1099 = vector.shape_cast %bitcast3A_1093 : vector<16xf32> to vector<16xf32>
        tpu.vector_store %arg10[%swap3A_1096], %swap3A_1099 {strides = array<i32>} : memref<7168xf32, #tpu.memory_space<vmem>>, vector<16xf32>,
        %add3A_1100 = arith.constant 48 : i32
        %add3A_1101 = arith.addi %add3A_1038, %add3A_1100 : i32
        %get3A_1102 = arith.index_cast %add3A_1101 : i32 to index
        %get3A_1103 = tpu.vector_load %arg8[%get3A_1102] {strides = array<i32>} : memref<7168xi32, #tpu.memory_space<vmem>>, vector<16xi32>,
        %shift_left3A_1104 = arith.constant 16 : i32
        %shift_left3A_1105 = vector.broadcast %shift_left3A_1104 : i32 to vector<16xi32>
        %shift_left3A_1106 = arith.shli %get3A_1103, %shift_left3A_1105 : vector<16xi32>
        %bitcast3A_1107 = vector.bitcast %shift_left3A_1106 : vector<16xi32> to vector<16xf32>
        %add3A_1108 = arith.constant 48 : i32
        %add3A_1109 = arith.addi %add3A_1038, %add3A_1108 : i32
        %swap3A_1110 = arith.index_cast %add3A_1109 : i32 to index
        %swap3A_1111 = tpu.vector_load %arg9[%swap3A_1110] {strides = array<i32>} : memref<7168xf32, #tpu.memory_space<vmem>>, vector<16xf32>,
        %swap3A_1112 = vector.shape_cast %swap3A_1111 : vector<16xf32> to vector<16xf32>
        %swap3A_1113 = vector.shape_cast %bitcast3A_1107 : vector<16xf32> to vector<16xf32>
        tpu.vector_store %arg9[%swap3A_1110], %swap3A_1113 {strides = array<i32>} : memref<7168xf32, #tpu.memory_space<vmem>>, vector<16xf32>,
        %and3A_1114 = arith.andi %get3A_1103, %broadcast_in_dim3A_614 : vector<16xi32>
        %bitcast3A_1115 = vector.bitcast %and3A_1114 : vector<16xi32> to vector<16xf32>
        %add3A_1116 = arith.constant 48 : i32
        %add3A_1117 = arith.addi %add3A_1038, %add3A_1116 : i32
        %swap3A_1118 = arith.index_cast %add3A_1117 : i32 to index
        %swap3A_1119 = tpu.vector_load %arg10[%swap3A_1118] {strides = array<i32>} : memref<7168xf32, #tpu.memory_space<vmem>>, vector<16xf32>,
        %swap3A_1120 = vector.shape_cast %swap3A_1119 : vector<16xf32> to vector<16xf32>
        %swap3A_1121 = vector.shape_cast %bitcast3A_1115 : vector<16xf32> to vector<16xf32>
        tpu.vector_store %arg10[%swap3A_1118], %swap3A_1121 {strides = array<i32>} : memref<7168xf32, #tpu.memory_space<vmem>>, vector<16xf32>,
        %scan3A_1122 = arith.constant 0 : i32
        scf.yield %scan3A_1122 : i32
      }
      %scan3A_621 = arith.constant 16 : i32
      %dma_start3A_622 = arith.constant 32 : i32
      %dma_start3A_623 = arith.constant 4096 : i32
      %dma_start3A_624 = tpu.memref_slice %arg9[%dma_start3A_623] : memref<7168xf32, #tpu.memory_space<vmem>> -> memref<128xf32, #tpu.memory_space<vmem>>
      %dma_start3A_625 = arith.constant 0 : i32
      %dma_start3A_626 = tpu.memref_slice %arg7[%dma_start3A_622, %dma_start3A_625] : memref<56x128xi32, #tpu.memory_space<vmem>> -> memref<1x128xi32, #tpu.memory_space<vmem>>
      %dma_start3A_627 = tpu.memref_squeeze %dma_start3A_626 : memref<1x128xi32, #tpu.memory_space<vmem>> -> memref<128xi32, #tpu.memory_space<vmem>>
      %dma_start3A_628 = arith.constant 0 : i32
      %dma_start3A_629 = tpu.memref_slice %arg12[%dma_start3A_628] : memref<100096xf32, #tpu.memory_space<vmem_shared>> -> memref<100096xf32, #tpu.memory_space<vmem_shared>>
      tpu.enqueue_indirect_dma source(%dma_start3A_624 : memref<128xf32, #tpu.memory_space<vmem>>) target(%dma_start3A_629 : memref<100096xf32, #tpu.memory_space<vmem_shared>>) offsets(%dma_start3A_627 : memref<128xi32, #tpu.memory_space<vmem>>) semaphore(%arg15 : memref<!tpu.dma_semaphore, #tpu.memory_space<semaphore_mem>>) {add = true}
      %dma_start3A_630 = arith.constant 32 : i32
      %dma_start3A_631 = arith.constant 4096 : i32
      %dma_start3A_632 = tpu.memref_slice %arg10[%dma_start3A_631] : memref<7168xf32, #tpu.memory_space<vmem>> -> memref<128xf32, #tpu.memory_space<vmem>>
      %dma_start3A_633 = arith.constant 0 : i32
      %dma_start3A_634 = tpu.memref_slice %arg7[%dma_start3A_630, %dma_start3A_633] : memref<56x128xi32, #tpu.memory_space<vmem>> -> memref<1x128xi32, #tpu.memory_space<vmem>>
      %dma_start3A_635 = tpu.memref_squeeze %dma_start3A_634 : memref<1x128xi32, #tpu.memory_space<vmem>> -> memref<128xi32, #tpu.memory_space<vmem>>
      %dma_start3A_636 = arith.constant 0 : i32
      %dma_start3A_637 = tpu.memref_slice %arg13[%dma_start3A_636] : memref<100096xf32, #tpu.memory_space<vmem_shared>> -> memref<100096xf32, #tpu.memory_space<vmem_shared>>
      tpu.enqueue_indirect_dma source(%dma_start3A_632 : memref<128xf32, #tpu.memory_space<vmem>>) target(%dma_start3A_637 : memref<100096xf32, #tpu.memory_space<vmem_shared>>) offsets(%dma_start3A_635 : memref<128xi32, #tpu.memory_space<vmem>>) semaphore(%arg15 : memref<!tpu.dma_semaphore, #tpu.memory_space<semaphore_mem>>) {add = true}
      %dma_start3A_638 = arith.constant 33 : i32
      %dma_start3A_639 = arith.constant 4224 : i32
      %dma_start3A_640 = tpu.memref_slice %arg9[%dma_start3A_639] : memref<7168xf32, #tpu.memory_space<vmem>> -> memref<128xf32, #tpu.memory_space<vmem>>
      %dma_start3A_641 = arith.constant 0 : i32
      %dma_start3A_642 = tpu.memref_slice %arg7[%dma_start3A_638, %dma_start3A_641] : memref<56x128xi32, #tpu.memory_space<vmem>> -> memref<1x128xi32, #tpu.memory_space<vmem>>
      %dma_start3A_643 = tpu.memref_squeeze %dma_start3A_642 : memref<1x128xi32, #tpu.memory_space<vmem>> -> memref<128xi32, #tpu.memory_space<vmem>>
      %dma_start3A_644 = arith.constant 0 : i32
      %dma_start3A_645 = tpu.memref_slice %arg12[%dma_start3A_644] : memref<100096xf32, #tpu.memory_space<vmem_shared>> -> memref<100096xf32, #tpu.memory_space<vmem_shared>>
      tpu.enqueue_indirect_dma source(%dma_start3A_640 : memref<128xf32, #tpu.memory_space<vmem>>) target(%dma_start3A_645 : memref<100096xf32, #tpu.memory_space<vmem_shared>>) offsets(%dma_start3A_643 : memref<128xi32, #tpu.memory_space<vmem>>) semaphore(%arg15 : memref<!tpu.dma_semaphore, #tpu.memory_space<semaphore_mem>>) {add = true}
      %dma_start3A_646 = arith.constant 33 : i32
      %dma_start3A_647 = arith.constant 4224 : i32
      %dma_start3A_648 = tpu.memref_slice %arg10[%dma_start3A_647] : memref<7168xf32, #tpu.memory_space<vmem>> -> memref<128xf32, #tpu.memory_space<vmem>>
      %dma_start3A_649 = arith.constant 0 : i32
      %dma_start3A_650 = tpu.memref_slice %arg7[%dma_start3A_646, %dma_start3A_649] : memref<56x128xi32, #tpu.memory_space<vmem>> -> memref<1x128xi32, #tpu.memory_space<vmem>>
      %dma_start3A_651 = tpu.memref_squeeze %dma_start3A_650 : memref<1x128xi32, #tpu.memory_space<vmem>> -> memref<128xi32, #tpu.memory_space<vmem>>
      %dma_start3A_652 = arith.constant 0 : i32
      %dma_start3A_653 = tpu.memref_slice %arg13[%dma_start3A_652] : memref<100096xf32, #tpu.memory_space<vmem_shared>> -> memref<100096xf32, #tpu.memory_space<vmem_shared>>
      tpu.enqueue_indirect_dma source(%dma_start3A_648 : memref<128xf32, #tpu.memory_space<vmem>>) target(%dma_start3A_653 : memref<100096xf32, #tpu.memory_space<vmem_shared>>) offsets(%dma_start3A_651 : memref<128xi32, #tpu.memory_space<vmem>>) semaphore(%arg15 : memref<!tpu.dma_semaphore, #tpu.memory_space<semaphore_mem>>) {add = true}
      %dma_start3A_654 = arith.constant 34 : i32
      %dma_start3A_655 = arith.constant 4352 : i32
      %dma_start3A_656 = tpu.memref_slice %arg9[%dma_start3A_655] : memref<7168xf32, #tpu.memory_space<vmem>> -> memref<128xf32, #tpu.memory_space<vmem>>
      %dma_start3A_657 = arith.constant 0 : i32
      %dma_start3A_658 = tpu.memref_slice %arg7[%dma_start3A_654, %dma_start3A_657] : memref<56x128xi32, #tpu.memory_space<vmem>> -> memref<1x128xi32, #tpu.memory_space<vmem>>
      %dma_start3A_659 = tpu.memref_squeeze %dma_start3A_658 : memref<1x128xi32, #tpu.memory_space<vmem>> -> memref<128xi32, #tpu.memory_space<vmem>>
      %dma_start3A_660 = arith.constant 0 : i32
      %dma_start3A_661 = tpu.memref_slice %arg12[%dma_start3A_660] : memref<100096xf32, #tpu.memory_space<vmem_shared>> -> memref<100096xf32, #tpu.memory_space<vmem_shared>>
      tpu.enqueue_indirect_dma source(%dma_start3A_656 : memref<128xf32, #tpu.memory_space<vmem>>) target(%dma_start3A_661 : memref<100096xf32, #tpu.memory_space<vmem_shared>>) offsets(%dma_start3A_659 : memref<128xi32, #tpu.memory_space<vmem>>) semaphore(%arg15 : memref<!tpu.dma_semaphore, #tpu.memory_space<semaphore_mem>>) {add = true}
      %dma_start3A_662 = arith.constant 34 : i32
      %dma_start3A_663 = arith.constant 4352 : i32
      %dma_start3A_664 = tpu.memref_slice %arg10[%dma_start3A_663] : memref<7168xf32, #tpu.memory_space<vmem>> -> memref<128xf32, #tpu.memory_space<vmem>>
      %dma_start3A_665 = arith.constant 0 : i32
      %dma_start3A_666 = tpu.memref_slice %arg7[%dma_start3A_662, %dma_start3A_665] : memref<56x128xi32, #tpu.memory_space<vmem>> -> memref<1x128xi32, #tpu.memory_space<vmem>>
      %dma_start3A_667 = tpu.memref_squeeze %dma_start3A_666 : memref<1x128xi32, #tpu.memory_space<vmem>> -> memref<128xi32, #tpu.memory_space<vmem>>
      %dma_start3A_668 = arith.constant 0 : i32
      %dma_start3A_669 = tpu.memref_slice %arg13[%dma_start3A_668] : memref<100096xf32, #tpu.memory_space<vmem_shared>> -> memref<100096xf32, #tpu.memory_space<vmem_shared>>
      tpu.enqueue_indirect_dma source(%dma_start3A_664 : memref<128xf32, #tpu.memory_space<vmem>>) target(%dma_start3A_669 : memref<100096xf32, #tpu.memory_space<vmem_shared>>) offsets(%dma_start3A_667 : memref<128xi32, #tpu.memory_space<vmem>>) semaphore(%arg15 : memref<!tpu.dma_semaphore, #tpu.memory_space<semaphore_mem>>) {add = true}
      %dma_start3A_670 = arith.constant 35 : i32
      %dma_start3A_671 = arith.constant 4480 : i32
      %dma_start3A_672 = tpu.memref_slice %arg9[%dma_start3A_671] : memref<7168xf32, #tpu.memory_space<vmem>> -> memref<128xf32, #tpu.memory_space<vmem>>
      %dma_start3A_673 = arith.constant 0 : i32
      %dma_start3A_674 = tpu.memref_slice %arg7[%dma_start3A_670, %dma_start3A_673] : memref<56x128xi32, #tpu.memory_space<vmem>> -> memref<1x128xi32, #tpu.memory_space<vmem>>
      %dma_start3A_675 = tpu.memref_squeeze %dma_start3A_674 : memref<1x128xi32, #tpu.memory_space<vmem>> -> memref<128xi32, #tpu.memory_space<vmem>>
      %dma_start3A_676 = arith.constant 0 : i32
      %dma_start3A_677 = tpu.memref_slice %arg12[%dma_start3A_676] : memref<100096xf32, #tpu.memory_space<vmem_shared>> -> memref<100096xf32, #tpu.memory_space<vmem_shared>>
      tpu.enqueue_indirect_dma source(%dma_start3A_672 : memref<128xf32, #tpu.memory_space<vmem>>) target(%dma_start3A_677 : memref<100096xf32, #tpu.memory_space<vmem_shared>>) offsets(%dma_start3A_675 : memref<128xi32, #tpu.memory_space<vmem>>) semaphore(%arg15 : memref<!tpu.dma_semaphore, #tpu.memory_space<semaphore_mem>>) {add = true}
      %dma_start3A_678 = arith.constant 35 : i32
      %dma_start3A_679 = arith.constant 4480 : i32
      %dma_start3A_680 = tpu.memref_slice %arg10[%dma_start3A_679] : memref<7168xf32, #tpu.memory_space<vmem>> -> memref<128xf32, #tpu.memory_space<vmem>>
      %dma_start3A_681 = arith.constant 0 : i32
      %dma_start3A_682 = tpu.memref_slice %arg7[%dma_start3A_678, %dma_start3A_681] : memref<56x128xi32, #tpu.memory_space<vmem>> -> memref<1x128xi32, #tpu.memory_space<vmem>>
      %dma_start3A_683 = tpu.memref_squeeze %dma_start3A_682 : memref<1x128xi32, #tpu.memory_space<vmem>> -> memref<128xi32, #tpu.memory_space<vmem>>
      %dma_start3A_684 = arith.constant 0 : i32
      %dma_start3A_685 = tpu.memref_slice %arg13[%dma_start3A_684] : memref<100096xf32, #tpu.memory_space<vmem_shared>> -> memref<100096xf32, #tpu.memory_space<vmem_shared>>
      tpu.enqueue_indirect_dma source(%dma_start3A_680 : memref<128xf32, #tpu.memory_space<vmem>>) target(%dma_start3A_685 : memref<100096xf32, #tpu.memory_space<vmem_shared>>) offsets(%dma_start3A_683 : memref<128xi32, #tpu.memory_space<vmem>>) semaphore(%arg15 : memref<!tpu.dma_semaphore, #tpu.memory_space<semaphore_mem>>) {add = true}
      %dma_start3A_686 = arith.constant 36 : i32
      %dma_start3A_687 = arith.constant 4608 : i32
      %dma_start3A_688 = tpu.memref_slice %arg9[%dma_start3A_687] : memref<7168xf32, #tpu.memory_space<vmem>> -> memref<128xf32, #tpu.memory_space<vmem>>
      %dma_start3A_689 = arith.constant 0 : i32
      %dma_start3A_690 = tpu.memref_slice %arg7[%dma_start3A_686, %dma_start3A_689] : memref<56x128xi32, #tpu.memory_space<vmem>> -> memref<1x128xi32, #tpu.memory_space<vmem>>
      %dma_start3A_691 = tpu.memref_squeeze %dma_start3A_690 : memref<1x128xi32, #tpu.memory_space<vmem>> -> memref<128xi32, #tpu.memory_space<vmem>>
      %dma_start3A_692 = arith.constant 0 : i32
      %dma_start3A_693 = tpu.memref_slice %arg12[%dma_start3A_692] : memref<100096xf32, #tpu.memory_space<vmem_shared>> -> memref<100096xf32, #tpu.memory_space<vmem_shared>>
      tpu.enqueue_indirect_dma source(%dma_start3A_688 : memref<128xf32, #tpu.memory_space<vmem>>) target(%dma_start3A_693 : memref<100096xf32, #tpu.memory_space<vmem_shared>>) offsets(%dma_start3A_691 : memref<128xi32, #tpu.memory_space<vmem>>) semaphore(%arg15 : memref<!tpu.dma_semaphore, #tpu.memory_space<semaphore_mem>>) {add = true}
      %dma_start3A_694 = arith.constant 36 : i32
      %dma_start3A_695 = arith.constant 4608 : i32
      %dma_start3A_696 = tpu.memref_slice %arg10[%dma_start3A_695] : memref<7168xf32, #tpu.memory_space<vmem>> -> memref<128xf32, #tpu.memory_space<vmem>>
      %dma_start3A_697 = arith.constant 0 : i32
      %dma_start3A_698 = tpu.memref_slice %arg7[%dma_start3A_694, %dma_start3A_697] : memref<56x128xi32, #tpu.memory_space<vmem>> -> memref<1x128xi32, #tpu.memory_space<vmem>>
      %dma_start3A_699 = tpu.memref_squeeze %dma_start3A_698 : memref<1x128xi32, #tpu.memory_space<vmem>> -> memref<128xi32, #tpu.memory_space<vmem>>
      %dma_start3A_700 = arith.constant 0 : i32
      %dma_start3A_701 = tpu.memref_slice %arg13[%dma_start3A_700] : memref<100096xf32, #tpu.memory_space<vmem_shared>> -> memref<100096xf32, #tpu.memory_space<vmem_shared>>
      tpu.enqueue_indirect_dma source(%dma_start3A_696 : memref<128xf32, #tpu.memory_space<vmem>>) target(%dma_start3A_701 : memref<100096xf32, #tpu.memory_space<vmem_shared>>) offsets(%dma_start3A_699 : memref<128xi32, #tpu.memory_space<vmem>>) semaphore(%arg15 : memref<!tpu.dma_semaphore, #tpu.memory_space<semaphore_mem>>) {add = true}
      %dma_start3A_702 = arith.constant 37 : i32
      %dma_start3A_703 = arith.constant 4736 : i32
      %dma_start3A_704 = tpu.memref_slice %arg9[%dma_start3A_703] : memref<7168xf32, #tpu.memory_space<vmem>> -> memref<128xf32, #tpu.memory_space<vmem>>
      %dma_start3A_705 = arith.constant 0 : i32
      %dma_start3A_706 = tpu.memref_slice %arg7[%dma_start3A_702, %dma_start3A_705] : memref<56x128xi32, #tpu.memory_space<vmem>> -> memref<1x128xi32, #tpu.memory_space<vmem>>
      %dma_start3A_707 = tpu.memref_squeeze %dma_start3A_706 : memref<1x128xi32, #tpu.memory_space<vmem>> -> memref<128xi32, #tpu.memory_space<vmem>>
      %dma_start3A_708 = arith.constant 0 : i32
      %dma_start3A_709 = tpu.memref_slice %arg12[%dma_start3A_708] : memref<100096xf32, #tpu.memory_space<vmem_shared>> -> memref<100096xf32, #tpu.memory_space<vmem_shared>>
      tpu.enqueue_indirect_dma source(%dma_start3A_704 : memref<128xf32, #tpu.memory_space<vmem>>) target(%dma_start3A_709 : memref<100096xf32, #tpu.memory_space<vmem_shared>>) offsets(%dma_start3A_707 : memref<128xi32, #tpu.memory_space<vmem>>) semaphore(%arg15 : memref<!tpu.dma_semaphore, #tpu.memory_space<semaphore_mem>>) {add = true}
      %dma_start3A_710 = arith.constant 37 : i32
      %dma_start3A_711 = arith.constant 4736 : i32
      %dma_start3A_712 = tpu.memref_slice %arg10[%dma_start3A_711] : memref<7168xf32, #tpu.memory_space<vmem>> -> memref<128xf32, #tpu.memory_space<vmem>>
      %dma_start3A_713 = arith.constant 0 : i32
      %dma_start3A_714 = tpu.memref_slice %arg7[%dma_start3A_710, %dma_start3A_713] : memref<56x128xi32, #tpu.memory_space<vmem>> -> memref<1x128xi32, #tpu.memory_space<vmem>>
      %dma_start3A_715 = tpu.memref_squeeze %dma_start3A_714 : memref<1x128xi32, #tpu.memory_space<vmem>> -> memref<128xi32, #tpu.memory_space<vmem>>
      %dma_start3A_716 = arith.constant 0 : i32
      %dma_start3A_717 = tpu.memref_slice %arg13[%dma_start3A_716] : memref<100096xf32, #tpu.memory_space<vmem_shared>> -> memref<100096xf32, #tpu.memory_space<vmem_shared>>
      tpu.enqueue_indirect_dma source(%dma_start3A_712 : memref<128xf32, #tpu.memory_space<vmem>>) target(%dma_start3A_717 : memref<100096xf32, #tpu.memory_space<vmem_shared>>) offsets(%dma_start3A_715 : memref<128xi32, #tpu.memory_space<vmem>>) semaphore(%arg15 : memref<!tpu.dma_semaphore, #tpu.memory_space<semaphore_mem>>) {add = true}
      %dma_start3A_718 = arith.constant 38 : i32
      %dma_start3A_719 = arith.constant 4864 : i32
      %dma_start3A_720 = tpu.memref_slice %arg9[%dma_start3A_719] : memref<7168xf32, #tpu.memory_space<vmem>> -> memref<128xf32, #tpu.memory_space<vmem>>
      %dma_start3A_721 = arith.constant 0 : i32
      %dma_start3A_722 = tpu.memref_slice %arg7[%dma_start3A_718, %dma_start3A_721] : memref<56x128xi32, #tpu.memory_space<vmem>> -> memref<1x128xi32, #tpu.memory_space<vmem>>
      %dma_start3A_723 = tpu.memref_squeeze %dma_start3A_722 : memref<1x128xi32, #tpu.memory_space<vmem>> -> memref<128xi32, #tpu.memory_space<vmem>>
      %dma_start3A_724 = arith.constant 0 : i32
      %dma_start3A_725 = tpu.memref_slice %arg12[%dma_start3A_724] : memref<100096xf32, #tpu.memory_space<vmem_shared>> -> memref<100096xf32, #tpu.memory_space<vmem_shared>>
      tpu.enqueue_indirect_dma source(%dma_start3A_720 : memref<128xf32, #tpu.memory_space<vmem>>) target(%dma_start3A_725 : memref<100096xf32, #tpu.memory_space<vmem_shared>>) offsets(%dma_start3A_723 : memref<128xi32, #tpu.memory_space<vmem>>) semaphore(%arg15 : memref<!tpu.dma_semaphore, #tpu.memory_space<semaphore_mem>>) {add = true}
      %dma_start3A_726 = arith.constant 38 : i32
      %dma_start3A_727 = arith.constant 4864 : i32
      %dma_start3A_728 = tpu.memref_slice %arg10[%dma_start3A_727] : memref<7168xf32, #tpu.memory_space<vmem>> -> memref<128xf32, #tpu.memory_space<vmem>>
      %dma_start3A_729 = arith.constant 0 : i32
      %dma_start3A_730 = tpu.memref_slice %arg7[%dma_start3A_726, %dma_start3A_729] : memref<56x128xi32, #tpu.memory_space<vmem>> -> memref<1x128xi32, #tpu.memory_space<vmem>>
      %dma_start3A_731 = tpu.memref_squeeze %dma_start3A_730 : memref<1x128xi32, #tpu.memory_space<vmem>> -> memref<128xi32, #tpu.memory_space<vmem>>
      %dma_start3A_732 = arith.constant 0 : i32
      %dma_start3A_733 = tpu.memref_slice %arg13[%dma_start3A_732] : memref<100096xf32, #tpu.memory_space<vmem_shared>> -> memref<100096xf32, #tpu.memory_space<vmem_shared>>
      tpu.enqueue_indirect_dma source(%dma_start3A_728 : memref<128xf32, #tpu.memory_space<vmem>>) target(%dma_start3A_733 : memref<100096xf32, #tpu.memory_space<vmem_shared>>) offsets(%dma_start3A_731 : memref<128xi32, #tpu.memory_space<vmem>>) semaphore(%arg15 : memref<!tpu.dma_semaphore, #tpu.memory_space<semaphore_mem>>) {add = true}
      %dma_start3A_734 = arith.constant 39 : i32
      %dma_start3A_735 = arith.constant 4992 : i32
      %dma_start3A_736 = tpu.memref_slice %arg9[%dma_start3A_735] : memref<7168xf32, #tpu.memory_space<vmem>> -> memref<128xf32, #tpu.memory_space<vmem>>
      %dma_start3A_737 = arith.constant 0 : i32
      %dma_start3A_738 = tpu.memref_slice %arg7[%dma_start3A_734, %dma_start3A_737] : memref<56x128xi32, #tpu.memory_space<vmem>> -> memref<1x128xi32, #tpu.memory_space<vmem>>
      %dma_start3A_739 = tpu.memref_squeeze %dma_start3A_738 : memref<1x128xi32, #tpu.memory_space<vmem>> -> memref<128xi32, #tpu.memory_space<vmem>>
      %dma_start3A_740 = arith.constant 0 : i32
      %dma_start3A_741 = tpu.memref_slice %arg12[%dma_start3A_740] : memref<100096xf32, #tpu.memory_space<vmem_shared>> -> memref<100096xf32, #tpu.memory_space<vmem_shared>>
      tpu.enqueue_indirect_dma source(%dma_start3A_736 : memref<128xf32, #tpu.memory_space<vmem>>) target(%dma_start3A_741 : memref<100096xf32, #tpu.memory_space<vmem_shared>>) offsets(%dma_start3A_739 : memref<128xi32, #tpu.memory_space<vmem>>) semaphore(%arg15 : memref<!tpu.dma_semaphore, #tpu.memory_space<semaphore_mem>>) {add = true}
      %dma_start3A_742 = arith.constant 39 : i32
      %dma_start3A_743 = arith.constant 4992 : i32
      %dma_start3A_744 = tpu.memref_slice %arg10[%dma_start3A_743] : memref<7168xf32, #tpu.memory_space<vmem>> -> memref<128xf32, #tpu.memory_space<vmem>>
      %dma_start3A_745 = arith.constant 0 : i32
      %dma_start3A_746 = tpu.memref_slice %arg7[%dma_start3A_742, %dma_start3A_745] : memref<56x128xi32, #tpu.memory_space<vmem>> -> memref<1x128xi32, #tpu.memory_space<vmem>>
      %dma_start3A_747 = tpu.memref_squeeze %dma_start3A_746 : memref<1x128xi32, #tpu.memory_space<vmem>> -> memref<128xi32, #tpu.memory_space<vmem>>
      %dma_start3A_748 = arith.constant 0 : i32
      %dma_start3A_749 = tpu.memref_slice %arg13[%dma_start3A_748] : memref<100096xf32, #tpu.memory_space<vmem_shared>> -> memref<100096xf32, #tpu.memory_space<vmem_shared>>
      tpu.enqueue_indirect_dma source(%dma_start3A_744 : memref<128xf32, #tpu.memory_space<vmem>>) target(%dma_start3A_749 : memref<100096xf32, #tpu.memory_space<vmem_shared>>) offsets(%dma_start3A_747 : memref<128xi32, #tpu.memory_space<vmem>>) semaphore(%arg15 : memref<!tpu.dma_semaphore, #tpu.memory_space<semaphore_mem>>) {add = true}
      %broadcast_in_dim3A_750 = arith.constant -65536 : i32
      %broadcast_in_dim3A_751 = vector.broadcast %broadcast_in_dim3A_750 : i32 to vector<16xi32>
      %scan3A_752 = arith.constant 0 : i32
      %scan3A_753 = arith.constant 0 : i32
      %scan3A_754 = arith.constant 16 : i32
      %scan3A_755 = arith.addi %scan3A_753, %scan3A_754 : i32
      %scan3A_756 = arith.constant 1 : i32
      %scan3A_757 = scf.for %scan3A_1033 = %scan3A_753 to %scan3A_755 step %scan3A_756 iter_args(%scan3A_1034 = %scan3A_752) -> (i32)  : i32 {
        %mul3A_1035 = arith.constant 64 : i32
        %mul3A_1036 = arith.muli %scan3A_1033, %mul3A_1035 : i32
        %add3A_1037 = arith.constant 5120 : i32
        %add3A_1038 = arith.addi %add3A_1037, %mul3A_1036 : i32
        %add3A_1039 = arith.constant 0 : i32
        %add3A_1040 = arith.addi %add3A_1038, %add3A_1039 : i32
        %get3A = arith.index_cast %add3A_1040 : i32 to index
        %get3A_1041 = tpu.vector_load %arg8[%get3A] {strides = array<i32>} : memref<7168xi32, #tpu.memory_space<vmem>>, vector<16xi32>,
        %shift_left3A = arith.constant 16 : i32
        %shift_left3A_1042 = vector.broadcast %shift_left3A : i32 to vector<16xi32>
        %shift_left3A_1043 = arith.shli %get3A_1041, %shift_left3A_1042 : vector<16xi32>
        %bitcast3A = vector.bitcast %shift_left3A_1043 : vector<16xi32> to vector<16xf32>
        %add3A_1044 = arith.constant 0 : i32
        %add3A_1045 = arith.addi %add3A_1038, %add3A_1044 : i32
        %swap3A = arith.index_cast %add3A_1045 : i32 to index
        %swap3A_1046 = tpu.vector_load %arg9[%swap3A] {strides = array<i32>} : memref<7168xf32, #tpu.memory_space<vmem>>, vector<16xf32>,
        %swap3A_1047 = vector.shape_cast %swap3A_1046 : vector<16xf32> to vector<16xf32>
        %swap3A_1048 = vector.shape_cast %bitcast3A : vector<16xf32> to vector<16xf32>
        tpu.vector_store %arg9[%swap3A], %swap3A_1048 {strides = array<i32>} : memref<7168xf32, #tpu.memory_space<vmem>>, vector<16xf32>,
        %and3A = arith.andi %get3A_1041, %broadcast_in_dim3A_751 : vector<16xi32>
        %bitcast3A_1049 = vector.bitcast %and3A : vector<16xi32> to vector<16xf32>
        %add3A_1050 = arith.constant 0 : i32
        %add3A_1051 = arith.addi %add3A_1038, %add3A_1050 : i32
        %swap3A_1052 = arith.index_cast %add3A_1051 : i32 to index
        %swap3A_1053 = tpu.vector_load %arg10[%swap3A_1052] {strides = array<i32>} : memref<7168xf32, #tpu.memory_space<vmem>>, vector<16xf32>,
        %swap3A_1054 = vector.shape_cast %swap3A_1053 : vector<16xf32> to vector<16xf32>
        %swap3A_1055 = vector.shape_cast %bitcast3A_1049 : vector<16xf32> to vector<16xf32>
        tpu.vector_store %arg10[%swap3A_1052], %swap3A_1055 {strides = array<i32>} : memref<7168xf32, #tpu.memory_space<vmem>>, vector<16xf32>,
        %add3A_1056 = arith.constant 16 : i32
        %add3A_1057 = arith.addi %add3A_1038, %add3A_1056 : i32
        %get3A_1058 = arith.index_cast %add3A_1057 : i32 to index
        %get3A_1059 = tpu.vector_load %arg8[%get3A_1058] {strides = array<i32>} : memref<7168xi32, #tpu.memory_space<vmem>>, vector<16xi32>,
        %shift_left3A_1060 = arith.constant 16 : i32
        %shift_left3A_1061 = vector.broadcast %shift_left3A_1060 : i32 to vector<16xi32>
        %shift_left3A_1062 = arith.shli %get3A_1059, %shift_left3A_1061 : vector<16xi32>
        %bitcast3A_1063 = vector.bitcast %shift_left3A_1062 : vector<16xi32> to vector<16xf32>
        %add3A_1064 = arith.constant 16 : i32
        %add3A_1065 = arith.addi %add3A_1038, %add3A_1064 : i32
        %swap3A_1066 = arith.index_cast %add3A_1065 : i32 to index
        %swap3A_1067 = tpu.vector_load %arg9[%swap3A_1066] {strides = array<i32>} : memref<7168xf32, #tpu.memory_space<vmem>>, vector<16xf32>,
        %swap3A_1068 = vector.shape_cast %swap3A_1067 : vector<16xf32> to vector<16xf32>
        %swap3A_1069 = vector.shape_cast %bitcast3A_1063 : vector<16xf32> to vector<16xf32>
        tpu.vector_store %arg9[%swap3A_1066], %swap3A_1069 {strides = array<i32>} : memref<7168xf32, #tpu.memory_space<vmem>>, vector<16xf32>,
        %and3A_1070 = arith.andi %get3A_1059, %broadcast_in_dim3A_751 : vector<16xi32>
        %bitcast3A_1071 = vector.bitcast %and3A_1070 : vector<16xi32> to vector<16xf32>
        %add3A_1072 = arith.constant 16 : i32
        %add3A_1073 = arith.addi %add3A_1038, %add3A_1072 : i32
        %swap3A_1074 = arith.index_cast %add3A_1073 : i32 to index
        %swap3A_1075 = tpu.vector_load %arg10[%swap3A_1074] {strides = array<i32>} : memref<7168xf32, #tpu.memory_space<vmem>>, vector<16xf32>,
        %swap3A_1076 = vector.shape_cast %swap3A_1075 : vector<16xf32> to vector<16xf32>
        %swap3A_1077 = vector.shape_cast %bitcast3A_1071 : vector<16xf32> to vector<16xf32>
        tpu.vector_store %arg10[%swap3A_1074], %swap3A_1077 {strides = array<i32>} : memref<7168xf32, #tpu.memory_space<vmem>>, vector<16xf32>,
        %add3A_1078 = arith.constant 32 : i32
        %add3A_1079 = arith.addi %add3A_1038, %add3A_1078 : i32
        %get3A_1080 = arith.index_cast %add3A_1079 : i32 to index
        %get3A_1081 = tpu.vector_load %arg8[%get3A_1080] {strides = array<i32>} : memref<7168xi32, #tpu.memory_space<vmem>>, vector<16xi32>,
        %shift_left3A_1082 = arith.constant 16 : i32
        %shift_left3A_1083 = vector.broadcast %shift_left3A_1082 : i32 to vector<16xi32>
        %shift_left3A_1084 = arith.shli %get3A_1081, %shift_left3A_1083 : vector<16xi32>
        %bitcast3A_1085 = vector.bitcast %shift_left3A_1084 : vector<16xi32> to vector<16xf32>
        %add3A_1086 = arith.constant 32 : i32
        %add3A_1087 = arith.addi %add3A_1038, %add3A_1086 : i32
        %swap3A_1088 = arith.index_cast %add3A_1087 : i32 to index
        %swap3A_1089 = tpu.vector_load %arg9[%swap3A_1088] {strides = array<i32>} : memref<7168xf32, #tpu.memory_space<vmem>>, vector<16xf32>,
        %swap3A_1090 = vector.shape_cast %swap3A_1089 : vector<16xf32> to vector<16xf32>
        %swap3A_1091 = vector.shape_cast %bitcast3A_1085 : vector<16xf32> to vector<16xf32>
        tpu.vector_store %arg9[%swap3A_1088], %swap3A_1091 {strides = array<i32>} : memref<7168xf32, #tpu.memory_space<vmem>>, vector<16xf32>,
        %and3A_1092 = arith.andi %get3A_1081, %broadcast_in_dim3A_751 : vector<16xi32>
        %bitcast3A_1093 = vector.bitcast %and3A_1092 : vector<16xi32> to vector<16xf32>
        %add3A_1094 = arith.constant 32 : i32
        %add3A_1095 = arith.addi %add3A_1038, %add3A_1094 : i32
        %swap3A_1096 = arith.index_cast %add3A_1095 : i32 to index
        %swap3A_1097 = tpu.vector_load %arg10[%swap3A_1096] {strides = array<i32>} : memref<7168xf32, #tpu.memory_space<vmem>>, vector<16xf32>,
        %swap3A_1098 = vector.shape_cast %swap3A_1097 : vector<16xf32> to vector<16xf32>
        %swap3A_1099 = vector.shape_cast %bitcast3A_1093 : vector<16xf32> to vector<16xf32>
        tpu.vector_store %arg10[%swap3A_1096], %swap3A_1099 {strides = array<i32>} : memref<7168xf32, #tpu.memory_space<vmem>>, vector<16xf32>,
        %add3A_1100 = arith.constant 48 : i32
        %add3A_1101 = arith.addi %add3A_1038, %add3A_1100 : i32
        %get3A_1102 = arith.index_cast %add3A_1101 : i32 to index
        %get3A_1103 = tpu.vector_load %arg8[%get3A_1102] {strides = array<i32>} : memref<7168xi32, #tpu.memory_space<vmem>>, vector<16xi32>,
        %shift_left3A_1104 = arith.constant 16 : i32
        %shift_left3A_1105 = vector.broadcast %shift_left3A_1104 : i32 to vector<16xi32>
        %shift_left3A_1106 = arith.shli %get3A_1103, %shift_left3A_1105 : vector<16xi32>
        %bitcast3A_1107 = vector.bitcast %shift_left3A_1106 : vector<16xi32> to vector<16xf32>
        %add3A_1108 = arith.constant 48 : i32
        %add3A_1109 = arith.addi %add3A_1038, %add3A_1108 : i32
        %swap3A_1110 = arith.index_cast %add3A_1109 : i32 to index
        %swap3A_1111 = tpu.vector_load %arg9[%swap3A_1110] {strides = array<i32>} : memref<7168xf32, #tpu.memory_space<vmem>>, vector<16xf32>,
        %swap3A_1112 = vector.shape_cast %swap3A_1111 : vector<16xf32> to vector<16xf32>
        %swap3A_1113 = vector.shape_cast %bitcast3A_1107 : vector<16xf32> to vector<16xf32>
        tpu.vector_store %arg9[%swap3A_1110], %swap3A_1113 {strides = array<i32>} : memref<7168xf32, #tpu.memory_space<vmem>>, vector<16xf32>,
        %and3A_1114 = arith.andi %get3A_1103, %broadcast_in_dim3A_751 : vector<16xi32>
        %bitcast3A_1115 = vector.bitcast %and3A_1114 : vector<16xi32> to vector<16xf32>
        %add3A_1116 = arith.constant 48 : i32
        %add3A_1117 = arith.addi %add3A_1038, %add3A_1116 : i32
        %swap3A_1118 = arith.index_cast %add3A_1117 : i32 to index
        %swap3A_1119 = tpu.vector_load %arg10[%swap3A_1118] {strides = array<i32>} : memref<7168xf32, #tpu.memory_space<vmem>>, vector<16xf32>,
        %swap3A_1120 = vector.shape_cast %swap3A_1119 : vector<16xf32> to vector<16xf32>
        %swap3A_1121 = vector.shape_cast %bitcast3A_1115 : vector<16xf32> to vector<16xf32>
        tpu.vector_store %arg10[%swap3A_1118], %swap3A_1121 {strides = array<i32>} : memref<7168xf32, #tpu.memory_space<vmem>>, vector<16xf32>,
        %scan3A_1122 = arith.constant 0 : i32
        scf.yield %scan3A_1122 : i32
      }
      %scan3A_758 = arith.constant 16 : i32
      %dma_start3A_759 = arith.constant 40 : i32
      %dma_start3A_760 = arith.constant 5120 : i32
      %dma_start3A_761 = tpu.memref_slice %arg9[%dma_start3A_760] : memref<7168xf32, #tpu.memory_space<vmem>> -> memref<128xf32, #tpu.memory_space<vmem>>
      %dma_start3A_762 = arith.constant 0 : i32
      %dma_start3A_763 = tpu.memref_slice %arg7[%dma_start3A_759, %dma_start3A_762] : memref<56x128xi32, #tpu.memory_space<vmem>> -> memref<1x128xi32, #tpu.memory_space<vmem>>
      %dma_start3A_764 = tpu.memref_squeeze %dma_start3A_763 : memref<1x128xi32, #tpu.memory_space<vmem>> -> memref<128xi32, #tpu.memory_space<vmem>>
      %dma_start3A_765 = arith.constant 0 : i32
      %dma_start3A_766 = tpu.memref_slice %arg12[%dma_start3A_765] : memref<100096xf32, #tpu.memory_space<vmem_shared>> -> memref<100096xf32, #tpu.memory_space<vmem_shared>>
      tpu.enqueue_indirect_dma source(%dma_start3A_761 : memref<128xf32, #tpu.memory_space<vmem>>) target(%dma_start3A_766 : memref<100096xf32, #tpu.memory_space<vmem_shared>>) offsets(%dma_start3A_764 : memref<128xi32, #tpu.memory_space<vmem>>) semaphore(%arg15 : memref<!tpu.dma_semaphore, #tpu.memory_space<semaphore_mem>>) {add = true}
      %dma_start3A_767 = arith.constant 40 : i32
      %dma_start3A_768 = arith.constant 5120 : i32
      %dma_start3A_769 = tpu.memref_slice %arg10[%dma_start3A_768] : memref<7168xf32, #tpu.memory_space<vmem>> -> memref<128xf32, #tpu.memory_space<vmem>>
      %dma_start3A_770 = arith.constant 0 : i32
      %dma_start3A_771 = tpu.memref_slice %arg7[%dma_start3A_767, %dma_start3A_770] : memref<56x128xi32, #tpu.memory_space<vmem>> -> memref<1x128xi32, #tpu.memory_space<vmem>>
      %dma_start3A_772 = tpu.memref_squeeze %dma_start3A_771 : memref<1x128xi32, #tpu.memory_space<vmem>> -> memref<128xi32, #tpu.memory_space<vmem>>
      %dma_start3A_773 = arith.constant 0 : i32
      %dma_start3A_774 = tpu.memref_slice %arg13[%dma_start3A_773] : memref<100096xf32, #tpu.memory_space<vmem_shared>> -> memref<100096xf32, #tpu.memory_space<vmem_shared>>
      tpu.enqueue_indirect_dma source(%dma_start3A_769 : memref<128xf32, #tpu.memory_space<vmem>>) target(%dma_start3A_774 : memref<100096xf32, #tpu.memory_space<vmem_shared>>) offsets(%dma_start3A_772 : memref<128xi32, #tpu.memory_space<vmem>>) semaphore(%arg15 : memref<!tpu.dma_semaphore, #tpu.memory_space<semaphore_mem>>) {add = true}
      %dma_start3A_775 = arith.constant 41 : i32
      %dma_start3A_776 = arith.constant 5248 : i32
      %dma_start3A_777 = tpu.memref_slice %arg9[%dma_start3A_776] : memref<7168xf32, #tpu.memory_space<vmem>> -> memref<128xf32, #tpu.memory_space<vmem>>
      %dma_start3A_778 = arith.constant 0 : i32
      %dma_start3A_779 = tpu.memref_slice %arg7[%dma_start3A_775, %dma_start3A_778] : memref<56x128xi32, #tpu.memory_space<vmem>> -> memref<1x128xi32, #tpu.memory_space<vmem>>
      %dma_start3A_780 = tpu.memref_squeeze %dma_start3A_779 : memref<1x128xi32, #tpu.memory_space<vmem>> -> memref<128xi32, #tpu.memory_space<vmem>>
      %dma_start3A_781 = arith.constant 0 : i32
      %dma_start3A_782 = tpu.memref_slice %arg12[%dma_start3A_781] : memref<100096xf32, #tpu.memory_space<vmem_shared>> -> memref<100096xf32, #tpu.memory_space<vmem_shared>>
      tpu.enqueue_indirect_dma source(%dma_start3A_777 : memref<128xf32, #tpu.memory_space<vmem>>) target(%dma_start3A_782 : memref<100096xf32, #tpu.memory_space<vmem_shared>>) offsets(%dma_start3A_780 : memref<128xi32, #tpu.memory_space<vmem>>) semaphore(%arg15 : memref<!tpu.dma_semaphore, #tpu.memory_space<semaphore_mem>>) {add = true}
      %dma_start3A_783 = arith.constant 41 : i32
      %dma_start3A_784 = arith.constant 5248 : i32
      %dma_start3A_785 = tpu.memref_slice %arg10[%dma_start3A_784] : memref<7168xf32, #tpu.memory_space<vmem>> -> memref<128xf32, #tpu.memory_space<vmem>>
      %dma_start3A_786 = arith.constant 0 : i32
      %dma_start3A_787 = tpu.memref_slice %arg7[%dma_start3A_783, %dma_start3A_786] : memref<56x128xi32, #tpu.memory_space<vmem>> -> memref<1x128xi32, #tpu.memory_space<vmem>>
      %dma_start3A_788 = tpu.memref_squeeze %dma_start3A_787 : memref<1x128xi32, #tpu.memory_space<vmem>> -> memref<128xi32, #tpu.memory_space<vmem>>
      %dma_start3A_789 = arith.constant 0 : i32
      %dma_start3A_790 = tpu.memref_slice %arg13[%dma_start3A_789] : memref<100096xf32, #tpu.memory_space<vmem_shared>> -> memref<100096xf32, #tpu.memory_space<vmem_shared>>
      tpu.enqueue_indirect_dma source(%dma_start3A_785 : memref<128xf32, #tpu.memory_space<vmem>>) target(%dma_start3A_790 : memref<100096xf32, #tpu.memory_space<vmem_shared>>) offsets(%dma_start3A_788 : memref<128xi32, #tpu.memory_space<vmem>>) semaphore(%arg15 : memref<!tpu.dma_semaphore, #tpu.memory_space<semaphore_mem>>) {add = true}
      %dma_start3A_791 = arith.constant 42 : i32
      %dma_start3A_792 = arith.constant 5376 : i32
      %dma_start3A_793 = tpu.memref_slice %arg9[%dma_start3A_792] : memref<7168xf32, #tpu.memory_space<vmem>> -> memref<128xf32, #tpu.memory_space<vmem>>
      %dma_start3A_794 = arith.constant 0 : i32
      %dma_start3A_795 = tpu.memref_slice %arg7[%dma_start3A_791, %dma_start3A_794] : memref<56x128xi32, #tpu.memory_space<vmem>> -> memref<1x128xi32, #tpu.memory_space<vmem>>
      %dma_start3A_796 = tpu.memref_squeeze %dma_start3A_795 : memref<1x128xi32, #tpu.memory_space<vmem>> -> memref<128xi32, #tpu.memory_space<vmem>>
      %dma_start3A_797 = arith.constant 0 : i32
      %dma_start3A_798 = tpu.memref_slice %arg12[%dma_start3A_797] : memref<100096xf32, #tpu.memory_space<vmem_shared>> -> memref<100096xf32, #tpu.memory_space<vmem_shared>>
      tpu.enqueue_indirect_dma source(%dma_start3A_793 : memref<128xf32, #tpu.memory_space<vmem>>) target(%dma_start3A_798 : memref<100096xf32, #tpu.memory_space<vmem_shared>>) offsets(%dma_start3A_796 : memref<128xi32, #tpu.memory_space<vmem>>) semaphore(%arg15 : memref<!tpu.dma_semaphore, #tpu.memory_space<semaphore_mem>>) {add = true}
      %dma_start3A_799 = arith.constant 42 : i32
      %dma_start3A_800 = arith.constant 5376 : i32
      %dma_start3A_801 = tpu.memref_slice %arg10[%dma_start3A_800] : memref<7168xf32, #tpu.memory_space<vmem>> -> memref<128xf32, #tpu.memory_space<vmem>>
      %dma_start3A_802 = arith.constant 0 : i32
      %dma_start3A_803 = tpu.memref_slice %arg7[%dma_start3A_799, %dma_start3A_802] : memref<56x128xi32, #tpu.memory_space<vmem>> -> memref<1x128xi32, #tpu.memory_space<vmem>>
      %dma_start3A_804 = tpu.memref_squeeze %dma_start3A_803 : memref<1x128xi32, #tpu.memory_space<vmem>> -> memref<128xi32, #tpu.memory_space<vmem>>
      %dma_start3A_805 = arith.constant 0 : i32
      %dma_start3A_806 = tpu.memref_slice %arg13[%dma_start3A_805] : memref<100096xf32, #tpu.memory_space<vmem_shared>> -> memref<100096xf32, #tpu.memory_space<vmem_shared>>
      tpu.enqueue_indirect_dma source(%dma_start3A_801 : memref<128xf32, #tpu.memory_space<vmem>>) target(%dma_start3A_806 : memref<100096xf32, #tpu.memory_space<vmem_shared>>) offsets(%dma_start3A_804 : memref<128xi32, #tpu.memory_space<vmem>>) semaphore(%arg15 : memref<!tpu.dma_semaphore, #tpu.memory_space<semaphore_mem>>) {add = true}
      %dma_start3A_807 = arith.constant 43 : i32
      %dma_start3A_808 = arith.constant 5504 : i32
      %dma_start3A_809 = tpu.memref_slice %arg9[%dma_start3A_808] : memref<7168xf32, #tpu.memory_space<vmem>> -> memref<128xf32, #tpu.memory_space<vmem>>
      %dma_start3A_810 = arith.constant 0 : i32
      %dma_start3A_811 = tpu.memref_slice %arg7[%dma_start3A_807, %dma_start3A_810] : memref<56x128xi32, #tpu.memory_space<vmem>> -> memref<1x128xi32, #tpu.memory_space<vmem>>
      %dma_start3A_812 = tpu.memref_squeeze %dma_start3A_811 : memref<1x128xi32, #tpu.memory_space<vmem>> -> memref<128xi32, #tpu.memory_space<vmem>>
      %dma_start3A_813 = arith.constant 0 : i32
      %dma_start3A_814 = tpu.memref_slice %arg12[%dma_start3A_813] : memref<100096xf32, #tpu.memory_space<vmem_shared>> -> memref<100096xf32, #tpu.memory_space<vmem_shared>>
      tpu.enqueue_indirect_dma source(%dma_start3A_809 : memref<128xf32, #tpu.memory_space<vmem>>) target(%dma_start3A_814 : memref<100096xf32, #tpu.memory_space<vmem_shared>>) offsets(%dma_start3A_812 : memref<128xi32, #tpu.memory_space<vmem>>) semaphore(%arg15 : memref<!tpu.dma_semaphore, #tpu.memory_space<semaphore_mem>>) {add = true}
      %dma_start3A_815 = arith.constant 43 : i32
      %dma_start3A_816 = arith.constant 5504 : i32
      %dma_start3A_817 = tpu.memref_slice %arg10[%dma_start3A_816] : memref<7168xf32, #tpu.memory_space<vmem>> -> memref<128xf32, #tpu.memory_space<vmem>>
      %dma_start3A_818 = arith.constant 0 : i32
      %dma_start3A_819 = tpu.memref_slice %arg7[%dma_start3A_815, %dma_start3A_818] : memref<56x128xi32, #tpu.memory_space<vmem>> -> memref<1x128xi32, #tpu.memory_space<vmem>>
      %dma_start3A_820 = tpu.memref_squeeze %dma_start3A_819 : memref<1x128xi32, #tpu.memory_space<vmem>> -> memref<128xi32, #tpu.memory_space<vmem>>
      %dma_start3A_821 = arith.constant 0 : i32
      %dma_start3A_822 = tpu.memref_slice %arg13[%dma_start3A_821] : memref<100096xf32, #tpu.memory_space<vmem_shared>> -> memref<100096xf32, #tpu.memory_space<vmem_shared>>
      tpu.enqueue_indirect_dma source(%dma_start3A_817 : memref<128xf32, #tpu.memory_space<vmem>>) target(%dma_start3A_822 : memref<100096xf32, #tpu.memory_space<vmem_shared>>) offsets(%dma_start3A_820 : memref<128xi32, #tpu.memory_space<vmem>>) semaphore(%arg15 : memref<!tpu.dma_semaphore, #tpu.memory_space<semaphore_mem>>) {add = true}
      %dma_start3A_823 = arith.constant 44 : i32
      %dma_start3A_824 = arith.constant 5632 : i32
      %dma_start3A_825 = tpu.memref_slice %arg9[%dma_start3A_824] : memref<7168xf32, #tpu.memory_space<vmem>> -> memref<128xf32, #tpu.memory_space<vmem>>
      %dma_start3A_826 = arith.constant 0 : i32
      %dma_start3A_827 = tpu.memref_slice %arg7[%dma_start3A_823, %dma_start3A_826] : memref<56x128xi32, #tpu.memory_space<vmem>> -> memref<1x128xi32, #tpu.memory_space<vmem>>
      %dma_start3A_828 = tpu.memref_squeeze %dma_start3A_827 : memref<1x128xi32, #tpu.memory_space<vmem>> -> memref<128xi32, #tpu.memory_space<vmem>>
      %dma_start3A_829 = arith.constant 0 : i32
      %dma_start3A_830 = tpu.memref_slice %arg12[%dma_start3A_829] : memref<100096xf32, #tpu.memory_space<vmem_shared>> -> memref<100096xf32, #tpu.memory_space<vmem_shared>>
      tpu.enqueue_indirect_dma source(%dma_start3A_825 : memref<128xf32, #tpu.memory_space<vmem>>) target(%dma_start3A_830 : memref<100096xf32, #tpu.memory_space<vmem_shared>>) offsets(%dma_start3A_828 : memref<128xi32, #tpu.memory_space<vmem>>) semaphore(%arg15 : memref<!tpu.dma_semaphore, #tpu.memory_space<semaphore_mem>>) {add = true}
      %dma_start3A_831 = arith.constant 44 : i32
      %dma_start3A_832 = arith.constant 5632 : i32
      %dma_start3A_833 = tpu.memref_slice %arg10[%dma_start3A_832] : memref<7168xf32, #tpu.memory_space<vmem>> -> memref<128xf32, #tpu.memory_space<vmem>>
      %dma_start3A_834 = arith.constant 0 : i32
      %dma_start3A_835 = tpu.memref_slice %arg7[%dma_start3A_831, %dma_start3A_834] : memref<56x128xi32, #tpu.memory_space<vmem>> -> memref<1x128xi32, #tpu.memory_space<vmem>>
      %dma_start3A_836 = tpu.memref_squeeze %dma_start3A_835 : memref<1x128xi32, #tpu.memory_space<vmem>> -> memref<128xi32, #tpu.memory_space<vmem>>
      %dma_start3A_837 = arith.constant 0 : i32
      %dma_start3A_838 = tpu.memref_slice %arg13[%dma_start3A_837] : memref<100096xf32, #tpu.memory_space<vmem_shared>> -> memref<100096xf32, #tpu.memory_space<vmem_shared>>
      tpu.enqueue_indirect_dma source(%dma_start3A_833 : memref<128xf32, #tpu.memory_space<vmem>>) target(%dma_start3A_838 : memref<100096xf32, #tpu.memory_space<vmem_shared>>) offsets(%dma_start3A_836 : memref<128xi32, #tpu.memory_space<vmem>>) semaphore(%arg15 : memref<!tpu.dma_semaphore, #tpu.memory_space<semaphore_mem>>) {add = true}
      %dma_start3A_839 = arith.constant 45 : i32
      %dma_start3A_840 = arith.constant 5760 : i32
      %dma_start3A_841 = tpu.memref_slice %arg9[%dma_start3A_840] : memref<7168xf32, #tpu.memory_space<vmem>> -> memref<128xf32, #tpu.memory_space<vmem>>
      %dma_start3A_842 = arith.constant 0 : i32
      %dma_start3A_843 = tpu.memref_slice %arg7[%dma_start3A_839, %dma_start3A_842] : memref<56x128xi32, #tpu.memory_space<vmem>> -> memref<1x128xi32, #tpu.memory_space<vmem>>
      %dma_start3A_844 = tpu.memref_squeeze %dma_start3A_843 : memref<1x128xi32, #tpu.memory_space<vmem>> -> memref<128xi32, #tpu.memory_space<vmem>>
      %dma_start3A_845 = arith.constant 0 : i32
      %dma_start3A_846 = tpu.memref_slice %arg12[%dma_start3A_845] : memref<100096xf32, #tpu.memory_space<vmem_shared>> -> memref<100096xf32, #tpu.memory_space<vmem_shared>>
      tpu.enqueue_indirect_dma source(%dma_start3A_841 : memref<128xf32, #tpu.memory_space<vmem>>) target(%dma_start3A_846 : memref<100096xf32, #tpu.memory_space<vmem_shared>>) offsets(%dma_start3A_844 : memref<128xi32, #tpu.memory_space<vmem>>) semaphore(%arg15 : memref<!tpu.dma_semaphore, #tpu.memory_space<semaphore_mem>>) {add = true}
      %dma_start3A_847 = arith.constant 45 : i32
      %dma_start3A_848 = arith.constant 5760 : i32
      %dma_start3A_849 = tpu.memref_slice %arg10[%dma_start3A_848] : memref<7168xf32, #tpu.memory_space<vmem>> -> memref<128xf32, #tpu.memory_space<vmem>>
      %dma_start3A_850 = arith.constant 0 : i32
      %dma_start3A_851 = tpu.memref_slice %arg7[%dma_start3A_847, %dma_start3A_850] : memref<56x128xi32, #tpu.memory_space<vmem>> -> memref<1x128xi32, #tpu.memory_space<vmem>>
      %dma_start3A_852 = tpu.memref_squeeze %dma_start3A_851 : memref<1x128xi32, #tpu.memory_space<vmem>> -> memref<128xi32, #tpu.memory_space<vmem>>
      %dma_start3A_853 = arith.constant 0 : i32
      %dma_start3A_854 = tpu.memref_slice %arg13[%dma_start3A_853] : memref<100096xf32, #tpu.memory_space<vmem_shared>> -> memref<100096xf32, #tpu.memory_space<vmem_shared>>
      tpu.enqueue_indirect_dma source(%dma_start3A_849 : memref<128xf32, #tpu.memory_space<vmem>>) target(%dma_start3A_854 : memref<100096xf32, #tpu.memory_space<vmem_shared>>) offsets(%dma_start3A_852 : memref<128xi32, #tpu.memory_space<vmem>>) semaphore(%arg15 : memref<!tpu.dma_semaphore, #tpu.memory_space<semaphore_mem>>) {add = true}
      %dma_start3A_855 = arith.constant 46 : i32
      %dma_start3A_856 = arith.constant 5888 : i32
      %dma_start3A_857 = tpu.memref_slice %arg9[%dma_start3A_856] : memref<7168xf32, #tpu.memory_space<vmem>> -> memref<128xf32, #tpu.memory_space<vmem>>
      %dma_start3A_858 = arith.constant 0 : i32
      %dma_start3A_859 = tpu.memref_slice %arg7[%dma_start3A_855, %dma_start3A_858] : memref<56x128xi32, #tpu.memory_space<vmem>> -> memref<1x128xi32, #tpu.memory_space<vmem>>
      %dma_start3A_860 = tpu.memref_squeeze %dma_start3A_859 : memref<1x128xi32, #tpu.memory_space<vmem>> -> memref<128xi32, #tpu.memory_space<vmem>>
      %dma_start3A_861 = arith.constant 0 : i32
      %dma_start3A_862 = tpu.memref_slice %arg12[%dma_start3A_861] : memref<100096xf32, #tpu.memory_space<vmem_shared>> -> memref<100096xf32, #tpu.memory_space<vmem_shared>>
      tpu.enqueue_indirect_dma source(%dma_start3A_857 : memref<128xf32, #tpu.memory_space<vmem>>) target(%dma_start3A_862 : memref<100096xf32, #tpu.memory_space<vmem_shared>>) offsets(%dma_start3A_860 : memref<128xi32, #tpu.memory_space<vmem>>) semaphore(%arg15 : memref<!tpu.dma_semaphore, #tpu.memory_space<semaphore_mem>>) {add = true}
      %dma_start3A_863 = arith.constant 46 : i32
      %dma_start3A_864 = arith.constant 5888 : i32
      %dma_start3A_865 = tpu.memref_slice %arg10[%dma_start3A_864] : memref<7168xf32, #tpu.memory_space<vmem>> -> memref<128xf32, #tpu.memory_space<vmem>>
      %dma_start3A_866 = arith.constant 0 : i32
      %dma_start3A_867 = tpu.memref_slice %arg7[%dma_start3A_863, %dma_start3A_866] : memref<56x128xi32, #tpu.memory_space<vmem>> -> memref<1x128xi32, #tpu.memory_space<vmem>>
      %dma_start3A_868 = tpu.memref_squeeze %dma_start3A_867 : memref<1x128xi32, #tpu.memory_space<vmem>> -> memref<128xi32, #tpu.memory_space<vmem>>
      %dma_start3A_869 = arith.constant 0 : i32
      %dma_start3A_870 = tpu.memref_slice %arg13[%dma_start3A_869] : memref<100096xf32, #tpu.memory_space<vmem_shared>> -> memref<100096xf32, #tpu.memory_space<vmem_shared>>
      tpu.enqueue_indirect_dma source(%dma_start3A_865 : memref<128xf32, #tpu.memory_space<vmem>>) target(%dma_start3A_870 : memref<100096xf32, #tpu.memory_space<vmem_shared>>) offsets(%dma_start3A_868 : memref<128xi32, #tpu.memory_space<vmem>>) semaphore(%arg15 : memref<!tpu.dma_semaphore, #tpu.memory_space<semaphore_mem>>) {add = true}
      %dma_start3A_871 = arith.constant 47 : i32
      %dma_start3A_872 = arith.constant 6016 : i32
      %dma_start3A_873 = tpu.memref_slice %arg9[%dma_start3A_872] : memref<7168xf32, #tpu.memory_space<vmem>> -> memref<128xf32, #tpu.memory_space<vmem>>
      %dma_start3A_874 = arith.constant 0 : i32
      %dma_start3A_875 = tpu.memref_slice %arg7[%dma_start3A_871, %dma_start3A_874] : memref<56x128xi32, #tpu.memory_space<vmem>> -> memref<1x128xi32, #tpu.memory_space<vmem>>
      %dma_start3A_876 = tpu.memref_squeeze %dma_start3A_875 : memref<1x128xi32, #tpu.memory_space<vmem>> -> memref<128xi32, #tpu.memory_space<vmem>>
      %dma_start3A_877 = arith.constant 0 : i32
      %dma_start3A_878 = tpu.memref_slice %arg12[%dma_start3A_877] : memref<100096xf32, #tpu.memory_space<vmem_shared>> -> memref<100096xf32, #tpu.memory_space<vmem_shared>>
      tpu.enqueue_indirect_dma source(%dma_start3A_873 : memref<128xf32, #tpu.memory_space<vmem>>) target(%dma_start3A_878 : memref<100096xf32, #tpu.memory_space<vmem_shared>>) offsets(%dma_start3A_876 : memref<128xi32, #tpu.memory_space<vmem>>) semaphore(%arg15 : memref<!tpu.dma_semaphore, #tpu.memory_space<semaphore_mem>>) {add = true}
      %dma_start3A_879 = arith.constant 47 : i32
      %dma_start3A_880 = arith.constant 6016 : i32
      %dma_start3A_881 = tpu.memref_slice %arg10[%dma_start3A_880] : memref<7168xf32, #tpu.memory_space<vmem>> -> memref<128xf32, #tpu.memory_space<vmem>>
      %dma_start3A_882 = arith.constant 0 : i32
      %dma_start3A_883 = tpu.memref_slice %arg7[%dma_start3A_879, %dma_start3A_882] : memref<56x128xi32, #tpu.memory_space<vmem>> -> memref<1x128xi32, #tpu.memory_space<vmem>>
      %dma_start3A_884 = tpu.memref_squeeze %dma_start3A_883 : memref<1x128xi32, #tpu.memory_space<vmem>> -> memref<128xi32, #tpu.memory_space<vmem>>
      %dma_start3A_885 = arith.constant 0 : i32
      %dma_start3A_886 = tpu.memref_slice %arg13[%dma_start3A_885] : memref<100096xf32, #tpu.memory_space<vmem_shared>> -> memref<100096xf32, #tpu.memory_space<vmem_shared>>
      tpu.enqueue_indirect_dma source(%dma_start3A_881 : memref<128xf32, #tpu.memory_space<vmem>>) target(%dma_start3A_886 : memref<100096xf32, #tpu.memory_space<vmem_shared>>) offsets(%dma_start3A_884 : memref<128xi32, #tpu.memory_space<vmem>>) semaphore(%arg15 : memref<!tpu.dma_semaphore, #tpu.memory_space<semaphore_mem>>) {add = true}
      %broadcast_in_dim3A_887 = arith.constant -65536 : i32
      %broadcast_in_dim3A_888 = vector.broadcast %broadcast_in_dim3A_887 : i32 to vector<16xi32>
      %scan3A_889 = arith.constant 0 : i32
      %scan3A_890 = arith.constant 0 : i32
      %scan3A_891 = arith.constant 16 : i32
      %scan3A_892 = arith.addi %scan3A_890, %scan3A_891 : i32
      %scan3A_893 = arith.constant 1 : i32
      %scan3A_894 = scf.for %scan3A_1033 = %scan3A_890 to %scan3A_892 step %scan3A_893 iter_args(%scan3A_1034 = %scan3A_889) -> (i32)  : i32 {
        %mul3A_1035 = arith.constant 64 : i32
        %mul3A_1036 = arith.muli %scan3A_1033, %mul3A_1035 : i32
        %add3A_1037 = arith.constant 6144 : i32
        %add3A_1038 = arith.addi %add3A_1037, %mul3A_1036 : i32
        %add3A_1039 = arith.constant 0 : i32
        %add3A_1040 = arith.addi %add3A_1038, %add3A_1039 : i32
        %get3A = arith.index_cast %add3A_1040 : i32 to index
        %get3A_1041 = tpu.vector_load %arg8[%get3A] {strides = array<i32>} : memref<7168xi32, #tpu.memory_space<vmem>>, vector<16xi32>,
        %shift_left3A = arith.constant 16 : i32
        %shift_left3A_1042 = vector.broadcast %shift_left3A : i32 to vector<16xi32>
        %shift_left3A_1043 = arith.shli %get3A_1041, %shift_left3A_1042 : vector<16xi32>
        %bitcast3A = vector.bitcast %shift_left3A_1043 : vector<16xi32> to vector<16xf32>
        %add3A_1044 = arith.constant 0 : i32
        %add3A_1045 = arith.addi %add3A_1038, %add3A_1044 : i32
        %swap3A = arith.index_cast %add3A_1045 : i32 to index
        %swap3A_1046 = tpu.vector_load %arg9[%swap3A] {strides = array<i32>} : memref<7168xf32, #tpu.memory_space<vmem>>, vector<16xf32>,
        %swap3A_1047 = vector.shape_cast %swap3A_1046 : vector<16xf32> to vector<16xf32>
        %swap3A_1048 = vector.shape_cast %bitcast3A : vector<16xf32> to vector<16xf32>
        tpu.vector_store %arg9[%swap3A], %swap3A_1048 {strides = array<i32>} : memref<7168xf32, #tpu.memory_space<vmem>>, vector<16xf32>,
        %and3A = arith.andi %get3A_1041, %broadcast_in_dim3A_888 : vector<16xi32>
        %bitcast3A_1049 = vector.bitcast %and3A : vector<16xi32> to vector<16xf32>
        %add3A_1050 = arith.constant 0 : i32
        %add3A_1051 = arith.addi %add3A_1038, %add3A_1050 : i32
        %swap3A_1052 = arith.index_cast %add3A_1051 : i32 to index
        %swap3A_1053 = tpu.vector_load %arg10[%swap3A_1052] {strides = array<i32>} : memref<7168xf32, #tpu.memory_space<vmem>>, vector<16xf32>,
        %swap3A_1054 = vector.shape_cast %swap3A_1053 : vector<16xf32> to vector<16xf32>
        %swap3A_1055 = vector.shape_cast %bitcast3A_1049 : vector<16xf32> to vector<16xf32>
        tpu.vector_store %arg10[%swap3A_1052], %swap3A_1055 {strides = array<i32>} : memref<7168xf32, #tpu.memory_space<vmem>>, vector<16xf32>,
        %add3A_1056 = arith.constant 16 : i32
        %add3A_1057 = arith.addi %add3A_1038, %add3A_1056 : i32
        %get3A_1058 = arith.index_cast %add3A_1057 : i32 to index
        %get3A_1059 = tpu.vector_load %arg8[%get3A_1058] {strides = array<i32>} : memref<7168xi32, #tpu.memory_space<vmem>>, vector<16xi32>,
        %shift_left3A_1060 = arith.constant 16 : i32
        %shift_left3A_1061 = vector.broadcast %shift_left3A_1060 : i32 to vector<16xi32>
        %shift_left3A_1062 = arith.shli %get3A_1059, %shift_left3A_1061 : vector<16xi32>
        %bitcast3A_1063 = vector.bitcast %shift_left3A_1062 : vector<16xi32> to vector<16xf32>
        %add3A_1064 = arith.constant 16 : i32
        %add3A_1065 = arith.addi %add3A_1038, %add3A_1064 : i32
        %swap3A_1066 = arith.index_cast %add3A_1065 : i32 to index
        %swap3A_1067 = tpu.vector_load %arg9[%swap3A_1066] {strides = array<i32>} : memref<7168xf32, #tpu.memory_space<vmem>>, vector<16xf32>,
        %swap3A_1068 = vector.shape_cast %swap3A_1067 : vector<16xf32> to vector<16xf32>
        %swap3A_1069 = vector.shape_cast %bitcast3A_1063 : vector<16xf32> to vector<16xf32>
        tpu.vector_store %arg9[%swap3A_1066], %swap3A_1069 {strides = array<i32>} : memref<7168xf32, #tpu.memory_space<vmem>>, vector<16xf32>,
        %and3A_1070 = arith.andi %get3A_1059, %broadcast_in_dim3A_888 : vector<16xi32>
        %bitcast3A_1071 = vector.bitcast %and3A_1070 : vector<16xi32> to vector<16xf32>
        %add3A_1072 = arith.constant 16 : i32
        %add3A_1073 = arith.addi %add3A_1038, %add3A_1072 : i32
        %swap3A_1074 = arith.index_cast %add3A_1073 : i32 to index
        %swap3A_1075 = tpu.vector_load %arg10[%swap3A_1074] {strides = array<i32>} : memref<7168xf32, #tpu.memory_space<vmem>>, vector<16xf32>,
        %swap3A_1076 = vector.shape_cast %swap3A_1075 : vector<16xf32> to vector<16xf32>
        %swap3A_1077 = vector.shape_cast %bitcast3A_1071 : vector<16xf32> to vector<16xf32>
        tpu.vector_store %arg10[%swap3A_1074], %swap3A_1077 {strides = array<i32>} : memref<7168xf32, #tpu.memory_space<vmem>>, vector<16xf32>,
        %add3A_1078 = arith.constant 32 : i32
        %add3A_1079 = arith.addi %add3A_1038, %add3A_1078 : i32
        %get3A_1080 = arith.index_cast %add3A_1079 : i32 to index
        %get3A_1081 = tpu.vector_load %arg8[%get3A_1080] {strides = array<i32>} : memref<7168xi32, #tpu.memory_space<vmem>>, vector<16xi32>,
        %shift_left3A_1082 = arith.constant 16 : i32
        %shift_left3A_1083 = vector.broadcast %shift_left3A_1082 : i32 to vector<16xi32>
        %shift_left3A_1084 = arith.shli %get3A_1081, %shift_left3A_1083 : vector<16xi32>
        %bitcast3A_1085 = vector.bitcast %shift_left3A_1084 : vector<16xi32> to vector<16xf32>
        %add3A_1086 = arith.constant 32 : i32
        %add3A_1087 = arith.addi %add3A_1038, %add3A_1086 : i32
        %swap3A_1088 = arith.index_cast %add3A_1087 : i32 to index
        %swap3A_1089 = tpu.vector_load %arg9[%swap3A_1088] {strides = array<i32>} : memref<7168xf32, #tpu.memory_space<vmem>>, vector<16xf32>,
        %swap3A_1090 = vector.shape_cast %swap3A_1089 : vector<16xf32> to vector<16xf32>
        %swap3A_1091 = vector.shape_cast %bitcast3A_1085 : vector<16xf32> to vector<16xf32>
        tpu.vector_store %arg9[%swap3A_1088], %swap3A_1091 {strides = array<i32>} : memref<7168xf32, #tpu.memory_space<vmem>>, vector<16xf32>,
        %and3A_1092 = arith.andi %get3A_1081, %broadcast_in_dim3A_888 : vector<16xi32>
        %bitcast3A_1093 = vector.bitcast %and3A_1092 : vector<16xi32> to vector<16xf32>
        %add3A_1094 = arith.constant 32 : i32
        %add3A_1095 = arith.addi %add3A_1038, %add3A_1094 : i32
        %swap3A_1096 = arith.index_cast %add3A_1095 : i32 to index
        %swap3A_1097 = tpu.vector_load %arg10[%swap3A_1096] {strides = array<i32>} : memref<7168xf32, #tpu.memory_space<vmem>>, vector<16xf32>,
        %swap3A_1098 = vector.shape_cast %swap3A_1097 : vector<16xf32> to vector<16xf32>
        %swap3A_1099 = vector.shape_cast %bitcast3A_1093 : vector<16xf32> to vector<16xf32>
        tpu.vector_store %arg10[%swap3A_1096], %swap3A_1099 {strides = array<i32>} : memref<7168xf32, #tpu.memory_space<vmem>>, vector<16xf32>,
        %add3A_1100 = arith.constant 48 : i32
        %add3A_1101 = arith.addi %add3A_1038, %add3A_1100 : i32
        %get3A_1102 = arith.index_cast %add3A_1101 : i32 to index
        %get3A_1103 = tpu.vector_load %arg8[%get3A_1102] {strides = array<i32>} : memref<7168xi32, #tpu.memory_space<vmem>>, vector<16xi32>,
        %shift_left3A_1104 = arith.constant 16 : i32
        %shift_left3A_1105 = vector.broadcast %shift_left3A_1104 : i32 to vector<16xi32>
        %shift_left3A_1106 = arith.shli %get3A_1103, %shift_left3A_1105 : vector<16xi32>
        %bitcast3A_1107 = vector.bitcast %shift_left3A_1106 : vector<16xi32> to vector<16xf32>
        %add3A_1108 = arith.constant 48 : i32
        %add3A_1109 = arith.addi %add3A_1038, %add3A_1108 : i32
        %swap3A_1110 = arith.index_cast %add3A_1109 : i32 to index
        %swap3A_1111 = tpu.vector_load %arg9[%swap3A_1110] {strides = array<i32>} : memref<7168xf32, #tpu.memory_space<vmem>>, vector<16xf32>,
        %swap3A_1112 = vector.shape_cast %swap3A_1111 : vector<16xf32> to vector<16xf32>
        %swap3A_1113 = vector.shape_cast %bitcast3A_1107 : vector<16xf32> to vector<16xf32>
        tpu.vector_store %arg9[%swap3A_1110], %swap3A_1113 {strides = array<i32>} : memref<7168xf32, #tpu.memory_space<vmem>>, vector<16xf32>,
        %and3A_1114 = arith.andi %get3A_1103, %broadcast_in_dim3A_888 : vector<16xi32>
        %bitcast3A_1115 = vector.bitcast %and3A_1114 : vector<16xi32> to vector<16xf32>
        %add3A_1116 = arith.constant 48 : i32
        %add3A_1117 = arith.addi %add3A_1038, %add3A_1116 : i32
        %swap3A_1118 = arith.index_cast %add3A_1117 : i32 to index
        %swap3A_1119 = tpu.vector_load %arg10[%swap3A_1118] {strides = array<i32>} : memref<7168xf32, #tpu.memory_space<vmem>>, vector<16xf32>,
        %swap3A_1120 = vector.shape_cast %swap3A_1119 : vector<16xf32> to vector<16xf32>
        %swap3A_1121 = vector.shape_cast %bitcast3A_1115 : vector<16xf32> to vector<16xf32>
        tpu.vector_store %arg10[%swap3A_1118], %swap3A_1121 {strides = array<i32>} : memref<7168xf32, #tpu.memory_space<vmem>>, vector<16xf32>,
        %scan3A_1122 = arith.constant 0 : i32
        scf.yield %scan3A_1122 : i32
      }
      %scan3A_895 = arith.constant 16 : i32
      %dma_start3A_896 = arith.constant 48 : i32
      %dma_start3A_897 = arith.constant 6144 : i32
      %dma_start3A_898 = tpu.memref_slice %arg9[%dma_start3A_897] : memref<7168xf32, #tpu.memory_space<vmem>> -> memref<128xf32, #tpu.memory_space<vmem>>
      %dma_start3A_899 = arith.constant 0 : i32
      %dma_start3A_900 = tpu.memref_slice %arg7[%dma_start3A_896, %dma_start3A_899] : memref<56x128xi32, #tpu.memory_space<vmem>> -> memref<1x128xi32, #tpu.memory_space<vmem>>
      %dma_start3A_901 = tpu.memref_squeeze %dma_start3A_900 : memref<1x128xi32, #tpu.memory_space<vmem>> -> memref<128xi32, #tpu.memory_space<vmem>>
      %dma_start3A_902 = arith.constant 0 : i32
      %dma_start3A_903 = tpu.memref_slice %arg12[%dma_start3A_902] : memref<100096xf32, #tpu.memory_space<vmem_shared>> -> memref<100096xf32, #tpu.memory_space<vmem_shared>>
      tpu.enqueue_indirect_dma source(%dma_start3A_898 : memref<128xf32, #tpu.memory_space<vmem>>) target(%dma_start3A_903 : memref<100096xf32, #tpu.memory_space<vmem_shared>>) offsets(%dma_start3A_901 : memref<128xi32, #tpu.memory_space<vmem>>) semaphore(%arg15 : memref<!tpu.dma_semaphore, #tpu.memory_space<semaphore_mem>>) {add = true}
      %dma_start3A_904 = arith.constant 48 : i32
      %dma_start3A_905 = arith.constant 6144 : i32
      %dma_start3A_906 = tpu.memref_slice %arg10[%dma_start3A_905] : memref<7168xf32, #tpu.memory_space<vmem>> -> memref<128xf32, #tpu.memory_space<vmem>>
      %dma_start3A_907 = arith.constant 0 : i32
      %dma_start3A_908 = tpu.memref_slice %arg7[%dma_start3A_904, %dma_start3A_907] : memref<56x128xi32, #tpu.memory_space<vmem>> -> memref<1x128xi32, #tpu.memory_space<vmem>>
      %dma_start3A_909 = tpu.memref_squeeze %dma_start3A_908 : memref<1x128xi32, #tpu.memory_space<vmem>> -> memref<128xi32, #tpu.memory_space<vmem>>
      %dma_start3A_910 = arith.constant 0 : i32
      %dma_start3A_911 = tpu.memref_slice %arg13[%dma_start3A_910] : memref<100096xf32, #tpu.memory_space<vmem_shared>> -> memref<100096xf32, #tpu.memory_space<vmem_shared>>
      tpu.enqueue_indirect_dma source(%dma_start3A_906 : memref<128xf32, #tpu.memory_space<vmem>>) target(%dma_start3A_911 : memref<100096xf32, #tpu.memory_space<vmem_shared>>) offsets(%dma_start3A_909 : memref<128xi32, #tpu.memory_space<vmem>>) semaphore(%arg15 : memref<!tpu.dma_semaphore, #tpu.memory_space<semaphore_mem>>) {add = true}
      %dma_start3A_912 = arith.constant 49 : i32
      %dma_start3A_913 = arith.constant 6272 : i32
      %dma_start3A_914 = tpu.memref_slice %arg9[%dma_start3A_913] : memref<7168xf32, #tpu.memory_space<vmem>> -> memref<128xf32, #tpu.memory_space<vmem>>
      %dma_start3A_915 = arith.constant 0 : i32
      %dma_start3A_916 = tpu.memref_slice %arg7[%dma_start3A_912, %dma_start3A_915] : memref<56x128xi32, #tpu.memory_space<vmem>> -> memref<1x128xi32, #tpu.memory_space<vmem>>
      %dma_start3A_917 = tpu.memref_squeeze %dma_start3A_916 : memref<1x128xi32, #tpu.memory_space<vmem>> -> memref<128xi32, #tpu.memory_space<vmem>>
      %dma_start3A_918 = arith.constant 0 : i32
      %dma_start3A_919 = tpu.memref_slice %arg12[%dma_start3A_918] : memref<100096xf32, #tpu.memory_space<vmem_shared>> -> memref<100096xf32, #tpu.memory_space<vmem_shared>>
      tpu.enqueue_indirect_dma source(%dma_start3A_914 : memref<128xf32, #tpu.memory_space<vmem>>) target(%dma_start3A_919 : memref<100096xf32, #tpu.memory_space<vmem_shared>>) offsets(%dma_start3A_917 : memref<128xi32, #tpu.memory_space<vmem>>) semaphore(%arg15 : memref<!tpu.dma_semaphore, #tpu.memory_space<semaphore_mem>>) {add = true}
      %dma_start3A_920 = arith.constant 49 : i32
      %dma_start3A_921 = arith.constant 6272 : i32
      %dma_start3A_922 = tpu.memref_slice %arg10[%dma_start3A_921] : memref<7168xf32, #tpu.memory_space<vmem>> -> memref<128xf32, #tpu.memory_space<vmem>>
      %dma_start3A_923 = arith.constant 0 : i32
      %dma_start3A_924 = tpu.memref_slice %arg7[%dma_start3A_920, %dma_start3A_923] : memref<56x128xi32, #tpu.memory_space<vmem>> -> memref<1x128xi32, #tpu.memory_space<vmem>>
      %dma_start3A_925 = tpu.memref_squeeze %dma_start3A_924 : memref<1x128xi32, #tpu.memory_space<vmem>> -> memref<128xi32, #tpu.memory_space<vmem>>
      %dma_start3A_926 = arith.constant 0 : i32
      %dma_start3A_927 = tpu.memref_slice %arg13[%dma_start3A_926] : memref<100096xf32, #tpu.memory_space<vmem_shared>> -> memref<100096xf32, #tpu.memory_space<vmem_shared>>
      tpu.enqueue_indirect_dma source(%dma_start3A_922 : memref<128xf32, #tpu.memory_space<vmem>>) target(%dma_start3A_927 : memref<100096xf32, #tpu.memory_space<vmem_shared>>) offsets(%dma_start3A_925 : memref<128xi32, #tpu.memory_space<vmem>>) semaphore(%arg15 : memref<!tpu.dma_semaphore, #tpu.memory_space<semaphore_mem>>) {add = true}
      %dma_start3A_928 = arith.constant 50 : i32
      %dma_start3A_929 = arith.constant 6400 : i32
      %dma_start3A_930 = tpu.memref_slice %arg9[%dma_start3A_929] : memref<7168xf32, #tpu.memory_space<vmem>> -> memref<128xf32, #tpu.memory_space<vmem>>
      %dma_start3A_931 = arith.constant 0 : i32
      %dma_start3A_932 = tpu.memref_slice %arg7[%dma_start3A_928, %dma_start3A_931] : memref<56x128xi32, #tpu.memory_space<vmem>> -> memref<1x128xi32, #tpu.memory_space<vmem>>
      %dma_start3A_933 = tpu.memref_squeeze %dma_start3A_932 : memref<1x128xi32, #tpu.memory_space<vmem>> -> memref<128xi32, #tpu.memory_space<vmem>>
      %dma_start3A_934 = arith.constant 0 : i32
      %dma_start3A_935 = tpu.memref_slice %arg12[%dma_start3A_934] : memref<100096xf32, #tpu.memory_space<vmem_shared>> -> memref<100096xf32, #tpu.memory_space<vmem_shared>>
      tpu.enqueue_indirect_dma source(%dma_start3A_930 : memref<128xf32, #tpu.memory_space<vmem>>) target(%dma_start3A_935 : memref<100096xf32, #tpu.memory_space<vmem_shared>>) offsets(%dma_start3A_933 : memref<128xi32, #tpu.memory_space<vmem>>) semaphore(%arg15 : memref<!tpu.dma_semaphore, #tpu.memory_space<semaphore_mem>>) {add = true}
      %dma_start3A_936 = arith.constant 50 : i32
      %dma_start3A_937 = arith.constant 6400 : i32
      %dma_start3A_938 = tpu.memref_slice %arg10[%dma_start3A_937] : memref<7168xf32, #tpu.memory_space<vmem>> -> memref<128xf32, #tpu.memory_space<vmem>>
      %dma_start3A_939 = arith.constant 0 : i32
      %dma_start3A_940 = tpu.memref_slice %arg7[%dma_start3A_936, %dma_start3A_939] : memref<56x128xi32, #tpu.memory_space<vmem>> -> memref<1x128xi32, #tpu.memory_space<vmem>>
      %dma_start3A_941 = tpu.memref_squeeze %dma_start3A_940 : memref<1x128xi32, #tpu.memory_space<vmem>> -> memref<128xi32, #tpu.memory_space<vmem>>
      %dma_start3A_942 = arith.constant 0 : i32
      %dma_start3A_943 = tpu.memref_slice %arg13[%dma_start3A_942] : memref<100096xf32, #tpu.memory_space<vmem_shared>> -> memref<100096xf32, #tpu.memory_space<vmem_shared>>
      tpu.enqueue_indirect_dma source(%dma_start3A_938 : memref<128xf32, #tpu.memory_space<vmem>>) target(%dma_start3A_943 : memref<100096xf32, #tpu.memory_space<vmem_shared>>) offsets(%dma_start3A_941 : memref<128xi32, #tpu.memory_space<vmem>>) semaphore(%arg15 : memref<!tpu.dma_semaphore, #tpu.memory_space<semaphore_mem>>) {add = true}
      %dma_start3A_944 = arith.constant 51 : i32
      %dma_start3A_945 = arith.constant 6528 : i32
      %dma_start3A_946 = tpu.memref_slice %arg9[%dma_start3A_945] : memref<7168xf32, #tpu.memory_space<vmem>> -> memref<128xf32, #tpu.memory_space<vmem>>
      %dma_start3A_947 = arith.constant 0 : i32
      %dma_start3A_948 = tpu.memref_slice %arg7[%dma_start3A_944, %dma_start3A_947] : memref<56x128xi32, #tpu.memory_space<vmem>> -> memref<1x128xi32, #tpu.memory_space<vmem>>
      %dma_start3A_949 = tpu.memref_squeeze %dma_start3A_948 : memref<1x128xi32, #tpu.memory_space<vmem>> -> memref<128xi32, #tpu.memory_space<vmem>>
      %dma_start3A_950 = arith.constant 0 : i32
      %dma_start3A_951 = tpu.memref_slice %arg12[%dma_start3A_950] : memref<100096xf32, #tpu.memory_space<vmem_shared>> -> memref<100096xf32, #tpu.memory_space<vmem_shared>>
      tpu.enqueue_indirect_dma source(%dma_start3A_946 : memref<128xf32, #tpu.memory_space<vmem>>) target(%dma_start3A_951 : memref<100096xf32, #tpu.memory_space<vmem_shared>>) offsets(%dma_start3A_949 : memref<128xi32, #tpu.memory_space<vmem>>) semaphore(%arg15 : memref<!tpu.dma_semaphore, #tpu.memory_space<semaphore_mem>>) {add = true}
      %dma_start3A_952 = arith.constant 51 : i32
      %dma_start3A_953 = arith.constant 6528 : i32
      %dma_start3A_954 = tpu.memref_slice %arg10[%dma_start3A_953] : memref<7168xf32, #tpu.memory_space<vmem>> -> memref<128xf32, #tpu.memory_space<vmem>>
      %dma_start3A_955 = arith.constant 0 : i32
      %dma_start3A_956 = tpu.memref_slice %arg7[%dma_start3A_952, %dma_start3A_955] : memref<56x128xi32, #tpu.memory_space<vmem>> -> memref<1x128xi32, #tpu.memory_space<vmem>>
      %dma_start3A_957 = tpu.memref_squeeze %dma_start3A_956 : memref<1x128xi32, #tpu.memory_space<vmem>> -> memref<128xi32, #tpu.memory_space<vmem>>
      %dma_start3A_958 = arith.constant 0 : i32
      %dma_start3A_959 = tpu.memref_slice %arg13[%dma_start3A_958] : memref<100096xf32, #tpu.memory_space<vmem_shared>> -> memref<100096xf32, #tpu.memory_space<vmem_shared>>
      tpu.enqueue_indirect_dma source(%dma_start3A_954 : memref<128xf32, #tpu.memory_space<vmem>>) target(%dma_start3A_959 : memref<100096xf32, #tpu.memory_space<vmem_shared>>) offsets(%dma_start3A_957 : memref<128xi32, #tpu.memory_space<vmem>>) semaphore(%arg15 : memref<!tpu.dma_semaphore, #tpu.memory_space<semaphore_mem>>) {add = true}
      %dma_start3A_960 = arith.constant 52 : i32
      %dma_start3A_961 = arith.constant 6656 : i32
      %dma_start3A_962 = tpu.memref_slice %arg9[%dma_start3A_961] : memref<7168xf32, #tpu.memory_space<vmem>> -> memref<128xf32, #tpu.memory_space<vmem>>
      %dma_start3A_963 = arith.constant 0 : i32
      %dma_start3A_964 = tpu.memref_slice %arg7[%dma_start3A_960, %dma_start3A_963] : memref<56x128xi32, #tpu.memory_space<vmem>> -> memref<1x128xi32, #tpu.memory_space<vmem>>
      %dma_start3A_965 = tpu.memref_squeeze %dma_start3A_964 : memref<1x128xi32, #tpu.memory_space<vmem>> -> memref<128xi32, #tpu.memory_space<vmem>>
      %dma_start3A_966 = arith.constant 0 : i32
      %dma_start3A_967 = tpu.memref_slice %arg12[%dma_start3A_966] : memref<100096xf32, #tpu.memory_space<vmem_shared>> -> memref<100096xf32, #tpu.memory_space<vmem_shared>>
      tpu.enqueue_indirect_dma source(%dma_start3A_962 : memref<128xf32, #tpu.memory_space<vmem>>) target(%dma_start3A_967 : memref<100096xf32, #tpu.memory_space<vmem_shared>>) offsets(%dma_start3A_965 : memref<128xi32, #tpu.memory_space<vmem>>) semaphore(%arg15 : memref<!tpu.dma_semaphore, #tpu.memory_space<semaphore_mem>>) {add = true}
      %dma_start3A_968 = arith.constant 52 : i32
      %dma_start3A_969 = arith.constant 6656 : i32
      %dma_start3A_970 = tpu.memref_slice %arg10[%dma_start3A_969] : memref<7168xf32, #tpu.memory_space<vmem>> -> memref<128xf32, #tpu.memory_space<vmem>>
      %dma_start3A_971 = arith.constant 0 : i32
      %dma_start3A_972 = tpu.memref_slice %arg7[%dma_start3A_968, %dma_start3A_971] : memref<56x128xi32, #tpu.memory_space<vmem>> -> memref<1x128xi32, #tpu.memory_space<vmem>>
      %dma_start3A_973 = tpu.memref_squeeze %dma_start3A_972 : memref<1x128xi32, #tpu.memory_space<vmem>> -> memref<128xi32, #tpu.memory_space<vmem>>
      %dma_start3A_974 = arith.constant 0 : i32
      %dma_start3A_975 = tpu.memref_slice %arg13[%dma_start3A_974] : memref<100096xf32, #tpu.memory_space<vmem_shared>> -> memref<100096xf32, #tpu.memory_space<vmem_shared>>
      tpu.enqueue_indirect_dma source(%dma_start3A_970 : memref<128xf32, #tpu.memory_space<vmem>>) target(%dma_start3A_975 : memref<100096xf32, #tpu.memory_space<vmem_shared>>) offsets(%dma_start3A_973 : memref<128xi32, #tpu.memory_space<vmem>>) semaphore(%arg15 : memref<!tpu.dma_semaphore, #tpu.memory_space<semaphore_mem>>) {add = true}
      %dma_start3A_976 = arith.constant 53 : i32
      %dma_start3A_977 = arith.constant 6784 : i32
      %dma_start3A_978 = tpu.memref_slice %arg9[%dma_start3A_977] : memref<7168xf32, #tpu.memory_space<vmem>> -> memref<128xf32, #tpu.memory_space<vmem>>
      %dma_start3A_979 = arith.constant 0 : i32
      %dma_start3A_980 = tpu.memref_slice %arg7[%dma_start3A_976, %dma_start3A_979] : memref<56x128xi32, #tpu.memory_space<vmem>> -> memref<1x128xi32, #tpu.memory_space<vmem>>
      %dma_start3A_981 = tpu.memref_squeeze %dma_start3A_980 : memref<1x128xi32, #tpu.memory_space<vmem>> -> memref<128xi32, #tpu.memory_space<vmem>>
      %dma_start3A_982 = arith.constant 0 : i32
      %dma_start3A_983 = tpu.memref_slice %arg12[%dma_start3A_982] : memref<100096xf32, #tpu.memory_space<vmem_shared>> -> memref<100096xf32, #tpu.memory_space<vmem_shared>>
      tpu.enqueue_indirect_dma source(%dma_start3A_978 : memref<128xf32, #tpu.memory_space<vmem>>) target(%dma_start3A_983 : memref<100096xf32, #tpu.memory_space<vmem_shared>>) offsets(%dma_start3A_981 : memref<128xi32, #tpu.memory_space<vmem>>) semaphore(%arg15 : memref<!tpu.dma_semaphore, #tpu.memory_space<semaphore_mem>>) {add = true}
      %dma_start3A_984 = arith.constant 53 : i32
      %dma_start3A_985 = arith.constant 6784 : i32
      %dma_start3A_986 = tpu.memref_slice %arg10[%dma_start3A_985] : memref<7168xf32, #tpu.memory_space<vmem>> -> memref<128xf32, #tpu.memory_space<vmem>>
      %dma_start3A_987 = arith.constant 0 : i32
      %dma_start3A_988 = tpu.memref_slice %arg7[%dma_start3A_984, %dma_start3A_987] : memref<56x128xi32, #tpu.memory_space<vmem>> -> memref<1x128xi32, #tpu.memory_space<vmem>>
      %dma_start3A_989 = tpu.memref_squeeze %dma_start3A_988 : memref<1x128xi32, #tpu.memory_space<vmem>> -> memref<128xi32, #tpu.memory_space<vmem>>
      %dma_start3A_990 = arith.constant 0 : i32
      %dma_start3A_991 = tpu.memref_slice %arg13[%dma_start3A_990] : memref<100096xf32, #tpu.memory_space<vmem_shared>> -> memref<100096xf32, #tpu.memory_space<vmem_shared>>
      tpu.enqueue_indirect_dma source(%dma_start3A_986 : memref<128xf32, #tpu.memory_space<vmem>>) target(%dma_start3A_991 : memref<100096xf32, #tpu.memory_space<vmem_shared>>) offsets(%dma_start3A_989 : memref<128xi32, #tpu.memory_space<vmem>>) semaphore(%arg15 : memref<!tpu.dma_semaphore, #tpu.memory_space<semaphore_mem>>) {add = true}
      %dma_start3A_992 = arith.constant 54 : i32
      %dma_start3A_993 = arith.constant 6912 : i32
      %dma_start3A_994 = tpu.memref_slice %arg9[%dma_start3A_993] : memref<7168xf32, #tpu.memory_space<vmem>> -> memref<128xf32, #tpu.memory_space<vmem>>
      %dma_start3A_995 = arith.constant 0 : i32
      %dma_start3A_996 = tpu.memref_slice %arg7[%dma_start3A_992, %dma_start3A_995] : memref<56x128xi32, #tpu.memory_space<vmem>> -> memref<1x128xi32, #tpu.memory_space<vmem>>
      %dma_start3A_997 = tpu.memref_squeeze %dma_start3A_996 : memref<1x128xi32, #tpu.memory_space<vmem>> -> memref<128xi32, #tpu.memory_space<vmem>>
      %dma_start3A_998 = arith.constant 0 : i32
      %dma_start3A_999 = tpu.memref_slice %arg12[%dma_start3A_998] : memref<100096xf32, #tpu.memory_space<vmem_shared>> -> memref<100096xf32, #tpu.memory_space<vmem_shared>>
      tpu.enqueue_indirect_dma source(%dma_start3A_994 : memref<128xf32, #tpu.memory_space<vmem>>) target(%dma_start3A_999 : memref<100096xf32, #tpu.memory_space<vmem_shared>>) offsets(%dma_start3A_997 : memref<128xi32, #tpu.memory_space<vmem>>) semaphore(%arg15 : memref<!tpu.dma_semaphore, #tpu.memory_space<semaphore_mem>>) {add = true}
      %dma_start3A_1000 = arith.constant 54 : i32
      %dma_start3A_1001 = arith.constant 6912 : i32
      %dma_start3A_1002 = tpu.memref_slice %arg10[%dma_start3A_1001] : memref<7168xf32, #tpu.memory_space<vmem>> -> memref<128xf32, #tpu.memory_space<vmem>>
      %dma_start3A_1003 = arith.constant 0 : i32
      %dma_start3A_1004 = tpu.memref_slice %arg7[%dma_start3A_1000, %dma_start3A_1003] : memref<56x128xi32, #tpu.memory_space<vmem>> -> memref<1x128xi32, #tpu.memory_space<vmem>>
      %dma_start3A_1005 = tpu.memref_squeeze %dma_start3A_1004 : memref<1x128xi32, #tpu.memory_space<vmem>> -> memref<128xi32, #tpu.memory_space<vmem>>
      %dma_start3A_1006 = arith.constant 0 : i32
      %dma_start3A_1007 = tpu.memref_slice %arg13[%dma_start3A_1006] : memref<100096xf32, #tpu.memory_space<vmem_shared>> -> memref<100096xf32, #tpu.memory_space<vmem_shared>>
      tpu.enqueue_indirect_dma source(%dma_start3A_1002 : memref<128xf32, #tpu.memory_space<vmem>>) target(%dma_start3A_1007 : memref<100096xf32, #tpu.memory_space<vmem_shared>>) offsets(%dma_start3A_1005 : memref<128xi32, #tpu.memory_space<vmem>>) semaphore(%arg15 : memref<!tpu.dma_semaphore, #tpu.memory_space<semaphore_mem>>) {add = true}
      %dma_start3A_1008 = arith.constant 55 : i32
      %dma_start3A_1009 = arith.constant 7040 : i32
      %dma_start3A_1010 = tpu.memref_slice %arg9[%dma_start3A_1009] : memref<7168xf32, #tpu.memory_space<vmem>> -> memref<128xf32, #tpu.memory_space<vmem>>
      %dma_start3A_1011 = arith.constant 0 : i32
      %dma_start3A_1012 = tpu.memref_slice %arg7[%dma_start3A_1008, %dma_start3A_1011] : memref<56x128xi32, #tpu.memory_space<vmem>> -> memref<1x128xi32, #tpu.memory_space<vmem>>
      %dma_start3A_1013 = tpu.memref_squeeze %dma_start3A_1012 : memref<1x128xi32, #tpu.memory_space<vmem>> -> memref<128xi32, #tpu.memory_space<vmem>>
      %dma_start3A_1014 = arith.constant 0 : i32
      %dma_start3A_1015 = tpu.memref_slice %arg12[%dma_start3A_1014] : memref<100096xf32, #tpu.memory_space<vmem_shared>> -> memref<100096xf32, #tpu.memory_space<vmem_shared>>
      tpu.enqueue_indirect_dma source(%dma_start3A_1010 : memref<128xf32, #tpu.memory_space<vmem>>) target(%dma_start3A_1015 : memref<100096xf32, #tpu.memory_space<vmem_shared>>) offsets(%dma_start3A_1013 : memref<128xi32, #tpu.memory_space<vmem>>) semaphore(%arg15 : memref<!tpu.dma_semaphore, #tpu.memory_space<semaphore_mem>>) {add = true}
      %dma_start3A_1016 = arith.constant 55 : i32
      %dma_start3A_1017 = arith.constant 7040 : i32
      %dma_start3A_1018 = tpu.memref_slice %arg10[%dma_start3A_1017] : memref<7168xf32, #tpu.memory_space<vmem>> -> memref<128xf32, #tpu.memory_space<vmem>>
      %dma_start3A_1019 = arith.constant 0 : i32
      %dma_start3A_1020 = tpu.memref_slice %arg7[%dma_start3A_1016, %dma_start3A_1019] : memref<56x128xi32, #tpu.memory_space<vmem>> -> memref<1x128xi32, #tpu.memory_space<vmem>>
      %dma_start3A_1021 = tpu.memref_squeeze %dma_start3A_1020 : memref<1x128xi32, #tpu.memory_space<vmem>> -> memref<128xi32, #tpu.memory_space<vmem>>
      %dma_start3A_1022 = arith.constant 0 : i32
      %dma_start3A_1023 = tpu.memref_slice %arg13[%dma_start3A_1022] : memref<100096xf32, #tpu.memory_space<vmem_shared>> -> memref<100096xf32, #tpu.memory_space<vmem_shared>>
      tpu.enqueue_indirect_dma source(%dma_start3A_1018 : memref<128xf32, #tpu.memory_space<vmem>>) target(%dma_start3A_1023 : memref<100096xf32, #tpu.memory_space<vmem_shared>>) offsets(%dma_start3A_1021 : memref<128xi32, #tpu.memory_space<vmem>>) semaphore(%arg15 : memref<!tpu.dma_semaphore, #tpu.memory_space<semaphore_mem>>) {add = true}
      %dma_wait3A_1024 = arith.constant 0 : i32
      %dma_wait3A_1025 = tpu.memref_slice %arg4[%dma_wait3A_1024] : memref<200192xf32, #tpu.memory_space<hbm>> -> memref<7168xf32, #tpu.memory_space<hbm>>
      %dma_wait3A_1026 = arith.constant 0 : i32
      %dma_wait3A_1027 = tpu.memref_slice %arg4[%dma_wait3A_1026] : memref<200192xf32, #tpu.memory_space<hbm>> -> memref<7168xf32, #tpu.memory_space<hbm>>
      tpu.wait_dma2 semaphore(%arg15 : memref<!tpu.dma_semaphore, #tpu.memory_space<semaphore_mem>>) src(%dma_wait3A_1027 : memref<7168xf32, #tpu.memory_space<hbm>>) dst(%arg9 : memref<7168xf32, #tpu.memory_space<vmem>>)
      %dma_wait3A_1028 = arith.constant 0 : i32
      %dma_wait3A_1029 = tpu.memref_slice %arg4[%dma_wait3A_1028] : memref<200192xf32, #tpu.memory_space<hbm>> -> memref<7168xf32, #tpu.memory_space<hbm>>
      %dma_wait3A_1030 = arith.constant 0 : i32
      %dma_wait3A_1031 = tpu.memref_slice %arg4[%dma_wait3A_1030] : memref<200192xf32, #tpu.memory_space<hbm>> -> memref<7168xf32, #tpu.memory_space<hbm>>
      tpu.wait_dma2 semaphore(%arg15 : memref<!tpu.dma_semaphore, #tpu.memory_space<semaphore_mem>>) src(%dma_wait3A_1031 : memref<7168xf32, #tpu.memory_space<hbm>>) dst(%arg10 : memref<7168xf32, #tpu.memory_space<vmem>>)
      %scan3A_1032 = arith.constant 0 : i32
      scf.yield %scan3A_1032 : i32
    }
    %scan3A_33 = arith.constant 7 : i32
    %barrier3A_34 = arith.constant 0 : index
    tpu.barrier barrier_id(%barrier3A_34)
    %mul3A_35 = arith.constant 6256 : i32
    %mul3A_36 = arith.muli %arg1, %mul3A_35 : i32
    "tpu.region"() ({
      %run_scoped3A = tpu.sem_alloc : memref<!tpu.dma_semaphore, #tpu.memory_space<semaphore_mem>>
      %dma_start3A = arith.constant 0 : i32
      %dma_start3A_49 = tpu.memref_slice %arg9[%dma_start3A] : memref<7168xf32, #tpu.memory_space<vmem>> -> memref<6256xf32, #tpu.memory_space<vmem>>
      %dma_start3A_50 = tpu.memref_slice %arg12[%mul3A_36] : memref<100096xf32, #tpu.memory_space<vmem_shared>> -> memref<6256xf32, #tpu.memory_space<vmem_shared>>
      %dma_start3A_51 = arith.constant 0 : i32
      %dma_start3A_52 = tpu.memref_slice %arg9[%dma_start3A_51] : memref<7168xf32, #tpu.memory_space<vmem>> -> memref<6256xf32, #tpu.memory_space<vmem>>
      %dma_start3A_53 = tpu.memref_slice %arg12[%mul3A_36] : memref<100096xf32, #tpu.memory_space<vmem_shared>> -> memref<6256xf32, #tpu.memory_space<vmem_shared>>
      tpu.enqueue_dma source(%dma_start3A_53 : memref<6256xf32, #tpu.memory_space<vmem_shared>>) target(%dma_start3A_52 : memref<6256xf32, #tpu.memory_space<vmem>>) target_semaphore(%run_scoped3A : memref<!tpu.dma_semaphore, #tpu.memory_space<semaphore_mem>>)
      %dma_wait3A = arith.constant 0 : i32
      %dma_wait3A_54 = tpu.memref_slice %arg9[%dma_wait3A] : memref<7168xf32, #tpu.memory_space<vmem>> -> memref<6256xf32, #tpu.memory_space<vmem>>
      %dma_wait3A_55 = tpu.memref_slice %arg12[%mul3A_36] : memref<100096xf32, #tpu.memory_space<vmem_shared>> -> memref<6256xf32, #tpu.memory_space<vmem_shared>>
      %dma_wait3A_56 = arith.constant 0 : i32
      %dma_wait3A_57 = tpu.memref_slice %arg9[%dma_wait3A_56] : memref<7168xf32, #tpu.memory_space<vmem>> -> memref<6256xf32, #tpu.memory_space<vmem>>
      %dma_wait3A_58 = tpu.memref_slice %arg12[%mul3A_36] : memref<100096xf32, #tpu.memory_space<vmem_shared>> -> memref<6256xf32, #tpu.memory_space<vmem_shared>>
      tpu.wait_dma2 semaphore(%run_scoped3A : memref<!tpu.dma_semaphore, #tpu.memory_space<semaphore_mem>>) src(%dma_wait3A_58 : memref<6256xf32, #tpu.memory_space<vmem_shared>>) dst(%dma_wait3A_57 : memref<6256xf32, #tpu.memory_space<vmem>>)
      tpu.yield
    }) : () -> ()
    %mul3A_37 = arith.constant 100096 : i32
    %mul3A_38 = arith.muli %arg0, %mul3A_37 : i32
    %mul3A_39 = arith.constant 6256 : i32
    %mul3A_40 = arith.muli %arg1, %mul3A_39 : i32
    %add3A_41 = arith.addi %mul3A_38, %mul3A_40 : i32
    "tpu.region"() ({
      %run_scoped3A = tpu.sem_alloc : memref<!tpu.dma_semaphore, #tpu.memory_space<semaphore_mem>>
      %dma_start3A = arith.constant 0 : i32
      %dma_start3A_49 = tpu.memref_slice %arg9[%dma_start3A] : memref<7168xf32, #tpu.memory_space<vmem>> -> memref<6256xf32, #tpu.memory_space<vmem>>
      %dma_start3A_50 = tpu.memref_slice %arg4[%add3A_41] : memref<200192xf32, #tpu.memory_space<hbm>> -> memref<6256xf32, #tpu.memory_space<hbm>>
      %dma_start3A_51 = tpu.memref_slice %arg4[%add3A_41] : memref<200192xf32, #tpu.memory_space<hbm>> -> memref<6256xf32, #tpu.memory_space<hbm>>
      %dma_start3A_52 = arith.constant 0 : i32
      %dma_start3A_53 = tpu.memref_slice %arg9[%dma_start3A_52] : memref<7168xf32, #tpu.memory_space<vmem>> -> memref<6256xf32, #tpu.memory_space<vmem>>
      tpu.enqueue_dma source(%dma_start3A_53 : memref<6256xf32, #tpu.memory_space<vmem>>) target(%dma_start3A_51 : memref<6256xf32, #tpu.memory_space<hbm>>) target_semaphore(%run_scoped3A : memref<!tpu.dma_semaphore, #tpu.memory_space<semaphore_mem>>)
      %dma_wait3A = arith.constant 0 : i32
      %dma_wait3A_54 = tpu.memref_slice %arg9[%dma_wait3A] : memref<7168xf32, #tpu.memory_space<vmem>> -> memref<6256xf32, #tpu.memory_space<vmem>>
      %dma_wait3A_55 = tpu.memref_slice %arg4[%add3A_41] : memref<200192xf32, #tpu.memory_space<hbm>> -> memref<6256xf32, #tpu.memory_space<hbm>>
      %dma_wait3A_56 = tpu.memref_slice %arg4[%add3A_41] : memref<200192xf32, #tpu.memory_space<hbm>> -> memref<6256xf32, #tpu.memory_space<hbm>>
      %dma_wait3A_57 = arith.constant 0 : i32
      %dma_wait3A_58 = tpu.memref_slice %arg9[%dma_wait3A_57] : memref<7168xf32, #tpu.memory_space<vmem>> -> memref<6256xf32, #tpu.memory_space<vmem>>
      tpu.wait_dma2 semaphore(%run_scoped3A : memref<!tpu.dma_semaphore, #tpu.memory_space<semaphore_mem>>) src(%dma_wait3A_58 : memref<6256xf32, #tpu.memory_space<vmem>>) dst(%dma_wait3A_56 : memref<6256xf32, #tpu.memory_space<hbm>>)
      tpu.yield
    }) : () -> ()
    %mul3A_42 = arith.constant 6256 : i32
    %mul3A_43 = arith.muli %arg1, %mul3A_42 : i32
    "tpu.region"() ({
      %run_scoped3A = tpu.sem_alloc : memref<!tpu.dma_semaphore, #tpu.memory_space<semaphore_mem>>
      %dma_start3A = arith.constant 0 : i32
      %dma_start3A_49 = tpu.memref_slice %arg10[%dma_start3A] : memref<7168xf32, #tpu.memory_space<vmem>> -> memref<6256xf32, #tpu.memory_space<vmem>>
      %dma_start3A_50 = tpu.memref_slice %arg13[%mul3A_43] : memref<100096xf32, #tpu.memory_space<vmem_shared>> -> memref<6256xf32, #tpu.memory_space<vmem_shared>>
      %dma_start3A_51 = arith.constant 0 : i32
      %dma_start3A_52 = tpu.memref_slice %arg10[%dma_start3A_51] : memref<7168xf32, #tpu.memory_space<vmem>> -> memref<6256xf32, #tpu.memory_space<vmem>>
      %dma_start3A_53 = tpu.memref_slice %arg13[%mul3A_43] : memref<100096xf32, #tpu.memory_space<vmem_shared>> -> memref<6256xf32, #tpu.memory_space<vmem_shared>>
      tpu.enqueue_dma source(%dma_start3A_53 : memref<6256xf32, #tpu.memory_space<vmem_shared>>) target(%dma_start3A_52 : memref<6256xf32, #tpu.memory_space<vmem>>) target_semaphore(%run_scoped3A : memref<!tpu.dma_semaphore, #tpu.memory_space<semaphore_mem>>)
      %dma_wait3A = arith.constant 0 : i32
      %dma_wait3A_54 = tpu.memref_slice %arg10[%dma_wait3A] : memref<7168xf32, #tpu.memory_space<vmem>> -> memref<6256xf32, #tpu.memory_space<vmem>>
      %dma_wait3A_55 = tpu.memref_slice %arg13[%mul3A_43] : memref<100096xf32, #tpu.memory_space<vmem_shared>> -> memref<6256xf32, #tpu.memory_space<vmem_shared>>
      %dma_wait3A_56 = arith.constant 0 : i32
      %dma_wait3A_57 = tpu.memref_slice %arg10[%dma_wait3A_56] : memref<7168xf32, #tpu.memory_space<vmem>> -> memref<6256xf32, #tpu.memory_space<vmem>>
      %dma_wait3A_58 = tpu.memref_slice %arg13[%mul3A_43] : memref<100096xf32, #tpu.memory_space<vmem_shared>> -> memref<6256xf32, #tpu.memory_space<vmem_shared>>
      tpu.wait_dma2 semaphore(%run_scoped3A : memref<!tpu.dma_semaphore, #tpu.memory_space<semaphore_mem>>) src(%dma_wait3A_58 : memref<6256xf32, #tpu.memory_space<vmem_shared>>) dst(%dma_wait3A_57 : memref<6256xf32, #tpu.memory_space<vmem>>)
      tpu.yield
    }) : () -> ()
    %mul3A_44 = arith.constant 100096 : i32
    %mul3A_45 = arith.muli %arg0, %mul3A_44 : i32
    %mul3A_46 = arith.constant 6256 : i32
    %mul3A_47 = arith.muli %arg1, %mul3A_46 : i32
    %add3A_48 = arith.addi %mul3A_45, %mul3A_47 : i32
    "tpu.region"() ({
      %run_scoped3A = tpu.sem_alloc : memref<!tpu.dma_semaphore, #tpu.memory_space<semaphore_mem>>
      %dma_start3A = arith.constant 0 : i32
      %dma_start3A_49 = tpu.memref_slice %arg10[%dma_start3A] : memref<7168xf32, #tpu.memory_space<vmem>> -> memref<6256xf32, #tpu.memory_space<vmem>>
      %dma_start3A_50 = tpu.memref_slice %arg5[%add3A_48] : memref<200192xf32, #tpu.memory_space<hbm>> -> memref<6256xf32, #tpu.memory_space<hbm>>
      %dma_start3A_51 = tpu.memref_slice %arg5[%add3A_48] : memref<200192xf32, #tpu.memory_space<hbm>> -> memref<6256xf32, #tpu.memory_space<hbm>>
      %dma_start3A_52 = arith.constant 0 : i32
      %dma_start3A_53 = tpu.memref_slice %arg10[%dma_start3A_52] : memref<7168xf32, #tpu.memory_space<vmem>> -> memref<6256xf32, #tpu.memory_space<vmem>>
      tpu.enqueue_dma source(%dma_start3A_53 : memref<6256xf32, #tpu.memory_space<vmem>>) target(%dma_start3A_51 : memref<6256xf32, #tpu.memory_space<hbm>>) target_semaphore(%run_scoped3A : memref<!tpu.dma_semaphore, #tpu.memory_space<semaphore_mem>>)
      %dma_wait3A = arith.constant 0 : i32
      %dma_wait3A_54 = tpu.memref_slice %arg10[%dma_wait3A] : memref<7168xf32, #tpu.memory_space<vmem>> -> memref<6256xf32, #tpu.memory_space<vmem>>
      %dma_wait3A_55 = tpu.memref_slice %arg5[%add3A_48] : memref<200192xf32, #tpu.memory_space<hbm>> -> memref<6256xf32, #tpu.memory_space<hbm>>
      %dma_wait3A_56 = tpu.memref_slice %arg5[%add3A_48] : memref<200192xf32, #tpu.memory_space<hbm>> -> memref<6256xf32, #tpu.memory_space<hbm>>
      %dma_wait3A_57 = arith.constant 0 : i32
      %dma_wait3A_58 = tpu.memref_slice %arg10[%dma_wait3A_57] : memref<7168xf32, #tpu.memory_space<vmem>> -> memref<6256xf32, #tpu.memory_space<vmem>>
      tpu.wait_dma2 semaphore(%run_scoped3A : memref<!tpu.dma_semaphore, #tpu.memory_space<semaphore_mem>>) src(%dma_wait3A_58 : memref<6256xf32, #tpu.memory_space<vmem>>) dst(%dma_wait3A_56 : memref<6256xf32, #tpu.memory_space<hbm>>)
      tpu.yield
    }) : () -> ()
    return
  }
}

module attributes {stable_mosaic.version = 14 : i64} {
  func.func @_tc1_body(%arg0: memref<2x782x128xf32, #tpu.memory_space<vmem>>, %arg1: memref<782x128xf32, #tpu.memory_space<vmem>>, %arg2: memref<782x128xf32, #tpu.memory_space<vmem>>, %arg3: memref<782x128xf32, #tpu.memory_space<vmem>>) attributes {dimension_semantics = [], scalar_prefetch = 0 : i64, scratch_operands = 0 : i64, tpu.core_type = #tpu.core_type<tc>} {
    %get3A = arith.constant 0 : index
    %get3A_0 = arith.constant 0 : index
    %get3A_1 = arith.constant 0 : index
    %get3A_2 = vector.load %arg0[%get3A, %get3A_0, %get3A_1] : memref<2x782x128xf32, #tpu.memory_space<vmem>>, vector<1x782x128xf32>
    %get3A_3 = vector.shape_cast %get3A_2 : vector<1x782x128xf32> to vector<782x128xf32>
    %get3A_4 = arith.constant 1 : index
    %get3A_5 = arith.constant 0 : index
    %get3A_6 = arith.constant 0 : index
    %get3A_7 = vector.load %arg0[%get3A_4, %get3A_5, %get3A_6] : memref<2x782x128xf32, #tpu.memory_space<vmem>>, vector<1x782x128xf32>
    %get3A_8 = vector.shape_cast %get3A_7 : vector<1x782x128xf32> to vector<782x128xf32>
    %add3A = arith.addf %get3A_3, %get3A_8 : vector<782x128xf32>
    %add3A_9 = arith.constant 1.000000e+00 : f32
    %add3A_10 = vector.broadcast %add3A_9 : f32 to vector<782x128xf32>
    %add3A_11 = arith.addf %add3A, %add3A_10 : vector<782x128xf32>
    %rsqrt3A = math.rsqrt %add3A_11 : vector<782x128xf32>
    %swap3A = arith.constant 0 : index
    %swap3A_12 = arith.constant 0 : index
    %swap3A_13 = vector.load %arg2[%swap3A, %swap3A_12] : memref<782x128xf32, #tpu.memory_space<vmem>>, vector<782x128xf32>
    tpu.vector_store %arg2[%swap3A, %swap3A_12], %rsqrt3A {strides = array<i32>} : memref<782x128xf32, #tpu.memory_space<vmem>>, vector<782x128xf32>,
    %get3A_14 = arith.constant 0 : index
    %get3A_15 = arith.constant 0 : index
    %get3A_16 = vector.load %arg1[%get3A_14, %get3A_15] : memref<782x128xf32, #tpu.memory_space<vmem>>, vector<782x128xf32>
    %mul3A = arith.mulf %get3A_16, %rsqrt3A : vector<782x128xf32>
    %swap3A_17 = arith.constant 0 : index
    %swap3A_18 = arith.constant 0 : index
    %swap3A_19 = vector.load %arg3[%swap3A_17, %swap3A_18] : memref<782x128xf32, #tpu.memory_space<vmem>>, vector<782x128xf32>
    tpu.vector_store %arg3[%swap3A_17, %swap3A_18], %mul3A {strides = array<i32>} : memref<782x128xf32, #tpu.memory_space<vmem>>, vector<782x128xf32>,
    return
  }
}

module attributes {stable_mosaic.version = 14 : i64} {
  func.func @_tc2_body(%arg0: memref<2x782x128xf32, #tpu.memory_space<vmem>>, %arg1: memref<782x128xf32, #tpu.memory_space<vmem>>, %arg2: memref<782x128xf32, #tpu.memory_space<vmem>>, %arg3: memref<1x16xf32, #tpu.memory_space<smem>>, %arg4: memref<16xf32, #tpu.memory_space<smem>>, %arg5: memref<16x2xf32, #tpu.memory_space<smem>>, %arg6: memref<782x128xf32, #tpu.memory_space<vmem>>, %arg7: memref<782x128xf32, #tpu.memory_space<vmem>>, %arg8: memref<782x128xi32, #tpu.memory_space<vmem>>) attributes {dimension_semantics = [], scalar_prefetch = 0 : i64, scratch_operands = 0 : i64, tpu.core_type = #tpu.core_type<tc>} {
    %get3A = arith.constant 0 : index
    %get3A_0 = arith.constant 0 : index
    %get3A_1 = vector.load %arg1[%get3A, %get3A_0] : memref<782x128xf32, #tpu.memory_space<vmem>>, vector<782x128xf32>
    %get3A_2 = arith.constant 0 : index
    %get3A_3 = arith.constant 0 : index
    %get3A_4 = arith.constant 0 : index
    %get3A_5 = vector.load %arg0[%get3A_2, %get3A_3, %get3A_4] : memref<2x782x128xf32, #tpu.memory_space<vmem>>, vector<1x782x128xf32>
    %get3A_6 = vector.shape_cast %get3A_5 : vector<1x782x128xf32> to vector<782x128xf32>
    %get3A_7 = arith.constant 1 : index
    %get3A_8 = arith.constant 0 : index
    %get3A_9 = arith.constant 0 : index
    %get3A_10 = vector.load %arg0[%get3A_7, %get3A_8, %get3A_9] : memref<2x782x128xf32, #tpu.memory_space<vmem>>, vector<1x782x128xf32>
    %get3A_11 = vector.shape_cast %get3A_10 : vector<1x782x128xf32> to vector<782x128xf32>
    %add3A = arith.addf %get3A_6, %get3A_11 : vector<782x128xf32>
    %mul3A = arith.mulf %get3A_1, %add3A : vector<782x128xf32>
    %mul3A_12 = arith.mulf %get3A_1, %get3A_1 : vector<782x128xf32>
    %get3A_13 = arith.constant 0 : index
    %get3A_14 = arith.constant 0 : index
    %get3A_15 = vector.load %arg2[%get3A_13, %get3A_14] : memref<782x128xf32, #tpu.memory_space<vmem>>, vector<782x128xf32>
    %mul3A_16 = arith.mulf %mul3A_12, %get3A_15 : vector<782x128xf32>
    %add3A_17 = arith.addf %mul3A, %mul3A_16 : vector<782x128xf32>
    %broadcast_in_dim3A = arith.constant 0.000000e+00 : f32
    %broadcast_in_dim3A_18 = vector.broadcast %broadcast_in_dim3A : f32 to vector<782x128xf32>
    %broadcast_in_dim3A_19 = arith.constant 0.000000e+00 : f32
    %broadcast_in_dim3A_20 = vector.broadcast %broadcast_in_dim3A_19 : f32 to vector<782x128xf32>
    %get3A_21 = arith.constant 0 : index
    %get3A_22 = arith.constant 0 : index
    %get3A_23 = memref.load %arg3[%get3A_21, %get3A_22] : memref<1x16xf32, #tpu.memory_space<smem>>
    %mul3A_24 = vector.broadcast %get3A_23 : f32 to vector<782x128xf32>
    %mul3A_25 = arith.mulf %add3A_17, %mul3A_24 : vector<782x128xf32>
    %get3A_26 = arith.constant 0 : index
    %get3A_27 = memref.load %arg4[%get3A_26] : memref<16xf32, #tpu.memory_space<smem>>
    %add3A_28 = vector.broadcast %get3A_27 : f32 to vector<782x128xf32>
    %add3A_29 = arith.addf %mul3A_25, %add3A_28 : vector<782x128xf32>
    %max3A = arith.constant 0.000000e+00 : f32
    %max3A_30 = vector.broadcast %max3A : f32 to vector<782x128xf32>
    %max3A_31 = arith.maximumf %add3A_29, %max3A_30 : vector<782x128xf32>
    %get3A_32 = arith.constant 0 : index
    %get3A_33 = arith.constant 0 : index
    %get3A_34 = memref.load %arg5[%get3A_32, %get3A_33] : memref<16x2xf32, #tpu.memory_space<smem>>
    %mul3A_35 = vector.broadcast %get3A_34 : f32 to vector<782x128xf32>
    %mul3A_36 = arith.mulf %max3A_31, %mul3A_35 : vector<782x128xf32>
    %add3A_37 = arith.addf %broadcast_in_dim3A_18, %mul3A_36 : vector<782x128xf32>
    %get3A_38 = arith.constant 0 : index
    %get3A_39 = arith.constant 1 : index
    %get3A_40 = memref.load %arg5[%get3A_38, %get3A_39] : memref<16x2xf32, #tpu.memory_space<smem>>
    %mul3A_41 = vector.broadcast %get3A_40 : f32 to vector<782x128xf32>
    %mul3A_42 = arith.mulf %max3A_31, %mul3A_41 : vector<782x128xf32>
    %add3A_43 = arith.addf %broadcast_in_dim3A_20, %mul3A_42 : vector<782x128xf32>
    %get3A_44 = arith.constant 0 : index
    %get3A_45 = arith.constant 1 : index
    %get3A_46 = memref.load %arg3[%get3A_44, %get3A_45] : memref<1x16xf32, #tpu.memory_space<smem>>
    %mul3A_47 = vector.broadcast %get3A_46 : f32 to vector<782x128xf32>
    %mul3A_48 = arith.mulf %add3A_17, %mul3A_47 : vector<782x128xf32>
    %get3A_49 = arith.constant 1 : index
    %get3A_50 = memref.load %arg4[%get3A_49] : memref<16xf32, #tpu.memory_space<smem>>
    %add3A_51 = vector.broadcast %get3A_50 : f32 to vector<782x128xf32>
    %add3A_52 = arith.addf %mul3A_48, %add3A_51 : vector<782x128xf32>
    %max3A_53 = arith.constant 0.000000e+00 : f32
    %max3A_54 = vector.broadcast %max3A_53 : f32 to vector<782x128xf32>
    %max3A_55 = arith.maximumf %add3A_52, %max3A_54 : vector<782x128xf32>
    %get3A_56 = arith.constant 1 : index
    %get3A_57 = arith.constant 0 : index
    %get3A_58 = memref.load %arg5[%get3A_56, %get3A_57] : memref<16x2xf32, #tpu.memory_space<smem>>
    %mul3A_59 = vector.broadcast %get3A_58 : f32 to vector<782x128xf32>
    %mul3A_60 = arith.mulf %max3A_55, %mul3A_59 : vector<782x128xf32>
    %add3A_61 = arith.addf %add3A_37, %mul3A_60 : vector<782x128xf32>
    %get3A_62 = arith.constant 1 : index
    %get3A_63 = arith.constant 1 : index
    %get3A_64 = memref.load %arg5[%get3A_62, %get3A_63] : memref<16x2xf32, #tpu.memory_space<smem>>
    %mul3A_65 = vector.broadcast %get3A_64 : f32 to vector<782x128xf32>
    %mul3A_66 = arith.mulf %max3A_55, %mul3A_65 : vector<782x128xf32>
    %add3A_67 = arith.addf %add3A_43, %mul3A_66 : vector<782x128xf32>
    %get3A_68 = arith.constant 0 : index
    %get3A_69 = arith.constant 2 : index
    %get3A_70 = memref.load %arg3[%get3A_68, %get3A_69] : memref<1x16xf32, #tpu.memory_space<smem>>
    %mul3A_71 = vector.broadcast %get3A_70 : f32 to vector<782x128xf32>
    %mul3A_72 = arith.mulf %add3A_17, %mul3A_71 : vector<782x128xf32>
    %get3A_73 = arith.constant 2 : index
    %get3A_74 = memref.load %arg4[%get3A_73] : memref<16xf32, #tpu.memory_space<smem>>
    %add3A_75 = vector.broadcast %get3A_74 : f32 to vector<782x128xf32>
    %add3A_76 = arith.addf %mul3A_72, %add3A_75 : vector<782x128xf32>
    %max3A_77 = arith.constant 0.000000e+00 : f32
    %max3A_78 = vector.broadcast %max3A_77 : f32 to vector<782x128xf32>
    %max3A_79 = arith.maximumf %add3A_76, %max3A_78 : vector<782x128xf32>
    %get3A_80 = arith.constant 2 : index
    %get3A_81 = arith.constant 0 : index
    %get3A_82 = memref.load %arg5[%get3A_80, %get3A_81] : memref<16x2xf32, #tpu.memory_space<smem>>
    %mul3A_83 = vector.broadcast %get3A_82 : f32 to vector<782x128xf32>
    %mul3A_84 = arith.mulf %max3A_79, %mul3A_83 : vector<782x128xf32>
    %add3A_85 = arith.addf %add3A_61, %mul3A_84 : vector<782x128xf32>
    %get3A_86 = arith.constant 2 : index
    %get3A_87 = arith.constant 1 : index
    %get3A_88 = memref.load %arg5[%get3A_86, %get3A_87] : memref<16x2xf32, #tpu.memory_space<smem>>
    %mul3A_89 = vector.broadcast %get3A_88 : f32 to vector<782x128xf32>
    %mul3A_90 = arith.mulf %max3A_79, %mul3A_89 : vector<782x128xf32>
    %add3A_91 = arith.addf %add3A_67, %mul3A_90 : vector<782x128xf32>
    %get3A_92 = arith.constant 0 : index
    %get3A_93 = arith.constant 3 : index
    %get3A_94 = memref.load %arg3[%get3A_92, %get3A_93] : memref<1x16xf32, #tpu.memory_space<smem>>
    %mul3A_95 = vector.broadcast %get3A_94 : f32 to vector<782x128xf32>
    %mul3A_96 = arith.mulf %add3A_17, %mul3A_95 : vector<782x128xf32>
    %get3A_97 = arith.constant 3 : index
    %get3A_98 = memref.load %arg4[%get3A_97] : memref<16xf32, #tpu.memory_space<smem>>
    %add3A_99 = vector.broadcast %get3A_98 : f32 to vector<782x128xf32>
    %add3A_100 = arith.addf %mul3A_96, %add3A_99 : vector<782x128xf32>
    %max3A_101 = arith.constant 0.000000e+00 : f32
    %max3A_102 = vector.broadcast %max3A_101 : f32 to vector<782x128xf32>
    %max3A_103 = arith.maximumf %add3A_100, %max3A_102 : vector<782x128xf32>
    %get3A_104 = arith.constant 3 : index
    %get3A_105 = arith.constant 0 : index
    %get3A_106 = memref.load %arg5[%get3A_104, %get3A_105] : memref<16x2xf32, #tpu.memory_space<smem>>
    %mul3A_107 = vector.broadcast %get3A_106 : f32 to vector<782x128xf32>
    %mul3A_108 = arith.mulf %max3A_103, %mul3A_107 : vector<782x128xf32>
    %add3A_109 = arith.addf %add3A_85, %mul3A_108 : vector<782x128xf32>
    %get3A_110 = arith.constant 3 : index
    %get3A_111 = arith.constant 1 : index
    %get3A_112 = memref.load %arg5[%get3A_110, %get3A_111] : memref<16x2xf32, #tpu.memory_space<smem>>
    %mul3A_113 = vector.broadcast %get3A_112 : f32 to vector<782x128xf32>
    %mul3A_114 = arith.mulf %max3A_103, %mul3A_113 : vector<782x128xf32>
    %add3A_115 = arith.addf %add3A_91, %mul3A_114 : vector<782x128xf32>
    %get3A_116 = arith.constant 0 : index
    %get3A_117 = arith.constant 4 : index
    %get3A_118 = memref.load %arg3[%get3A_116, %get3A_117] : memref<1x16xf32, #tpu.memory_space<smem>>
    %mul3A_119 = vector.broadcast %get3A_118 : f32 to vector<782x128xf32>
    %mul3A_120 = arith.mulf %add3A_17, %mul3A_119 : vector<782x128xf32>
    %get3A_121 = arith.constant 4 : index
    %get3A_122 = memref.load %arg4[%get3A_121] : memref<16xf32, #tpu.memory_space<smem>>
    %add3A_123 = vector.broadcast %get3A_122 : f32 to vector<782x128xf32>
    %add3A_124 = arith.addf %mul3A_120, %add3A_123 : vector<782x128xf32>
    %max3A_125 = arith.constant 0.000000e+00 : f32
    %max3A_126 = vector.broadcast %max3A_125 : f32 to vector<782x128xf32>
    %max3A_127 = arith.maximumf %add3A_124, %max3A_126 : vector<782x128xf32>
    %get3A_128 = arith.constant 4 : index
    %get3A_129 = arith.constant 0 : index
    %get3A_130 = memref.load %arg5[%get3A_128, %get3A_129] : memref<16x2xf32, #tpu.memory_space<smem>>
    %mul3A_131 = vector.broadcast %get3A_130 : f32 to vector<782x128xf32>
    %mul3A_132 = arith.mulf %max3A_127, %mul3A_131 : vector<782x128xf32>
    %add3A_133 = arith.addf %add3A_109, %mul3A_132 : vector<782x128xf32>
    %get3A_134 = arith.constant 4 : index
    %get3A_135 = arith.constant 1 : index
    %get3A_136 = memref.load %arg5[%get3A_134, %get3A_135] : memref<16x2xf32, #tpu.memory_space<smem>>
    %mul3A_137 = vector.broadcast %get3A_136 : f32 to vector<782x128xf32>
    %mul3A_138 = arith.mulf %max3A_127, %mul3A_137 : vector<782x128xf32>
    %add3A_139 = arith.addf %add3A_115, %mul3A_138 : vector<782x128xf32>
    %get3A_140 = arith.constant 0 : index
    %get3A_141 = arith.constant 5 : index
    %get3A_142 = memref.load %arg3[%get3A_140, %get3A_141] : memref<1x16xf32, #tpu.memory_space<smem>>
    %mul3A_143 = vector.broadcast %get3A_142 : f32 to vector<782x128xf32>
    %mul3A_144 = arith.mulf %add3A_17, %mul3A_143 : vector<782x128xf32>
    %get3A_145 = arith.constant 5 : index
    %get3A_146 = memref.load %arg4[%get3A_145] : memref<16xf32, #tpu.memory_space<smem>>
    %add3A_147 = vector.broadcast %get3A_146 : f32 to vector<782x128xf32>
    %add3A_148 = arith.addf %mul3A_144, %add3A_147 : vector<782x128xf32>
    %max3A_149 = arith.constant 0.000000e+00 : f32
    %max3A_150 = vector.broadcast %max3A_149 : f32 to vector<782x128xf32>
    %max3A_151 = arith.maximumf %add3A_148, %max3A_150 : vector<782x128xf32>
    %get3A_152 = arith.constant 5 : index
    %get3A_153 = arith.constant 0 : index
    %get3A_154 = memref.load %arg5[%get3A_152, %get3A_153] : memref<16x2xf32, #tpu.memory_space<smem>>
    %mul3A_155 = vector.broadcast %get3A_154 : f32 to vector<782x128xf32>
    %mul3A_156 = arith.mulf %max3A_151, %mul3A_155 : vector<782x128xf32>
    %add3A_157 = arith.addf %add3A_133, %mul3A_156 : vector<782x128xf32>
    %get3A_158 = arith.constant 5 : index
    %get3A_159 = arith.constant 1 : index
    %get3A_160 = memref.load %arg5[%get3A_158, %get3A_159] : memref<16x2xf32, #tpu.memory_space<smem>>
    %mul3A_161 = vector.broadcast %get3A_160 : f32 to vector<782x128xf32>
    %mul3A_162 = arith.mulf %max3A_151, %mul3A_161 : vector<782x128xf32>
    %add3A_163 = arith.addf %add3A_139, %mul3A_162 : vector<782x128xf32>
    %get3A_164 = arith.constant 0 : index
    %get3A_165 = arith.constant 6 : index
    %get3A_166 = memref.load %arg3[%get3A_164, %get3A_165] : memref<1x16xf32, #tpu.memory_space<smem>>
    %mul3A_167 = vector.broadcast %get3A_166 : f32 to vector<782x128xf32>
    %mul3A_168 = arith.mulf %add3A_17, %mul3A_167 : vector<782x128xf32>
    %get3A_169 = arith.constant 6 : index
    %get3A_170 = memref.load %arg4[%get3A_169] : memref<16xf32, #tpu.memory_space<smem>>
    %add3A_171 = vector.broadcast %get3A_170 : f32 to vector<782x128xf32>
    %add3A_172 = arith.addf %mul3A_168, %add3A_171 : vector<782x128xf32>
    %max3A_173 = arith.constant 0.000000e+00 : f32
    %max3A_174 = vector.broadcast %max3A_173 : f32 to vector<782x128xf32>
    %max3A_175 = arith.maximumf %add3A_172, %max3A_174 : vector<782x128xf32>
    %get3A_176 = arith.constant 6 : index
    %get3A_177 = arith.constant 0 : index
    %get3A_178 = memref.load %arg5[%get3A_176, %get3A_177] : memref<16x2xf32, #tpu.memory_space<smem>>
    %mul3A_179 = vector.broadcast %get3A_178 : f32 to vector<782x128xf32>
    %mul3A_180 = arith.mulf %max3A_175, %mul3A_179 : vector<782x128xf32>
    %add3A_181 = arith.addf %add3A_157, %mul3A_180 : vector<782x128xf32>
    %get3A_182 = arith.constant 6 : index
    %get3A_183 = arith.constant 1 : index
    %get3A_184 = memref.load %arg5[%get3A_182, %get3A_183] : memref<16x2xf32, #tpu.memory_space<smem>>
    %mul3A_185 = vector.broadcast %get3A_184 : f32 to vector<782x128xf32>
    %mul3A_186 = arith.mulf %max3A_175, %mul3A_185 : vector<782x128xf32>
    %add3A_187 = arith.addf %add3A_163, %mul3A_186 : vector<782x128xf32>
    %get3A_188 = arith.constant 0 : index
    %get3A_189 = arith.constant 7 : index
    %get3A_190 = memref.load %arg3[%get3A_188, %get3A_189] : memref<1x16xf32, #tpu.memory_space<smem>>
    %mul3A_191 = vector.broadcast %get3A_190 : f32 to vector<782x128xf32>
    %mul3A_192 = arith.mulf %add3A_17, %mul3A_191 : vector<782x128xf32>
    %get3A_193 = arith.constant 7 : index
    %get3A_194 = memref.load %arg4[%get3A_193] : memref<16xf32, #tpu.memory_space<smem>>
    %add3A_195 = vector.broadcast %get3A_194 : f32 to vector<782x128xf32>
    %add3A_196 = arith.addf %mul3A_192, %add3A_195 : vector<782x128xf32>
    %max3A_197 = arith.constant 0.000000e+00 : f32
    %max3A_198 = vector.broadcast %max3A_197 : f32 to vector<782x128xf32>
    %max3A_199 = arith.maximumf %add3A_196, %max3A_198 : vector<782x128xf32>
    %get3A_200 = arith.constant 7 : index
    %get3A_201 = arith.constant 0 : index
    %get3A_202 = memref.load %arg5[%get3A_200, %get3A_201] : memref<16x2xf32, #tpu.memory_space<smem>>
    %mul3A_203 = vector.broadcast %get3A_202 : f32 to vector<782x128xf32>
    %mul3A_204 = arith.mulf %max3A_199, %mul3A_203 : vector<782x128xf32>
    %add3A_205 = arith.addf %add3A_181, %mul3A_204 : vector<782x128xf32>
    %get3A_206 = arith.constant 7 : index
    %get3A_207 = arith.constant 1 : index
    %get3A_208 = memref.load %arg5[%get3A_206, %get3A_207] : memref<16x2xf32, #tpu.memory_space<smem>>
    %mul3A_209 = vector.broadcast %get3A_208 : f32 to vector<782x128xf32>
    %mul3A_210 = arith.mulf %max3A_199, %mul3A_209 : vector<782x128xf32>
    %add3A_211 = arith.addf %add3A_187, %mul3A_210 : vector<782x128xf32>
    %get3A_212 = arith.constant 0 : index
    %get3A_213 = arith.constant 8 : index
    %get3A_214 = memref.load %arg3[%get3A_212, %get3A_213] : memref<1x16xf32, #tpu.memory_space<smem>>
    %mul3A_215 = vector.broadcast %get3A_214 : f32 to vector<782x128xf32>
    %mul3A_216 = arith.mulf %add3A_17, %mul3A_215 : vector<782x128xf32>
    %get3A_217 = arith.constant 8 : index
    %get3A_218 = memref.load %arg4[%get3A_217] : memref<16xf32, #tpu.memory_space<smem>>
    %add3A_219 = vector.broadcast %get3A_218 : f32 to vector<782x128xf32>
    %add3A_220 = arith.addf %mul3A_216, %add3A_219 : vector<782x128xf32>
    %max3A_221 = arith.constant 0.000000e+00 : f32
    %max3A_222 = vector.broadcast %max3A_221 : f32 to vector<782x128xf32>
    %max3A_223 = arith.maximumf %add3A_220, %max3A_222 : vector<782x128xf32>
    %get3A_224 = arith.constant 8 : index
    %get3A_225 = arith.constant 0 : index
    %get3A_226 = memref.load %arg5[%get3A_224, %get3A_225] : memref<16x2xf32, #tpu.memory_space<smem>>
    %mul3A_227 = vector.broadcast %get3A_226 : f32 to vector<782x128xf32>
    %mul3A_228 = arith.mulf %max3A_223, %mul3A_227 : vector<782x128xf32>
    %add3A_229 = arith.addf %add3A_205, %mul3A_228 : vector<782x128xf32>
    %get3A_230 = arith.constant 8 : index
    %get3A_231 = arith.constant 1 : index
    %get3A_232 = memref.load %arg5[%get3A_230, %get3A_231] : memref<16x2xf32, #tpu.memory_space<smem>>
    %mul3A_233 = vector.broadcast %get3A_232 : f32 to vector<782x128xf32>
    %mul3A_234 = arith.mulf %max3A_223, %mul3A_233 : vector<782x128xf32>
    %add3A_235 = arith.addf %add3A_211, %mul3A_234 : vector<782x128xf32>
    %get3A_236 = arith.constant 0 : index
    %get3A_237 = arith.constant 9 : index
    %get3A_238 = memref.load %arg3[%get3A_236, %get3A_237] : memref<1x16xf32, #tpu.memory_space<smem>>
    %mul3A_239 = vector.broadcast %get3A_238 : f32 to vector<782x128xf32>
    %mul3A_240 = arith.mulf %add3A_17, %mul3A_239 : vector<782x128xf32>
    %get3A_241 = arith.constant 9 : index
    %get3A_242 = memref.load %arg4[%get3A_241] : memref<16xf32, #tpu.memory_space<smem>>
    %add3A_243 = vector.broadcast %get3A_242 : f32 to vector<782x128xf32>
    %add3A_244 = arith.addf %mul3A_240, %add3A_243 : vector<782x128xf32>
    %max3A_245 = arith.constant 0.000000e+00 : f32
    %max3A_246 = vector.broadcast %max3A_245 : f32 to vector<782x128xf32>
    %max3A_247 = arith.maximumf %add3A_244, %max3A_246 : vector<782x128xf32>
    %get3A_248 = arith.constant 9 : index
    %get3A_249 = arith.constant 0 : index
    %get3A_250 = memref.load %arg5[%get3A_248, %get3A_249] : memref<16x2xf32, #tpu.memory_space<smem>>
    %mul3A_251 = vector.broadcast %get3A_250 : f32 to vector<782x128xf32>
    %mul3A_252 = arith.mulf %max3A_247, %mul3A_251 : vector<782x128xf32>
    %add3A_253 = arith.addf %add3A_229, %mul3A_252 : vector<782x128xf32>
    %get3A_254 = arith.constant 9 : index
    %get3A_255 = arith.constant 1 : index
    %get3A_256 = memref.load %arg5[%get3A_254, %get3A_255] : memref<16x2xf32, #tpu.memory_space<smem>>
    %mul3A_257 = vector.broadcast %get3A_256 : f32 to vector<782x128xf32>
    %mul3A_258 = arith.mulf %max3A_247, %mul3A_257 : vector<782x128xf32>
    %add3A_259 = arith.addf %add3A_235, %mul3A_258 : vector<782x128xf32>
    %get3A_260 = arith.constant 0 : index
    %get3A_261 = arith.constant 10 : index
    %get3A_262 = memref.load %arg3[%get3A_260, %get3A_261] : memref<1x16xf32, #tpu.memory_space<smem>>
    %mul3A_263 = vector.broadcast %get3A_262 : f32 to vector<782x128xf32>
    %mul3A_264 = arith.mulf %add3A_17, %mul3A_263 : vector<782x128xf32>
    %get3A_265 = arith.constant 10 : index
    %get3A_266 = memref.load %arg4[%get3A_265] : memref<16xf32, #tpu.memory_space<smem>>
    %add3A_267 = vector.broadcast %get3A_266 : f32 to vector<782x128xf32>
    %add3A_268 = arith.addf %mul3A_264, %add3A_267 : vector<782x128xf32>
    %max3A_269 = arith.constant 0.000000e+00 : f32
    %max3A_270 = vector.broadcast %max3A_269 : f32 to vector<782x128xf32>
    %max3A_271 = arith.maximumf %add3A_268, %max3A_270 : vector<782x128xf32>
    %get3A_272 = arith.constant 10 : index
    %get3A_273 = arith.constant 0 : index
    %get3A_274 = memref.load %arg5[%get3A_272, %get3A_273] : memref<16x2xf32, #tpu.memory_space<smem>>
    %mul3A_275 = vector.broadcast %get3A_274 : f32 to vector<782x128xf32>
    %mul3A_276 = arith.mulf %max3A_271, %mul3A_275 : vector<782x128xf32>
    %add3A_277 = arith.addf %add3A_253, %mul3A_276 : vector<782x128xf32>
    %get3A_278 = arith.constant 10 : index
    %get3A_279 = arith.constant 1 : index
    %get3A_280 = memref.load %arg5[%get3A_278, %get3A_279] : memref<16x2xf32, #tpu.memory_space<smem>>
    %mul3A_281 = vector.broadcast %get3A_280 : f32 to vector<782x128xf32>
    %mul3A_282 = arith.mulf %max3A_271, %mul3A_281 : vector<782x128xf32>
    %add3A_283 = arith.addf %add3A_259, %mul3A_282 : vector<782x128xf32>
    %get3A_284 = arith.constant 0 : index
    %get3A_285 = arith.constant 11 : index
    %get3A_286 = memref.load %arg3[%get3A_284, %get3A_285] : memref<1x16xf32, #tpu.memory_space<smem>>
    %mul3A_287 = vector.broadcast %get3A_286 : f32 to vector<782x128xf32>
    %mul3A_288 = arith.mulf %add3A_17, %mul3A_287 : vector<782x128xf32>
    %get3A_289 = arith.constant 11 : index
    %get3A_290 = memref.load %arg4[%get3A_289] : memref<16xf32, #tpu.memory_space<smem>>
    %add3A_291 = vector.broadcast %get3A_290 : f32 to vector<782x128xf32>
    %add3A_292 = arith.addf %mul3A_288, %add3A_291 : vector<782x128xf32>
    %max3A_293 = arith.constant 0.000000e+00 : f32
    %max3A_294 = vector.broadcast %max3A_293 : f32 to vector<782x128xf32>
    %max3A_295 = arith.maximumf %add3A_292, %max3A_294 : vector<782x128xf32>
    %get3A_296 = arith.constant 11 : index
    %get3A_297 = arith.constant 0 : index
    %get3A_298 = memref.load %arg5[%get3A_296, %get3A_297] : memref<16x2xf32, #tpu.memory_space<smem>>
    %mul3A_299 = vector.broadcast %get3A_298 : f32 to vector<782x128xf32>
    %mul3A_300 = arith.mulf %max3A_295, %mul3A_299 : vector<782x128xf32>
    %add3A_301 = arith.addf %add3A_277, %mul3A_300 : vector<782x128xf32>
    %get3A_302 = arith.constant 11 : index
    %get3A_303 = arith.constant 1 : index
    %get3A_304 = memref.load %arg5[%get3A_302, %get3A_303] : memref<16x2xf32, #tpu.memory_space<smem>>
    %mul3A_305 = vector.broadcast %get3A_304 : f32 to vector<782x128xf32>
    %mul3A_306 = arith.mulf %max3A_295, %mul3A_305 : vector<782x128xf32>
    %add3A_307 = arith.addf %add3A_283, %mul3A_306 : vector<782x128xf32>
    %get3A_308 = arith.constant 0 : index
    %get3A_309 = arith.constant 12 : index
    %get3A_310 = memref.load %arg3[%get3A_308, %get3A_309] : memref<1x16xf32, #tpu.memory_space<smem>>
    %mul3A_311 = vector.broadcast %get3A_310 : f32 to vector<782x128xf32>
    %mul3A_312 = arith.mulf %add3A_17, %mul3A_311 : vector<782x128xf32>
    %get3A_313 = arith.constant 12 : index
    %get3A_314 = memref.load %arg4[%get3A_313] : memref<16xf32, #tpu.memory_space<smem>>
    %add3A_315 = vector.broadcast %get3A_314 : f32 to vector<782x128xf32>
    %add3A_316 = arith.addf %mul3A_312, %add3A_315 : vector<782x128xf32>
    %max3A_317 = arith.constant 0.000000e+00 : f32
    %max3A_318 = vector.broadcast %max3A_317 : f32 to vector<782x128xf32>
    %max3A_319 = arith.maximumf %add3A_316, %max3A_318 : vector<782x128xf32>
    %get3A_320 = arith.constant 12 : index
    %get3A_321 = arith.constant 0 : index
    %get3A_322 = memref.load %arg5[%get3A_320, %get3A_321] : memref<16x2xf32, #tpu.memory_space<smem>>
    %mul3A_323 = vector.broadcast %get3A_322 : f32 to vector<782x128xf32>
    %mul3A_324 = arith.mulf %max3A_319, %mul3A_323 : vector<782x128xf32>
    %add3A_325 = arith.addf %add3A_301, %mul3A_324 : vector<782x128xf32>
    %get3A_326 = arith.constant 12 : index
    %get3A_327 = arith.constant 1 : index
    %get3A_328 = memref.load %arg5[%get3A_326, %get3A_327] : memref<16x2xf32, #tpu.memory_space<smem>>
    %mul3A_329 = vector.broadcast %get3A_328 : f32 to vector<782x128xf32>
    %mul3A_330 = arith.mulf %max3A_319, %mul3A_329 : vector<782x128xf32>
    %add3A_331 = arith.addf %add3A_307, %mul3A_330 : vector<782x128xf32>
    %get3A_332 = arith.constant 0 : index
    %get3A_333 = arith.constant 13 : index
    %get3A_334 = memref.load %arg3[%get3A_332, %get3A_333] : memref<1x16xf32, #tpu.memory_space<smem>>
    %mul3A_335 = vector.broadcast %get3A_334 : f32 to vector<782x128xf32>
    %mul3A_336 = arith.mulf %add3A_17, %mul3A_335 : vector<782x128xf32>
    %get3A_337 = arith.constant 13 : index
    %get3A_338 = memref.load %arg4[%get3A_337] : memref<16xf32, #tpu.memory_space<smem>>
    %add3A_339 = vector.broadcast %get3A_338 : f32 to vector<782x128xf32>
    %add3A_340 = arith.addf %mul3A_336, %add3A_339 : vector<782x128xf32>
    %max3A_341 = arith.constant 0.000000e+00 : f32
    %max3A_342 = vector.broadcast %max3A_341 : f32 to vector<782x128xf32>
    %max3A_343 = arith.maximumf %add3A_340, %max3A_342 : vector<782x128xf32>
    %get3A_344 = arith.constant 13 : index
    %get3A_345 = arith.constant 0 : index
    %get3A_346 = memref.load %arg5[%get3A_344, %get3A_345] : memref<16x2xf32, #tpu.memory_space<smem>>
    %mul3A_347 = vector.broadcast %get3A_346 : f32 to vector<782x128xf32>
    %mul3A_348 = arith.mulf %max3A_343, %mul3A_347 : vector<782x128xf32>
    %add3A_349 = arith.addf %add3A_325, %mul3A_348 : vector<782x128xf32>
    %get3A_350 = arith.constant 13 : index
    %get3A_351 = arith.constant 1 : index
    %get3A_352 = memref.load %arg5[%get3A_350, %get3A_351] : memref<16x2xf32, #tpu.memory_space<smem>>
    %mul3A_353 = vector.broadcast %get3A_352 : f32 to vector<782x128xf32>
    %mul3A_354 = arith.mulf %max3A_343, %mul3A_353 : vector<782x128xf32>
    %add3A_355 = arith.addf %add3A_331, %mul3A_354 : vector<782x128xf32>
    %get3A_356 = arith.constant 0 : index
    %get3A_357 = arith.constant 14 : index
    %get3A_358 = memref.load %arg3[%get3A_356, %get3A_357] : memref<1x16xf32, #tpu.memory_space<smem>>
    %mul3A_359 = vector.broadcast %get3A_358 : f32 to vector<782x128xf32>
    %mul3A_360 = arith.mulf %add3A_17, %mul3A_359 : vector<782x128xf32>
    %get3A_361 = arith.constant 14 : index
    %get3A_362 = memref.load %arg4[%get3A_361] : memref<16xf32, #tpu.memory_space<smem>>
    %add3A_363 = vector.broadcast %get3A_362 : f32 to vector<782x128xf32>
    %add3A_364 = arith.addf %mul3A_360, %add3A_363 : vector<782x128xf32>
    %max3A_365 = arith.constant 0.000000e+00 : f32
    %max3A_366 = vector.broadcast %max3A_365 : f32 to vector<782x128xf32>
    %max3A_367 = arith.maximumf %add3A_364, %max3A_366 : vector<782x128xf32>
    %get3A_368 = arith.constant 14 : index
    %get3A_369 = arith.constant 0 : index
    %get3A_370 = memref.load %arg5[%get3A_368, %get3A_369] : memref<16x2xf32, #tpu.memory_space<smem>>
    %mul3A_371 = vector.broadcast %get3A_370 : f32 to vector<782x128xf32>
    %mul3A_372 = arith.mulf %max3A_367, %mul3A_371 : vector<782x128xf32>
    %add3A_373 = arith.addf %add3A_349, %mul3A_372 : vector<782x128xf32>
    %get3A_374 = arith.constant 14 : index
    %get3A_375 = arith.constant 1 : index
    %get3A_376 = memref.load %arg5[%get3A_374, %get3A_375] : memref<16x2xf32, #tpu.memory_space<smem>>
    %mul3A_377 = vector.broadcast %get3A_376 : f32 to vector<782x128xf32>
    %mul3A_378 = arith.mulf %max3A_367, %mul3A_377 : vector<782x128xf32>
    %add3A_379 = arith.addf %add3A_355, %mul3A_378 : vector<782x128xf32>
    %get3A_380 = arith.constant 0 : index
    %get3A_381 = arith.constant 15 : index
    %get3A_382 = memref.load %arg3[%get3A_380, %get3A_381] : memref<1x16xf32, #tpu.memory_space<smem>>
    %mul3A_383 = vector.broadcast %get3A_382 : f32 to vector<782x128xf32>
    %mul3A_384 = arith.mulf %add3A_17, %mul3A_383 : vector<782x128xf32>
    %get3A_385 = arith.constant 15 : index
    %get3A_386 = memref.load %arg4[%get3A_385] : memref<16xf32, #tpu.memory_space<smem>>
    %add3A_387 = vector.broadcast %get3A_386 : f32 to vector<782x128xf32>
    %add3A_388 = arith.addf %mul3A_384, %add3A_387 : vector<782x128xf32>
    %max3A_389 = arith.constant 0.000000e+00 : f32
    %max3A_390 = vector.broadcast %max3A_389 : f32 to vector<782x128xf32>
    %max3A_391 = arith.maximumf %add3A_388, %max3A_390 : vector<782x128xf32>
    %get3A_392 = arith.constant 15 : index
    %get3A_393 = arith.constant 0 : index
    %get3A_394 = memref.load %arg5[%get3A_392, %get3A_393] : memref<16x2xf32, #tpu.memory_space<smem>>
    %mul3A_395 = vector.broadcast %get3A_394 : f32 to vector<782x128xf32>
    %mul3A_396 = arith.mulf %max3A_391, %mul3A_395 : vector<782x128xf32>
    %add3A_397 = arith.addf %add3A_373, %mul3A_396 : vector<782x128xf32>
    %get3A_398 = arith.constant 15 : index
    %get3A_399 = arith.constant 1 : index
    %get3A_400 = memref.load %arg5[%get3A_398, %get3A_399] : memref<16x2xf32, #tpu.memory_space<smem>>
    %mul3A_401 = vector.broadcast %get3A_400 : f32 to vector<782x128xf32>
    %mul3A_402 = arith.mulf %max3A_391, %mul3A_401 : vector<782x128xf32>
    %add3A_403 = arith.addf %add3A_379, %mul3A_402 : vector<782x128xf32>
    %swap3A = arith.constant 0 : index
    %swap3A_404 = arith.constant 0 : index
    %swap3A_405 = vector.load %arg6[%swap3A, %swap3A_404] : memref<782x128xf32, #tpu.memory_space<vmem>>, vector<782x128xf32>
    tpu.vector_store %arg6[%swap3A, %swap3A_404], %add3A_397 {strides = array<i32>} : memref<782x128xf32, #tpu.memory_space<vmem>>, vector<782x128xf32>,
    %swap3A_406 = arith.constant 0 : index
    %swap3A_407 = arith.constant 0 : index
    %swap3A_408 = vector.load %arg7[%swap3A_406, %swap3A_407] : memref<782x128xf32, #tpu.memory_space<vmem>>, vector<782x128xf32>
    tpu.vector_store %arg7[%swap3A_406, %swap3A_407], %add3A_403 {strides = array<i32>} : memref<782x128xf32, #tpu.memory_space<vmem>>, vector<782x128xf32>,
    %mul3A_409 = arith.mulf %add3A_397, %get3A_1 : vector<782x128xf32>
    %bitcast_convert_type3A = tpu.bitcast %mul3A_409 : vector<782x128xf32> -> vector<782x128xi32>
    %shift_right_logical3A = arith.constant 16 : i32
    %shift_right_logical3A_410 = vector.broadcast %shift_right_logical3A : i32 to vector<782x128xi32>
    %shift_right_logical3A_411 = arith.shrui %bitcast_convert_type3A, %shift_right_logical3A_410 : vector<782x128xi32>
    %and3A = arith.constant 1 : i32
    %and3A_412 = vector.broadcast %and3A : i32 to vector<782x128xi32>
    %and3A_413 = arith.andi %shift_right_logical3A_411, %and3A_412 : vector<782x128xi32>
    %add3A_414 = arith.constant 32767 : i32
    %add3A_415 = vector.broadcast %add3A_414 : i32 to vector<782x128xi32>
    %add3A_416 = arith.addi %bitcast_convert_type3A, %add3A_415 : vector<782x128xi32>
    %add3A_417 = arith.addi %add3A_416, %and3A_413 : vector<782x128xi32>
    %shift_right_logical3A_418 = arith.constant 16 : i32
    %shift_right_logical3A_419 = vector.broadcast %shift_right_logical3A_418 : i32 to vector<782x128xi32>
    %shift_right_logical3A_420 = arith.shrui %add3A_417, %shift_right_logical3A_419 : vector<782x128xi32>
    %and3A_421 = arith.constant 65535 : i32
    %and3A_422 = vector.broadcast %and3A_421 : i32 to vector<782x128xi32>
    %and3A_423 = arith.andi %shift_right_logical3A_420, %and3A_422 : vector<782x128xi32>
    %mul3A_424 = arith.mulf %add3A_403, %get3A_1 : vector<782x128xf32>
    %bitcast_convert_type3A_425 = tpu.bitcast %mul3A_424 : vector<782x128xf32> -> vector<782x128xi32>
    %shift_right_logical3A_426 = arith.constant 16 : i32
    %shift_right_logical3A_427 = vector.broadcast %shift_right_logical3A_426 : i32 to vector<782x128xi32>
    %shift_right_logical3A_428 = arith.shrui %bitcast_convert_type3A_425, %shift_right_logical3A_427 : vector<782x128xi32>
    %and3A_429 = arith.constant 1 : i32
    %and3A_430 = vector.broadcast %and3A_429 : i32 to vector<782x128xi32>
    %and3A_431 = arith.andi %shift_right_logical3A_428, %and3A_430 : vector<782x128xi32>
    %add3A_432 = arith.constant 32767 : i32
    %add3A_433 = vector.broadcast %add3A_432 : i32 to vector<782x128xi32>
    %add3A_434 = arith.addi %bitcast_convert_type3A_425, %add3A_433 : vector<782x128xi32>
    %add3A_435 = arith.addi %add3A_434, %and3A_431 : vector<782x128xi32>
    %shift_right_logical3A_436 = arith.constant 16 : i32
    %shift_right_logical3A_437 = vector.broadcast %shift_right_logical3A_436 : i32 to vector<782x128xi32>
    %shift_right_logical3A_438 = arith.shrui %add3A_435, %shift_right_logical3A_437 : vector<782x128xi32>
    %and3A_439 = arith.constant 65535 : i32
    %and3A_440 = vector.broadcast %and3A_439 : i32 to vector<782x128xi32>
    %and3A_441 = arith.andi %shift_right_logical3A_438, %and3A_440 : vector<782x128xi32>
    %shift_left3A = arith.constant 16 : i32
    %shift_left3A_442 = vector.broadcast %shift_left3A : i32 to vector<782x128xi32>
    %shift_left3A_443 = arith.shli %and3A_441, %shift_left3A_442 : vector<782x128xi32>
    %or3A = arith.ori %shift_left3A_443, %and3A_423 : vector<782x128xi32>
    %swap3A_444 = arith.constant 0 : index
    %swap3A_445 = arith.constant 0 : index
    %swap3A_446 = vector.load %arg8[%swap3A_444, %swap3A_445] : memref<782x128xi32, #tpu.memory_space<vmem>>, vector<782x128xi32>
    tpu.vector_store %arg8[%swap3A_444, %swap3A_445], %or3A {strides = array<i32>} : memref<782x128xi32, #tpu.memory_space<vmem>>, vector<782x128xi32>,
    return
  }
}

module attributes {stable_mosaic.version = 14 : i64} {
  func.func @_tc3_body(%arg0: memref<2x782x128xf32, #tpu.memory_space<vmem>>, %arg1: memref<2x782x128xf32, #tpu.memory_space<vmem>>, %arg2: memref<782x128xf32, #tpu.memory_space<vmem>>, %arg3: memref<782x128xf32, #tpu.memory_space<vmem>>, %arg4: memref<782x128xf32, #tpu.memory_space<vmem>>, %arg5: memref<2xf32, #tpu.memory_space<smem>>, %arg6: memref<782x128xf32, #tpu.memory_space<vmem>>, %arg7: memref<782x128xf32, #tpu.memory_space<vmem>>) attributes {dimension_semantics = [], scalar_prefetch = 0 : i64, scratch_operands = 0 : i64, tpu.core_type = #tpu.core_type<tc>} {
    %get3A = arith.constant 0 : index
    %get3A_0 = arith.constant 0 : index
    %get3A_1 = vector.load %arg2[%get3A, %get3A_0] : memref<782x128xf32, #tpu.memory_space<vmem>>, vector<782x128xf32>
    %mul3A = arith.mulf %get3A_1, %get3A_1 : vector<782x128xf32>
    %get3A_2 = arith.constant 0 : index
    %get3A_3 = arith.constant 0 : index
    %get3A_4 = arith.constant 0 : index
    %get3A_5 = vector.load %arg0[%get3A_2, %get3A_3, %get3A_4] : memref<2x782x128xf32, #tpu.memory_space<vmem>>, vector<1x782x128xf32>
    %get3A_6 = vector.shape_cast %get3A_5 : vector<1x782x128xf32> to vector<782x128xf32>
    %get3A_7 = arith.constant 1 : index
    %get3A_8 = arith.constant 0 : index
    %get3A_9 = arith.constant 0 : index
    %get3A_10 = vector.load %arg0[%get3A_7, %get3A_8, %get3A_9] : memref<2x782x128xf32, #tpu.memory_space<vmem>>, vector<1x782x128xf32>
    %get3A_11 = vector.shape_cast %get3A_10 : vector<1x782x128xf32> to vector<782x128xf32>
    %add3A = arith.addf %get3A_6, %get3A_11 : vector<782x128xf32>
    %mul3A_12 = arith.mulf %get3A_1, %add3A : vector<782x128xf32>
    %get3A_13 = arith.constant 0 : index
    %get3A_14 = arith.constant 0 : index
    %get3A_15 = vector.load %arg3[%get3A_13, %get3A_14] : memref<782x128xf32, #tpu.memory_space<vmem>>, vector<782x128xf32>
    %mul3A_16 = arith.mulf %mul3A, %get3A_15 : vector<782x128xf32>
    %add3A_17 = arith.addf %mul3A_12, %mul3A_16 : vector<782x128xf32>
    %get3A_18 = arith.constant 0 : index
    %get3A_19 = memref.load %arg5[%get3A_18] : memref<2xf32, #tpu.memory_space<smem>>
    %add3A_20 = vector.broadcast %get3A_19 : f32 to vector<782x128xf32>
    %add3A_21 = arith.addf %add3A_17, %add3A_20 : vector<782x128xf32>
    %get3A_22 = arith.constant 0 : index
    %get3A_23 = arith.constant 0 : index
    %get3A_24 = arith.constant 0 : index
    %get3A_25 = vector.load %arg1[%get3A_22, %get3A_23, %get3A_24] : memref<2x782x128xf32, #tpu.memory_space<vmem>>, vector<1x782x128xf32>
    %get3A_26 = vector.shape_cast %get3A_25 : vector<1x782x128xf32> to vector<782x128xf32>
    %get3A_27 = arith.constant 1 : index
    %get3A_28 = arith.constant 0 : index
    %get3A_29 = arith.constant 0 : index
    %get3A_30 = vector.load %arg1[%get3A_27, %get3A_28, %get3A_29] : memref<2x782x128xf32, #tpu.memory_space<vmem>>, vector<1x782x128xf32>
    %get3A_31 = vector.shape_cast %get3A_30 : vector<1x782x128xf32> to vector<782x128xf32>
    %add3A_32 = arith.addf %get3A_26, %get3A_31 : vector<782x128xf32>
    %mul3A_33 = arith.mulf %get3A_1, %add3A_32 : vector<782x128xf32>
    %get3A_34 = arith.constant 0 : index
    %get3A_35 = arith.constant 0 : index
    %get3A_36 = vector.load %arg4[%get3A_34, %get3A_35] : memref<782x128xf32, #tpu.memory_space<vmem>>, vector<782x128xf32>
    %mul3A_37 = arith.mulf %mul3A, %get3A_36 : vector<782x128xf32>
    %add3A_38 = arith.addf %mul3A_33, %mul3A_37 : vector<782x128xf32>
    %get3A_39 = arith.constant 1 : index
    %get3A_40 = memref.load %arg5[%get3A_39] : memref<2xf32, #tpu.memory_space<smem>>
    %add3A_41 = vector.broadcast %get3A_40 : f32 to vector<782x128xf32>
    %add3A_42 = arith.addf %add3A_38, %add3A_41 : vector<782x128xf32>
    %max3A = arith.maximumf %add3A_21, %add3A_42 : vector<782x128xf32>
    %sub3A = arith.subf %add3A_21, %max3A : vector<782x128xf32>
    %exp3A = math.exp %sub3A : vector<782x128xf32>
    %sub3A_43 = arith.subf %add3A_42, %max3A : vector<782x128xf32>
    %exp3A_44 = math.exp %sub3A_43 : vector<782x128xf32>
    %add3A_45 = arith.addf %exp3A, %exp3A_44 : vector<782x128xf32>
    %log3A = math.log %add3A_45 : vector<782x128xf32>
    %sub3A_46 = arith.subf %add3A_21, %max3A : vector<782x128xf32>
    %sub3A_47 = arith.subf %sub3A_46, %log3A : vector<782x128xf32>
    %swap3A = arith.constant 0 : index
    %swap3A_48 = arith.constant 0 : index
    %swap3A_49 = vector.load %arg6[%swap3A, %swap3A_48] : memref<782x128xf32, #tpu.memory_space<vmem>>, vector<782x128xf32>
    tpu.vector_store %arg6[%swap3A, %swap3A_48], %sub3A_47 {strides = array<i32>} : memref<782x128xf32, #tpu.memory_space<vmem>>, vector<782x128xf32>,
    %sub3A_50 = arith.subf %add3A_42, %max3A : vector<782x128xf32>
    %sub3A_51 = arith.subf %sub3A_50, %log3A : vector<782x128xf32>
    %swap3A_52 = arith.constant 0 : index
    %swap3A_53 = arith.constant 0 : index
    %swap3A_54 = vector.load %arg7[%swap3A_52, %swap3A_53] : memref<782x128xf32, #tpu.memory_space<vmem>>, vector<782x128xf32>
    tpu.vector_store %arg7[%swap3A_52, %swap3A_53], %sub3A_51 {strides = array<i32>} : memref<782x128xf32, #tpu.memory_space<vmem>>, vector<782x128xf32>,
    return
  }
}

</mosaic_0001>

<sc_bundles>
// kernel: kernel.11.cloned.1.call-start
scs
__scs_entry_jumppad:
0x0: {  	(pc) =	sbr.rel $0x88, $3  }
0x1: {  	(tag) =	ssettag $0x0;
	lr =	simm.s32 $0x1  }
0x2: {  	[smem:$0x3F9B] =	sst lr;
	_ =	strace $0xD0000000  }
0x3: {  	_ = 	snop  }
0x4: {  	_ = 	snop  }
0x5: {  	_ = 	snop  }
0x6: {  	_ = 	snop  }
0x7: {  	_ = 	snop  }
__scs_overlays_trampoline_lowered:
0x8: {  	[smem:$0x3FAA] =	sst s0  }
0x9: {  	[smem:$0x3FAB] =	sst s1  }
0xa: {  	[smem:$0x3FAC] =	sst s2  }
0xb: {  	[smem:$0x3FAD] =	sst s3  }
0xc: {  	[smem:$0x3FAE] =	sst s4  }
0xd: {  	[smem:$0x3FAF] =	sst s5  }
0xe: {  	[smem:$0x3FB0] =	sst s6  }
0xf: {  	[smem:$0x3FB1] =	sst s7  }
0x10: {  	[smem:$0x3FB2] =	sst s8  }
0x11: {  	[smem:$0x3FB3] =	sst s9;
	s0 =	simm.s32 @!p0 $0x0  }
0x12: {  	s1 =	sld [smem:$0x3F99];
	s0 =	simm.s32 @p0 $0x1  }
0x13: {  	[smem:$0x3FB4] =	sst s0;
	s0 =	simm.s32 @!p1 $0x0  }
0x14: {  	s2 =	sld [smem:$0x3F98];
	s0 =	simm.s32 @p1 $0x1  }
0x15: {  	[smem:$0x3FB5] =	sst s0;
	s0 =	simm.s32 @!p2 $0x0  }
0x16: {  	s3 =	sld [smem:$0x3FDB];
	s0 =	simm.s32 @p2 $0x1  }
0x17: {  	s4 =	simm.s32 $0x1BF5;
	[smem:$0x3FB7] =	sst s0  }
0x18: {  	s0 =	sld [smem:$0x3F9A];
	_ =	swait.ge [sflag:s4], $0x0  }
0x19: {  	s7 =	sld [smem:$0x3F9B]  }
0x1a: {  	s8 =	sadd.s32 $0xFFFFE003, lr  }
0x1b: {  	s9 =	sadd.s32 $0xFFFFFEF7, lr;
	s5 =	simm.s32 $0xFFFFFFFF;
	p2 =	slt.u32 s8, $0xFFFFF086  }
0x1c: {  	p1 =	slt.u32 s9, $0xF7A;
	s5 =	simm.s32 @!p2 $0x0  }
0x1d: {  	s5 =	simm.s32 @p1 $0x1;
	p0 =	seq.s32 s7, s2  }
0x1e: {  	s7 =	smul.u32 @!p0 $0xF7A, s2;
	p2 =	seq.s32 @!p0 s5, $0x0  }
0x1f: {  	s9 =	smul.u32 $0xF7A, s1;
	s8 =	simm.s32 @!p0 $0x1BF5;
	p2 =	por !p2, p0  }
0x20: {  	[sflag:s8] =	ssyncset.s32 @!p0 $0xFFFFF086;
	s6 =	sadd.s32 @!p0 s3, s7;
	s7 =	simm.s32 @!p0 $0x108  }
0x21: {  	s3 =	sadd.s32 s3, s9;
	s6 =	sadd.s32 @!p0 $0x88, s6;
	s7 =	simm.s32 @p2 $0x1082  }
0x22: {  	[simem:s7], [sflag:s8] =	dma.local @!p0 [hbm:s6], $0xF7A  }
0x23: {  	s9 =	sor.u32 $0xD0000000, s2;
	s6 =	simm.s32 $0x108;
	_ =	swait.ge @!p0 [sflag:s8], $0x0  }
0x24: {  	s3 =	sadd.s32 $0x88, s3;
	s6 =	simm.s32 @!p1 $0x1082;
	[sflag:s4] =	ssyncset.s32 $0xFFFFF086  }
0x25: {  	[simem:s6], [sflag:s4] =	dma.local [hbm:s3], $0xF7A  }
0x26: {  	[smem:$0x3F9B] =	sst s1;
	(tag) =	ssettag s2;
	_ =	strace s9  }
0x27: {  	s1 =	sld [smem:$0x3FAB]  }
0x28: {  	s2 =	sld [smem:$0x3FAC]  }
0x29: {  	s4 =	sld [smem:$0x3FAE]  }
0x2a: {  	p0 =	seq.s32 s5, $0x0;
	s5 =	sld [smem:$0x3FAF]  }
0x2b: {  	s6 =	sld [smem:$0x3FB0]  }
0x2c: {  	s7 =	sld [smem:$0x3FB1]  }
0x2d: {  	s3 =	simm.s32 $0x108;
	s8 =	sld [smem:$0x3FB2]  }
0x2e: {  	s3 =	simm.s32 @!p0 $0x1082;
	s9 =	sld [smem:$0x3FB3]  }
0x2f: {  	lr =	sadd.s32 s0, s3;
	s0 =	sld [smem:$0x3FAA]  }
0x30: {  	s3 =	sld [smem:$0x3FAD]  }
0x31: {  	[smem:$0x3FB6] =	sst s10  }
0x32: {  	s10 =	sld [smem:$0x3FB4];
	_ =	sdelay $0x3  }
0x33: {  	p0 =	seq.s32 s10, $0x1;
	s10 =	sld [smem:$0x3FB6];
	_ =	sdelay $0x3  }
0x34: {  	[smem:$0x3FB6] =	sst s10  }
0x35: {  	s10 =	sld [smem:$0x3FB5];
	_ =	sdelay $0x3  }
0x36: {  	p1 =	seq.s32 s10, $0x1;
	s10 =	sld [smem:$0x3FB6];
	_ =	sdelay $0x3  }
0x37: {  	[smem:$0x3FB6] =	sst s10  }
0x38: {  	s10 =	sld [smem:$0x3FB7]  }
0x39: {  	_ = 	snop;
	(pc) =	sbr.ind lr, $3  }
0x3a: {  	_ = 	snop  }
0x3b: {  	_ = 	snop  }
0x3c: {  	p2 =	seq.s32 s10, $0x1;
	s10 =	sld [smem:$0x3FB6]  }
0x3d: {  	_ =	shalt  }
0x3e: {  	_ =	shalt  }
0x3f: {  	_ =	shalt  }
0x40: {  	_ =	shalt  }
0x41: {  	_ =	shalt  }
0x42: {  	_ =	shalt  }
0x43: {  	_ =	shalt  }
0x44: {  	_ =	shalt  }
0x45: {  	_ =	shalt  }
0x46: {  	_ =	shalt  }
0x47: {  	_ =	shalt  }
0x48: {  	_ =	shalt  }
0x49: {  	_ =	shalt  }
0x4a: {  	_ =	shalt  }
0x4b: {  	_ =	shalt  }
0x4c: {  	_ =	shalt  }
0x4d: {  	_ =	shalt  }
0x4e: {  	_ =	shalt  }
0x4f: {  	_ =	shalt  }
0x50: {  	_ =	shalt  }
0x51: {  	_ =	shalt  }
0x52: {  	_ =	shalt  }
0x53: {  	_ =	shalt  }
0x54: {  	_ =	shalt  }
0x55: {  	_ =	shalt  }
0x56: {  	_ =	shalt  }
0x57: {  	_ =	shalt  }
0x58: {  	_ =	shalt  }
0x59: {  	_ =	shalt  }
0x5a: {  	_ =	shalt  }
0x5b: {  	_ =	shalt  }
0x5c: {  	_ =	shalt  }
0x5d: {  	_ =	shalt  }
0x5e: {  	_ =	shalt  }
0x5f: {  	_ =	shalt  }
0x60: {  	_ =	shalt  }
0x61: {  	_ =	shalt  }
0x62: {  	_ =	shalt  }
0x63: {  	_ =	shalt  }
0x64: {  	_ =	shalt  }
0x65: {  	_ =	shalt  }
0x66: {  	_ =	shalt  }
0x67: {  	_ =	shalt  }
0x68: {  	_ =	shalt  }
0x69: {  	_ =	shalt  }
0x6a: {  	_ =	shalt  }
0x6b: {  	_ =	shalt  }
0x6c: {  	_ =	shalt  }
0x6d: {  	_ =	shalt  }
0x6e: {  	_ =	shalt  }
0x6f: {  	_ =	shalt  }
0x70: {  	_ =	shalt  }
0x71: {  	_ =	shalt  }
0x72: {  	_ =	shalt  }
0x73: {  	_ =	shalt  }
0x74: {  	_ =	shalt  }
0x75: {  	_ =	shalt  }
0x76: {  	_ =	shalt  }
0x77: {  	_ =	shalt  }
0x78: {  	_ =	shalt  }
0x79: {  	_ =	shalt  }
0x7a: {  	_ =	shalt  }
0x7b: {  	_ =	shalt  }
0x7c: {  	_ =	shalt  }
0x7d: {  	_ =	shalt  }
0x7e: {  	_ =	shalt  }
0x7f: {  	_ =	shalt  }
0x80: {  	_ =	shalt  }
0x81: {  	_ =	shalt  }
0x82: {  	_ =	shalt  }
0x83: {  	_ =	shalt  }
0x84: {  	_ =	shalt  }
0x85: {  	_ =	shalt  }
0x86: {  	_ =	shalt  }
0x87: {  	_ =	shalt  }
.Lfunc_end0:
.L_simem_size_0:
called_computation.1_lowered:
.L_overlay_start_0:
0x88: {  	s2 =	sld [smem:$0x3FD9]  }
0x89: {  	s3 =	sld [smem:$0x3FFE];
	_ =	sdelay $0x1  }
0x8a: {  	s1 =	srdreg.scid  }
0x8b: {  	s0 =	sand.u32 $0x1, s1  }
0x8c: {  	s17 =	sshll.u32 s0, $0xA;
	s2 =	sadd.s32 s3, s2  }
0x8d: {  	s2 =	sadd.s32 s2, s17  }
0x8e: {  	[smem:$0x3FC2] =	sst s2  }
0x8f: {  	_ = 	snop  }
0x90: {  	s2 =	sld [smem:$0x3FD0];
	(tm) =	ssettm $0x1  }
0x91: {  	s18 =	sld [smem:$0x3FFB];
	_ =	sdelay $0x3  }
0x92: {  	_ =	strace s18  }
0x93: {  	s3 =	sld [smem:$0x3FFC];
	_ =	sdelay $0x3  }
0x94: {  	_ =	strace s3  }
0x95: {  	s3 =	sld [smem:$0x3FFD];
	_ =	sdelay $0x3  }
0x96: {  	_ =	strace s3  }
0x97: {  	_ =	strace $0x8FFFFFFF  }
0x98: {  	s19 =	sld [smem:$0x3FDB];
	_ =	sdelay $0x1  }
0x99: {  	s4 =	simm.s32 $_scs_section_size  }
0x9a: {  	s5 =	simm.s32 $_size__tile_overlayer_lowered;
	s6 =	simm.s32 $_tile_overlayer_lowered  }
0x9b: {  	s22 =	simm.s32 $0x1BFF;
	s21 =	sshll.u32 s6, $0x1;
	s3 =	sadd.s32 s4, s19  }
0x9c: {  	s7 =	simm.s32 $0x0;
	s20 =	sshll.u32 s5, $0x1;
	s5 =	sadd.s32 s21, s3  }
0x9d: {  	[timem:s7], [sflag:s22] =	dma.local [hbm:s5], s20  }
0x9e: {  	_ =	swait.ge [sflag:s22], s20  }
0x9f: {  	s4 =	ssub.s32 $0x0, s20;
	[sflag:s22] =	ssyncset.done $0x0  }
0xa0: {  	[sflag:s22] =	ssyncadd.s32 s4;
	_ =	sdelay $0x1  }
0xa1: {  	s23 =	simm.s32 $0x1B8B  }
0xa2: {  	_ =	swait.ge [sflag:s23], $0x1  }
0xa3: {  	[sflag:s23] =	ssyncset.done $0x0  }
0xa4: {  	s25 =	simm.s32 $0x1B8E;
	s24 =	sld [smem:$0x3FFE];
	[sflag:s23] =	ssyncadd.s32 $0xFFFFFFFF  }
0xa5: {  	s26 =	simm.s32 $execute0_lowered;
	[smem:$0x3FD2] =	sst s25  }
0xa6: {  	s5 =	sshll.u32 s26, $0x1;
	_ =	strace $0x80000049;
	[dreg:$0x1] =	wrdreg $0xFFFFFFFF  }
0xa7: {  	s28 =	simm.s32 $_size_execute0_lowered;
	s3 =	sadd.s32 s3, s5;
	[dreg:$0x0] =	wrdreg $0x0  }
0xa8: {  	s5 =	sshll.u32 s28, $0x1;
	[dreg:$0x2] =	wrdreg s3  }
0xa9: {  	[dreg:$0x3] =	wrdreg s5  }
0xaa: {  	[dreg:$0x4] =	wrdreg $0xC0  }
0xab: {  	_ =	task [dreg:s7], $0x5FFFF  }
0xac: {  	[dreg:$0x1] =	wrdreg $0xFFFFFFFF  }
0xad: {  	[dreg:$0x0] =	wrdreg $0x60  }
0xae: {  	[dreg:$0x2] =	wrdreg s24  }
0xaf: {  	[dreg:$0x3] =	wrdreg s2  }
0xb0: {  	[dreg:$0x4] =	wrdreg $0x1DB000  }
0xb1: {  	[dreg:$0x5] =	wrdreg $0x9  }
0xb2: {  	_ =	task.clear_ibuf [dreg:s7], $0x6FFFF;
	_ =	strace $0x90000049  }
0xb3: {  	s29 =	simm.s32 $0x9;
	_ =	strace $0x8000004B  }
0xb4: {  	_ =	swait.ge [sflag:s29], $0x1  }
0xb5: {  	[sflag:s29] =	ssyncadd.s32 $0xFFFFFFFF  }
0xb6: {  	_ =	strace $0x9000004B  }
0xb7: {  	_ =	sfence  }
0xb8: {  	s30 =	sld [smem:$0x0];
	_ =	sdelay $0x2  }
0xb9: {  	s31 =	sshll.u32 s1, $0xD;
	s1 =	sshrl.u32 s1, $0x2  }
0xba: {  	s3 =	sand.u32 $0x4000, s31;
	s1 =	sadd.s32 s1, s30  }
0xbb: {  	s0 =	sor.u32 s3, s0;
	s1 =	sshll.u32 s1, $0x11  }
0xbc: {  	s0 =	sor.u32 s1, s0  }
0xbd: {  	s0 =	sadd.s32 $0x8F2B, s0  }
0xbe: {  	[sflag:s0] =	ssyncadd.remote.s32 $0x1  }
0xbf: {  	_ =	sfence.sel $0xFFFF  }
0xc0: {  	[dreg:$0x0] =	wrdreg $0xFFFFFFFF;
	(pc) =	sbr.abs _section_cstart, $3  }
0xc1: {  	[dreg:$0x1] =	wrdreg $0xFFFFFFFF  }
0xc2: {  	_ =	task.clear_ibuf [dreg:s7], $0x2FFFF;
	_ =	strace $0x9FFFFFFF  }
0xc3: {  	(tm) =	ssettm $0x7FFFFFFF  }
tec
execute0_lowered:
.L_overlay_start_1:
0x0: {  	(tag) =	ssettag $0x1  }
0x1: {  	s0 =	rddreg [dreg:$0x0];
	s1 =	srdreg.scid  }
0x2: {  	s7 =	stileid.u32;
	s3 =	rddreg [dreg:$0x2];
	s5 =	simm.s32 $0x0  }
0x3: {  	s20 =	simm.s32 $0x3800;
	s12 =	simm.s32 $0x2;
	s13 =	simm.s32 $0x5400  }
0x4: {  	s14 =	simm.s32 $0x1C00;
	s15 =	simm.s32 $0x80;
	s21 =	simm.s32 $0x3400  }
0x5: {  	s22 =	simm.s32 $0x5000;
	s23 =	simm.s32 $0x3480;
	s24 =	simm.s32 $0x5080  }
0x6: {  	s28 =	simm.s32 $0x3580;
	s29 =	simm.s32 $0x5180;
	s30 =	simm.s32 $0x3600  }
0x7: {  	s31 =	simm.s32 $0x5200;
	s11 =	simm.s32 $0x3780;
	s9 =	simm.s32 $0x5380  }
0x8: {  	s10 =	simm.s32 $0x1;
	s16 =	simm.s32 $0x0;
	s1 =	sand.u32 $0x1, s1  }
0x9: {  	s2 =	smul.u32 $0x1870, s7;
	[smem:$0x7FF] =	sst s5;
	s5 =	sadd.s32 $0x6A400, s0  }
0xa: {  	s7 =	sshll.u32 s7, $0x1;
	s4 =	smul.u32 $0x18700, s1;
	s6 =	ssub.s32 $0x2, s1  }
0xb: {  	_ =	strace $0x8000004A;
	s1 =	sor.u32 s1, s7;
	s8 =	sshrl.u32 s6, $0x1  }
0xc: {  	s17 =	sadd.s32 s2, s3;
	s7 =	smul.u32 $0x188, s1;
	s1 =	simm.s32 $0x3680  }
0xd: {  	s4 =	sadd.s32 s2, s4;
	s6 =	ssub.s32 s6, s8;
	s8 =	sadd.s32 $0x33200, s0  }
0xe: {  	[dreg:$0x4] =	wrdreg s17;
	s4 =	sshrl.u32 s4, $0x3;
	s26 =	smax.u32 s6, $0x1  }
0xf: {  	s2 =	simm.s32 $0x3700;
	s4 =	sadd.s32 s4, s0;
	[dreg:$0x6] =	wrdreg s26  }
0x10: {  	s26 =	simm.s32 $0x5100;
	s0 =	simm.s32 $0x5280;
	s25 =	sadd.s32 $0x64200, s4  }
0x11: {  	v0 =	vimm.f32 $0.0e+00;
	s4 =	simm.s32 $0x5300;
	[dreg:$0x5] =	wrdreg s25;
	s25 =	simm.s32 $0x3500  }
.LBB2_1:
0x12: {  	[dreg:$0x7] =	wrdreg s16;
	s6 =	simm.s32 $0x40;
	s16 =	simm.s32 $0x0  }
.LBB2_2:
0x13: {  	p0 =	sne.s32 s6, $0x6180;
	[tilespmem:s16+$0x3800] =	vst v0;
	s16 =	smov.u32 s6;
	s6 =	sadd.s32 $0x40, s6  }
.Ltmp0:
0x14: {  	(pc) =	sbr.rel @p0 .LBB2_2-.Ltmp0, $2  }
0x15: {  	_ =	sdelay $0x2  }
0x16: {  	s16 =	sshra.s32 s16, $0x2  }
0x17: {  	[tilespmem:s16+$0x3800] =	vst v0  }
0x18: {  	[spmem:s17] =	stream.linear.scatter [tilespmem:s20], [sflag:$0x2], $0x1870, $0x38;
	[tilespmem:$0x1F370] =	vst v63  }
0x19: {  	_ =	swait.ge [sflag:s12], $0x1870  }
0x1a: {  	[sflag:s12] =	ssyncset.done $0x0  }
0x1b: {  	[sflag:s12] =	ssyncadd.s32 $0xFFFFE790  }
0x1c: {  	s6 =	simm.s32 $0x0;
	s19 =	rddreg [dreg:$0x1]  }
0x1d: {  	[tilespmem:s13], [sflag:$0x2] =	stream.linear.gather [hbm4b:s19+s6], $0x18700, $0x38;
	[tilespmem:$0x1F370] =	vst v63  }
0x1e: {  	_ =	swait.ge [sflag:s12], $0x18700  }
0x1f: {  	[sflag:s12] =	ssyncset.done $0x0  }
0x20: {  	[sflag:s12] =	ssyncadd.s32 $0xFFFE7900  }
0x21: {  	s16 =	simm.s32 $0x0;
	[bflag:$0x0] =	sbarrier.arrive $0xFFFF  }
.LBB2_4:
0x22: {  	s17 =	smul.u32 $0x38, s16;
	_ =	sdelay $0x1  }
0x23: {  	s17 =	sadd.s32 s7, s17  }
0x24: {  	s17 =	sshll.u32 s17, $0x4  }
0x25: {  	s18 =	sadd.s32 s5, s17  }
0x26: {  	[tilespmem:s6], [sflag:$0x2] =	stream.linear.gather [hbm4b:s18+s6], $0x1C00, $0x38;
	[tilespmem:$0x1F370] =	vst v63  }
0x27: {  	_ =	swait.ge [sflag:s12], $0x1C00  }
0x28: {  	[sflag:s12] =	ssyncset.done $0x0  }
0x29: {  	s17 =	sadd.s32 s17, s8;
	[sflag:s12] =	ssyncadd.s32 $0xFFFFE400  }
0x2a: {  	[tilespmem:s14], [sflag:$0x2] =	stream.linear.gather [hbm4b:s17+s6], $0x1C00, $0x38;
	[tilespmem:$0x1F370] =	vst v63  }
0x2b: {  	_ =	swait.ge [sflag:s12], $0x1C00  }
0x2c: {  	[sflag:s12] =	ssyncset.done $0x0  }
0x2d: {  	s17 =	simm.s32 $0x0;
	[sflag:s12] =	ssyncadd.s32 $0xFFFFE400  }
0x2e: {  	v1 =	vld [tilespmem:s17+$0x0];
	_ =	sdelay $0x5  }
0x2f: {  	v2 =	vld [tilespmem:s17+$0x10];
	_ =	sdelay $0x1  }
0x30: {  	v1 =	vld.idx.msk [tilespmem:v1+s13+$0x0], $0xffff;
	_ =	sdelay $0x4  }
0x31: {  	v3 =	vld [tilespmem:s17+$0x20];
	[tilespmem:s17+$0x3800] =	vst v1  }
0x32: {  	v1 =	vld.idx.msk [tilespmem:v2+s13+$0x0], $0xffff;
	_ =	sdelay $0x4  }
0x33: {  	[tilespmem:s17+$0x3810] =	vst v1;
	v1 =	vld [tilespmem:s17+$0x30];
	_ =	sdelay $0x1  }
0x34: {  	v2 =	vld.idx.msk [tilespmem:v3+s13+$0x0], $0xffff;
	_ =	sdelay $0x3  }
0x35: {  	s19 =	simm.s32 $0x40;
	s18 =	simm.s32 $0x200  }
.LBB2_5:
0x36: {  	p0 =	sne.s32 s18, $0xF00;
	v3 =	vld [tilespmem:s19+$0x0];
	[tilespmem:s17+$0x3820] =	vst v2  }
0x37: {  	v1 =	vld.idx.msk [tilespmem:v1+s13+$0x0], $0xffff;
	_ =	sdelay $0x5  }
0x38: {  	v2 =	vld [tilespmem:s19+$0x10];
	[tilespmem:s17+$0x3830] =	vst v1;
	s17 =	smov.u32 s19  }
0x39: {  	v1 =	vld.idx.msk [tilespmem:v3+s13+$0x0], $0xffff;
	_ =	sdelay $0x5  }
0x3a: {  	[tilespmem:s17+$0x3800] =	vst v1;
	v3 =	vld [tilespmem:s17+$0x20]  }
0x3b: {  	v1 =	vld.idx.msk [tilespmem:v2+s13+$0x0], $0xffff;
	_ =	sdelay $0x5  }
0x3c: {  	[tilespmem:s17+$0x3810] =	vst v1;
	v1 =	vld [tilespmem:s17+$0x30]  }
0x3d: {  	v2 =	vld.idx.msk [tilespmem:v3+s13+$0x0], $0xffff  }
.Ltmp1:
0x3e: {  	(pc) =	sbr.rel @p0 .LBB2_5-.Ltmp1, $2  }
0x3f: {  	_ =	sdelay $0x2  }
0x40: {  	s19 =	sshra.s32 s18, $0x2;
	s18 =	sadd.s32 $0x100, s18  }
0x41: {  	_ =	sdelay $0x1  }
0x42: {  	v3 =	vld [tilespmem:s19+$0x0]  }
0x43: {  	[tilespmem:s17+$0x3820] =	vst v2  }
0x44: {  	v1 =	vld.idx.msk [tilespmem:v1+s13+$0x0], $0xffff;
	_ =	sdelay $0x3  }
0x45: {  	v2 =	vld [tilespmem:s19+$0x10]  }
0x46: {  	[tilespmem:s17+$0x3830] =	vst v1  }
0x47: {  	v1 =	vld.idx.msk [tilespmem:v3+s13+$0x0], $0xffff;
	_ =	sdelay $0x4  }
0x48: {  	[tilespmem:s19+$0x3800] =	vst v1;
	v1 =	vld [tilespmem:s19+$0x20]  }
0x49: {  	v2 =	vld.idx.msk [tilespmem:v2+s13+$0x0], $0xffff;
	_ =	sdelay $0x4  }
0x4a: {  	[tilespmem:s19+$0x3810] =	vst v2;
	v2 =	vld [tilespmem:s19+$0x30];
	_ =	sdelay $0x1  }
0x4b: {  	v1 =	vld.idx.msk [tilespmem:v1+s13+$0x0], $0xffff;
	_ =	sdelay $0x4  }
0x4c: {  	[tilespmem:s19+$0x3820] =	vst v1  }
0x4d: {  	v1 =	vld.idx.msk [tilespmem:v2+s13+$0x0], $0xffff;
	_ =	sdelay $0x4  }
0x4e: {  	[tilespmem:s19+$0x3830] =	vst v1  }
0x4f: {  	[spmem:s3] =	stream.indirect.scatter.add.f32 [tilespmem:s20], [sflag:$0x1], $0x1, s14, s15, $0xb8;
	[tilespmem:$0x1F370] =	vst v63  }
0x50: {  	s18 =	simm.s32 $0x3880;
	s19 =	simm.s32 $0x1C80  }
0x51: {  	[spmem:s3] =	stream.indirect.scatter.add.f32 [tilespmem:s18], [sflag:$0x1], $0x1, s19, s15, $0xb8;
	[tilespmem:$0x1F370] =	vst v63  }
0x52: {  	s18 =	simm.s32 $0x1D00;
	s19 =	simm.s32 $0x3900  }
0x53: {  	[spmem:s3] =	stream.indirect.scatter.add.f32 [tilespmem:s19], [sflag:$0x1], $0x1, s18, s15, $0xb8;
	[tilespmem:$0x1F370] =	vst v63  }
0x54: {  	s18 =	simm.s32 $0x1D80;
	s19 =	simm.s32 $0x3980  }
0x55: {  	[spmem:s3] =	stream.indirect.scatter.add.f32 [tilespmem:s19], [sflag:$0x1], $0x1, s18, s15, $0xb8;
	[tilespmem:$0x1F370] =	vst v63  }
0x56: {  	s18 =	simm.s32 $0x1E00;
	s19 =	simm.s32 $0x3A00  }
0x57: {  	[spmem:s3] =	stream.indirect.scatter.add.f32 [tilespmem:s19], [sflag:$0x1], $0x1, s18, s15, $0xb8;
	[tilespmem:$0x1F370] =	vst v63  }
0x58: {  	s18 =	simm.s32 $0x1E80;
	s19 =	simm.s32 $0x3A80  }
0x59: {  	[spmem:s3] =	stream.indirect.scatter.add.f32 [tilespmem:s19], [sflag:$0x1], $0x1, s18, s15, $0xb8;
	[tilespmem:$0x1F370] =	vst v63  }
0x5a: {  	s18 =	simm.s32 $0x1F00;
	s19 =	simm.s32 $0x3B00  }
0x5b: {  	[spmem:s3] =	stream.indirect.scatter.add.f32 [tilespmem:s19], [sflag:$0x1], $0x1, s18, s15, $0xb8;
	[tilespmem:$0x1F370] =	vst v63  }
0x5c: {  	s17 =	simm.s32 $0x0;
	s18 =	simm.s32 $0x1F80;
	s19 =	simm.s32 $0x3B80  }
0x5d: {  	[spmem:s3] =	stream.indirect.scatter.add.f32 [tilespmem:s19], [sflag:$0x1], $0x1, s18, s15, $0xb8;
	[tilespmem:$0x1F370] =	vst v63  }
0x5e: {  	v1 =	vld [tilespmem:s17+$0x400];
	_ =	sdelay $0x5  }
0x5f: {  	v2 =	vld [tilespmem:s17+$0x410];
	_ =	sdelay $0x1  }
0x60: {  	v1 =	vld.idx.msk [tilespmem:v1+s13+$0x0], $0xffff;
	_ =	sdelay $0x4  }
0x61: {  	v3 =	vld [tilespmem:s17+$0x420];
	[tilespmem:s17+$0x3C00] =	vst v1  }
0x62: {  	v1 =	vld.idx.msk [tilespmem:v2+s13+$0x0], $0xffff;
	_ =	sdelay $0x4  }
0x63: {  	[tilespmem:s17+$0x3C10] =	vst v1;
	v1 =	vld [tilespmem:s17+$0x430];
	_ =	sdelay $0x1  }
0x64: {  	v2 =	vld.idx.msk [tilespmem:v3+s13+$0x0], $0xffff;
	_ =	sdelay $0x3  }
0x65: {  	s19 =	simm.s32 $0x40;
	s18 =	simm.s32 $0x200  }
.LBB2_7:
0x66: {  	p0 =	sne.s32 s18, $0xF00;
	v3 =	vld [tilespmem:s19+$0x400];
	[tilespmem:s17+$0x3C20] =	vst v2  }
0x67: {  	v1 =	vld.idx.msk [tilespmem:v1+s13+$0x0], $0xffff;
	_ =	sdelay $0x5  }
0x68: {  	v2 =	vld [tilespmem:s19+$0x410];
	[tilespmem:s17+$0x3C30] =	vst v1;
	s17 =	smov.u32 s19  }
0x69: {  	v1 =	vld.idx.msk [tilespmem:v3+s13+$0x0], $0xffff;
	_ =	sdelay $0x5  }
0x6a: {  	[tilespmem:s17+$0x3C00] =	vst v1;
	v3 =	vld [tilespmem:s17+$0x420]  }
0x6b: {  	v1 =	vld.idx.msk [tilespmem:v2+s13+$0x0], $0xffff;
	_ =	sdelay $0x5  }
0x6c: {  	[tilespmem:s17+$0x3C10] =	vst v1;
	v1 =	vld [tilespmem:s17+$0x430]  }
0x6d: {  	v2 =	vld.idx.msk [tilespmem:v3+s13+$0x0], $0xffff  }
.Ltmp2:
0x6e: {  	(pc) =	sbr.rel @p0 .LBB2_7-.Ltmp2, $2  }
0x6f: {  	_ =	sdelay $0x2  }
0x70: {  	s19 =	sshra.s32 s18, $0x2;
	s18 =	sadd.s32 $0x100, s18  }
0x71: {  	_ =	sdelay $0x1  }
0x72: {  	v3 =	vld [tilespmem:s19+$0x400]  }
0x73: {  	[tilespmem:s17+$0x3C20] =	vst v2  }
0x74: {  	v1 =	vld.idx.msk [tilespmem:v1+s13+$0x0], $0xffff;
	_ =	sdelay $0x3  }
0x75: {  	v2 =	vld [tilespmem:s19+$0x410]  }
0x76: {  	[tilespmem:s17+$0x3C30] =	vst v1  }
0x77: {  	v1 =	vld.idx.msk [tilespmem:v3+s13+$0x0], $0xffff;
	_ =	sdelay $0x4  }
0x78: {  	[tilespmem:s19+$0x3C00] =	vst v1;
	v1 =	vld [tilespmem:s19+$0x420]  }
0x79: {  	v2 =	vld.idx.msk [tilespmem:v2+s13+$0x0], $0xffff;
	_ =	sdelay $0x4  }
0x7a: {  	[tilespmem:s19+$0x3C10] =	vst v2;
	v2 =	vld [tilespmem:s19+$0x430];
	_ =	sdelay $0x1  }
0x7b: {  	v1 =	vld.idx.msk [tilespmem:v1+s13+$0x0], $0xffff;
	_ =	sdelay $0x4  }
0x7c: {  	[tilespmem:s19+$0x3C20] =	vst v1  }
0x7d: {  	v1 =	vld.idx.msk [tilespmem:v2+s13+$0x0], $0xffff;
	_ =	sdelay $0x4  }
0x7e: {  	s18 =	simm.s32 $0x3C00;
	[tilespmem:s19+$0x3C30] =	vst v1;
	s19 =	simm.s32 $0x2000  }
0x7f: {  	[spmem:s3] =	stream.indirect.scatter.add.f32 [tilespmem:s18], [sflag:$0x1], $0x1, s19, s15, $0xb8;
	[tilespmem:$0x1F370] =	vst v63  }
0x80: {  	s18 =	simm.s32 $0x2080;
	s19 =	simm.s32 $0x3C80  }
0x81: {  	[spmem:s3] =	stream.indirect.scatter.add.f32 [tilespmem:s19], [sflag:$0x1], $0x1, s18, s15, $0xb8;
	[tilespmem:$0x1F370] =	vst v63  }
0x82: {  	s18 =	simm.s32 $0x2100;
	s19 =	simm.s32 $0x3D00  }
0x83: {  	[spmem:s3] =	stream.indirect.scatter.add.f32 [tilespmem:s19], [sflag:$0x1], $0x1, s18, s15, $0xb8;
	[tilespmem:$0x1F370] =	vst v63  }
0x84: {  	s18 =	simm.s32 $0x2180;
	s19 =	simm.s32 $0x3D80  }
0x85: {  	[spmem:s3] =	stream.indirect.scatter.add.f32 [tilespmem:s19], [sflag:$0x1], $0x1, s18, s15, $0xb8;
	[tilespmem:$0x1F370] =	vst v63  }
0x86: {  	s18 =	simm.s32 $0x2200;
	s19 =	simm.s32 $0x3E00  }
0x87: {  	[spmem:s3] =	stream.indirect.scatter.add.f32 [tilespmem:s19], [sflag:$0x1], $0x1, s18, s15, $0xb8;
	[tilespmem:$0x1F370] =	vst v63  }
0x88: {  	s18 =	simm.s32 $0x2280;
	s19 =	simm.s32 $0x3E80  }
0x89: {  	[spmem:s3] =	stream.indirect.scatter.add.f32 [tilespmem:s19], [sflag:$0x1], $0x1, s18, s15, $0xb8;
	[tilespmem:$0x1F370] =	vst v63  }
0x8a: {  	s18 =	simm.s32 $0x2300;
	s19 =	simm.s32 $0x3F00  }
0x8b: {  	[spmem:s3] =	stream.indirect.scatter.add.f32 [tilespmem:s19], [sflag:$0x1], $0x1, s18, s15, $0xb8;
	[tilespmem:$0x1F370] =	vst v63  }
0x8c: {  	s17 =	simm.s32 $0x0;
	s18 =	simm.s32 $0x2380;
	s19 =	simm.s32 $0x3F80  }
0x8d: {  	[spmem:s3] =	stream.indirect.scatter.add.f32 [tilespmem:s19], [sflag:$0x1], $0x1, s18, s15, $0xb8;
	[tilespmem:$0x1F370] =	vst v63  }
0x8e: {  	v1 =	vld [tilespmem:s17+$0x800];
	_ =	sdelay $0x5  }
0x8f: {  	v2 =	vld [tilespmem:s17+$0x810];
	_ =	sdelay $0x1  }
0x90: {  	v1 =	vld.idx.msk [tilespmem:v1+s13+$0x0], $0xffff;
	_ =	sdelay $0x4  }
0x91: {  	v3 =	vld [tilespmem:s17+$0x820];
	[tilespmem:s17+$0x4000] =	vst v1  }
0x92: {  	v1 =	vld.idx.msk [tilespmem:v2+s13+$0x0], $0xffff;
	_ =	sdelay $0x4  }
0x93: {  	[tilespmem:s17+$0x4010] =	vst v1;
	v1 =	vld [tilespmem:s17+$0x830];
	_ =	sdelay $0x1  }
0x94: {  	v2 =	vld.idx.msk [tilespmem:v3+s13+$0x0], $0xffff;
	_ =	sdelay $0x3  }
0x95: {  	s19 =	simm.s32 $0x40;
	s18 =	simm.s32 $0x200  }
.LBB2_9:
0x96: {  	p0 =	sne.s32 s18, $0xF00;
	v3 =	vld [tilespmem:s19+$0x800];
	[tilespmem:s17+$0x4020] =	vst v2  }
0x97: {  	v1 =	vld.idx.msk [tilespmem:v1+s13+$0x0], $0xffff;
	_ =	sdelay $0x5  }
0x98: {  	v2 =	vld [tilespmem:s19+$0x810];
	[tilespmem:s17+$0x4030] =	vst v1;
	s17 =	smov.u32 s19  }
0x99: {  	v1 =	vld.idx.msk [tilespmem:v3+s13+$0x0], $0xffff;
	_ =	sdelay $0x5  }
0x9a: {  	[tilespmem:s17+$0x4000] =	vst v1;
	v3 =	vld [tilespmem:s17+$0x820]  }
0x9b: {  	v1 =	vld.idx.msk [tilespmem:v2+s13+$0x0], $0xffff;
	_ =	sdelay $0x5  }
0x9c: {  	[tilespmem:s17+$0x4010] =	vst v1;
	v1 =	vld [tilespmem:s17+$0x830]  }
0x9d: {  	v2 =	vld.idx.msk [tilespmem:v3+s13+$0x0], $0xffff  }
.Ltmp3:
0x9e: {  	(pc) =	sbr.rel @p0 .LBB2_9-.Ltmp3, $2  }
0x9f: {  	_ =	sdelay $0x2  }
0xa0: {  	s19 =	sshra.s32 s18, $0x2;
	s18 =	sadd.s32 $0x100, s18  }
0xa1: {  	_ =	sdelay $0x1  }
0xa2: {  	v3 =	vld [tilespmem:s19+$0x800]  }
0xa3: {  	[tilespmem:s17+$0x4020] =	vst v2  }
0xa4: {  	v1 =	vld.idx.msk [tilespmem:v1+s13+$0x0], $0xffff;
	_ =	sdelay $0x3  }
0xa5: {  	v2 =	vld [tilespmem:s19+$0x810]  }
0xa6: {  	[tilespmem:s17+$0x4030] =	vst v1  }
0xa7: {  	v1 =	vld.idx.msk [tilespmem:v3+s13+$0x0], $0xffff;
	_ =	sdelay $0x4  }
0xa8: {  	[tilespmem:s19+$0x4000] =	vst v1;
	v1 =	vld [tilespmem:s19+$0x820]  }
0xa9: {  	v2 =	vld.idx.msk [tilespmem:v2+s13+$0x0], $0xffff;
	_ =	sdelay $0x4  }
0xaa: {  	[tilespmem:s19+$0x4010] =	vst v2;
	v2 =	vld [tilespmem:s19+$0x830];
	_ =	sdelay $0x1  }
0xab: {  	v1 =	vld.idx.msk [tilespmem:v1+s13+$0x0], $0xffff;
	_ =	sdelay $0x4  }
0xac: {  	[tilespmem:s19+$0x4020] =	vst v1  }
0xad: {  	v1 =	vld.idx.msk [tilespmem:v2+s13+$0x0], $0xffff;
	_ =	sdelay $0x4  }
0xae: {  	s18 =	simm.s32 $0x4000;
	[tilespmem:s19+$0x4030] =	vst v1;
	s19 =	simm.s32 $0x2400  }
0xaf: {  	[spmem:s3] =	stream.indirect.scatter.add.f32 [tilespmem:s18], [sflag:$0x1], $0x1, s19, s15, $0xb8;
	[tilespmem:$0x1F370] =	vst v63  }
0xb0: {  	s18 =	simm.s32 $0x2480;
	s19 =	simm.s32 $0x4080  }
0xb1: {  	[spmem:s3] =	stream.indirect.scatter.add.f32 [tilespmem:s19], [sflag:$0x1], $0x1, s18, s15, $0xb8;
	[tilespmem:$0x1F370] =	vst v63  }
0xb2: {  	s18 =	simm.s32 $0x2500;
	s19 =	simm.s32 $0x4100  }
0xb3: {  	[spmem:s3] =	stream.indirect.scatter.add.f32 [tilespmem:s19], [sflag:$0x1], $0x1, s18, s15, $0xb8;
	[tilespmem:$0x1F370] =	vst v63  }
0xb4: {  	s18 =	simm.s32 $0x2580;
	s19 =	simm.s32 $0x4180  }
0xb5: {  	[spmem:s3] =	stream.indirect.scatter.add.f32 [tilespmem:s19], [sflag:$0x1], $0x1, s18, s15, $0xb8;
	[tilespmem:$0x1F370] =	vst v63  }
0xb6: {  	s18 =	simm.s32 $0x2600;
	s19 =	simm.s32 $0x4200  }
0xb7: {  	[spmem:s3] =	stream.indirect.scatter.add.f32 [tilespmem:s19], [sflag:$0x1], $0x1, s18, s15, $0xb8;
	[tilespmem:$0x1F370] =	vst v63  }
0xb8: {  	s18 =	simm.s32 $0x2680;
	s19 =	simm.s32 $0x4280  }
0xb9: {  	[spmem:s3] =	stream.indirect.scatter.add.f32 [tilespmem:s19], [sflag:$0x1], $0x1, s18, s15, $0xb8;
	[tilespmem:$0x1F370] =	vst v63  }
0xba: {  	s18 =	simm.s32 $0x2700;
	s19 =	simm.s32 $0x4300  }
0xbb: {  	[spmem:s3] =	stream.indirect.scatter.add.f32 [tilespmem:s19], [sflag:$0x1], $0x1, s18, s15, $0xb8;
	[tilespmem:$0x1F370] =	vst v63  }
0xbc: {  	s17 =	simm.s32 $0x0;
	s18 =	simm.s32 $0x2780;
	s19 =	simm.s32 $0x4380  }
0xbd: {  	[spmem:s3] =	stream.indirect.scatter.add.f32 [tilespmem:s19], [sflag:$0x1], $0x1, s18, s15, $0xb8;
	[tilespmem:$0x1F370] =	vst v63  }
0xbe: {  	v1 =	vld [tilespmem:s17+$0xC00];
	_ =	sdelay $0x5  }
0xbf: {  	v2 =	vld [tilespmem:s17+$0xC10];
	_ =	sdelay $0x1  }
0xc0: {  	v1 =	vld.idx.msk [tilespmem:v1+s13+$0x0], $0xffff;
	_ =	sdelay $0x4  }
0xc1: {  	v3 =	vld [tilespmem:s17+$0xC20];
	[tilespmem:s17+$0x4400] =	vst v1  }
0xc2: {  	v1 =	vld.idx.msk [tilespmem:v2+s13+$0x0], $0xffff;
	_ =	sdelay $0x4  }
0xc3: {  	[tilespmem:s17+$0x4410] =	vst v1;
	v1 =	vld [tilespmem:s17+$0xC30];
	_ =	sdelay $0x1  }
0xc4: {  	v2 =	vld.idx.msk [tilespmem:v3+s13+$0x0], $0xffff;
	_ =	sdelay $0x3  }
0xc5: {  	s19 =	simm.s32 $0x40;
	s18 =	simm.s32 $0x200  }
.LBB2_11:
0xc6: {  	p0 =	sne.s32 s18, $0xF00;
	v3 =	vld [tilespmem:s19+$0xC00];
	[tilespmem:s17+$0x4420] =	vst v2  }
0xc7: {  	v1 =	vld.idx.msk [tilespmem:v1+s13+$0x0], $0xffff;
	_ =	sdelay $0x5  }
0xc8: {  	v2 =	vld [tilespmem:s19+$0xC10];
	[tilespmem:s17+$0x4430] =	vst v1;
	s17 =	smov.u32 s19  }
0xc9: {  	v1 =	vld.idx.msk [tilespmem:v3+s13+$0x0], $0xffff;
	_ =	sdelay $0x5  }
0xca: {  	[tilespmem:s17+$0x4400] =	vst v1;
	v3 =	vld [tilespmem:s17+$0xC20]  }
0xcb: {  	v1 =	vld.idx.msk [tilespmem:v2+s13+$0x0], $0xffff;
	_ =	sdelay $0x5  }
0xcc: {  	[tilespmem:s17+$0x4410] =	vst v1;
	v1 =	vld [tilespmem:s17+$0xC30]  }
0xcd: {  	v2 =	vld.idx.msk [tilespmem:v3+s13+$0x0], $0xffff  }
.Ltmp4:
0xce: {  	(pc) =	sbr.rel @p0 .LBB2_11-.Ltmp4, $2  }
0xcf: {  	_ =	sdelay $0x2  }
0xd0: {  	s19 =	sshra.s32 s18, $0x2;
	s18 =	sadd.s32 $0x100, s18  }
0xd1: {  	_ =	sdelay $0x1  }
0xd2: {  	v3 =	vld [tilespmem:s19+$0xC00]  }
0xd3: {  	[tilespmem:s17+$0x4420] =	vst v2  }
0xd4: {  	v1 =	vld.idx.msk [tilespmem:v1+s13+$0x0], $0xffff;
	_ =	sdelay $0x3  }
0xd5: {  	v2 =	vld [tilespmem:s19+$0xC10]  }
0xd6: {  	[tilespmem:s17+$0x4430] =	vst v1  }
0xd7: {  	v1 =	vld.idx.msk [tilespmem:v3+s13+$0x0], $0xffff;
	_ =	sdelay $0x4  }
0xd8: {  	[tilespmem:s19+$0x4400] =	vst v1;
	v1 =	vld [tilespmem:s19+$0xC20]  }
0xd9: {  	v2 =	vld.idx.msk [tilespmem:v2+s13+$0x0], $0xffff;
	_ =	sdelay $0x4  }
0xda: {  	[tilespmem:s19+$0x4410] =	vst v2;
	v2 =	vld [tilespmem:s19+$0xC30];
	_ =	sdelay $0x1  }
0xdb: {  	v1 =	vld.idx.msk [tilespmem:v1+s13+$0x0], $0xffff;
	_ =	sdelay $0x4  }
0xdc: {  	[tilespmem:s19+$0x4420] =	vst v1  }
0xdd: {  	v1 =	vld.idx.msk [tilespmem:v2+s13+$0x0], $0xffff;
	_ =	sdelay $0x4  }
0xde: {  	s18 =	simm.s32 $0x4400;
	[tilespmem:s19+$0x4430] =	vst v1;
	s19 =	simm.s32 $0x2800  }
0xdf: {  	[spmem:s3] =	stream.indirect.scatter.add.f32 [tilespmem:s18], [sflag:$0x1], $0x1, s19, s15, $0xb8;
	[tilespmem:$0x1F370] =	vst v63  }
0xe0: {  	s18 =	simm.s32 $0x2880;
	s19 =	simm.s32 $0x4480  }
0xe1: {  	[spmem:s3] =	stream.indirect.scatter.add.f32 [tilespmem:s19], [sflag:$0x1], $0x1, s18, s15, $0xb8;
	[tilespmem:$0x1F370] =	vst v63  }
0xe2: {  	s18 =	simm.s32 $0x2900;
	s19 =	simm.s32 $0x4500  }
0xe3: {  	[spmem:s3] =	stream.indirect.scatter.add.f32 [tilespmem:s19], [sflag:$0x1], $0x1, s18, s15, $0xb8;
	[tilespmem:$0x1F370] =	vst v63  }
0xe4: {  	s18 =	simm.s32 $0x2980;
	s19 =	simm.s32 $0x4580  }
0xe5: {  	[spmem:s3] =	stream.indirect.scatter.add.f32 [tilespmem:s19], [sflag:$0x1], $0x1, s18, s15, $0xb8;
	[tilespmem:$0x1F370] =	vst v63  }
0xe6: {  	s18 =	simm.s32 $0x2A00;
	s19 =	simm.s32 $0x4600  }
0xe7: {  	[spmem:s3] =	stream.indirect.scatter.add.f32 [tilespmem:s19], [sflag:$0x1], $0x1, s18, s15, $0xb8;
	[tilespmem:$0x1F370] =	vst v63  }
0xe8: {  	s18 =	simm.s32 $0x2A80;
	s19 =	simm.s32 $0x4680  }
0xe9: {  	[spmem:s3] =	stream.indirect.scatter.add.f32 [tilespmem:s19], [sflag:$0x1], $0x1, s18, s15, $0xb8;
	[tilespmem:$0x1F370] =	vst v63  }
0xea: {  	s18 =	simm.s32 $0x2B00;
	s19 =	simm.s32 $0x4700  }
0xeb: {  	[spmem:s3] =	stream.indirect.scatter.add.f32 [tilespmem:s19], [sflag:$0x1], $0x1, s18, s15, $0xb8;
	[tilespmem:$0x1F370] =	vst v63  }
0xec: {  	s17 =	simm.s32 $0x0;
	s18 =	simm.s32 $0x2B80;
	s19 =	simm.s32 $0x4780  }
0xed: {  	[spmem:s3] =	stream.indirect.scatter.add.f32 [tilespmem:s19], [sflag:$0x1], $0x1, s18, s15, $0xb8;
	[tilespmem:$0x1F370] =	vst v63  }
0xee: {  	v1 =	vld [tilespmem:s17+$0x1000];
	_ =	sdelay $0x5  }
0xef: {  	v2 =	vld [tilespmem:s17+$0x1010];
	_ =	sdelay $0x1  }
0xf0: {  	v1 =	vld.idx.msk [tilespmem:v1+s13+$0x0], $0xffff;
	_ =	sdelay $0x4  }
0xf1: {  	v3 =	vld [tilespmem:s17+$0x1020];
	[tilespmem:s17+$0x4800] =	vst v1  }
0xf2: {  	v1 =	vld.idx.msk [tilespmem:v2+s13+$0x0], $0xffff;
	_ =	sdelay $0x4  }
0xf3: {  	[tilespmem:s17+$0x4810] =	vst v1;
	v1 =	vld [tilespmem:s17+$0x1030];
	_ =	sdelay $0x1  }
0xf4: {  	v2 =	vld.idx.msk [tilespmem:v3+s13+$0x0], $0xffff;
	_ =	sdelay $0x3  }
0xf5: {  	s19 =	simm.s32 $0x40;
	s18 =	simm.s32 $0x200  }
.LBB2_13:
0xf6: {  	p0 =	sne.s32 s18, $0xF00;
	v3 =	vld [tilespmem:s19+$0x1000];
	[tilespmem:s17+$0x4820] =	vst v2  }
0xf7: {  	v1 =	vld.idx.msk [tilespmem:v1+s13+$0x0], $0xffff;
	_ =	sdelay $0x5  }
0xf8: {  	v2 =	vld [tilespmem:s19+$0x1010];
	[tilespmem:s17+$0x4830] =	vst v1;
	s17 =	smov.u32 s19  }
0xf9: {  	v1 =	vld.idx.msk [tilespmem:v3+s13+$0x0], $0xffff;
	_ =	sdelay $0x5  }
0xfa: {  	[tilespmem:s17+$0x4800] =	vst v1;
	v3 =	vld [tilespmem:s17+$0x1020]  }
0xfb: {  	v1 =	vld.idx.msk [tilespmem:v2+s13+$0x0], $0xffff;
	_ =	sdelay $0x5  }
0xfc: {  	[tilespmem:s17+$0x4810] =	vst v1;
	v1 =	vld [tilespmem:s17+$0x1030]  }
0xfd: {  	v2 =	vld.idx.msk [tilespmem:v3+s13+$0x0], $0xffff  }
.Ltmp5:
0xfe: {  	(pc) =	sbr.rel @p0 .LBB2_13-.Ltmp5, $2  }
0xff: {  	_ =	sdelay $0x2  }
0x100: {  	s19 =	sshra.s32 s18, $0x2;
	s18 =	sadd.s32 $0x100, s18  }
0x101: {  	_ =	sdelay $0x1  }
0x102: {  	v3 =	vld [tilespmem:s19+$0x1000]  }
0x103: {  	[tilespmem:s17+$0x4820] =	vst v2  }
0x104: {  	v1 =	vld.idx.msk [tilespmem:v1+s13+$0x0], $0xffff;
	_ =	sdelay $0x3  }
0x105: {  	v2 =	vld [tilespmem:s19+$0x1010]  }
0x106: {  	[tilespmem:s17+$0x4830] =	vst v1  }
0x107: {  	v1 =	vld.idx.msk [tilespmem:v3+s13+$0x0], $0xffff;
	_ =	sdelay $0x4  }
0x108: {  	[tilespmem:s19+$0x4800] =	vst v1;
	v1 =	vld [tilespmem:s19+$0x1020]  }
0x109: {  	v2 =	vld.idx.msk [tilespmem:v2+s13+$0x0], $0xffff;
	_ =	sdelay $0x4  }
0x10a: {  	[tilespmem:s19+$0x4810] =	vst v2;
	v2 =	vld [tilespmem:s19+$0x1030];
	_ =	sdelay $0x1  }
0x10b: {  	v1 =	vld.idx.msk [tilespmem:v1+s13+$0x0], $0xffff;
	_ =	sdelay $0x4  }
0x10c: {  	[tilespmem:s19+$0x4820] =	vst v1  }
0x10d: {  	v1 =	vld.idx.msk [tilespmem:v2+s13+$0x0], $0xffff;
	_ =	sdelay $0x4  }
0x10e: {  	s18 =	simm.s32 $0x4800;
	[tilespmem:s19+$0x4830] =	vst v1;
	s19 =	simm.s32 $0x2C00  }
0x10f: {  	[spmem:s3] =	stream.indirect.scatter.add.f32 [tilespmem:s18], [sflag:$0x1], $0x1, s19, s15, $0xb8;
	[tilespmem:$0x1F370] =	vst v63  }
0x110: {  	s18 =	simm.s32 $0x2C80;
	s19 =	simm.s32 $0x4880  }
0x111: {  	[spmem:s3] =	stream.indirect.scatter.add.f32 [tilespmem:s19], [sflag:$0x1], $0x1, s18, s15, $0xb8;
	[tilespmem:$0x1F370] =	vst v63  }
0x112: {  	s18 =	simm.s32 $0x2D00;
	s19 =	simm.s32 $0x4900  }
0x113: {  	[spmem:s3] =	stream.indirect.scatter.add.f32 [tilespmem:s19], [sflag:$0x1], $0x1, s18, s15, $0xb8;
	[tilespmem:$0x1F370] =	vst v63  }
0x114: {  	s18 =	simm.s32 $0x2D80;
	s19 =	simm.s32 $0x4980  }
0x115: {  	[spmem:s3] =	stream.indirect.scatter.add.f32 [tilespmem:s19], [sflag:$0x1], $0x1, s18, s15, $0xb8;
	[tilespmem:$0x1F370] =	vst v63  }
0x116: {  	s18 =	simm.s32 $0x2E00;
	s19 =	simm.s32 $0x4A00  }
0x117: {  	[spmem:s3] =	stream.indirect.scatter.add.f32 [tilespmem:s19], [sflag:$0x1], $0x1, s18, s15, $0xb8;
	[tilespmem:$0x1F370] =	vst v63  }
0x118: {  	s18 =	simm.s32 $0x2E80;
	s19 =	simm.s32 $0x4A80  }
0x119: {  	[spmem:s3] =	stream.indirect.scatter.add.f32 [tilespmem:s19], [sflag:$0x1], $0x1, s18, s15, $0xb8;
	[tilespmem:$0x1F370] =	vst v63  }
0x11a: {  	s18 =	simm.s32 $0x2F00;
	s19 =	simm.s32 $0x4B00  }
0x11b: {  	[spmem:s3] =	stream.indirect.scatter.add.f32 [tilespmem:s19], [sflag:$0x1], $0x1, s18, s15, $0xb8;
	[tilespmem:$0x1F370] =	vst v63  }
0x11c: {  	s17 =	simm.s32 $0x0;
	s18 =	simm.s32 $0x2F80;
	s19 =	simm.s32 $0x4B80  }
0x11d: {  	[spmem:s3] =	stream.indirect.scatter.add.f32 [tilespmem:s19], [sflag:$0x1], $0x1, s18, s15, $0xb8;
	[tilespmem:$0x1F370] =	vst v63  }
0x11e: {  	v1 =	vld [tilespmem:s17+$0x1400];
	_ =	sdelay $0x5  }
0x11f: {  	v2 =	vld [tilespmem:s17+$0x1410];
	_ =	sdelay $0x1  }
0x120: {  	v1 =	vld.idx.msk [tilespmem:v1+s13+$0x0], $0xffff;
	_ =	sdelay $0x4  }
0x121: {  	v3 =	vld [tilespmem:s17+$0x1420];
	[tilespmem:s17+$0x4C00] =	vst v1  }
0x122: {  	v1 =	vld.idx.msk [tilespmem:v2+s13+$0x0], $0xffff;
	_ =	sdelay $0x4  }
0x123: {  	[tilespmem:s17+$0x4C10] =	vst v1;
	v1 =	vld [tilespmem:s17+$0x1430];
	_ =	sdelay $0x1  }
0x124: {  	v2 =	vld.idx.msk [tilespmem:v3+s13+$0x0], $0xffff;
	_ =	sdelay $0x3  }
0x125: {  	s19 =	simm.s32 $0x40;
	s18 =	simm.s32 $0x200  }
.LBB2_15:
0x126: {  	p0 =	sne.s32 s18, $0xF00;
	v3 =	vld [tilespmem:s19+$0x1400];
	[tilespmem:s17+$0x4C20] =	vst v2  }
0x127: {  	v1 =	vld.idx.msk [tilespmem:v1+s13+$0x0], $0xffff;
	_ =	sdelay $0x5  }
0x128: {  	v2 =	vld [tilespmem:s19+$0x1410];
	[tilespmem:s17+$0x4C30] =	vst v1;
	s17 =	smov.u32 s19  }
0x129: {  	v1 =	vld.idx.msk [tilespmem:v3+s13+$0x0], $0xffff;
	_ =	sdelay $0x5  }
0x12a: {  	[tilespmem:s17+$0x4C00] =	vst v1;
	v3 =	vld [tilespmem:s17+$0x1420]  }
0x12b: {  	v1 =	vld.idx.msk [tilespmem:v2+s13+$0x0], $0xffff;
	_ =	sdelay $0x5  }
0x12c: {  	[tilespmem:s17+$0x4C10] =	vst v1;
	v1 =	vld [tilespmem:s17+$0x1430]  }
0x12d: {  	v2 =	vld.idx.msk [tilespmem:v3+s13+$0x0], $0xffff  }
.Ltmp6:
0x12e: {  	(pc) =	sbr.rel @p0 .LBB2_15-.Ltmp6, $2  }
0x12f: {  	_ =	sdelay $0x2  }
0x130: {  	s19 =	sshra.s32 s18, $0x2;
	s18 =	sadd.s32 $0x100, s18  }
0x131: {  	_ =	sdelay $0x1  }
0x132: {  	v3 =	vld [tilespmem:s19+$0x1400]  }
0x133: {  	[tilespmem:s17+$0x4C20] =	vst v2  }
0x134: {  	v1 =	vld.idx.msk [tilespmem:v1+s13+$0x0], $0xffff;
	_ =	sdelay $0x3  }
0x135: {  	v2 =	vld [tilespmem:s19+$0x1410]  }
0x136: {  	[tilespmem:s17+$0x4C30] =	vst v1  }
0x137: {  	v1 =	vld.idx.msk [tilespmem:v3+s13+$0x0], $0xffff;
	_ =	sdelay $0x4  }
0x138: {  	[tilespmem:s19+$0x4C00] =	vst v1;
	v1 =	vld [tilespmem:s19+$0x1420]  }
0x139: {  	v2 =	vld.idx.msk [tilespmem:v2+s13+$0x0], $0xffff;
	_ =	sdelay $0x4  }
0x13a: {  	[tilespmem:s19+$0x4C10] =	vst v2;
	v2 =	vld [tilespmem:s19+$0x1430];
	_ =	sdelay $0x1  }
0x13b: {  	v1 =	vld.idx.msk [tilespmem:v1+s13+$0x0], $0xffff;
	_ =	sdelay $0x4  }
0x13c: {  	[tilespmem:s19+$0x4C20] =	vst v1  }
0x13d: {  	v1 =	vld.idx.msk [tilespmem:v2+s13+$0x0], $0xffff;
	_ =	sdelay $0x4  }
0x13e: {  	s18 =	simm.s32 $0x4C00;
	[tilespmem:s19+$0x4C30] =	vst v1;
	s19 =	simm.s32 $0x3000  }
0x13f: {  	[spmem:s3] =	stream.indirect.scatter.add.f32 [tilespmem:s18], [sflag:$0x1], $0x1, s19, s15, $0xb8;
	[tilespmem:$0x1F370] =	vst v63  }
0x140: {  	s18 =	simm.s32 $0x3080;
	s19 =	simm.s32 $0x4C80  }
0x141: {  	[spmem:s3] =	stream.indirect.scatter.add.f32 [tilespmem:s19], [sflag:$0x1], $0x1, s18, s15, $0xb8;
	[tilespmem:$0x1F370] =	vst v63  }
0x142: {  	s18 =	simm.s32 $0x3100;
	s19 =	simm.s32 $0x4D00  }
0x143: {  	[spmem:s3] =	stream.indirect.scatter.add.f32 [tilespmem:s19], [sflag:$0x1], $0x1, s18, s15, $0xb8;
	[tilespmem:$0x1F370] =	vst v63  }
0x144: {  	s18 =	simm.s32 $0x3180;
	s19 =	simm.s32 $0x4D80  }
0x145: {  	[spmem:s3] =	stream.indirect.scatter.add.f32 [tilespmem:s19], [sflag:$0x1], $0x1, s18, s15, $0xb8;
	[tilespmem:$0x1F370] =	vst v63  }
0x146: {  	s18 =	simm.s32 $0x3200;
	s19 =	simm.s32 $0x4E00  }
0x147: {  	[spmem:s3] =	stream.indirect.scatter.add.f32 [tilespmem:s19], [sflag:$0x1], $0x1, s18, s15, $0xb8;
	[tilespmem:$0x1F370] =	vst v63  }
0x148: {  	s18 =	simm.s32 $0x3280;
	s19 =	simm.s32 $0x4E80  }
0x149: {  	[spmem:s3] =	stream.indirect.scatter.add.f32 [tilespmem:s19], [sflag:$0x1], $0x1, s18, s15, $0xb8;
	[tilespmem:$0x1F370] =	vst v63  }
0x14a: {  	s18 =	simm.s32 $0x3300;
	s19 =	simm.s32 $0x4F00  }
0x14b: {  	[spmem:s3] =	stream.indirect.scatter.add.f32 [tilespmem:s19], [sflag:$0x1], $0x1, s18, s15, $0xb8;
	[tilespmem:$0x1F370] =	vst v63  }
0x14c: {  	s17 =	simm.s32 $0x0;
	s18 =	simm.s32 $0x3380;
	s19 =	simm.s32 $0x4F80  }
0x14d: {  	[spmem:s3] =	stream.indirect.scatter.add.f32 [tilespmem:s19], [sflag:$0x1], $0x1, s18, s15, $0xb8;
	[tilespmem:$0x1F370] =	vst v63  }
0x14e: {  	v1 =	vld [tilespmem:s17+$0x1800];
	_ =	sdelay $0x5  }
0x14f: {  	v2 =	vld [tilespmem:s17+$0x1810];
	_ =	sdelay $0x1  }
0x150: {  	v1 =	vld.idx.msk [tilespmem:v1+s13+$0x0], $0xffff;
	_ =	sdelay $0x4  }
0x151: {  	v3 =	vld [tilespmem:s17+$0x1820];
	[tilespmem:s17+$0x5000] =	vst v1  }
0x152: {  	v1 =	vld.idx.msk [tilespmem:v2+s13+$0x0], $0xffff;
	_ =	sdelay $0x4  }
0x153: {  	[tilespmem:s17+$0x5010] =	vst v1;
	v1 =	vld [tilespmem:s17+$0x1830];
	_ =	sdelay $0x1  }
0x154: {  	v2 =	vld.idx.msk [tilespmem:v3+s13+$0x0], $0xffff;
	_ =	sdelay $0x3  }
0x155: {  	s19 =	simm.s32 $0x40;
	s18 =	simm.s32 $0x200  }
.LBB2_17:
0x156: {  	p0 =	sne.s32 s18, $0xF00;
	v3 =	vld [tilespmem:s19+$0x1800];
	[tilespmem:s17+$0x5020] =	vst v2  }
0x157: {  	v1 =	vld.idx.msk [tilespmem:v1+s13+$0x0], $0xffff;
	_ =	sdelay $0x5  }
0x158: {  	v2 =	vld [tilespmem:s19+$0x1810];
	[tilespmem:s17+$0x5030] =	vst v1;
	s17 =	smov.u32 s19  }
0x159: {  	v1 =	vld.idx.msk [tilespmem:v3+s13+$0x0], $0xffff;
	_ =	sdelay $0x5  }
0x15a: {  	[tilespmem:s17+$0x5000] =	vst v1;
	v3 =	vld [tilespmem:s17+$0x1820]  }
0x15b: {  	v1 =	vld.idx.msk [tilespmem:v2+s13+$0x0], $0xffff;
	_ =	sdelay $0x5  }
0x15c: {  	[tilespmem:s17+$0x5010] =	vst v1;
	v1 =	vld [tilespmem:s17+$0x1830]  }
0x15d: {  	v2 =	vld.idx.msk [tilespmem:v3+s13+$0x0], $0xffff  }
.Ltmp7:
0x15e: {  	(pc) =	sbr.rel @p0 .LBB2_17-.Ltmp7, $2  }
0x15f: {  	_ =	sdelay $0x2  }
0x160: {  	s19 =	sshra.s32 s18, $0x2;
	s18 =	sadd.s32 $0x100, s18  }
0x161: {  	_ =	sdelay $0x1  }
0x162: {  	v3 =	vld [tilespmem:s19+$0x1800]  }
0x163: {  	[tilespmem:s17+$0x5020] =	vst v2  }
0x164: {  	v1 =	vld.idx.msk [tilespmem:v1+s13+$0x0], $0xffff;
	_ =	sdelay $0x3  }
0x165: {  	v2 =	vld [tilespmem:s19+$0x1810]  }
0x166: {  	[tilespmem:s17+$0x5030] =	vst v1  }
0x167: {  	v1 =	vld.idx.msk [tilespmem:v3+s13+$0x0], $0xffff;
	_ =	sdelay $0x4  }
0x168: {  	[tilespmem:s19+$0x5000] =	vst v1;
	v1 =	vld [tilespmem:s19+$0x1820]  }
0x169: {  	v2 =	vld.idx.msk [tilespmem:v2+s13+$0x0], $0xffff;
	_ =	sdelay $0x4  }
0x16a: {  	[tilespmem:s19+$0x5010] =	vst v2;
	v2 =	vld [tilespmem:s19+$0x1830];
	_ =	sdelay $0x1  }
0x16b: {  	v1 =	vld.idx.msk [tilespmem:v1+s13+$0x0], $0xffff;
	_ =	sdelay $0x4  }
0x16c: {  	[tilespmem:s19+$0x5020] =	vst v1  }
0x16d: {  	v1 =	vld.idx.msk [tilespmem:v2+s13+$0x0], $0xffff;
	_ =	sdelay $0x4  }
0x16e: {  	[tilespmem:s19+$0x5030] =	vst v1  }
0x16f: {  	[spmem:s3] =	stream.indirect.scatter.add.f32 [tilespmem:s22], [sflag:$0x1], $0x1, s21, s15, $0xb8;
	[tilespmem:$0x1F370] =	vst v63  }
0x170: {  	_ = 	snop  }
0x171: {  	[spmem:s3] =	stream.indirect.scatter.add.f32 [tilespmem:s24], [sflag:$0x1], $0x1, s23, s15, $0xb8;
	[tilespmem:$0x1F370] =	vst v63  }
0x172: {  	_ = 	snop  }
0x173: {  	[spmem:s3] =	stream.indirect.scatter.add.f32 [tilespmem:s26], [sflag:$0x1], $0x1, s25, s15, $0xb8;
	[tilespmem:$0x1F370] =	vst v63  }
0x174: {  	_ = 	snop  }
0x175: {  	[spmem:s3] =	stream.indirect.scatter.add.f32 [tilespmem:s29], [sflag:$0x1], $0x1, s28, s15, $0xb8;
	[tilespmem:$0x1F370] =	vst v63  }
0x176: {  	_ = 	snop  }
0x177: {  	[spmem:s3] =	stream.indirect.scatter.add.f32 [tilespmem:s31], [sflag:$0x1], $0x1, s30, s15, $0xb8;
	[tilespmem:$0x1F370] =	vst v63  }
0x178: {  	s16 =	sadd.s32 $0x1, s16  }
0x179: {  	[spmem:s3] =	stream.indirect.scatter.add.f32 [tilespmem:s0], [sflag:$0x1], $0x1, s1, s15, $0xb8;
	[tilespmem:$0x1F370] =	vst v63  }
0x17a: {  	p0 =	sne.s32 s16, $0x7  }
0x17b: {  	[spmem:s3] =	stream.indirect.scatter.add.f32 [tilespmem:s4], [sflag:$0x1], $0x1, s2, s15, $0xb8;
	[tilespmem:$0x1F370] =	vst v63  }
.Ltmp8:
0x17c: {  	_ = 	snop;
	(pc) =	sbr.rel @p0 .LBB2_4-.Ltmp8, $4  }
0x17d: {  	[spmem:s3] =	stream.indirect.scatter.add.f32 [tilespmem:s9], [sflag:$0x1], $0x1, s11, s15, $0xb8;
	[tilespmem:$0x1F370] =	vst v63  }
0x17e: {  	_ =	swait.ge [sflag:s10], $0x1C00  }
0x17f: {  	[sflag:s10] =	ssyncset.done $0x0  }
0x180: {  	[sflag:s10] =	ssyncadd.s32 $0xFFFFE400  }
0x181: {  	[bflag:$0x0] =	sbarrier.arrive $0xFFFF  }
0x182: {  	s18 =	simm.s32 $0x3800;
	s17 =	rddreg [dreg:$0x4]  }
0x183: {  	[tilespmem:s18], [sflag:$0x2] =	stream.linear.gather [spmem:s17], $0x1870, $0x38;
	[tilespmem:$0x1F370] =	vst v63  }
0x184: {  	_ =	swait.ge [sflag:s12], $0x1870  }
0x185: {  	[sflag:s12] =	ssyncset.done $0x0  }
0x186: {  	s6 =	simm.s32 $0x0;
	s16 =	rddreg [dreg:$0x5];
	[sflag:s12] =	ssyncadd.s32 $0xFFFFE790  }
0x187: {  	[hbm4b:s16+s6] =	stream.linear.scatter [tilespmem:s18], [sflag:$0x2], $0x1870, $0x38;
	[tilespmem:$0x1F370] =	vst v63  }
0x188: {  	_ =	swait.ge [sflag:s12], $0x1870  }
0x189: {  	s18 =	rddreg [dreg:$0x7]  }
0x18a: {  	s19 =	rddreg [dreg:$0x6];
	s16 =	sadd.s32 $0x1, s18  }
0x18b: {  	p0 =	sne.s32 s16, s19  }
.Ltmp9:
0x18c: {  	_ = 	snop;
	(pc) =	sbr.rel @p0 .LBB2_1-.Ltmp9, $3  }
0x18d: {  	_ =	sdelay $0x1  }
0x18e: {  	[sflag:s12] =	ssyncset.done $0x0  }
0x18f: {  	s20 =	simm.s32 $0x3800;
	[sflag:s12] =	ssyncadd.s32 $0xFFFFE790  }
0x190: {  	_ =	sfence.sel $0x180000  }
0x191: {  	[bflag:$0x0] =	sbarrier.arrive $0xFFFF  }
0x192: {  	_ =	strace $0x9000004A  }
0x193: {  	s0 =	stileid.u32;
	[bflag:$0x2] =	sbarrier.arrive $0xFFFF  }
0x194: {  	p0 =	sne.s32 s0, $0x0;
	s0 =	rddreg [dreg:$0x3]  }
0x195: {  	s0 =	sadd.s32 @!p0 $0x100000, s0  }
0x196: {  	[sflag:s0] =	ssyncadd.tile.s32 @!p0 $0x1;
	_ =	shalt  }
.Lfunc_end2:
_tile_overlayer_lowered:
.L_overlay_start_2:
0x197: {  	(tag) =	ssettag $0x2  }
0x198: {  	s0 =	rddreg [dreg:$0x0];
	s2 =	stileid.u32  }
0x199: {  	s1 =	rddreg [dreg:$0x1];
	p0 =	sne.s32 s2, $0x0  }
0x19a: {  	s3 =	rddreg [dreg:$0x2];
	[bflag:$0x3] =	sbarrier.arrive $0xFFFF;
	s2 =	simm.s32 @!p0 $0x1C02  }
0x19b: {  	[timem:s3], [sflag:s2] =	dma.local @!p0 [hbm:s0], s1  }
0x19c: {  	s0 =	simm.s32 @!p0 $0x2  }
0x19d: {  	_ =	swait.ge @!p0 [sflag:s0], s1  }
0x19e: {  	s1 =	ssub.s32 @!p0 $0x0, s1;
	[sflag:s0] =	ssyncset.done @!p0 $0x0  }
0x19f: {  	[sflag:s0] =	ssyncadd.s32 @!p0 s1  }
0x1a0: {  	[bflag:$0x3] =	sbarrier.arrive $0xFFFF  }
0x1a1: {  	_ =	shalt  }

// kernel: kernel.14.cloned.1.call-start
scs
__scs_entry_jumppad:
0x0: {  	(pc) =	sbr.rel $0x88, $3  }
0x1: {  	(tag) =	ssettag $0x0;
	lr =	simm.s32 $0x1  }
0x2: {  	[smem:$0x3F9B] =	sst lr;
	_ =	strace $0xD0000000  }
0x3: {  	_ = 	snop  }
0x4: {  	_ = 	snop  }
0x5: {  	_ = 	snop  }
0x6: {  	_ = 	snop  }
0x7: {  	_ = 	snop  }
__scs_overlays_trampoline_lowered:
0x8: {  	[smem:$0x3FAA] =	sst s0  }
0x9: {  	[smem:$0x3FAB] =	sst s1  }
0xa: {  	[smem:$0x3FAC] =	sst s2  }
0xb: {  	[smem:$0x3FAD] =	sst s3  }
0xc: {  	[smem:$0x3FAE] =	sst s4  }
0xd: {  	[smem:$0x3FAF] =	sst s5  }
0xe: {  	[smem:$0x3FB0] =	sst s6  }
0xf: {  	[smem:$0x3FB1] =	sst s7  }
0x10: {  	[smem:$0x3FB2] =	sst s8  }
0x11: {  	[smem:$0x3FB3] =	sst s9;
	s0 =	simm.s32 @!p0 $0x0  }
0x12: {  	s1 =	sld [smem:$0x3F99];
	s0 =	simm.s32 @p0 $0x1  }
0x13: {  	[smem:$0x3FB4] =	sst s0;
	s0 =	simm.s32 @!p1 $0x0  }
0x14: {  	s2 =	sld [smem:$0x3F98];
	s0 =	simm.s32 @p1 $0x1  }
0x15: {  	[smem:$0x3FB5] =	sst s0;
	s0 =	simm.s32 @!p2 $0x0  }
0x16: {  	s3 =	sld [smem:$0x3FDB];
	s0 =	simm.s32 @p2 $0x1  }
0x17: {  	s4 =	simm.s32 $0x1BF5;
	[smem:$0x3FB7] =	sst s0  }
0x18: {  	s0 =	sld [smem:$0x3F9A];
	_ =	swait.ge [sflag:s4], $0x0  }
0x19: {  	s7 =	sld [smem:$0x3F9B]  }
0x1a: {  	s8 =	sadd.s32 $0xFFFFE003, lr  }
0x1b: {  	s9 =	sadd.s32 $0xFFFFFEF7, lr;
	s5 =	simm.s32 $0xFFFFFFFF;
	p2 =	slt.u32 s8, $0xFFFFF086  }
0x1c: {  	p1 =	slt.u32 s9, $0xF7A;
	s5 =	simm.s32 @!p2 $0x0  }
0x1d: {  	s5 =	simm.s32 @p1 $0x1;
	p0 =	seq.s32 s7, s2  }
0x1e: {  	s7 =	smul.u32 @!p0 $0xF7A, s2;
	p2 =	seq.s32 @!p0 s5, $0x0  }
0x1f: {  	s9 =	smul.u32 $0xF7A, s1;
	s8 =	simm.s32 @!p0 $0x1BF5;
	p2 =	por !p2, p0  }
0x20: {  	[sflag:s8] =	ssyncset.s32 @!p0 $0xFFFFF086;
	s6 =	sadd.s32 @!p0 s3, s7;
	s7 =	simm.s32 @!p0 $0x108  }
0x21: {  	s3 =	sadd.s32 s3, s9;
	s6 =	sadd.s32 @!p0 $0x88, s6;
	s7 =	simm.s32 @p2 $0x1082  }
0x22: {  	[simem:s7], [sflag:s8] =	dma.local @!p0 [hbm:s6], $0xF7A  }
0x23: {  	s9 =	sor.u32 $0xD0000000, s2;
	s6 =	simm.s32 $0x108;
	_ =	swait.ge @!p0 [sflag:s8], $0x0  }
0x24: {  	s3 =	sadd.s32 $0x88, s3;
	s6 =	simm.s32 @!p1 $0x1082;
	[sflag:s4] =	ssyncset.s32 $0xFFFFF086  }
0x25: {  	[simem:s6], [sflag:s4] =	dma.local [hbm:s3], $0xF7A  }
0x26: {  	[smem:$0x3F9B] =	sst s1;
	(tag) =	ssettag s2;
	_ =	strace s9  }
0x27: {  	s1 =	sld [smem:$0x3FAB]  }
0x28: {  	s2 =	sld [smem:$0x3FAC]  }
0x29: {  	s4 =	sld [smem:$0x3FAE]  }
0x2a: {  	p0 =	seq.s32 s5, $0x0;
	s5 =	sld [smem:$0x3FAF]  }
0x2b: {  	s6 =	sld [smem:$0x3FB0]  }
0x2c: {  	s7 =	sld [smem:$0x3FB1]  }
0x2d: {  	s3 =	simm.s32 $0x108;
	s8 =	sld [smem:$0x3FB2]  }
0x2e: {  	s3 =	simm.s32 @!p0 $0x1082;
	s9 =	sld [smem:$0x3FB3]  }
0x2f: {  	lr =	sadd.s32 s0, s3;
	s0 =	sld [smem:$0x3FAA]  }
0x30: {  	s3 =	sld [smem:$0x3FAD]  }
0x31: {  	[smem:$0x3FB6] =	sst s10  }
0x32: {  	s10 =	sld [smem:$0x3FB4];
	_ =	sdelay $0x3  }
0x33: {  	p0 =	seq.s32 s10, $0x1;
	s10 =	sld [smem:$0x3FB6];
	_ =	sdelay $0x3  }
0x34: {  	[smem:$0x3FB6] =	sst s10  }
0x35: {  	s10 =	sld [smem:$0x3FB5];
	_ =	sdelay $0x3  }
0x36: {  	p1 =	seq.s32 s10, $0x1;
	s10 =	sld [smem:$0x3FB6];
	_ =	sdelay $0x3  }
0x37: {  	[smem:$0x3FB6] =	sst s10  }
0x38: {  	s10 =	sld [smem:$0x3FB7]  }
0x39: {  	_ = 	snop;
	(pc) =	sbr.ind lr, $3  }
0x3a: {  	_ = 	snop  }
0x3b: {  	_ = 	snop  }
0x3c: {  	p2 =	seq.s32 s10, $0x1;
	s10 =	sld [smem:$0x3FB6]  }
0x3d: {  	_ =	shalt  }
0x3e: {  	_ =	shalt  }
0x3f: {  	_ =	shalt  }
0x40: {  	_ =	shalt  }
0x41: {  	_ =	shalt  }
0x42: {  	_ =	shalt  }
0x43: {  	_ =	shalt  }
0x44: {  	_ =	shalt  }
0x45: {  	_ =	shalt  }
0x46: {  	_ =	shalt  }
0x47: {  	_ =	shalt  }
0x48: {  	_ =	shalt  }
0x49: {  	_ =	shalt  }
0x4a: {  	_ =	shalt  }
0x4b: {  	_ =	shalt  }
0x4c: {  	_ =	shalt  }
0x4d: {  	_ =	shalt  }
0x4e: {  	_ =	shalt  }
0x4f: {  	_ =	shalt  }
0x50: {  	_ =	shalt  }
0x51: {  	_ =	shalt  }
0x52: {  	_ =	shalt  }
0x53: {  	_ =	shalt  }
0x54: {  	_ =	shalt  }
0x55: {  	_ =	shalt  }
0x56: {  	_ =	shalt  }
0x57: {  	_ =	shalt  }
0x58: {  	_ =	shalt  }
0x59: {  	_ =	shalt  }
0x5a: {  	_ =	shalt  }
0x5b: {  	_ =	shalt  }
0x5c: {  	_ =	shalt  }
0x5d: {  	_ =	shalt  }
0x5e: {  	_ =	shalt  }
0x5f: {  	_ =	shalt  }
0x60: {  	_ =	shalt  }
0x61: {  	_ =	shalt  }
0x62: {  	_ =	shalt  }
0x63: {  	_ =	shalt  }
0x64: {  	_ =	shalt  }
0x65: {  	_ =	shalt  }
0x66: {  	_ =	shalt  }
0x67: {  	_ =	shalt  }
0x68: {  	_ =	shalt  }
0x69: {  	_ =	shalt  }
0x6a: {  	_ =	shalt  }
0x6b: {  	_ =	shalt  }
0x6c: {  	_ =	shalt  }
0x6d: {  	_ =	shalt  }
0x6e: {  	_ =	shalt  }
0x6f: {  	_ =	shalt  }
0x70: {  	_ =	shalt  }
0x71: {  	_ =	shalt  }
0x72: {  	_ =	shalt  }
0x73: {  	_ =	shalt  }
0x74: {  	_ =	shalt  }
0x75: {  	_ =	shalt  }
0x76: {  	_ =	shalt  }
0x77: {  	_ =	shalt  }
0x78: {  	_ =	shalt  }
0x79: {  	_ =	shalt  }
0x7a: {  	_ =	shalt  }
0x7b: {  	_ =	shalt  }
0x7c: {  	_ =	shalt  }
0x7d: {  	_ =	shalt  }
0x7e: {  	_ =	shalt  }
0x7f: {  	_ =	shalt  }
0x80: {  	_ =	shalt  }
0x81: {  	_ =	shalt  }
0x82: {  	_ =	shalt  }
0x83: {  	_ =	shalt  }
0x84: {  	_ =	shalt  }
0x85: {  	_ =	shalt  }
0x86: {  	_ =	shalt  }
0x87: {  	_ =	shalt  }
.Lfunc_end0:
.L_simem_size_0:
called_computation.2_lowered:
.L_overlay_start_0:
0x88: {  	s2 =	sld [smem:$0x3FD9]  }
0x89: {  	s3 =	sld [smem:$0x3FFE];
	_ =	sdelay $0x1  }
0x8a: {  	s1 =	srdreg.scid  }
0x8b: {  	s0 =	sand.u32 $0x1, s1  }
0x8c: {  	s17 =	sshll.u32 s0, $0xA;
	s2 =	sadd.s32 s3, s2  }
0x8d: {  	s2 =	sadd.s32 s2, s17  }
0x8e: {  	[smem:$0x3FC2] =	sst s2  }
0x8f: {  	_ = 	snop  }
0x90: {  	s2 =	sld [smem:$0x3FD0];
	(tm) =	ssettm $0x1  }
0x91: {  	s18 =	sld [smem:$0x3FFB];
	_ =	sdelay $0x3  }
0x92: {  	_ =	strace s18  }
0x93: {  	s3 =	sld [smem:$0x3FFC];
	_ =	sdelay $0x3  }
0x94: {  	_ =	strace s3  }
0x95: {  	s3 =	sld [smem:$0x3FFD];
	_ =	sdelay $0x3  }
0x96: {  	_ =	strace s3  }
0x97: {  	_ =	strace $0x8FFFFFFF  }
0x98: {  	s19 =	sld [smem:$0x3FDB];
	_ =	sdelay $0x1  }
0x99: {  	s4 =	simm.s32 $_scs_section_size  }
0x9a: {  	s5 =	simm.s32 $_size__tile_overlayer_lowered;
	s6 =	simm.s32 $_tile_overlayer_lowered  }
0x9b: {  	s22 =	simm.s32 $0x1BFF;
	s21 =	sshll.u32 s6, $0x1;
	s3 =	sadd.s32 s4, s19  }
0x9c: {  	s7 =	simm.s32 $0x0;
	s20 =	sshll.u32 s5, $0x1;
	s5 =	sadd.s32 s21, s3  }
0x9d: {  	[timem:s7], [sflag:s22] =	dma.local [hbm:s5], s20  }
0x9e: {  	_ =	swait.ge [sflag:s22], s20  }
0x9f: {  	s4 =	ssub.s32 $0x0, s20;
	[sflag:s22] =	ssyncset.done $0x0  }
0xa0: {  	[sflag:s22] =	ssyncadd.s32 s4;
	_ =	sdelay $0x1  }
0xa1: {  	s23 =	simm.s32 $0x1B8B  }
0xa2: {  	_ =	swait.ge [sflag:s23], $0x1  }
0xa3: {  	[sflag:s23] =	ssyncset.done $0x0  }
0xa4: {  	s25 =	simm.s32 $0x1B8E;
	s24 =	sld [smem:$0x3FFE];
	[sflag:s23] =	ssyncadd.s32 $0xFFFFFFFF  }
0xa5: {  	s26 =	simm.s32 $execute0_lowered;
	[smem:$0x3FD2] =	sst s25  }
0xa6: {  	s5 =	sshll.u32 s26, $0x1;
	_ =	strace $0x8000004C;
	[dreg:$0x1] =	wrdreg $0xFFFFFFFF  }
0xa7: {  	s28 =	simm.s32 $_size_execute0_lowered;
	s3 =	sadd.s32 s3, s5;
	[dreg:$0x0] =	wrdreg $0x0  }
0xa8: {  	s5 =	sshll.u32 s28, $0x1;
	[dreg:$0x2] =	wrdreg s3  }
0xa9: {  	[dreg:$0x3] =	wrdreg s5  }
0xaa: {  	[dreg:$0x4] =	wrdreg $0xC0  }
0xab: {  	_ =	task [dreg:s7], $0x5FFFF  }
0xac: {  	[dreg:$0x1] =	wrdreg $0xFFFFFFFF  }
0xad: {  	[dreg:$0x0] =	wrdreg $0x60  }
0xae: {  	[dreg:$0x2] =	wrdreg s24  }
0xaf: {  	[dreg:$0x3] =	wrdreg s2  }
0xb0: {  	[dreg:$0x4] =	wrdreg $0xA4700  }
0xb1: {  	[dreg:$0x5] =	wrdreg $0xBCE00  }
0xb2: {  	[dreg:$0x6] =	wrdreg $0x8C000  }
0xb3: {  	[dreg:$0x7] =	wrdreg $0x9  }
0xb4: {  	_ =	task.clear_ibuf [dreg:s7], $0x8FFFF;
	_ =	strace $0x9000004C  }
0xb5: {  	s29 =	simm.s32 $0x9;
	_ =	strace $0x8000004E  }
0xb6: {  	_ =	swait.ge [sflag:s29], $0x1  }
0xb7: {  	[sflag:s29] =	ssyncadd.s32 $0xFFFFFFFF  }
0xb8: {  	_ =	strace $0x9000004E  }
0xb9: {  	_ =	sfence  }
0xba: {  	s30 =	sld [smem:$0x0];
	_ =	sdelay $0x2  }
0xbb: {  	s31 =	sshll.u32 s1, $0xD;
	s1 =	sshrl.u32 s1, $0x2  }
0xbc: {  	s3 =	sand.u32 $0x4000, s31;
	s1 =	sadd.s32 s1, s30  }
0xbd: {  	s0 =	sor.u32 s3, s0;
	s1 =	sshll.u32 s1, $0x11  }
0xbe: {  	s0 =	sor.u32 s1, s0  }
0xbf: {  	s0 =	sadd.s32 $0x8F2B, s0  }
0xc0: {  	[sflag:s0] =	ssyncadd.remote.s32 $0x1  }
0xc1: {  	_ =	sfence.sel $0xFFFF  }
0xc2: {  	[dreg:$0x0] =	wrdreg $0xFFFFFFFF;
	(pc) =	sbr.abs _section_cstart, $3  }
0xc3: {  	[dreg:$0x1] =	wrdreg $0xFFFFFFFF  }
0xc4: {  	_ =	task.clear_ibuf [dreg:s7], $0x2FFFF;
	_ =	strace $0x9FFFFFFF  }
0xc5: {  	(tm) =	ssettm $0x7FFFFFFF  }
tec
execute0_lowered:
.L_overlay_start_1:
0x0: {  	(tag) =	ssettag $0x1  }
0x1: {  	s0 =	rddreg [dreg:$0x0]  }
0x2: {  	s2 =	rddreg [dreg:$0x1]  }
0x3: {  	s1 =	rddreg [dreg:$0x2]  }
0x4: {  	s3 =	rddreg [dreg:$0x3]  }
0x5: {  	s5 =	srdreg.scid;
	s10 =	stileid.u32  }
0x6: {  	s4 =	rddreg [dreg:$0x4];
	s8 =	simm.s32 $0x0;
	s17 =	simm.s32 $0x3  }
0x7: {  	s19 =	simm.s32 $0x1C00;
	s15 =	simm.s32 $0x3080;
	s31 =	simm.s32 $0x3100  }
0x8: {  	s13 =	simm.s32 $0x3180;
	s16 =	simm.s32 $0x3280;
	s11 =	simm.s32 $0x3380  }
0x9: {  	s12 =	simm.s32 $0x3400;
	s30 =	simm.s32 $0x3580;
	s14 =	simm.s32 $0x3700  }
0xa: {  	s28 =	simm.s32 $0x2;
	s5 =	sand.u32 $0x1, s5;
	s6 =	smul.u32 $0x1870, s10  }
0xb: {  	[smem:$0x7FF] =	sst s8;
	s20 =	sadd.s32 $0x2200, s0;
	s10 =	sshll.u32 s10, $0x1  }
0xc: {  	s7 =	smul.u32 $0x18700, s5;
	_ =	strace $0x8000004D;
	[dreg:$0x6] =	wrdreg s20  }
0xd: {  	s21 =	ssub.s32 $0x2, s5;
	s5 =	sor.u32 s5, s10;
	s20 =	simm.s32 $0x80  }
0xe: {  	s9 =	sshrl.u32 s21, $0x1;
	s22 =	sshrl.u32 s6, $0x3;
	s10 =	sadd.s32 s6, s1  }
0xf: {  	s18 =	sadd.s32 s6, s3;
	s23 =	sadd.s32 s6, s4;
	s24 =	smul.u32 $0x188, s5  }
0x10: {  	s5 =	simm.s32 $0x2F80;
	s7 =	sadd.s32 s6, s7;
	[dreg:$0xa] =	wrdreg s23  }
0x11: {  	s8 =	ssub.s32 s21, s9;
	s2 =	sadd.s32 s2, s22;
	[dreg:$0x7] =	wrdreg s10  }
0x12: {  	s21 =	simm.s32 $0x1;
	s22 =	simm.s32 $0x3200;
	[dreg:$0x8] =	wrdreg s18  }
0x13: {  	s6 =	simm.s32 $0x3300;
	s23 =	simm.s32 $0x3480;
	[dreg:$0x9] =	wrdreg s2  }
0x14: {  	s9 =	simm.s32 $0x3680;
	s7 =	sshrl.u32 s7, $0x3;
	[dreg:$0xb] =	wrdreg s24  }
0x15: {  	s29 =	smax.u32 s8, $0x1;
	s24 =	simm.s32 $0x5400;
	s8 =	simm.s32 $0x3780  }
0x16: {  	s7 =	sadd.s32 s7, s0;
	s0 =	sadd.s32 $0x33200, s0;
	[dreg:$0xf] =	wrdreg s29  }
0x17: {  	[dreg:$0xc] =	wrdreg s0;
	s25 =	sadd.s32 $0x64200, s7;
	s26 =	sadd.s32 $0x6A400, s7  }
0x18: {  	s0 =	simm.s32 $0x3600;
	s7 =	simm.s32 $0x0;
	[dreg:$0xd] =	wrdreg s25  }
0x19: {  	v0 =	vimm.f32 $0.0e+00;
	[dreg:$0xe] =	wrdreg s26;
	s25 =	simm.s32 $0x3000;
	s26 =	simm.s32 $0x3500  }
.LBB2_1:
0x1a: {  	[dreg:$0x10] =	wrdreg s7;
	s2 =	simm.s32 $0x40;
	s7 =	simm.s32 $0x0  }
.LBB2_2:
0x1b: {  	p0 =	sne.s32 s2, $0x6180;
	[tilespmem:s7+$0x5400] =	vst v0;
	s7 =	smov.u32 s2;
	s2 =	sadd.s32 $0x40, s2  }
.Ltmp0:
0x1c: {  	(pc) =	sbr.rel @p0 .LBB2_2-.Ltmp0, $2  }
0x1d: {  	_ =	sdelay $0x2  }
0x1e: {  	s7 =	sshra.s32 s7, $0x2  }
0x1f: {  	[tilespmem:s7+$0x5400] =	vst v0  }
0x20: {  	[spmem:s10] =	stream.linear.scatter [tilespmem:s24], [sflag:$0x3], $0x1870, $0x38;
	[tilespmem:$0xD550] =	vst v63  }
0x21: {  	_ =	swait.ge [sflag:s17], $0x1870  }
0x22: {  	[sflag:s17] =	ssyncset.done $0x0  }
0x23: {  	s2 =	simm.s32 $0x40;
	s7 =	simm.s32 $0x0;
	[sflag:s17] =	ssyncadd.s32 $0xFFFFE790  }
.LBB2_4:
0x24: {  	p0 =	sne.s32 s2, $0x6180;
	[tilespmem:s7+$0x5400] =	vst v0;
	s7 =	smov.u32 s2;
	s2 =	sadd.s32 $0x40, s2  }
.Ltmp1:
0x25: {  	(pc) =	sbr.rel @p0 .LBB2_4-.Ltmp1, $2  }
0x26: {  	_ =	sdelay $0x2  }
0x27: {  	s7 =	sshra.s32 s7, $0x2  }
0x28: {  	[tilespmem:s7+$0x5400] =	vst v0  }
0x29: {  	[spmem:s18] =	stream.linear.scatter [tilespmem:s24], [sflag:$0x3], $0x1870, $0x38;
	[tilespmem:$0xD550] =	vst v63  }
0x2a: {  	_ =	swait.ge [sflag:s17], $0x1870  }
0x2b: {  	s2 =	simm.s32 $0x0;
	[sflag:s17] =	ssyncset.done $0x0  }
0x2c: {  	s10 =	simm.s32 $0x3800;
	s18 =	rddreg [dreg:$0x9];
	[sflag:s17] =	ssyncadd.s32 $0xFFFFE790  }
0x2d: {  	[tilespmem:s10], [sflag:$0x3] =	stream.linear.gather [hbm4b:s18+s2], $0x1870, $0x38;
	[tilespmem:$0xD550] =	vst v63  }
0x2e: {  	_ =	swait.ge [sflag:s17], $0x1870  }
0x2f: {  	[sflag:s17] =	ssyncset.done $0x0  }
0x30: {  	s29 =	rddreg [dreg:$0xa];
	[sflag:s17] =	ssyncadd.s32 $0xFFFFE790  }
0x31: {  	[spmem:s29] =	stream.linear.scatter [tilespmem:s10], [sflag:$0x3], $0x1870, $0x38;
	[tilespmem:$0xD550] =	vst v63  }
0x32: {  	_ =	swait.ge [sflag:s17], $0x1870  }
0x33: {  	[sflag:s17] =	ssyncset.done $0x0  }
0x34: {  	[sflag:s17] =	ssyncadd.s32 $0xFFFFE790  }
0x35: {  	s10 =	simm.s32 $0x0;
	[bflag:$0x0] =	sbarrier.arrive $0xFFFF  }
.LBB2_6:
0x36: {  	s7 =	smul.u32 $0x38, s10  }
0x37: {  	s18 =	rddreg [dreg:$0xb]  }
0x38: {  	s7 =	sadd.s32 s18, s7  }
0x39: {  	s18 =	rddreg [dreg:$0x6];
	s7 =	sshll.u32 s7, $0x4  }
0x3a: {  	s18 =	sadd.s32 s18, s7  }
0x3b: {  	[tilespmem:s2], [sflag:$0x3] =	stream.linear.gather [hbm4b:s18+s2], $0x1C00, $0x38;
	[tilespmem:$0xD550] =	vst v63  }
0x3c: {  	_ =	swait.ge [sflag:s17], $0x1C00  }
0x3d: {  	[sflag:s17] =	ssyncset.done $0x0;
	s18 =	rddreg [dreg:$0xc]  }
0x3e: {  	[sflag:s17] =	ssyncadd.s32 $0xFFFFE400;
	s7 =	sadd.s32 s7, s18  }
0x3f: {  	[tilespmem:s19], [sflag:$0x3] =	stream.linear.gather [hbm4b:s7+s2], $0x1C00, $0x38;
	[tilespmem:$0xD550] =	vst v63  }
0x40: {  	_ =	swait.ge [sflag:s17], $0x1C00  }
0x41: {  	s29 =	simm.s32 $0x3800;
	[sflag:s17] =	ssyncset.done $0x0  }
0x42: {  	s18 =	simm.s32 $0x0;
	s7 =	simm.s32 $0x200;
	[sflag:s17] =	ssyncadd.s32 $0xFFFFE400  }
.LBB2_7:
0x43: {  	[tilespmem:s29], [sflag:$0x1] =	stream.indirect.gather [spmem:s4], $0x1, s18, s20, $0xb8;
	[tilespmem:$0xD550] =	vst v63  }
0x44: {  	s18 =	smov.u32 s7;
	p0 =	sne.s32 s7, $0x6E00  }
.Ltmp2:
0x45: {  	s7 =	sadd.s32 $0x200, s7;
	(pc) =	sbr.rel @p0 .LBB2_7-.Ltmp2, $3  }
0x46: {  	_ =	sdelay $0x1  }
0x47: {  	s18 =	sshra.s32 s18, $0x2  }
0x48: {  	s29 =	sadd.s32 $0x3800, s18  }
0x49: {  	[tilespmem:s29], [sflag:$0x1] =	stream.indirect.gather [spmem:s4], $0x1, s18, s20, $0xb8;
	[tilespmem:$0xD550] =	vst v63  }
0x4a: {  	_ =	swait.ge [sflag:s21], $0x1C00  }
0x4b: {  	[sflag:s21] =	ssyncset.done $0x0  }
0x4c: {  	s29 =	simm.s32 $0x0;
	[sflag:s21] =	ssyncadd.s32 $0xFFFFE400  }
0x4d: {  	v1 =	vld [tilespmem:s29+$0x3830]  }
0x4e: {  	v3 =	vld [tilespmem:s29+$0x3800]  }
0x4f: {  	v4 =	vld [tilespmem:s29+$0x3810]  }
0x50: {  	v2 =	vld [tilespmem:s29+$0x3820];
	_ =	sdelay $0x1  }
0x51: {  	v5 =	vand.u32 $0xFFFF0000, v1  }
0x52: {  	v1 =	vshll.u32 v1, $0x10;
	v6 =	vshll.u32 v3, $0x10;
	[tilespmem:s29+$0x7030] =	vst v5  }
0x53: {  	s7 =	simm.s32 $0x40;
	s18 =	simm.s32 $0x200;
	v3 =	vand.u32 $0xFFFF0000, v3;
	[tilespmem:s29+$0x5400] =	vst v6;
	v5 =	vshll.u32 v4, $0x10;
	v4 =	vand.u32 $0xFFFF0000, v4  }
.LBB2_9:
0x54: {  	p0 =	sne.s32 s18, $0xF00;
	v6 =	vld [tilespmem:s7+$0x3830];
	[tilespmem:s29+$0x7000] =	vst v3;
	v3 =	vshll.u32 v2, $0x10;
	v7 =	vand.u32 $0xFFFF0000, v2  }
0x55: {  	v8 =	vld [tilespmem:s7+$0x3800];
	[tilespmem:s29+$0x5410] =	vst v5  }
0x56: {  	v9 =	vld [tilespmem:s7+$0x3810];
	[tilespmem:s29+$0x7010] =	vst v4  }
.Ltmp3:
0x57: {  	v2 =	vld [tilespmem:s7+$0x3820];
	[tilespmem:s29+$0x5420] =	vst v3;
	(pc) =	sbr.rel @p0 .LBB2_9-.Ltmp3, $4  }
0x58: {  	[tilespmem:s29+$0x7020] =	vst v7  }
0x59: {  	v4 =	vand.u32 $0xFFFF0000, v6;
	[tilespmem:s29+$0x5430] =	vst v1;
	v1 =	vshll.u32 v6, $0x10;
	s29 =	smov.u32 s7  }
0x5a: {  	v5 =	vshll.u32 v8, $0x10;
	v3 =	vand.u32 $0xFFFF0000, v8;
	[tilespmem:s29+$0x7030] =	vst v4  }
0x5b: {  	s7 =	sshra.s32 s18, $0x2;
	s18 =	sadd.s32 $0x100, s18;
	[tilespmem:s29+$0x5400] =	vst v5;
	v5 =	vshll.u32 v9, $0x10;
	v4 =	vand.u32 $0xFFFF0000, v9  }
0x5c: {  	v6 =	vld [tilespmem:s7+$0x3830];
	[tilespmem:s29+$0x7000] =	vst v3  }
0x5d: {  	v3 =	vld [tilespmem:s7+$0x3800];
	[tilespmem:s29+$0x5410] =	vst v5  }
0x5e: {  	v5 =	vld [tilespmem:s7+$0x3810];
	[tilespmem:s29+$0x7010] =	vst v4;
	v4 =	vshll.u32 v2, $0x10  }
0x5f: {  	v2 =	vand.u32 $0xFFFF0000, v2;
	v7 =	vld [tilespmem:s7+$0x3820];
	[tilespmem:s29+$0x5420] =	vst v4  }
0x60: {  	[tilespmem:s29+$0x7020] =	vst v2  }
0x61: {  	[tilespmem:s29+$0x5430] =	vst v1;
	v2 =	vand.u32 $0xFFFF0000, v6  }
0x62: {  	v1 =	vshll.u32 v3, $0x10;
	[tilespmem:s7+$0x7030] =	vst v2  }
0x63: {  	v2 =	vand.u32 $0xFFFF0000, v3;
	[tilespmem:s7+$0x5400] =	vst v1  }
0x64: {  	v1 =	vshll.u32 v5, $0x10;
	[tilespmem:s7+$0x7000] =	vst v2  }
0x65: {  	v2 =	vand.u32 $0xFFFF0000, v5;
	[tilespmem:s7+$0x5410] =	vst v1  }
0x66: {  	v1 =	vshll.u32 v7, $0x10;
	[tilespmem:s7+$0x7010] =	vst v2  }
0x67: {  	v2 =	vand.u32 $0xFFFF0000, v7;
	[tilespmem:s7+$0x5420] =	vst v1  }
0x68: {  	v1 =	vshll.u32 v6, $0x10;
	[tilespmem:s7+$0x7020] =	vst v2  }
0x69: {  	[tilespmem:s7+$0x5430] =	vst v1  }
0x6a: {  	[spmem:s1] =	stream.indirect.scatter.add.f32 [tilespmem:s24], [sflag:$0x2], $0x1, s19, s20, $0xb8;
	[tilespmem:$0xD550] =	vst v63  }
0x6b: {  	s18 =	simm.s32 $0x7000  }
0x6c: {  	[spmem:s3] =	stream.indirect.scatter.add.f32 [tilespmem:s18], [sflag:$0x2], $0x1, s19, s20, $0xb8;
	[tilespmem:$0xD550] =	vst v63  }
0x6d: {  	s7 =	simm.s32 $0x1C80;
	s18 =	simm.s32 $0x5480  }
0x6e: {  	[spmem:s1] =	stream.indirect.scatter.add.f32 [tilespmem:s18], [sflag:$0x2], $0x1, s7, s20, $0xb8;
	[tilespmem:$0xD550] =	vst v63  }
0x6f: {  	s18 =	simm.s32 $0x7080  }
0x70: {  	[spmem:s3] =	stream.indirect.scatter.add.f32 [tilespmem:s18], [sflag:$0x2], $0x1, s7, s20, $0xb8;
	[tilespmem:$0xD550] =	vst v63  }
0x71: {  	s7 =	simm.s32 $0x1D00;
	s18 =	simm.s32 $0x5500  }
0x72: {  	[spmem:s1] =	stream.indirect.scatter.add.f32 [tilespmem:s18], [sflag:$0x2], $0x1, s7, s20, $0xb8;
	[tilespmem:$0xD550] =	vst v63  }
0x73: {  	s18 =	simm.s32 $0x7100  }
0x74: {  	[spmem:s3] =	stream.indirect.scatter.add.f32 [tilespmem:s18], [sflag:$0x2], $0x1, s7, s20, $0xb8;
	[tilespmem:$0xD550] =	vst v63  }
0x75: {  	s7 =	simm.s32 $0x1D80;
	s18 =	simm.s32 $0x5580  }
0x76: {  	[spmem:s1] =	stream.indirect.scatter.add.f32 [tilespmem:s18], [sflag:$0x2], $0x1, s7, s20, $0xb8;
	[tilespmem:$0xD550] =	vst v63  }
0x77: {  	s18 =	simm.s32 $0x7180  }
0x78: {  	[spmem:s3] =	stream.indirect.scatter.add.f32 [tilespmem:s18], [sflag:$0x2], $0x1, s7, s20, $0xb8;
	[tilespmem:$0xD550] =	vst v63  }
0x79: {  	s7 =	simm.s32 $0x1E00;
	s18 =	simm.s32 $0x5600  }
0x7a: {  	[spmem:s1] =	stream.indirect.scatter.add.f32 [tilespmem:s18], [sflag:$0x2], $0x1, s7, s20, $0xb8;
	[tilespmem:$0xD550] =	vst v63  }
0x7b: {  	s18 =	simm.s32 $0x7200  }
0x7c: {  	[spmem:s3] =	stream.indirect.scatter.add.f32 [tilespmem:s18], [sflag:$0x2], $0x1, s7, s20, $0xb8;
	[tilespmem:$0xD550] =	vst v63  }
0x7d: {  	s7 =	simm.s32 $0x1E80;
	s18 =	simm.s32 $0x5680  }
0x7e: {  	[spmem:s1] =	stream.indirect.scatter.add.f32 [tilespmem:s18], [sflag:$0x2], $0x1, s7, s20, $0xb8;
	[tilespmem:$0xD550] =	vst v63  }
0x7f: {  	s18 =	simm.s32 $0x7280  }
0x80: {  	[spmem:s3] =	stream.indirect.scatter.add.f32 [tilespmem:s18], [sflag:$0x2], $0x1, s7, s20, $0xb8;
	[tilespmem:$0xD550] =	vst v63  }
0x81: {  	s7 =	simm.s32 $0x1F00;
	s18 =	simm.s32 $0x5700  }
0x82: {  	[spmem:s1] =	stream.indirect.scatter.add.f32 [tilespmem:s18], [sflag:$0x2], $0x1, s7, s20, $0xb8;
	[tilespmem:$0xD550] =	vst v63  }
0x83: {  	s18 =	simm.s32 $0x7300  }
0x84: {  	[spmem:s3] =	stream.indirect.scatter.add.f32 [tilespmem:s18], [sflag:$0x2], $0x1, s7, s20, $0xb8;
	[tilespmem:$0xD550] =	vst v63  }
0x85: {  	s7 =	simm.s32 $0x1F80;
	s18 =	simm.s32 $0x5780  }
0x86: {  	[spmem:s1] =	stream.indirect.scatter.add.f32 [tilespmem:s18], [sflag:$0x2], $0x1, s7, s20, $0xb8;
	[tilespmem:$0xD550] =	vst v63  }
0x87: {  	s29 =	simm.s32 $0x0;
	s18 =	simm.s32 $0x7380  }
0x88: {  	[spmem:s3] =	stream.indirect.scatter.add.f32 [tilespmem:s18], [sflag:$0x2], $0x1, s7, s20, $0xb8;
	[tilespmem:$0xD550] =	vst v63  }
0x89: {  	v1 =	vld [tilespmem:s29+$0x3C30]  }
0x8a: {  	v3 =	vld [tilespmem:s29+$0x3C00]  }
0x8b: {  	v4 =	vld [tilespmem:s29+$0x3C10]  }
0x8c: {  	v2 =	vld [tilespmem:s29+$0x3C20];
	_ =	sdelay $0x1  }
0x8d: {  	v5 =	vand.u32 $0xFFFF0000, v1  }
0x8e: {  	v1 =	vshll.u32 v1, $0x10;
	v6 =	vshll.u32 v3, $0x10;
	[tilespmem:s29+$0x7430] =	vst v5  }
0x8f: {  	s7 =	simm.s32 $0x40;
	s18 =	simm.s32 $0x200;
	v3 =	vand.u32 $0xFFFF0000, v3;
	[tilespmem:s29+$0x5800] =	vst v6;
	v5 =	vshll.u32 v4, $0x10;
	v4 =	vand.u32 $0xFFFF0000, v4  }
.LBB2_11:
0x90: {  	p0 =	sne.s32 s18, $0xF00;
	v6 =	vld [tilespmem:s7+$0x3C30];
	[tilespmem:s29+$0x7400] =	vst v3;
	v3 =	vshll.u32 v2, $0x10;
	v7 =	vand.u32 $0xFFFF0000, v2  }
0x91: {  	v8 =	vld [tilespmem:s7+$0x3C00];
	[tilespmem:s29+$0x5810] =	vst v5  }
0x92: {  	v9 =	vld [tilespmem:s7+$0x3C10];
	[tilespmem:s29+$0x7410] =	vst v4  }
.Ltmp4:
0x93: {  	v2 =	vld [tilespmem:s7+$0x3C20];
	[tilespmem:s29+$0x5820] =	vst v3;
	(pc) =	sbr.rel @p0 .LBB2_11-.Ltmp4, $4  }
0x94: {  	[tilespmem:s29+$0x7420] =	vst v7  }
0x95: {  	v4 =	vand.u32 $0xFFFF0000, v6;
	[tilespmem:s29+$0x5830] =	vst v1;
	v1 =	vshll.u32 v6, $0x10;
	s29 =	smov.u32 s7  }
0x96: {  	v5 =	vshll.u32 v8, $0x10;
	v3 =	vand.u32 $0xFFFF0000, v8;
	[tilespmem:s29+$0x7430] =	vst v4  }
0x97: {  	s7 =	sshra.s32 s18, $0x2;
	s18 =	sadd.s32 $0x100, s18;
	[tilespmem:s29+$0x5800] =	vst v5;
	v5 =	vshll.u32 v9, $0x10;
	v4 =	vand.u32 $0xFFFF0000, v9  }
0x98: {  	v6 =	vld [tilespmem:s7+$0x3C30];
	[tilespmem:s29+$0x7400] =	vst v3  }
0x99: {  	v3 =	vld [tilespmem:s7+$0x3C00];
	[tilespmem:s29+$0x5810] =	vst v5  }
0x9a: {  	v5 =	vld [tilespmem:s7+$0x3C10];
	[tilespmem:s29+$0x7410] =	vst v4;
	v4 =	vshll.u32 v2, $0x10  }
0x9b: {  	v2 =	vand.u32 $0xFFFF0000, v2;
	v7 =	vld [tilespmem:s7+$0x3C20];
	[tilespmem:s29+$0x5820] =	vst v4  }
0x9c: {  	[tilespmem:s29+$0x7420] =	vst v2  }
0x9d: {  	[tilespmem:s29+$0x5830] =	vst v1;
	v2 =	vand.u32 $0xFFFF0000, v6  }
0x9e: {  	v1 =	vshll.u32 v3, $0x10;
	[tilespmem:s7+$0x7430] =	vst v2  }
0x9f: {  	v2 =	vand.u32 $0xFFFF0000, v3;
	[tilespmem:s7+$0x5800] =	vst v1  }
0xa0: {  	v1 =	vshll.u32 v5, $0x10;
	[tilespmem:s7+$0x7400] =	vst v2  }
0xa1: {  	v2 =	vand.u32 $0xFFFF0000, v5;
	[tilespmem:s7+$0x5810] =	vst v1  }
0xa2: {  	v1 =	vshll.u32 v7, $0x10;
	[tilespmem:s7+$0x7410] =	vst v2  }
0xa3: {  	v2 =	vand.u32 $0xFFFF0000, v7;
	[tilespmem:s7+$0x5820] =	vst v1  }
0xa4: {  	v1 =	vshll.u32 v6, $0x10;
	[tilespmem:s7+$0x7420] =	vst v2  }
0xa5: {  	s18 =	simm.s32 $0x5800;
	[tilespmem:s7+$0x5830] =	vst v1;
	s7 =	simm.s32 $0x2000  }
0xa6: {  	[spmem:s1] =	stream.indirect.scatter.add.f32 [tilespmem:s18], [sflag:$0x2], $0x1, s7, s20, $0xb8;
	[tilespmem:$0xD550] =	vst v63  }
0xa7: {  	s18 =	simm.s32 $0x7400  }
0xa8: {  	[spmem:s3] =	stream.indirect.scatter.add.f32 [tilespmem:s18], [sflag:$0x2], $0x1, s7, s20, $0xb8;
	[tilespmem:$0xD550] =	vst v63  }
0xa9: {  	s7 =	simm.s32 $0x2080;
	s18 =	simm.s32 $0x5880  }
0xaa: {  	[spmem:s1] =	stream.indirect.scatter.add.f32 [tilespmem:s18], [sflag:$0x2], $0x1, s7, s20, $0xb8;
	[tilespmem:$0xD550] =	vst v63  }
0xab: {  	s18 =	simm.s32 $0x7480  }
0xac: {  	[spmem:s3] =	stream.indirect.scatter.add.f32 [tilespmem:s18], [sflag:$0x2], $0x1, s7, s20, $0xb8;
	[tilespmem:$0xD550] =	vst v63  }
0xad: {  	s7 =	simm.s32 $0x2100;
	s18 =	simm.s32 $0x5900  }
0xae: {  	[spmem:s1] =	stream.indirect.scatter.add.f32 [tilespmem:s18], [sflag:$0x2], $0x1, s7, s20, $0xb8;
	[tilespmem:$0xD550] =	vst v63  }
0xaf: {  	s18 =	simm.s32 $0x7500  }
0xb0: {  	[spmem:s3] =	stream.indirect.scatter.add.f32 [tilespmem:s18], [sflag:$0x2], $0x1, s7, s20, $0xb8;
	[tilespmem:$0xD550] =	vst v63  }
0xb1: {  	s7 =	simm.s32 $0x2180;
	s18 =	simm.s32 $0x5980  }
0xb2: {  	[spmem:s1] =	stream.indirect.scatter.add.f32 [tilespmem:s18], [sflag:$0x2], $0x1, s7, s20, $0xb8;
	[tilespmem:$0xD550] =	vst v63  }
0xb3: {  	s18 =	simm.s32 $0x7580  }
0xb4: {  	[spmem:s3] =	stream.indirect.scatter.add.f32 [tilespmem:s18], [sflag:$0x2], $0x1, s7, s20, $0xb8;
	[tilespmem:$0xD550] =	vst v63  }
0xb5: {  	s7 =	simm.s32 $0x2200;
	s18 =	simm.s32 $0x5A00  }
0xb6: {  	[spmem:s1] =	stream.indirect.scatter.add.f32 [tilespmem:s18], [sflag:$0x2], $0x1, s7, s20, $0xb8;
	[tilespmem:$0xD550] =	vst v63  }
0xb7: {  	s18 =	simm.s32 $0x7600  }
0xb8: {  	[spmem:s3] =	stream.indirect.scatter.add.f32 [tilespmem:s18], [sflag:$0x2], $0x1, s7, s20, $0xb8;
	[tilespmem:$0xD550] =	vst v63  }
0xb9: {  	s7 =	simm.s32 $0x2280;
	s18 =	simm.s32 $0x5A80  }
0xba: {  	[spmem:s1] =	stream.indirect.scatter.add.f32 [tilespmem:s18], [sflag:$0x2], $0x1, s7, s20, $0xb8;
	[tilespmem:$0xD550] =	vst v63  }
0xbb: {  	s18 =	simm.s32 $0x7680  }
0xbc: {  	[spmem:s3] =	stream.indirect.scatter.add.f32 [tilespmem:s18], [sflag:$0x2], $0x1, s7, s20, $0xb8;
	[tilespmem:$0xD550] =	vst v63  }
0xbd: {  	s7 =	simm.s32 $0x2300;
	s18 =	simm.s32 $0x5B00  }
0xbe: {  	[spmem:s1] =	stream.indirect.scatter.add.f32 [tilespmem:s18], [sflag:$0x2], $0x1, s7, s20, $0xb8;
	[tilespmem:$0xD550] =	vst v63  }
0xbf: {  	s18 =	simm.s32 $0x7700  }
0xc0: {  	[spmem:s3] =	stream.indirect.scatter.add.f32 [tilespmem:s18], [sflag:$0x2], $0x1, s7, s20, $0xb8;
	[tilespmem:$0xD550] =	vst v63  }
0xc1: {  	s7 =	simm.s32 $0x2380;
	s18 =	simm.s32 $0x5B80  }
0xc2: {  	[spmem:s1] =	stream.indirect.scatter.add.f32 [tilespmem:s18], [sflag:$0x2], $0x1, s7, s20, $0xb8;
	[tilespmem:$0xD550] =	vst v63  }
0xc3: {  	s29 =	simm.s32 $0x0;
	s18 =	simm.s32 $0x7780  }
0xc4: {  	[spmem:s3] =	stream.indirect.scatter.add.f32 [tilespmem:s18], [sflag:$0x2], $0x1, s7, s20, $0xb8;
	[tilespmem:$0xD550] =	vst v63  }
0xc5: {  	v1 =	vld [tilespmem:s29+$0x4030]  }
0xc6: {  	v3 =	vld [tilespmem:s29+$0x4000]  }
0xc7: {  	v4 =	vld [tilespmem:s29+$0x4010]  }
0xc8: {  	v2 =	vld [tilespmem:s29+$0x4020];
	_ =	sdelay $0x1  }
0xc9: {  	v5 =	vand.u32 $0xFFFF0000, v1  }
0xca: {  	v1 =	vshll.u32 v1, $0x10;
	v6 =	vshll.u32 v3, $0x10;
	[tilespmem:s29+$0x7830] =	vst v5  }
0xcb: {  	s7 =	simm.s32 $0x40;
	s18 =	simm.s32 $0x200;
	v3 =	vand.u32 $0xFFFF0000, v3;
	[tilespmem:s29+$0x5C00] =	vst v6;
	v5 =	vshll.u32 v4, $0x10;
	v4 =	vand.u32 $0xFFFF0000, v4  }
.LBB2_13:
0xcc: {  	p0 =	sne.s32 s18, $0xF00;
	v6 =	vld [tilespmem:s7+$0x4030];
	[tilespmem:s29+$0x7800] =	vst v3;
	v3 =	vshll.u32 v2, $0x10;
	v7 =	vand.u32 $0xFFFF0000, v2  }
0xcd: {  	v8 =	vld [tilespmem:s7+$0x4000];
	[tilespmem:s29+$0x5C10] =	vst v5  }
0xce: {  	v9 =	vld [tilespmem:s7+$0x4010];
	[tilespmem:s29+$0x7810] =	vst v4  }
.Ltmp5:
0xcf: {  	v2 =	vld [tilespmem:s7+$0x4020];
	[tilespmem:s29+$0x5C20] =	vst v3;
	(pc) =	sbr.rel @p0 .LBB2_13-.Ltmp5, $4  }
0xd0: {  	[tilespmem:s29+$0x7820] =	vst v7  }
0xd1: {  	v4 =	vand.u32 $0xFFFF0000, v6;
	[tilespmem:s29+$0x5C30] =	vst v1;
	v1 =	vshll.u32 v6, $0x10;
	s29 =	smov.u32 s7  }
0xd2: {  	v5 =	vshll.u32 v8, $0x10;
	v3 =	vand.u32 $0xFFFF0000, v8;
	[tilespmem:s29+$0x7830] =	vst v4  }
0xd3: {  	s7 =	sshra.s32 s18, $0x2;
	s18 =	sadd.s32 $0x100, s18;
	[tilespmem:s29+$0x5C00] =	vst v5;
	v5 =	vshll.u32 v9, $0x10;
	v4 =	vand.u32 $0xFFFF0000, v9  }
0xd4: {  	v6 =	vld [tilespmem:s7+$0x4030];
	[tilespmem:s29+$0x7800] =	vst v3  }
0xd5: {  	v3 =	vld [tilespmem:s7+$0x4000];
	[tilespmem:s29+$0x5C10] =	vst v5  }
0xd6: {  	v5 =	vld [tilespmem:s7+$0x4010];
	[tilespmem:s29+$0x7810] =	vst v4;
	v4 =	vshll.u32 v2, $0x10  }
0xd7: {  	v2 =	vand.u32 $0xFFFF0000, v2;
	v7 =	vld [tilespmem:s7+$0x4020];
	[tilespmem:s29+$0x5C20] =	vst v4  }
0xd8: {  	[tilespmem:s29+$0x7820] =	vst v2  }
0xd9: {  	[tilespmem:s29+$0x5C30] =	vst v1;
	v2 =	vand.u32 $0xFFFF0000, v6  }
0xda: {  	v1 =	vshll.u32 v3, $0x10;
	[tilespmem:s7+$0x7830] =	vst v2  }
0xdb: {  	v2 =	vand.u32 $0xFFFF0000, v3;
	[tilespmem:s7+$0x5C00] =	vst v1  }
0xdc: {  	v1 =	vshll.u32 v5, $0x10;
	[tilespmem:s7+$0x7800] =	vst v2  }
0xdd: {  	v2 =	vand.u32 $0xFFFF0000, v5;
	[tilespmem:s7+$0x5C10] =	vst v1  }
0xde: {  	v1 =	vshll.u32 v7, $0x10;
	[tilespmem:s7+$0x7810] =	vst v2  }
0xdf: {  	v2 =	vand.u32 $0xFFFF0000, v7;
	[tilespmem:s7+$0x5C20] =	vst v1  }
0xe0: {  	v1 =	vshll.u32 v6, $0x10;
	[tilespmem:s7+$0x7820] =	vst v2  }
0xe1: {  	s18 =	simm.s32 $0x5C00;
	[tilespmem:s7+$0x5C30] =	vst v1;
	s7 =	simm.s32 $0x2400  }
0xe2: {  	[spmem:s1] =	stream.indirect.scatter.add.f32 [tilespmem:s18], [sflag:$0x2], $0x1, s7, s20, $0xb8;
	[tilespmem:$0xD550] =	vst v63  }
0xe3: {  	s18 =	simm.s32 $0x7800  }
0xe4: {  	[spmem:s3] =	stream.indirect.scatter.add.f32 [tilespmem:s18], [sflag:$0x2], $0x1, s7, s20, $0xb8;
	[tilespmem:$0xD550] =	vst v63  }
0xe5: {  	s7 =	simm.s32 $0x2480;
	s18 =	simm.s32 $0x5C80  }
0xe6: {  	[spmem:s1] =	stream.indirect.scatter.add.f32 [tilespmem:s18], [sflag:$0x2], $0x1, s7, s20, $0xb8;
	[tilespmem:$0xD550] =	vst v63  }
0xe7: {  	s18 =	simm.s32 $0x7880  }
0xe8: {  	[spmem:s3] =	stream.indirect.scatter.add.f32 [tilespmem:s18], [sflag:$0x2], $0x1, s7, s20, $0xb8;
	[tilespmem:$0xD550] =	vst v63  }
0xe9: {  	s7 =	simm.s32 $0x2500;
	s18 =	simm.s32 $0x5D00  }
0xea: {  	[spmem:s1] =	stream.indirect.scatter.add.f32 [tilespmem:s18], [sflag:$0x2], $0x1, s7, s20, $0xb8;
	[tilespmem:$0xD550] =	vst v63  }
0xeb: {  	s18 =	simm.s32 $0x7900  }
0xec: {  	[spmem:s3] =	stream.indirect.scatter.add.f32 [tilespmem:s18], [sflag:$0x2], $0x1, s7, s20, $0xb8;
	[tilespmem:$0xD550] =	vst v63  }
0xed: {  	s7 =	simm.s32 $0x2580;
	s18 =	simm.s32 $0x5D80  }
0xee: {  	[spmem:s1] =	stream.indirect.scatter.add.f32 [tilespmem:s18], [sflag:$0x2], $0x1, s7, s20, $0xb8;
	[tilespmem:$0xD550] =	vst v63  }
0xef: {  	s18 =	simm.s32 $0x7980  }
0xf0: {  	[spmem:s3] =	stream.indirect.scatter.add.f32 [tilespmem:s18], [sflag:$0x2], $0x1, s7, s20, $0xb8;
	[tilespmem:$0xD550] =	vst v63  }
0xf1: {  	s7 =	simm.s32 $0x2600;
	s18 =	simm.s32 $0x5E00  }
0xf2: {  	[spmem:s1] =	stream.indirect.scatter.add.f32 [tilespmem:s18], [sflag:$0x2], $0x1, s7, s20, $0xb8;
	[tilespmem:$0xD550] =	vst v63  }
0xf3: {  	s18 =	simm.s32 $0x7A00  }
0xf4: {  	[spmem:s3] =	stream.indirect.scatter.add.f32 [tilespmem:s18], [sflag:$0x2], $0x1, s7, s20, $0xb8;
	[tilespmem:$0xD550] =	vst v63  }
0xf5: {  	s7 =	simm.s32 $0x2680;
	s18 =	simm.s32 $0x5E80  }
0xf6: {  	[spmem:s1] =	stream.indirect.scatter.add.f32 [tilespmem:s18], [sflag:$0x2], $0x1, s7, s20, $0xb8;
	[tilespmem:$0xD550] =	vst v63  }
0xf7: {  	s18 =	simm.s32 $0x7A80  }
0xf8: {  	[spmem:s3] =	stream.indirect.scatter.add.f32 [tilespmem:s18], [sflag:$0x2], $0x1, s7, s20, $0xb8;
	[tilespmem:$0xD550] =	vst v63  }
0xf9: {  	s7 =	simm.s32 $0x2700;
	s18 =	simm.s32 $0x5F00  }
0xfa: {  	[spmem:s1] =	stream.indirect.scatter.add.f32 [tilespmem:s18], [sflag:$0x2], $0x1, s7, s20, $0xb8;
	[tilespmem:$0xD550] =	vst v63  }
0xfb: {  	s18 =	simm.s32 $0x7B00  }
0xfc: {  	[spmem:s3] =	stream.indirect.scatter.add.f32 [tilespmem:s18], [sflag:$0x2], $0x1, s7, s20, $0xb8;
	[tilespmem:$0xD550] =	vst v63  }
0xfd: {  	s7 =	simm.s32 $0x2780;
	s18 =	simm.s32 $0x5F80  }
0xfe: {  	[spmem:s1] =	stream.indirect.scatter.add.f32 [tilespmem:s18], [sflag:$0x2], $0x1, s7, s20, $0xb8;
	[tilespmem:$0xD550] =	vst v63  }
0xff: {  	s29 =	simm.s32 $0x0;
	s18 =	simm.s32 $0x7B80  }
0x100: {  	[spmem:s3] =	stream.indirect.scatter.add.f32 [tilespmem:s18], [sflag:$0x2], $0x1, s7, s20, $0xb8;
	[tilespmem:$0xD550] =	vst v63  }
0x101: {  	v1 =	vld [tilespmem:s29+$0x4430]  }
0x102: {  	v3 =	vld [tilespmem:s29+$0x4400]  }
0x103: {  	v4 =	vld [tilespmem:s29+$0x4410]  }
0x104: {  	v2 =	vld [tilespmem:s29+$0x4420];
	_ =	sdelay $0x1  }
0x105: {  	v5 =	vand.u32 $0xFFFF0000, v1  }
0x106: {  	v1 =	vshll.u32 v1, $0x10;
	v6 =	vshll.u32 v3, $0x10;
	[tilespmem:s29+$0x7C30] =	vst v5  }
0x107: {  	s7 =	simm.s32 $0x40;
	s18 =	simm.s32 $0x200;
	v3 =	vand.u32 $0xFFFF0000, v3;
	[tilespmem:s29+$0x6000] =	vst v6;
	v5 =	vshll.u32 v4, $0x10;
	v4 =	vand.u32 $0xFFFF0000, v4  }
.LBB2_15:
0x108: {  	p0 =	sne.s32 s18, $0xF00;
	v6 =	vld [tilespmem:s7+$0x4430];
	[tilespmem:s29+$0x7C00] =	vst v3;
	v3 =	vshll.u32 v2, $0x10;
	v7 =	vand.u32 $0xFFFF0000, v2  }
0x109: {  	v8 =	vld [tilespmem:s7+$0x4400];
	[tilespmem:s29+$0x6010] =	vst v5  }
0x10a: {  	v9 =	vld [tilespmem:s7+$0x4410];
	[tilespmem:s29+$0x7C10] =	vst v4  }
.Ltmp6:
0x10b: {  	v2 =	vld [tilespmem:s7+$0x4420];
	[tilespmem:s29+$0x6020] =	vst v3;
	(pc) =	sbr.rel @p0 .LBB2_15-.Ltmp6, $4  }
0x10c: {  	[tilespmem:s29+$0x7C20] =	vst v7  }
0x10d: {  	v4 =	vand.u32 $0xFFFF0000, v6;
	[tilespmem:s29+$0x6030] =	vst v1;
	v1 =	vshll.u32 v6, $0x10;
	s29 =	smov.u32 s7  }
0x10e: {  	v5 =	vshll.u32 v8, $0x10;
	v3 =	vand.u32 $0xFFFF0000, v8;
	[tilespmem:s29+$0x7C30] =	vst v4  }
0x10f: {  	s7 =	sshra.s32 s18, $0x2;
	s18 =	sadd.s32 $0x100, s18;
	[tilespmem:s29+$0x6000] =	vst v5;
	v5 =	vshll.u32 v9, $0x10;
	v4 =	vand.u32 $0xFFFF0000, v9  }
0x110: {  	v6 =	vld [tilespmem:s7+$0x4430];
	[tilespmem:s29+$0x7C00] =	vst v3  }
0x111: {  	v3 =	vld [tilespmem:s7+$0x4400];
	[tilespmem:s29+$0x6010] =	vst v5  }
0x112: {  	v5 =	vld [tilespmem:s7+$0x4410];
	[tilespmem:s29+$0x7C10] =	vst v4;
	v4 =	vshll.u32 v2, $0x10  }
0x113: {  	v2 =	vand.u32 $0xFFFF0000, v2;
	v7 =	vld [tilespmem:s7+$0x4420];
	[tilespmem:s29+$0x6020] =	vst v4  }
0x114: {  	[tilespmem:s29+$0x7C20] =	vst v2  }
0x115: {  	[tilespmem:s29+$0x6030] =	vst v1;
	v2 =	vand.u32 $0xFFFF0000, v6  }
0x116: {  	v1 =	vshll.u32 v3, $0x10;
	[tilespmem:s7+$0x7C30] =	vst v2  }
0x117: {  	v2 =	vand.u32 $0xFFFF0000, v3;
	[tilespmem:s7+$0x6000] =	vst v1  }
0x118: {  	v1 =	vshll.u32 v5, $0x10;
	[tilespmem:s7+$0x7C00] =	vst v2  }
0x119: {  	v2 =	vand.u32 $0xFFFF0000, v5;
	[tilespmem:s7+$0x6010] =	vst v1  }
0x11a: {  	v1 =	vshll.u32 v7, $0x10;
	[tilespmem:s7+$0x7C10] =	vst v2  }
0x11b: {  	v2 =	vand.u32 $0xFFFF0000, v7;
	[tilespmem:s7+$0x6020] =	vst v1  }
0x11c: {  	v1 =	vshll.u32 v6, $0x10;
	[tilespmem:s7+$0x7C20] =	vst v2  }
0x11d: {  	s18 =	simm.s32 $0x6000;
	[tilespmem:s7+$0x6030] =	vst v1;
	s7 =	simm.s32 $0x2800  }
0x11e: {  	[spmem:s1] =	stream.indirect.scatter.add.f32 [tilespmem:s18], [sflag:$0x2], $0x1, s7, s20, $0xb8;
	[tilespmem:$0xD550] =	vst v63  }
0x11f: {  	s18 =	simm.s32 $0x7C00  }
0x120: {  	[spmem:s3] =	stream.indirect.scatter.add.f32 [tilespmem:s18], [sflag:$0x2], $0x1, s7, s20, $0xb8;
	[tilespmem:$0xD550] =	vst v63  }
0x121: {  	s7 =	simm.s32 $0x2880;
	s18 =	simm.s32 $0x6080  }
0x122: {  	[spmem:s1] =	stream.indirect.scatter.add.f32 [tilespmem:s18], [sflag:$0x2], $0x1, s7, s20, $0xb8;
	[tilespmem:$0xD550] =	vst v63  }
0x123: {  	s18 =	simm.s32 $0x7C80  }
0x124: {  	[spmem:s3] =	stream.indirect.scatter.add.f32 [tilespmem:s18], [sflag:$0x2], $0x1, s7, s20, $0xb8;
	[tilespmem:$0xD550] =	vst v63  }
0x125: {  	s7 =	simm.s32 $0x2900;
	s18 =	simm.s32 $0x6100  }
0x126: {  	[spmem:s1] =	stream.indirect.scatter.add.f32 [tilespmem:s18], [sflag:$0x2], $0x1, s7, s20, $0xb8;
	[tilespmem:$0xD550] =	vst v63  }
0x127: {  	s18 =	simm.s32 $0x7D00  }
0x128: {  	[spmem:s3] =	stream.indirect.scatter.add.f32 [tilespmem:s18], [sflag:$0x2], $0x1, s7, s20, $0xb8;
	[tilespmem:$0xD550] =	vst v63  }
0x129: {  	s7 =	simm.s32 $0x2980;
	s18 =	simm.s32 $0x6180  }
0x12a: {  	[spmem:s1] =	stream.indirect.scatter.add.f32 [tilespmem:s18], [sflag:$0x2], $0x1, s7, s20, $0xb8;
	[tilespmem:$0xD550] =	vst v63  }
0x12b: {  	s18 =	simm.s32 $0x7D80  }
0x12c: {  	[spmem:s3] =	stream.indirect.scatter.add.f32 [tilespmem:s18], [sflag:$0x2], $0x1, s7, s20, $0xb8;
	[tilespmem:$0xD550] =	vst v63  }
0x12d: {  	s7 =	simm.s32 $0x2A00;
	s18 =	simm.s32 $0x6200  }
0x12e: {  	[spmem:s1] =	stream.indirect.scatter.add.f32 [tilespmem:s18], [sflag:$0x2], $0x1, s7, s20, $0xb8;
	[tilespmem:$0xD550] =	vst v63  }
0x12f: {  	s18 =	simm.s32 $0x7E00  }
0x130: {  	[spmem:s3] =	stream.indirect.scatter.add.f32 [tilespmem:s18], [sflag:$0x2], $0x1, s7, s20, $0xb8;
	[tilespmem:$0xD550] =	vst v63  }
0x131: {  	s7 =	simm.s32 $0x2A80;
	s18 =	simm.s32 $0x6280  }
0x132: {  	[spmem:s1] =	stream.indirect.scatter.add.f32 [tilespmem:s18], [sflag:$0x2], $0x1, s7, s20, $0xb8;
	[tilespmem:$0xD550] =	vst v63  }
0x133: {  	s18 =	simm.s32 $0x7E80  }
0x134: {  	[spmem:s3] =	stream.indirect.scatter.add.f32 [tilespmem:s18], [sflag:$0x2], $0x1, s7, s20, $0xb8;
	[tilespmem:$0xD550] =	vst v63  }
0x135: {  	s7 =	simm.s32 $0x2B00;
	s18 =	simm.s32 $0x6300  }
0x136: {  	[spmem:s1] =	stream.indirect.scatter.add.f32 [tilespmem:s18], [sflag:$0x2], $0x1, s7, s20, $0xb8;
	[tilespmem:$0xD550] =	vst v63  }
0x137: {  	s18 =	simm.s32 $0x7F00  }
0x138: {  	[spmem:s3] =	stream.indirect.scatter.add.f32 [tilespmem:s18], [sflag:$0x2], $0x1, s7, s20, $0xb8;
	[tilespmem:$0xD550] =	vst v63  }
0x139: {  	s7 =	simm.s32 $0x2B80;
	s18 =	simm.s32 $0x6380  }
0x13a: {  	[spmem:s1] =	stream.indirect.scatter.add.f32 [tilespmem:s18], [sflag:$0x2], $0x1, s7, s20, $0xb8;
	[tilespmem:$0xD550] =	vst v63  }
0x13b: {  	s29 =	simm.s32 $0x0;
	s18 =	simm.s32 $0x7F80  }
0x13c: {  	[spmem:s3] =	stream.indirect.scatter.add.f32 [tilespmem:s18], [sflag:$0x2], $0x1, s7, s20, $0xb8;
	[tilespmem:$0xD550] =	vst v63  }
0x13d: {  	v1 =	vld [tilespmem:s29+$0x4830]  }
0x13e: {  	v3 =	vld [tilespmem:s29+$0x4800]  }
0x13f: {  	v4 =	vld [tilespmem:s29+$0x4810]  }
0x140: {  	v2 =	vld [tilespmem:s29+$0x4820];
	_ =	sdelay $0x1  }
0x141: {  	v5 =	vand.u32 $0xFFFF0000, v1  }
0x142: {  	v1 =	vshll.u32 v1, $0x10;
	v6 =	vshll.u32 v3, $0x10;
	[tilespmem:s29+$0x8030] =	vst v5  }
0x143: {  	s7 =	simm.s32 $0x40;
	s18 =	simm.s32 $0x200;
	v3 =	vand.u32 $0xFFFF0000, v3;
	[tilespmem:s29+$0x6400] =	vst v6;
	v5 =	vshll.u32 v4, $0x10;
	v4 =	vand.u32 $0xFFFF0000, v4  }
.LBB2_17:
0x144: {  	p0 =	sne.s32 s18, $0xF00;
	v6 =	vld [tilespmem:s7+$0x4830];
	[tilespmem:s29+$0x8000] =	vst v3;
	v3 =	vshll.u32 v2, $0x10;
	v7 =	vand.u32 $0xFFFF0000, v2  }
0x145: {  	v8 =	vld [tilespmem:s7+$0x4800];
	[tilespmem:s29+$0x6410] =	vst v5  }
0x146: {  	v9 =	vld [tilespmem:s7+$0x4810];
	[tilespmem:s29+$0x8010] =	vst v4  }
.Ltmp7:
0x147: {  	v2 =	vld [tilespmem:s7+$0x4820];
	[tilespmem:s29+$0x6420] =	vst v3;
	(pc) =	sbr.rel @p0 .LBB2_17-.Ltmp7, $4  }
0x148: {  	[tilespmem:s29+$0x8020] =	vst v7  }
0x149: {  	v4 =	vand.u32 $0xFFFF0000, v6;
	[tilespmem:s29+$0x6430] =	vst v1;
	v1 =	vshll.u32 v6, $0x10;
	s29 =	smov.u32 s7  }
0x14a: {  	v5 =	vshll.u32 v8, $0x10;
	v3 =	vand.u32 $0xFFFF0000, v8;
	[tilespmem:s29+$0x8030] =	vst v4  }
0x14b: {  	s7 =	sshra.s32 s18, $0x2;
	s18 =	sadd.s32 $0x100, s18;
	[tilespmem:s29+$0x6400] =	vst v5;
	v5 =	vshll.u32 v9, $0x10;
	v4 =	vand.u32 $0xFFFF0000, v9  }
0x14c: {  	v6 =	vld [tilespmem:s7+$0x4830];
	[tilespmem:s29+$0x8000] =	vst v3  }
0x14d: {  	v3 =	vld [tilespmem:s7+$0x4800];
	[tilespmem:s29+$0x6410] =	vst v5  }
0x14e: {  	v5 =	vld [tilespmem:s7+$0x4810];
	[tilespmem:s29+$0x8010] =	vst v4;
	v4 =	vshll.u32 v2, $0x10  }
0x14f: {  	v2 =	vand.u32 $0xFFFF0000, v2;
	v7 =	vld [tilespmem:s7+$0x4820];
	[tilespmem:s29+$0x6420] =	vst v4  }
0x150: {  	[tilespmem:s29+$0x8020] =	vst v2  }
0x151: {  	[tilespmem:s29+$0x6430] =	vst v1;
	v2 =	vand.u32 $0xFFFF0000, v6  }
0x152: {  	v1 =	vshll.u32 v3, $0x10;
	[tilespmem:s7+$0x8030] =	vst v2  }
0x153: {  	v2 =	vand.u32 $0xFFFF0000, v3;
	[tilespmem:s7+$0x6400] =	vst v1  }
0x154: {  	v1 =	vshll.u32 v5, $0x10;
	[tilespmem:s7+$0x8000] =	vst v2  }
0x155: {  	v2 =	vand.u32 $0xFFFF0000, v5;
	[tilespmem:s7+$0x6410] =	vst v1  }
0x156: {  	v1 =	vshll.u32 v7, $0x10;
	[tilespmem:s7+$0x8010] =	vst v2  }
0x157: {  	v2 =	vand.u32 $0xFFFF0000, v7;
	[tilespmem:s7+$0x6420] =	vst v1  }
0x158: {  	v1 =	vshll.u32 v6, $0x10;
	[tilespmem:s7+$0x8020] =	vst v2  }
0x159: {  	s18 =	simm.s32 $0x6400;
	[tilespmem:s7+$0x6430] =	vst v1;
	s7 =	simm.s32 $0x2C00  }
0x15a: {  	[spmem:s1] =	stream.indirect.scatter.add.f32 [tilespmem:s18], [sflag:$0x2], $0x1, s7, s20, $0xb8;
	[tilespmem:$0xD550] =	vst v63  }
0x15b: {  	s18 =	simm.s32 $0x8000  }
0x15c: {  	[spmem:s3] =	stream.indirect.scatter.add.f32 [tilespmem:s18], [sflag:$0x2], $0x1, s7, s20, $0xb8;
	[tilespmem:$0xD550] =	vst v63  }
0x15d: {  	s7 =	simm.s32 $0x2C80;
	s18 =	simm.s32 $0x6480  }
0x15e: {  	[spmem:s1] =	stream.indirect.scatter.add.f32 [tilespmem:s18], [sflag:$0x2], $0x1, s7, s20, $0xb8;
	[tilespmem:$0xD550] =	vst v63  }
0x15f: {  	s18 =	simm.s32 $0x8080  }
0x160: {  	[spmem:s3] =	stream.indirect.scatter.add.f32 [tilespmem:s18], [sflag:$0x2], $0x1, s7, s20, $0xb8;
	[tilespmem:$0xD550] =	vst v63  }
0x161: {  	s7 =	simm.s32 $0x2D00;
	s18 =	simm.s32 $0x6500  }
0x162: {  	[spmem:s1] =	stream.indirect.scatter.add.f32 [tilespmem:s18], [sflag:$0x2], $0x1, s7, s20, $0xb8;
	[tilespmem:$0xD550] =	vst v63  }
0x163: {  	s18 =	simm.s32 $0x8100  }
0x164: {  	[spmem:s3] =	stream.indirect.scatter.add.f32 [tilespmem:s18], [sflag:$0x2], $0x1, s7, s20, $0xb8;
	[tilespmem:$0xD550] =	vst v63  }
0x165: {  	s7 =	simm.s32 $0x2D80;
	s18 =	simm.s32 $0x6580  }
0x166: {  	[spmem:s1] =	stream.indirect.scatter.add.f32 [tilespmem:s18], [sflag:$0x2], $0x1, s7, s20, $0xb8;
	[tilespmem:$0xD550] =	vst v63  }
0x167: {  	s18 =	simm.s32 $0x8180  }
0x168: {  	[spmem:s3] =	stream.indirect.scatter.add.f32 [tilespmem:s18], [sflag:$0x2], $0x1, s7, s20, $0xb8;
	[tilespmem:$0xD550] =	vst v63  }
0x169: {  	s7 =	simm.s32 $0x2E00;
	s18 =	simm.s32 $0x6600  }
0x16a: {  	[spmem:s1] =	stream.indirect.scatter.add.f32 [tilespmem:s18], [sflag:$0x2], $0x1, s7, s20, $0xb8;
	[tilespmem:$0xD550] =	vst v63  }
0x16b: {  	s18 =	simm.s32 $0x8200  }
0x16c: {  	[spmem:s3] =	stream.indirect.scatter.add.f32 [tilespmem:s18], [sflag:$0x2], $0x1, s7, s20, $0xb8;
	[tilespmem:$0xD550] =	vst v63  }
0x16d: {  	s7 =	simm.s32 $0x2E80;
	s18 =	simm.s32 $0x6680  }
0x16e: {  	[spmem:s1] =	stream.indirect.scatter.add.f32 [tilespmem:s18], [sflag:$0x2], $0x1, s7, s20, $0xb8;
	[tilespmem:$0xD550] =	vst v63  }
0x16f: {  	s18 =	simm.s32 $0x8280  }
0x170: {  	[spmem:s3] =	stream.indirect.scatter.add.f32 [tilespmem:s18], [sflag:$0x2], $0x1, s7, s20, $0xb8;
	[tilespmem:$0xD550] =	vst v63  }
0x171: {  	s7 =	simm.s32 $0x2F00;
	s18 =	simm.s32 $0x6700  }
0x172: {  	[spmem:s1] =	stream.indirect.scatter.add.f32 [tilespmem:s18], [sflag:$0x2], $0x1, s7, s20, $0xb8;
	[tilespmem:$0xD550] =	vst v63  }
0x173: {  	s18 =	simm.s32 $0x8300  }
0x174: {  	[spmem:s3] =	stream.indirect.scatter.add.f32 [tilespmem:s18], [sflag:$0x2], $0x1, s7, s20, $0xb8;
	[tilespmem:$0xD550] =	vst v63  }
0x175: {  	s18 =	simm.s32 $0x6780  }
0x176: {  	[spmem:s1] =	stream.indirect.scatter.add.f32 [tilespmem:s18], [sflag:$0x2], $0x1, s5, s20, $0xb8;
	[tilespmem:$0xD550] =	vst v63  }
0x177: {  	s29 =	simm.s32 $0x0;
	s18 =	simm.s32 $0x8380  }
0x178: {  	[spmem:s3] =	stream.indirect.scatter.add.f32 [tilespmem:s18], [sflag:$0x2], $0x1, s5, s20, $0xb8;
	[tilespmem:$0xD550] =	vst v63  }
0x179: {  	v1 =	vld [tilespmem:s29+$0x4C30]  }
0x17a: {  	v3 =	vld [tilespmem:s29+$0x4C00]  }
0x17b: {  	v4 =	vld [tilespmem:s29+$0x4C10]  }
0x17c: {  	v2 =	vld [tilespmem:s29+$0x4C20];
	_ =	sdelay $0x1  }
0x17d: {  	v5 =	vand.u32 $0xFFFF0000, v1  }
0x17e: {  	v1 =	vshll.u32 v1, $0x10;
	v6 =	vshll.u32 v3, $0x10;
	[tilespmem:s29+$0x8430] =	vst v5  }
0x17f: {  	s7 =	simm.s32 $0x40;
	s18 =	simm.s32 $0x200;
	v3 =	vand.u32 $0xFFFF0000, v3;
	[tilespmem:s29+$0x6800] =	vst v6;
	v5 =	vshll.u32 v4, $0x10;
	v4 =	vand.u32 $0xFFFF0000, v4  }
.LBB2_19:
0x180: {  	p0 =	sne.s32 s18, $0xF00;
	v6 =	vld [tilespmem:s7+$0x4C30];
	[tilespmem:s29+$0x8400] =	vst v3;
	v3 =	vshll.u32 v2, $0x10;
	v7 =	vand.u32 $0xFFFF0000, v2  }
0x181: {  	v8 =	vld [tilespmem:s7+$0x4C00];
	[tilespmem:s29+$0x6810] =	vst v5  }
0x182: {  	v9 =	vld [tilespmem:s7+$0x4C10];
	[tilespmem:s29+$0x8410] =	vst v4  }
.Ltmp8:
0x183: {  	v2 =	vld [tilespmem:s7+$0x4C20];
	[tilespmem:s29+$0x6820] =	vst v3;
	(pc) =	sbr.rel @p0 .LBB2_19-.Ltmp8, $4  }
0x184: {  	[tilespmem:s29+$0x8420] =	vst v7  }
0x185: {  	v4 =	vand.u32 $0xFFFF0000, v6;
	[tilespmem:s29+$0x6830] =	vst v1;
	v1 =	vshll.u32 v6, $0x10;
	s29 =	smov.u32 s7  }
0x186: {  	v5 =	vshll.u32 v8, $0x10;
	v3 =	vand.u32 $0xFFFF0000, v8;
	[tilespmem:s29+$0x8430] =	vst v4  }
0x187: {  	s7 =	sshra.s32 s18, $0x2;
	s18 =	sadd.s32 $0x100, s18;
	[tilespmem:s29+$0x6800] =	vst v5;
	v5 =	vshll.u32 v9, $0x10;
	v4 =	vand.u32 $0xFFFF0000, v9  }
0x188: {  	v6 =	vld [tilespmem:s7+$0x4C30];
	[tilespmem:s29+$0x8400] =	vst v3  }
0x189: {  	v3 =	vld [tilespmem:s7+$0x4C00];
	[tilespmem:s29+$0x6810] =	vst v5  }
0x18a: {  	v5 =	vld [tilespmem:s7+$0x4C10];
	[tilespmem:s29+$0x8410] =	vst v4;
	v4 =	vshll.u32 v2, $0x10  }
0x18b: {  	v2 =	vand.u32 $0xFFFF0000, v2;
	v7 =	vld [tilespmem:s7+$0x4C20];
	[tilespmem:s29+$0x6820] =	vst v4  }
0x18c: {  	[tilespmem:s29+$0x8420] =	vst v2  }
0x18d: {  	[tilespmem:s29+$0x6830] =	vst v1;
	v2 =	vand.u32 $0xFFFF0000, v6  }
0x18e: {  	v1 =	vshll.u32 v3, $0x10;
	[tilespmem:s7+$0x8430] =	vst v2  }
0x18f: {  	v2 =	vand.u32 $0xFFFF0000, v3;
	[tilespmem:s7+$0x6800] =	vst v1  }
0x190: {  	v1 =	vshll.u32 v5, $0x10;
	[tilespmem:s7+$0x8400] =	vst v2  }
0x191: {  	v2 =	vand.u32 $0xFFFF0000, v5;
	[tilespmem:s7+$0x6810] =	vst v1  }
0x192: {  	v1 =	vshll.u32 v7, $0x10;
	[tilespmem:s7+$0x8410] =	vst v2  }
0x193: {  	v2 =	vand.u32 $0xFFFF0000, v7;
	[tilespmem:s7+$0x6820] =	vst v1  }
0x194: {  	v1 =	vshll.u32 v6, $0x10;
	[tilespmem:s7+$0x8420] =	vst v2  }
0x195: {  	s18 =	simm.s32 $0x6800;
	[tilespmem:s7+$0x6830] =	vst v1  }
0x196: {  	[spmem:s1] =	stream.indirect.scatter.add.f32 [tilespmem:s18], [sflag:$0x2], $0x1, s25, s20, $0xb8;
	[tilespmem:$0xD550] =	vst v63  }
0x197: {  	s18 =	simm.s32 $0x8400  }
0x198: {  	[spmem:s3] =	stream.indirect.scatter.add.f32 [tilespmem:s18], [sflag:$0x2], $0x1, s25, s20, $0xb8;
	[tilespmem:$0xD550] =	vst v63  }
0x199: {  	s18 =	simm.s32 $0x6880  }
0x19a: {  	[spmem:s1] =	stream.indirect.scatter.add.f32 [tilespmem:s18], [sflag:$0x2], $0x1, s15, s20, $0xb8;
	[tilespmem:$0xD550] =	vst v63  }
0x19b: {  	s18 =	simm.s32 $0x8480  }
0x19c: {  	[spmem:s3] =	stream.indirect.scatter.add.f32 [tilespmem:s18], [sflag:$0x2], $0x1, s15, s20, $0xb8;
	[tilespmem:$0xD550] =	vst v63  }
0x19d: {  	s18 =	simm.s32 $0x6900  }
0x19e: {  	[spmem:s1] =	stream.indirect.scatter.add.f32 [tilespmem:s18], [sflag:$0x2], $0x1, s31, s20, $0xb8;
	[tilespmem:$0xD550] =	vst v63  }
0x19f: {  	s18 =	simm.s32 $0x8500  }
0x1a0: {  	[spmem:s3] =	stream.indirect.scatter.add.f32 [tilespmem:s18], [sflag:$0x2], $0x1, s31, s20, $0xb8;
	[tilespmem:$0xD550] =	vst v63  }
0x1a1: {  	s18 =	simm.s32 $0x6980  }
0x1a2: {  	[spmem:s1] =	stream.indirect.scatter.add.f32 [tilespmem:s18], [sflag:$0x2], $0x1, s13, s20, $0xb8;
	[tilespmem:$0xD550] =	vst v63  }
0x1a3: {  	s18 =	simm.s32 $0x8580  }
0x1a4: {  	[spmem:s3] =	stream.indirect.scatter.add.f32 [tilespmem:s18], [sflag:$0x2], $0x1, s13, s20, $0xb8;
	[tilespmem:$0xD550] =	vst v63  }
0x1a5: {  	s18 =	simm.s32 $0x6A00  }
0x1a6: {  	[spmem:s1] =	stream.indirect.scatter.add.f32 [tilespmem:s18], [sflag:$0x2], $0x1, s22, s20, $0xb8;
	[tilespmem:$0xD550] =	vst v63  }
0x1a7: {  	s18 =	simm.s32 $0x8600  }
0x1a8: {  	[spmem:s3] =	stream.indirect.scatter.add.f32 [tilespmem:s18], [sflag:$0x2], $0x1, s22, s20, $0xb8;
	[tilespmem:$0xD550] =	vst v63  }
0x1a9: {  	s18 =	simm.s32 $0x6A80  }
0x1aa: {  	[spmem:s1] =	stream.indirect.scatter.add.f32 [tilespmem:s18], [sflag:$0x2], $0x1, s16, s20, $0xb8;
	[tilespmem:$0xD550] =	vst v63  }
0x1ab: {  	s18 =	simm.s32 $0x8680  }
0x1ac: {  	[spmem:s3] =	stream.indirect.scatter.add.f32 [tilespmem:s18], [sflag:$0x2], $0x1, s16, s20, $0xb8;
	[tilespmem:$0xD550] =	vst v63  }
0x1ad: {  	s18 =	simm.s32 $0x6B00  }
0x1ae: {  	[spmem:s1] =	stream.indirect.scatter.add.f32 [tilespmem:s18], [sflag:$0x2], $0x1, s6, s20, $0xb8;
	[tilespmem:$0xD550] =	vst v63  }
0x1af: {  	s18 =	simm.s32 $0x8700  }
0x1b0: {  	[spmem:s3] =	stream.indirect.scatter.add.f32 [tilespmem:s18], [sflag:$0x2], $0x1, s6, s20, $0xb8;
	[tilespmem:$0xD550] =	vst v63  }
0x1b1: {  	s18 =	simm.s32 $0x6B80  }
0x1b2: {  	[spmem:s1] =	stream.indirect.scatter.add.f32 [tilespmem:s18], [sflag:$0x2], $0x1, s11, s20, $0xb8;
	[tilespmem:$0xD550] =	vst v63  }
0x1b3: {  	s29 =	simm.s32 $0x0;
	s18 =	simm.s32 $0x8780  }
0x1b4: {  	[spmem:s3] =	stream.indirect.scatter.add.f32 [tilespmem:s18], [sflag:$0x2], $0x1, s11, s20, $0xb8;
	[tilespmem:$0xD550] =	vst v63  }
0x1b5: {  	v1 =	vld [tilespmem:s29+$0x5030]  }
0x1b6: {  	v3 =	vld [tilespmem:s29+$0x5000]  }
0x1b7: {  	v4 =	vld [tilespmem:s29+$0x5010]  }
0x1b8: {  	v2 =	vld [tilespmem:s29+$0x5020];
	_ =	sdelay $0x1  }
0x1b9: {  	v5 =	vand.u32 $0xFFFF0000, v1  }
0x1ba: {  	v1 =	vshll.u32 v1, $0x10;
	v6 =	vshll.u32 v3, $0x10;
	[tilespmem:s29+$0x8830] =	vst v5  }
0x1bb: {  	s7 =	simm.s32 $0x40;
	s18 =	simm.s32 $0x200;
	v3 =	vand.u32 $0xFFFF0000, v3;
	[tilespmem:s29+$0x6C00] =	vst v6;
	v5 =	vshll.u32 v4, $0x10;
	v4 =	vand.u32 $0xFFFF0000, v4  }
.LBB2_21:
0x1bc: {  	p0 =	sne.s32 s18, $0xF00;
	v6 =	vld [tilespmem:s7+$0x5030];
	[tilespmem:s29+$0x8800] =	vst v3;
	v3 =	vshll.u32 v2, $0x10;
	v7 =	vand.u32 $0xFFFF0000, v2  }
0x1bd: {  	v8 =	vld [tilespmem:s7+$0x5000];
	[tilespmem:s29+$0x6C10] =	vst v5  }
0x1be: {  	v9 =	vld [tilespmem:s7+$0x5010];
	[tilespmem:s29+$0x8810] =	vst v4  }
.Ltmp9:
0x1bf: {  	v2 =	vld [tilespmem:s7+$0x5020];
	[tilespmem:s29+$0x6C20] =	vst v3;
	(pc) =	sbr.rel @p0 .LBB2_21-.Ltmp9, $4  }
0x1c0: {  	[tilespmem:s29+$0x8820] =	vst v7  }
0x1c1: {  	v4 =	vand.u32 $0xFFFF0000, v6;
	[tilespmem:s29+$0x6C30] =	vst v1;
	v1 =	vshll.u32 v6, $0x10;
	s29 =	smov.u32 s7  }
0x1c2: {  	v5 =	vshll.u32 v8, $0x10;
	v3 =	vand.u32 $0xFFFF0000, v8;
	[tilespmem:s29+$0x8830] =	vst v4  }
0x1c3: {  	s7 =	sshra.s32 s18, $0x2;
	s18 =	sadd.s32 $0x100, s18;
	[tilespmem:s29+$0x6C00] =	vst v5;
	v5 =	vshll.u32 v9, $0x10;
	v4 =	vand.u32 $0xFFFF0000, v9  }
0x1c4: {  	v6 =	vld [tilespmem:s7+$0x5030];
	[tilespmem:s29+$0x8800] =	vst v3  }
0x1c5: {  	v3 =	vld [tilespmem:s7+$0x5000];
	[tilespmem:s29+$0x6C10] =	vst v5  }
0x1c6: {  	v63 =	vshll.u32 v2, $0x10;
	v5 =	vld [tilespmem:s7+$0x5010];
	[tilespmem:s29+$0x8810] =	vst v4  }
0x1c7: {  	v2 =	vand.u32 $0xFFFF0000, v2;
	v7 =	vld [tilespmem:s7+$0x5020];
	[tilespmem:s29+$0x6C20] =	vst v63  }
0x1c8: {  	[tilespmem:s29+$0x8820] =	vst v2  }
0x1c9: {  	[tilespmem:s29+$0x6C30] =	vst v1;
	v1 =	vand.u32 $0xFFFF0000, v6  }
0x1ca: {  	v2 =	vshll.u32 v3, $0x10;
	[tilespmem:s7+$0x8830] =	vst v1  }
0x1cb: {  	v1 =	vand.u32 $0xFFFF0000, v3;
	[tilespmem:s7+$0x6C00] =	vst v2  }
0x1cc: {  	v2 =	vshll.u32 v5, $0x10;
	[tilespmem:s7+$0x8800] =	vst v1  }
0x1cd: {  	v1 =	vand.u32 $0xFFFF0000, v5;
	[tilespmem:s7+$0x6C10] =	vst v2  }
0x1ce: {  	v2 =	vshll.u32 v7, $0x10;
	[tilespmem:s7+$0x8810] =	vst v1  }
0x1cf: {  	v1 =	vand.u32 $0xFFFF0000, v7;
	[tilespmem:s7+$0x6C20] =	vst v2  }
0x1d0: {  	v2 =	vshll.u32 v6, $0x10;
	[tilespmem:s7+$0x8820] =	vst v1  }
0x1d1: {  	s18 =	simm.s32 $0x6C00;
	[tilespmem:s7+$0x6C30] =	vst v2  }
0x1d2: {  	[spmem:s1] =	stream.indirect.scatter.add.f32 [tilespmem:s18], [sflag:$0x2], $0x1, s12, s20, $0xb8;
	[tilespmem:$0xD550] =	vst v63  }
0x1d3: {  	s29 =	simm.s32 $0x8800  }
0x1d4: {  	[spmem:s3] =	stream.indirect.scatter.add.f32 [tilespmem:s29], [sflag:$0x2], $0x1, s12, s20, $0xb8;
	[tilespmem:$0xD550] =	vst v63  }
0x1d5: {  	s18 =	simm.s32 $0x6C80  }
0x1d6: {  	[spmem:s1] =	stream.indirect.scatter.add.f32 [tilespmem:s18], [sflag:$0x2], $0x1, s23, s20, $0xb8;
	[tilespmem:$0xD550] =	vst v63  }
0x1d7: {  	s29 =	simm.s32 $0x8880  }
0x1d8: {  	[spmem:s3] =	stream.indirect.scatter.add.f32 [tilespmem:s29], [sflag:$0x2], $0x1, s23, s20, $0xb8;
	[tilespmem:$0xD550] =	vst v63  }
0x1d9: {  	s18 =	simm.s32 $0x6D00  }
0x1da: {  	[spmem:s1] =	stream.indirect.scatter.add.f32 [tilespmem:s18], [sflag:$0x2], $0x1, s26, s20, $0xb8;
	[tilespmem:$0xD550] =	vst v63  }
0x1db: {  	s29 =	simm.s32 $0x8900  }
0x1dc: {  	[spmem:s3] =	stream.indirect.scatter.add.f32 [tilespmem:s29], [sflag:$0x2], $0x1, s26, s20, $0xb8;
	[tilespmem:$0xD550] =	vst v63  }
0x1dd: {  	s18 =	simm.s32 $0x6D80  }
0x1de: {  	[spmem:s1] =	stream.indirect.scatter.add.f32 [tilespmem:s18], [sflag:$0x2], $0x1, s30, s20, $0xb8;
	[tilespmem:$0xD550] =	vst v63  }
0x1df: {  	s29 =	simm.s32 $0x8980  }
0x1e0: {  	[spmem:s3] =	stream.indirect.scatter.add.f32 [tilespmem:s29], [sflag:$0x2], $0x1, s30, s20, $0xb8;
	[tilespmem:$0xD550] =	vst v63  }
0x1e1: {  	s18 =	simm.s32 $0x6E00  }
0x1e2: {  	[spmem:s1] =	stream.indirect.scatter.add.f32 [tilespmem:s18], [sflag:$0x2], $0x1, s0, s20, $0xb8;
	[tilespmem:$0xD550] =	vst v63  }
0x1e3: {  	s29 =	simm.s32 $0x8A00  }
0x1e4: {  	[spmem:s3] =	stream.indirect.scatter.add.f32 [tilespmem:s29], [sflag:$0x2], $0x1, s0, s20, $0xb8;
	[tilespmem:$0xD550] =	vst v63  }
0x1e5: {  	s18 =	simm.s32 $0x6E80  }
0x1e6: {  	[spmem:s1] =	stream.indirect.scatter.add.f32 [tilespmem:s18], [sflag:$0x2], $0x1, s9, s20, $0xb8;
	[tilespmem:$0xD550] =	vst v63  }
0x1e7: {  	s29 =	simm.s32 $0x8A80  }
0x1e8: {  	[spmem:s3] =	stream.indirect.scatter.add.f32 [tilespmem:s29], [sflag:$0x2], $0x1, s9, s20, $0xb8;
	[tilespmem:$0xD550] =	vst v63  }
0x1e9: {  	s18 =	simm.s32 $0x6F00  }
0x1ea: {  	[spmem:s1] =	stream.indirect.scatter.add.f32 [tilespmem:s18], [sflag:$0x2], $0x1, s14, s20, $0xb8;
	[tilespmem:$0xD550] =	vst v63  }
0x1eb: {  	s29 =	simm.s32 $0x8B00  }
0x1ec: {  	[spmem:s3] =	stream.indirect.scatter.add.f32 [tilespmem:s29], [sflag:$0x2], $0x1, s14, s20, $0xb8;
	[tilespmem:$0xD550] =	vst v63  }
0x1ed: {  	s18 =	simm.s32 $0x6F80  }
0x1ee: {  	[spmem:s1] =	stream.indirect.scatter.add.f32 [tilespmem:s18], [sflag:$0x2], $0x1, s8, s20, $0xb8;
	[tilespmem:$0xD550] =	vst v63  }
0x1ef: {  	s10 =	sadd.s32 $0x1, s10;
	s29 =	simm.s32 $0x8B80  }
0x1f0: {  	[spmem:s3] =	stream.indirect.scatter.add.f32 [tilespmem:s29], [sflag:$0x2], $0x1, s8, s20, $0xb8;
	[tilespmem:$0xD550] =	vst v63  }
0x1f1: {  	p0 =	sne.s32 s10, $0x7;
	_ =	swait.ge [sflag:s28], $0x1C00  }
.Ltmp10:
0x1f2: {  	[sflag:s28] =	ssyncset.done $0x0;
	(pc) =	sbr.rel @p0 .LBB2_6-.Ltmp10, $4  }
0x1f3: {  	[sflag:s28] =	ssyncadd.s32 $0xFFFFE400  }
0x1f4: {  	_ =	swait.ge [sflag:s28], $0x1C00  }
0x1f5: {  	[sflag:s28] =	ssyncset.done $0x0  }
0x1f6: {  	[sflag:s28] =	ssyncadd.s32 $0xFFFFE400  }
0x1f7: {  	[bflag:$0x0] =	sbarrier.arrive $0xFFFF  }
0x1f8: {  	s18 =	simm.s32 $0x5400;
	s10 =	rddreg [dreg:$0x7]  }
0x1f9: {  	[tilespmem:s18], [sflag:$0x3] =	stream.linear.gather [spmem:s10], $0x1870, $0x38;
	[tilespmem:$0xD550] =	vst v63  }
0x1fa: {  	_ =	swait.ge [sflag:s17], $0x1870  }
0x1fb: {  	[sflag:s17] =	ssyncset.done $0x0  }
0x1fc: {  	s2 =	simm.s32 $0x0;
	s7 =	rddreg [dreg:$0xd];
	[sflag:s17] =	ssyncadd.s32 $0xFFFFE790  }
0x1fd: {  	[hbm4b:s7+s2] =	stream.linear.scatter [tilespmem:s18], [sflag:$0x3], $0x1870, $0x38;
	[tilespmem:$0xD550] =	vst v63  }
0x1fe: {  	_ =	swait.ge [sflag:s17], $0x1870  }
0x1ff: {  	[sflag:s17] =	ssyncset.done $0x0  }
0x200: {  	s29 =	simm.s32 $0x7000;
	s18 =	rddreg [dreg:$0x8];
	[sflag:s17] =	ssyncadd.s32 $0xFFFFE790  }
0x201: {  	[tilespmem:s29], [sflag:$0x3] =	stream.linear.gather [spmem:s18], $0x1870, $0x38;
	[tilespmem:$0xD550] =	vst v63  }
0x202: {  	_ =	swait.ge [sflag:s17], $0x1870  }
0x203: {  	[sflag:s17] =	ssyncset.done $0x0  }
0x204: {  	s7 =	rddreg [dreg:$0xe];
	[sflag:s17] =	ssyncadd.s32 $0xFFFFE790  }
0x205: {  	[hbm4b:s7+s2] =	stream.linear.scatter [tilespmem:s29], [sflag:$0x3], $0x1870, $0x38;
	[tilespmem:$0xD550] =	vst v63  }
0x206: {  	_ =	swait.ge [sflag:s17], $0x1870  }
0x207: {  	s2 =	rddreg [dreg:$0x10]  }
0x208: {  	s29 =	rddreg [dreg:$0xf];
	s7 =	sadd.s32 $0x1, s2  }
0x209: {  	p0 =	sne.s32 s7, s29  }
.Ltmp11:
0x20a: {  	_ = 	snop;
	(pc) =	sbr.rel @p0 .LBB2_1-.Ltmp11, $3  }
0x20b: {  	_ =	sdelay $0x1  }
0x20c: {  	[sflag:s17] =	ssyncset.done $0x0  }
0x20d: {  	s24 =	simm.s32 $0x5400;
	[sflag:s17] =	ssyncadd.s32 $0xFFFFE790  }
0x20e: {  	_ =	sfence.sel $0x180000  }
0x20f: {  	[bflag:$0x0] =	sbarrier.arrive $0xFFFF  }
0x210: {  	_ =	strace $0x9000004D  }
0x211: {  	s0 =	stileid.u32;
	[bflag:$0x2] =	sbarrier.arrive $0xFFFF  }
0x212: {  	p0 =	sne.s32 s0, $0x0;
	s0 =	rddreg [dreg:$0x5]  }
0x213: {  	s0 =	sadd.s32 @!p0 $0x100000, s0  }
0x214: {  	[sflag:s0] =	ssyncadd.tile.s32 @!p0 $0x1;
	_ =	shalt  }
.Lfunc_end2:
_tile_overlayer_lowered:
.L_overlay_start_2:
0x215: {  	(tag) =	ssettag $0x2  }
0x216: {  	s0 =	rddreg [dreg:$0x0];
	s2 =	stileid.u32  }
0x217: {  	s1 =	rddreg [dreg:$0x1];
	p0 =	sne.s32 s2, $0x0  }
0x218: {  	s3 =	rddreg [dreg:$0x2];
	[bflag:$0x3] =	sbarrier.arrive $0xFFFF;
	s2 =	simm.s32 @!p0 $0x1C03  }
0x219: {  	[timem:s3], [sflag:s2] =	dma.local @!p0 [hbm:s0], s1  }
0x21a: {  	s0 =	simm.s32 @!p0 $0x3  }
0x21b: {  	_ =	swait.ge @!p0 [sflag:s0], s1  }
0x21c: {  	s1 =	ssub.s32 @!p0 $0x0, s1;
	[sflag:s0] =	ssyncset.done @!p0 $0x0  }
0x21d: {  	[sflag:s0] =	ssyncadd.s32 @!p0 s1  }
0x21e: {  	[bflag:$0x3] =	sbarrier.arrive $0xFFFF  }
0x21f: {  	_ =	shalt  }

// kernel: kernel.8.cloned.1.call-start
scs
__scs_entry_jumppad:
0x0: {  	(pc) =	sbr.rel $0x88, $3  }
0x1: {  	(tag) =	ssettag $0x0;
	lr =	simm.s32 $0x1  }
0x2: {  	[smem:$0x3F9B] =	sst lr;
	_ =	strace $0xD0000000  }
0x3: {  	_ = 	snop  }
0x4: {  	_ = 	snop  }
0x5: {  	_ = 	snop  }
0x6: {  	_ = 	snop  }
0x7: {  	_ = 	snop  }
__scs_overlays_trampoline_lowered:
0x8: {  	[smem:$0x3FAA] =	sst s0  }
0x9: {  	[smem:$0x3FAB] =	sst s1  }
0xa: {  	[smem:$0x3FAC] =	sst s2  }
0xb: {  	[smem:$0x3FAD] =	sst s3  }
0xc: {  	[smem:$0x3FAE] =	sst s4  }
0xd: {  	[smem:$0x3FAF] =	sst s5  }
0xe: {  	[smem:$0x3FB0] =	sst s6  }
0xf: {  	[smem:$0x3FB1] =	sst s7  }
0x10: {  	[smem:$0x3FB2] =	sst s8  }
0x11: {  	[smem:$0x3FB3] =	sst s9;
	s0 =	simm.s32 @!p0 $0x0  }
0x12: {  	s1 =	sld [smem:$0x3F99];
	s0 =	simm.s32 @p0 $0x1  }
0x13: {  	[smem:$0x3FB4] =	sst s0;
	s0 =	simm.s32 @!p1 $0x0  }
0x14: {  	s2 =	sld [smem:$0x3F98];
	s0 =	simm.s32 @p1 $0x1  }
0x15: {  	[smem:$0x3FB5] =	sst s0;
	s0 =	simm.s32 @!p2 $0x0  }
0x16: {  	s3 =	sld [smem:$0x3FDB];
	s0 =	simm.s32 @p2 $0x1  }
0x17: {  	s4 =	simm.s32 $0x1BF5;
	[smem:$0x3FB7] =	sst s0  }
0x18: {  	s0 =	sld [smem:$0x3F9A];
	_ =	swait.ge [sflag:s4], $0x0  }
0x19: {  	s7 =	sld [smem:$0x3F9B]  }
0x1a: {  	s8 =	sadd.s32 $0xFFFFE003, lr  }
0x1b: {  	s9 =	sadd.s32 $0xFFFFFEF7, lr;
	s5 =	simm.s32 $0xFFFFFFFF;
	p2 =	slt.u32 s8, $0xFFFFF086  }
0x1c: {  	p1 =	slt.u32 s9, $0xF7A;
	s5 =	simm.s32 @!p2 $0x0  }
0x1d: {  	s5 =	simm.s32 @p1 $0x1;
	p0 =	seq.s32 s7, s2  }
0x1e: {  	s7 =	smul.u32 @!p0 $0xF7A, s2;
	p2 =	seq.s32 @!p0 s5, $0x0  }
0x1f: {  	s9 =	smul.u32 $0xF7A, s1;
	s8 =	simm.s32 @!p0 $0x1BF5;
	p2 =	por !p2, p0  }
0x20: {  	[sflag:s8] =	ssyncset.s32 @!p0 $0xFFFFF086;
	s6 =	sadd.s32 @!p0 s3, s7;
	s7 =	simm.s32 @!p0 $0x108  }
0x21: {  	s3 =	sadd.s32 s3, s9;
	s6 =	sadd.s32 @!p0 $0x88, s6;
	s7 =	simm.s32 @p2 $0x1082  }
0x22: {  	[simem:s7], [sflag:s8] =	dma.local @!p0 [hbm:s6], $0xF7A  }
0x23: {  	s9 =	sor.u32 $0xD0000000, s2;
	s6 =	simm.s32 $0x108;
	_ =	swait.ge @!p0 [sflag:s8], $0x0  }
0x24: {  	s3 =	sadd.s32 $0x88, s3;
	s6 =	simm.s32 @!p1 $0x1082;
	[sflag:s4] =	ssyncset.s32 $0xFFFFF086  }
0x25: {  	[simem:s6], [sflag:s4] =	dma.local [hbm:s3], $0xF7A  }
0x26: {  	[smem:$0x3F9B] =	sst s1;
	(tag) =	ssettag s2;
	_ =	strace s9  }
0x27: {  	s1 =	sld [smem:$0x3FAB]  }
0x28: {  	s2 =	sld [smem:$0x3FAC]  }
0x29: {  	s4 =	sld [smem:$0x3FAE]  }
0x2a: {  	p0 =	seq.s32 s5, $0x0;
	s5 =	sld [smem:$0x3FAF]  }
0x2b: {  	s6 =	sld [smem:$0x3FB0]  }
0x2c: {  	s7 =	sld [smem:$0x3FB1]  }
0x2d: {  	s3 =	simm.s32 $0x108;
	s8 =	sld [smem:$0x3FB2]  }
0x2e: {  	s3 =	simm.s32 @!p0 $0x1082;
	s9 =	sld [smem:$0x3FB3]  }
0x2f: {  	lr =	sadd.s32 s0, s3;
	s0 =	sld [smem:$0x3FAA]  }
0x30: {  	s3 =	sld [smem:$0x3FAD]  }
0x31: {  	[smem:$0x3FB6] =	sst s10  }
0x32: {  	s10 =	sld [smem:$0x3FB4];
	_ =	sdelay $0x3  }
0x33: {  	p0 =	seq.s32 s10, $0x1;
	s10 =	sld [smem:$0x3FB6];
	_ =	sdelay $0x3  }
0x34: {  	[smem:$0x3FB6] =	sst s10  }
0x35: {  	s10 =	sld [smem:$0x3FB5];
	_ =	sdelay $0x3  }
0x36: {  	p1 =	seq.s32 s10, $0x1;
	s10 =	sld [smem:$0x3FB6];
	_ =	sdelay $0x3  }
0x37: {  	[smem:$0x3FB6] =	sst s10  }
0x38: {  	s10 =	sld [smem:$0x3FB7]  }
0x39: {  	_ = 	snop;
	(pc) =	sbr.ind lr, $3  }
0x3a: {  	_ = 	snop  }
0x3b: {  	_ = 	snop  }
0x3c: {  	p2 =	seq.s32 s10, $0x1;
	s10 =	sld [smem:$0x3FB6]  }
0x3d: {  	_ =	shalt  }
0x3e: {  	_ =	shalt  }
0x3f: {  	_ =	shalt  }
0x40: {  	_ =	shalt  }
0x41: {  	_ =	shalt  }
0x42: {  	_ =	shalt  }
0x43: {  	_ =	shalt  }
0x44: {  	_ =	shalt  }
0x45: {  	_ =	shalt  }
0x46: {  	_ =	shalt  }
0x47: {  	_ =	shalt  }
0x48: {  	_ =	shalt  }
0x49: {  	_ =	shalt  }
0x4a: {  	_ =	shalt  }
0x4b: {  	_ =	shalt  }
0x4c: {  	_ =	shalt  }
0x4d: {  	_ =	shalt  }
0x4e: {  	_ =	shalt  }
0x4f: {  	_ =	shalt  }
0x50: {  	_ =	shalt  }
0x51: {  	_ =	shalt  }
0x52: {  	_ =	shalt  }
0x53: {  	_ =	shalt  }
0x54: {  	_ =	shalt  }
0x55: {  	_ =	shalt  }
0x56: {  	_ =	shalt  }
0x57: {  	_ =	shalt  }
0x58: {  	_ =	shalt  }
0x59: {  	_ =	shalt  }
0x5a: {  	_ =	shalt  }
0x5b: {  	_ =	shalt  }
0x5c: {  	_ =	shalt  }
0x5d: {  	_ =	shalt  }
0x5e: {  	_ =	shalt  }
0x5f: {  	_ =	shalt  }
0x60: {  	_ =	shalt  }
0x61: {  	_ =	shalt  }
0x62: {  	_ =	shalt  }
0x63: {  	_ =	shalt  }
0x64: {  	_ =	shalt  }
0x65: {  	_ =	shalt  }
0x66: {  	_ =	shalt  }
0x67: {  	_ =	shalt  }
0x68: {  	_ =	shalt  }
0x69: {  	_ =	shalt  }
0x6a: {  	_ =	shalt  }
0x6b: {  	_ =	shalt  }
0x6c: {  	_ =	shalt  }
0x6d: {  	_ =	shalt  }
0x6e: {  	_ =	shalt  }
0x6f: {  	_ =	shalt  }
0x70: {  	_ =	shalt  }
0x71: {  	_ =	shalt  }
0x72: {  	_ =	shalt  }
0x73: {  	_ =	shalt  }
0x74: {  	_ =	shalt  }
0x75: {  	_ =	shalt  }
0x76: {  	_ =	shalt  }
0x77: {  	_ =	shalt  }
0x78: {  	_ =	shalt  }
0x79: {  	_ =	shalt  }
0x7a: {  	_ =	shalt  }
0x7b: {  	_ =	shalt  }
0x7c: {  	_ =	shalt  }
0x7d: {  	_ =	shalt  }
0x7e: {  	_ =	shalt  }
0x7f: {  	_ =	shalt  }
0x80: {  	_ =	shalt  }
0x81: {  	_ =	shalt  }
0x82: {  	_ =	shalt  }
0x83: {  	_ =	shalt  }
0x84: {  	_ =	shalt  }
0x85: {  	_ =	shalt  }
0x86: {  	_ =	shalt  }
0x87: {  	_ =	shalt  }
.Lfunc_end0:
.L_simem_size_0:
called_computation_lowered:
.L_overlay_start_0:
0x88: {  	s2 =	sld [smem:$0x3FD9]  }
0x89: {  	s3 =	sld [smem:$0x3FFE];
	_ =	sdelay $0x1  }
0x8a: {  	s1 =	srdreg.scid  }
0x8b: {  	s0 =	sand.u32 $0x1, s1  }
0x8c: {  	s16 =	sshll.u32 s0, $0xA;
	s2 =	sadd.s32 s3, s2  }
0x8d: {  	s2 =	sadd.s32 s2, s16  }
0x8e: {  	[smem:$0x3FC2] =	sst s2  }
0x8f: {  	_ = 	snop  }
0x90: {  	(tm) =	ssettm $0x1  }
0x91: {  	s17 =	sld [smem:$0x3FFB];
	_ =	sdelay $0x3  }
0x92: {  	_ =	strace s17  }
0x93: {  	s2 =	sld [smem:$0x3FFC];
	_ =	sdelay $0x3  }
0x94: {  	_ =	strace s2  }
0x95: {  	s2 =	sld [smem:$0x3FFD];
	_ =	sdelay $0x3  }
0x96: {  	_ =	strace s2  }
0x97: {  	_ =	strace $0x8FFFFFFF  }
0x98: {  	s18 =	sld [smem:$0x3FDB];
	_ =	sdelay $0x1  }
0x99: {  	s19 =	simm.s32 $_scs_section_size  }
0x9a: {  	s4 =	simm.s32 $_size__tile_overlayer_lowered;
	s5 =	simm.s32 $_tile_overlayer_lowered  }
0x9b: {  	s22 =	simm.s32 $0x1BFF;
	s21 =	sshll.u32 s5, $0x1;
	s2 =	sadd.s32 s19, s18  }
0x9c: {  	s6 =	simm.s32 $0x0;
	s20 =	sshll.u32 s4, $0x1;
	s4 =	sadd.s32 s21, s2  }
0x9d: {  	[timem:s6], [sflag:s22] =	dma.local [hbm:s4], s20  }
0x9e: {  	_ =	swait.ge [sflag:s22], s20  }
0x9f: {  	s3 =	ssub.s32 $0x0, s20;
	[sflag:s22] =	ssyncset.done $0x0  }
0xa0: {  	[sflag:s22] =	ssyncadd.s32 s3;
	_ =	sdelay $0x1  }
0xa1: {  	s23 =	simm.s32 $0x1B8B  }
0xa2: {  	_ =	swait.ge [sflag:s23], $0x1  }
0xa3: {  	[sflag:s23] =	ssyncset.done $0x0  }
0xa4: {  	s25 =	simm.s32 $0x1B8E;
	s24 =	sld [smem:$0x3FFE];
	[sflag:s23] =	ssyncadd.s32 $0xFFFFFFFF  }
0xa5: {  	s26 =	simm.s32 $execute0_lowered;
	[smem:$0x3FD2] =	sst s25  }
0xa6: {  	s4 =	sshll.u32 s26, $0x1;
	_ =	strace $0x80000046;
	[dreg:$0x1] =	wrdreg $0xFFFFFFFF  }
0xa7: {  	s28 =	simm.s32 $_size_execute0_lowered;
	s2 =	sadd.s32 s2, s4;
	[dreg:$0x0] =	wrdreg $0x0  }
0xa8: {  	s4 =	sshll.u32 s28, $0x1;
	[dreg:$0x2] =	wrdreg s2  }
0xa9: {  	[dreg:$0x3] =	wrdreg s4  }
0xaa: {  	[dreg:$0x4] =	wrdreg $0xC0  }
0xab: {  	_ =	task [dreg:s6], $0x5FFFF  }
0xac: {  	[dreg:$0x1] =	wrdreg $0xFFFFFFFF  }
0xad: {  	[dreg:$0x0] =	wrdreg $0x60  }
0xae: {  	[dreg:$0x2] =	wrdreg s24  }
0xaf: {  	[dreg:$0x3] =	wrdreg $0x38800  }
0xb0: {  	[dreg:$0x4] =	wrdreg $0x9  }
0xb1: {  	_ =	task.clear_ibuf [dreg:s6], $0x5FFFF;
	_ =	strace $0x90000046  }
0xb2: {  	s29 =	simm.s32 $0x9;
	_ =	strace $0x80000048  }
0xb3: {  	_ =	swait.ge [sflag:s29], $0x1  }
0xb4: {  	[sflag:s29] =	ssyncadd.s32 $0xFFFFFFFF  }
0xb5: {  	_ =	strace $0x90000048  }
0xb6: {  	_ =	sfence  }
0xb7: {  	s30 =	sld [smem:$0x0];
	_ =	sdelay $0x2  }
0xb8: {  	s31 =	sshll.u32 s1, $0xD;
	s1 =	sshrl.u32 s1, $0x2  }
0xb9: {  	s3 =	sand.u32 $0x4000, s31;
	s1 =	sadd.s32 s1, s30  }
0xba: {  	s0 =	sor.u32 s3, s0;
	s1 =	sshll.u32 s1, $0x11  }
0xbb: {  	s0 =	sor.u32 s1, s0  }
0xbc: {  	s0 =	sadd.s32 $0x8F2B, s0  }
0xbd: {  	[sflag:s0] =	ssyncadd.remote.s32 $0x1  }
0xbe: {  	_ =	sfence.sel $0xFFFF  }
0xbf: {  	[dreg:$0x0] =	wrdreg $0xFFFFFFFF;
	(pc) =	sbr.abs _section_cstart, $3  }
0xc0: {  	[dreg:$0x1] =	wrdreg $0xFFFFFFFF  }
0xc1: {  	_ =	task.clear_ibuf [dreg:s6], $0x2FFFF;
	_ =	strace $0x9FFFFFFF  }
0xc2: {  	(tm) =	ssettm $0x7FFFFFFF  }
0xc3: {  	_ =	shalt  }
tec
execute0_lowered:
.L_overlay_start_1:
0x0: {  	(tag) =	ssettag $0x1  }
0x1: {  	s4 =	rddreg [dreg:$0x0]  }
0x2: {  	s2 =	rddreg [dreg:$0x1]  }
0x3: {  	s0 =	rddreg [dreg:$0x2];
	s3 =	srdreg.scid  }
0x4: {  	s1 =	stileid.u32;
	s14 =	simm.s32 $0x1C80;
	s15 =	simm.s32 $0x2  }
0x5: {  	s16 =	simm.s32 $0x80;
	s17 =	simm.s32 $0x1C00;
	s18 =	simm.s32 $0x1  }
0x6: {  	s5 =	sand.u32 $0x1, s3;
	s6 =	sshll.u32 s1, $0x1;
	s7 =	smul.u32 $0x1870, s1  }
0x7: {  	s3 =	simm.s32 $0x0;
	s6 =	sor.u32 s5, s6;
	s8 =	smul.u32 $0x18700, s5  }
0x8: {  	s19 =	simm.s32 $0x0;
	[smem:$0x7FF] =	sst s3;
	s6 =	smul.u32 $0x1880, s6  }
0x9: {  	s5 =	ssub.s32 $0x2, s5;
	_ =	strace $0x80000047;
	s8 =	sadd.s32 s7, s8  }
0xa: {  	s31 =	sshrl.u32 s5, $0x1;
	s13 =	sadd.s32 s6, s4;
	s30 =	sshrl.u32 s8, $0x3  }
0xb: {  	s8 =	ssub.s32 s5, s31;
	s6 =	sadd.s32 s30, s4;
	s4 =	sadd.s32 s7, s2  }
0xc: {  	s7 =	sadd.s32 $0x33200, s13;
	s9 =	sadd.s32 $0x33900, s13;
	s10 =	sadd.s32 $0x33C80, s13  }
0xd: {  	s11 =	sadd.s32 $0x34000, s13;
	s12 =	sadd.s32 $0x34380, s13;
	s5 =	sadd.s32 $0x64200, s6  }
0xe: {  	v0 =	vimm.f32 $1.000000000e+00;
	v1 =	vimm.f32 $0.0e+00;
	s6 =	smax.u32 s8, $0x1;
	s8 =	sadd.s32 $0x33580, s13;
	s13 =	sadd.s32 $0x34700, s13  }
.LBB2_1:
0xf: {  	[tilespmem:$0x1C00] =	vst v0  }
0x10: {  	[tilespmem:$0x1C10] =	vst v0  }
0x11: {  	[tilespmem:$0x1C20] =	vst v0  }
0x12: {  	[tilespmem:$0x1C30] =	vst v0  }
0x13: {  	[tilespmem:$0x1C40] =	vst v0  }
0x14: {  	[tilespmem:$0x1C50] =	vst v0  }
0x15: {  	[tilespmem:$0x1C60] =	vst v0  }
0x16: {  	[tilespmem:$0x1C70] =	vst v0;
	s20 =	simm.s32 $0x40;
	s21 =	simm.s32 $0x0  }
.LBB2_2:
0x17: {  	p0 =	sne.s32 s20, $0x6180;
	[tilespmem:s21+$0x1C80] =	vst v1;
	s21 =	smov.u32 s20;
	s20 =	sadd.s32 $0x40, s20  }
.Ltmp0:
0x18: {  	(pc) =	sbr.rel @p0 .LBB2_2-.Ltmp0, $2  }
0x19: {  	_ =	sdelay $0x2  }
0x1a: {  	s21 =	sshra.s32 s21, $0x2  }
0x1b: {  	[tilespmem:s21+$0x1C80] =	vst v1  }
0x1c: {  	[spmem:s4] =	stream.linear.scatter [tilespmem:s14], [sflag:$0x2], $0x1870, $0x38;
	[tilespmem:$0x50F0] =	vst v63  }
0x1d: {  	_ =	swait.ge [sflag:s15], $0x1870  }
0x1e: {  	[sflag:s15] =	ssyncset.done $0x0  }
0x1f: {  	[sflag:s15] =	ssyncadd.s32 $0xFFFFE790  }
0x20: {  	s20 =	simm.s32 $0x0;
	[bflag:$0x0] =	sbarrier.arrive $0xFFFF  }
0x21: {  	[tilespmem:s20], [sflag:$0x2] =	stream.linear.gather [hbm4b:s7+s20], $0x1C00, $0x38;
	[tilespmem:$0x50F0] =	vst v63  }
0x22: {  	_ =	swait.ge [sflag:s15], $0x1C00  }
0x23: {  	[sflag:s15] =	ssyncset.done $0x0  }
0x24: {  	s21 =	simm.s32 $0x0;
	s20 =	simm.s32 $0x200;
	[sflag:s15] =	ssyncadd.s32 $0xFFFFE400  }
.LBB2_4:
0x25: {  	[spmem:s2] =	stream.indirect.scatter.add.f32 [tilespmem:s17], [sflag:$0x1], $0x1, s21, s16, $0xb8;
	[tilespmem:$0x50F0] =	vst v63  }
0x26: {  	s21 =	smov.u32 s20;
	p0 =	sne.s32 s20, $0x6E00  }
.Ltmp1:
0x27: {  	s20 =	sadd.s32 $0x200, s20;
	(pc) =	sbr.rel @p0 .LBB2_4-.Ltmp1, $2  }
0x28: {  	_ =	sdelay $0x2  }
0x29: {  	s21 =	sshra.s32 s21, $0x2  }
0x2a: {  	[spmem:s2] =	stream.indirect.scatter.add.f32 [tilespmem:s17], [sflag:$0x1], $0x1, s21, s16, $0xb8;
	[tilespmem:$0x50F0] =	vst v63  }
0x2b: {  	_ =	swait.ge [sflag:s18], $0x1C00  }
0x2c: {  	[sflag:s18] =	ssyncset.done $0x0  }
0x2d: {  	s20 =	simm.s32 $0x0;
	[sflag:s18] =	ssyncadd.s32 $0xFFFFE400  }
0x2e: {  	[tilespmem:s20], [sflag:$0x2] =	stream.linear.gather [hbm4b:s8+s20], $0x1C00, $0x38;
	[tilespmem:$0x50F0] =	vst v63  }
0x2f: {  	_ =	swait.ge [sflag:s15], $0x1C00  }
0x30: {  	[sflag:s15] =	ssyncset.done $0x0  }
0x31: {  	s21 =	simm.s32 $0x0;
	s20 =	simm.s32 $0x200;
	[sflag:s15] =	ssyncadd.s32 $0xFFFFE400  }
.LBB2_6:
0x32: {  	[spmem:s2] =	stream.indirect.scatter.add.f32 [tilespmem:s17], [sflag:$0x1], $0x1, s21, s16, $0xb8;
	[tilespmem:$0x50F0] =	vst v63  }
0x33: {  	s21 =	smov.u32 s20;
	p0 =	sne.s32 s20, $0x6E00  }
.Ltmp2:
0x34: {  	s20 =	sadd.s32 $0x200, s20;
	(pc) =	sbr.rel @p0 .LBB2_6-.Ltmp2, $2  }
0x35: {  	_ =	sdelay $0x2  }
0x36: {  	s21 =	sshra.s32 s21, $0x2  }
0x37: {  	[spmem:s2] =	stream.indirect.scatter.add.f32 [tilespmem:s17], [sflag:$0x1], $0x1, s21, s16, $0xb8;
	[tilespmem:$0x50F0] =	vst v63  }
0x38: {  	_ =	swait.ge [sflag:s18], $0x1C00  }
0x39: {  	[sflag:s18] =	ssyncset.done $0x0  }
0x3a: {  	s20 =	simm.s32 $0x0;
	[sflag:s18] =	ssyncadd.s32 $0xFFFFE400  }
0x3b: {  	[tilespmem:s20], [sflag:$0x2] =	stream.linear.gather [hbm4b:s9+s20], $0x1C00, $0x38;
	[tilespmem:$0x50F0] =	vst v63  }
0x3c: {  	_ =	swait.ge [sflag:s15], $0x1C00  }
0x3d: {  	[sflag:s15] =	ssyncset.done $0x0  }
0x3e: {  	s21 =	simm.s32 $0x0;
	s20 =	simm.s32 $0x200;
	[sflag:s15] =	ssyncadd.s32 $0xFFFFE400  }
.LBB2_8:
0x3f: {  	[spmem:s2] =	stream.indirect.scatter.add.f32 [tilespmem:s17], [sflag:$0x1], $0x1, s21, s16, $0xb8;
	[tilespmem:$0x50F0] =	vst v63  }
0x40: {  	s21 =	smov.u32 s20;
	p0 =	sne.s32 s20, $0x6E00  }
.Ltmp3:
0x41: {  	s20 =	sadd.s32 $0x200, s20;
	(pc) =	sbr.rel @p0 .LBB2_8-.Ltmp3, $2  }
0x42: {  	_ =	sdelay $0x2  }
0x43: {  	s21 =	sshra.s32 s21, $0x2  }
0x44: {  	[spmem:s2] =	stream.indirect.scatter.add.f32 [tilespmem:s17], [sflag:$0x1], $0x1, s21, s16, $0xb8;
	[tilespmem:$0x50F0] =	vst v63  }
0x45: {  	_ =	swait.ge [sflag:s18], $0x1C00  }
0x46: {  	[sflag:s18] =	ssyncset.done $0x0  }
0x47: {  	s20 =	simm.s32 $0x0;
	[sflag:s18] =	ssyncadd.s32 $0xFFFFE400  }
0x48: {  	[tilespmem:s20], [sflag:$0x2] =	stream.linear.gather [hbm4b:s10+s20], $0x1C00, $0x38;
	[tilespmem:$0x50F0] =	vst v63  }
0x49: {  	_ =	swait.ge [sflag:s15], $0x1C00  }
0x4a: {  	[sflag:s15] =	ssyncset.done $0x0  }
0x4b: {  	s21 =	simm.s32 $0x0;
	s20 =	simm.s32 $0x200;
	[sflag:s15] =	ssyncadd.s32 $0xFFFFE400  }
.LBB2_10:
0x4c: {  	[spmem:s2] =	stream.indirect.scatter.add.f32 [tilespmem:s17], [sflag:$0x1], $0x1, s21, s16, $0xb8;
	[tilespmem:$0x50F0] =	vst v63  }
0x4d: {  	s21 =	smov.u32 s20;
	p0 =	sne.s32 s20, $0x6E00  }
.Ltmp4:
0x4e: {  	s20 =	sadd.s32 $0x200, s20;
	(pc) =	sbr.rel @p0 .LBB2_10-.Ltmp4, $2  }
0x4f: {  	_ =	sdelay $0x2  }
0x50: {  	s21 =	sshra.s32 s21, $0x2  }
0x51: {  	[spmem:s2] =	stream.indirect.scatter.add.f32 [tilespmem:s17], [sflag:$0x1], $0x1, s21, s16, $0xb8;
	[tilespmem:$0x50F0] =	vst v63  }
0x52: {  	_ =	swait.ge [sflag:s18], $0x1C00  }
0x53: {  	[sflag:s18] =	ssyncset.done $0x0  }
0x54: {  	s20 =	simm.s32 $0x0;
	[sflag:s18] =	ssyncadd.s32 $0xFFFFE400  }
0x55: {  	[tilespmem:s20], [sflag:$0x2] =	stream.linear.gather [hbm4b:s11+s20], $0x1C00, $0x38;
	[tilespmem:$0x50F0] =	vst v63  }
0x56: {  	_ =	swait.ge [sflag:s15], $0x1C00  }
0x57: {  	[sflag:s15] =	ssyncset.done $0x0  }
0x58: {  	s21 =	simm.s32 $0x0;
	s20 =	simm.s32 $0x200;
	[sflag:s15] =	ssyncadd.s32 $0xFFFFE400  }
.LBB2_12:
0x59: {  	[spmem:s2] =	stream.indirect.scatter.add.f32 [tilespmem:s17], [sflag:$0x1], $0x1, s21, s16, $0xb8;
	[tilespmem:$0x50F0] =	vst v63  }
0x5a: {  	s21 =	smov.u32 s20;
	p0 =	sne.s32 s20, $0x6E00  }
.Ltmp5:
0x5b: {  	s20 =	sadd.s32 $0x200, s20;
	(pc) =	sbr.rel @p0 .LBB2_12-.Ltmp5, $2  }
0x5c: {  	_ =	sdelay $0x2  }
0x5d: {  	s21 =	sshra.s32 s21, $0x2  }
0x5e: {  	[spmem:s2] =	stream.indirect.scatter.add.f32 [tilespmem:s17], [sflag:$0x1], $0x1, s21, s16, $0xb8;
	[tilespmem:$0x50F0] =	vst v63  }
0x5f: {  	_ =	swait.ge [sflag:s18], $0x1C00  }
0x60: {  	[sflag:s18] =	ssyncset.done $0x0  }
0x61: {  	s20 =	simm.s32 $0x0;
	[sflag:s18] =	ssyncadd.s32 $0xFFFFE400  }
0x62: {  	[tilespmem:s20], [sflag:$0x2] =	stream.linear.gather [hbm4b:s12+s20], $0x1C00, $0x38;
	[tilespmem:$0x50F0] =	vst v63  }
0x63: {  	_ =	swait.ge [sflag:s15], $0x1C00  }
0x64: {  	[sflag:s15] =	ssyncset.done $0x0  }
0x65: {  	s21 =	simm.s32 $0x0;
	s20 =	simm.s32 $0x200;
	[sflag:s15] =	ssyncadd.s32 $0xFFFFE400  }
.LBB2_14:
0x66: {  	[spmem:s2] =	stream.indirect.scatter.add.f32 [tilespmem:s17], [sflag:$0x1], $0x1, s21, s16, $0xb8;
	[tilespmem:$0x50F0] =	vst v63  }
0x67: {  	s21 =	smov.u32 s20;
	p0 =	sne.s32 s20, $0x6E00  }
.Ltmp6:
0x68: {  	s20 =	sadd.s32 $0x200, s20;
	(pc) =	sbr.rel @p0 .LBB2_14-.Ltmp6, $2  }
0x69: {  	_ =	sdelay $0x2  }
0x6a: {  	s21 =	sshra.s32 s21, $0x2  }
0x6b: {  	[spmem:s2] =	stream.indirect.scatter.add.f32 [tilespmem:s17], [sflag:$0x1], $0x1, s21, s16, $0xb8;
	[tilespmem:$0x50F0] =	vst v63  }
0x6c: {  	_ =	swait.ge [sflag:s18], $0x1C00  }
0x6d: {  	[sflag:s18] =	ssyncset.done $0x0  }
0x6e: {  	s20 =	simm.s32 $0x0;
	[sflag:s18] =	ssyncadd.s32 $0xFFFFE400  }
0x6f: {  	[tilespmem:s20], [sflag:$0x2] =	stream.linear.gather [hbm4b:s13+s20], $0x1C00, $0x38;
	[tilespmem:$0x50F0] =	vst v63  }
0x70: {  	_ =	swait.ge [sflag:s15], $0x1C00  }
0x71: {  	[sflag:s15] =	ssyncset.done $0x0  }
0x72: {  	s21 =	simm.s32 $0x0;
	s20 =	simm.s32 $0x200;
	[sflag:s15] =	ssyncadd.s32 $0xFFFFE400  }
.LBB2_16:
0x73: {  	[spmem:s2] =	stream.indirect.scatter.add.f32 [tilespmem:s17], [sflag:$0x1], $0x1, s21, s16, $0xb8;
	[tilespmem:$0x50F0] =	vst v63  }
0x74: {  	s21 =	smov.u32 s20;
	p0 =	sne.s32 s20, $0x6E00  }
.Ltmp7:
0x75: {  	s20 =	sadd.s32 $0x200, s20;
	(pc) =	sbr.rel @p0 .LBB2_16-.Ltmp7, $2  }
0x76: {  	_ =	sdelay $0x2  }
0x77: {  	s21 =	sshra.s32 s21, $0x2  }
0x78: {  	[spmem:s2] =	stream.indirect.scatter.add.f32 [tilespmem:s17], [sflag:$0x1], $0x1, s21, s16, $0xb8;
	[tilespmem:$0x50F0] =	vst v63  }
0x79: {  	_ =	swait.ge [sflag:s18], $0x1C00  }
0x7a: {  	[sflag:s18] =	ssyncset.done $0x0  }
0x7b: {  	[sflag:s18] =	ssyncadd.s32 $0xFFFFE400  }
0x7c: {  	[bflag:$0x0] =	sbarrier.arrive $0xFFFF  }
0x7d: {  	[tilespmem:s14], [sflag:$0x2] =	stream.linear.gather [spmem:s4], $0x1870, $0x38;
	[tilespmem:$0x50F0] =	vst v63  }
0x7e: {  	s19 =	sadd.s32 $0x1, s19;
	_ =	swait.ge [sflag:s15], $0x1870  }
0x7f: {  	p0 =	sne.s32 s19, s6;
	[sflag:s15] =	ssyncset.done $0x0  }
.Ltmp8:
0x80: {  	[sflag:s15] =	ssyncadd.s32 $0xFFFFE790;
	(pc) =	sbr.rel @p0 .LBB2_1-.Ltmp8, $4  }
0x81: {  	[hbm4b:s5+s3] =	stream.linear.scatter [tilespmem:s14], [sflag:$0x2], $0x1870, $0x38;
	[tilespmem:$0x50F0] =	vst v63  }
0x82: {  	_ =	swait.ge [sflag:s15], $0x1870  }
0x83: {  	[sflag:s15] =	ssyncset.done $0x0  }
0x84: {  	[sflag:s15] =	ssyncadd.s32 $0xFFFFE790  }
0x85: {  	_ =	sfence.sel $0x180000  }
0x86: {  	[bflag:$0x0] =	sbarrier.arrive $0xFFFF  }
0x87: {  	p0 =	sne.s32 s1, $0x0;
	_ =	strace $0x90000047  }
0x88: {  	s0 =	sadd.s32 @!p0 $0x100000, s0;
	[bflag:$0x2] =	sbarrier.arrive $0xFFFF  }
0x89: {  	[sflag:s0] =	ssyncadd.tile.s32 @!p0 $0x1;
	_ =	shalt  }
.Lfunc_end2:
_tile_overlayer_lowered:
.L_overlay_start_2:
0x8a: {  	(tag) =	ssettag $0x2  }
0x8b: {  	s0 =	rddreg [dreg:$0x0];
	s2 =	stileid.u32  }
0x8c: {  	s1 =	rddreg [dreg:$0x1];
	p0 =	sne.s32 s2, $0x0  }
0x8d: {  	s3 =	rddreg [dreg:$0x2];
	[bflag:$0x3] =	sbarrier.arrive $0xFFFF;
	s2 =	simm.s32 @!p0 $0x1C02  }
0x8e: {  	[timem:s3], [sflag:s2] =	dma.local @!p0 [hbm:s0], s1  }
0x8f: {  	s0 =	simm.s32 @!p0 $0x2  }
0x90: {  	_ =	swait.ge @!p0 [sflag:s0], s1  }
0x91: {  	s1 =	ssub.s32 @!p0 $0x0, s1;
	[sflag:s0] =	ssyncset.done @!p0 $0x0  }
0x92: {  	[sflag:s0] =	ssyncadd.s32 @!p0 s1  }
0x93: {  	[bflag:$0x3] =	sbarrier.arrive $0xFFFF  }
0x94: {  	_ =	shalt  }

</sc_bundles>
